<compile_context>
chip_gen: v7x
topology: tpu7x:2x2x1
jax: 0.10.2.dev20260603
libtpu: 0.0.44.dev20260713+nightly
codegen_flags: <defaults>
</compile_context>

<pallas_src>
import functools

import jax
import jax.numpy as jnp
from jax.experimental import pallas as pl
from jax.experimental.pallas import tpu as pltpu
from jax.experimental.pallas import tpu_sc as plsc

_COLUMNS = 1000000
_EMBED = 32
_POS = 40
_HID = 256
_BATCH = 16384
_D = _EMBED * _POS

_N_IDX = _BATCH * _POS
_WINDOW = 128

_TILE = 256
_NCHUNK = 4
_CB = _BATCH // _NCHUNK


def _sc_gather(table128, idx_flat, n_idx):
    mesh = plsc.VectorSubcoreMesh(core_axis_name="c", subcore_axis_name="s")

    @functools.partial(
        pl.kernel,
        out_type=jax.ShapeDtypeStruct((n_idx, 128), jnp.float32),
        mesh=mesh,
    )
    def k(table_hbm, i_hbm, o_hbm):
        def body(i_vmem, o_vmem):
            pltpu.sync_copy(table_hbm.at[i_vmem.at[0]], o_vmem)

        pltpu.emit_pipeline(
            body,
            grid=(n_idx // _WINDOW,),
            in_specs=[pl.BlockSpec((1, _WINDOW), index_map=lambda i: (0, i))],
            out_specs=[pl.BlockSpec((_WINDOW, 128), index_map=lambda i: (i, 0))],
            core_axis_name=("c", "s"),
            dimension_semantics=(pltpu.PARALLEL,),
        )(i_hbm, o_hbm)

    return k(table128, idx_flat.reshape(1, n_idx))


def _leaky(x):
    return jnp.where(x >= 0, x, 0.01 * x)


def _mlp_body(g_ref, o2_ref, s_ref, wp_ref, bp_ref, wm_ref, bm_ref, wo_ref,
              bo_ref, out_ref, x_ref):
    wid = jax.lax.broadcasted_iota(jnp.int32, (1, 128), 1) // _EMBED
    for p in range(_POS):
        off = o2_ref[:, p:p + 1]
        t = jnp.where(off == wid, g_ref[:, p, :], 0.0).astype(jnp.bfloat16)
        w = jnp.dot(t, s_ref[...], preferred_element_type=jnp.float32)
        x_ref[:, p * _EMBED:(p + 1) * _EMBED] = w.astype(jnp.bfloat16)
    x = x_ref[...]
    dnums = (((1,), (1,)), ((), ()))
    h = _leaky(jax.lax.dot_general(x, wp_ref[...], dnums,
                                   preferred_element_type=jnp.float32)
               + bp_ref[...])
    h = _leaky(jax.lax.dot_general(h.astype(jnp.bfloat16), wm_ref[...], dnums,
                                   preferred_element_type=jnp.float32)
               + bm_ref[...])
    out_ref[...] = _leaky(
        jax.lax.dot_general(h.astype(jnp.bfloat16), wo_ref[...], dnums,
                            preferred_element_type=jnp.float32) + bo_ref[...])


def _mlp(g3, o2, sel, wp_t, bp, wm_t, bm, wo_t, bo, batch):
    grid = (batch // _TILE,)
    return pl.pallas_call(
        _mlp_body,
        grid=grid,
        in_specs=[
            pl.BlockSpec((_TILE, _POS, 128), lambda i: (i, 0, 0)),
            pl.BlockSpec((_TILE, _POS), lambda i: (i, 0)),
            pl.BlockSpec((128, _EMBED), lambda i: (0, 0)),
            pl.BlockSpec((_D, _D), lambda i: (0, 0)),
            pl.BlockSpec((1, _D), lambda i: (0, 0)),
            pl.BlockSpec((_HID, _D), lambda i: (0, 0)),
            pl.BlockSpec((1, _HID), lambda i: (0, 0)),
            pl.BlockSpec((_EMBED, _HID), lambda i: (0, 0)),
            pl.BlockSpec((1, _EMBED), lambda i: (0, 0)),
        ],
        out_specs=pl.BlockSpec((_TILE, _EMBED), lambda i: (i, 0)),
        out_shape=jax.ShapeDtypeStruct((batch, _EMBED), jnp.float32),
        scratch_shapes=[pltpu.VMEM((_TILE, _D), jnp.bfloat16)],
    )(g3, o2, sel, wp_t, bp, wm_t, bm, wo_t, bo)


def kernel(feature, table, Wp, bp, Wm, bm, Wo, bo):
    feat = feature.astype(jnp.int32)
    table128 = table.reshape(_COLUMNS // 4, 128)
    wp = Wp.astype(jnp.bfloat16)
    wm = Wm.astype(jnp.bfloat16)
    wo = Wo.astype(jnp.bfloat16)
    bp2 = bp.reshape(1, _D)
    bm2 = bm.reshape(1, _HID)
    bo2 = bo.reshape(1, _EMBED)
    sel = jnp.tile(jnp.eye(_EMBED, dtype=jnp.bfloat16), (4, 1))
    outs = []
    for c in range(_NCHUNK):
        fc = feat[c * _CB:(c + 1) * _CB]
        idx4 = (fc // 4).reshape(-1)
        o2 = fc % 4
        g = _sc_gather(table128, idx4, _CB * _POS)
        g3 = g.reshape(_CB, _POS, 128)
        outs.append(_mlp(g3, o2, sel, wp, bp2, wm, bm2, wo, bo2, _CB))
    return jnp.concatenate(outs, axis=0)

# --- scband reference (transcript-rebuilt; emitter-appended) ---
"""Pipeline reference for scband-indexes-embed-20942260535634 (READ-ONLY COPY).

The authoritative reference and input builder live on the scoring server;
editing this copy changes nothing except your own understanding.
"""

import jax, jax.numpy as jnp
import numpy as np

COLUMNS = 1000000
EMBED_SIZE = 32
POSITION_NUM = 40
HID_DIM = 256
BATCH = 16384


def leaky_relu(x, negative_slope=0.01):
    return jnp.where(x >= 0, x, negative_slope * x)


def setup_inputs(seed: int = 0) -> dict:
    key = jax.random.key(seed)
    ks = jax.random.split(key, 8)
    d = EMBED_SIZE * POSITION_NUM
    feature = jax.random.randint(ks[0], (BATCH, POSITION_NUM), 0, COLUMNS)
    table = jax.random.normal(ks[1], (COLUMNS, EMBED_SIZE), dtype=jnp.float32)
    table = table.at[0].set(0.0)  # padding_idx=0
    Wp = jax.random.normal(ks[2], (d, d), dtype=jnp.float32) * 0.02
    bp = jnp.zeros((d,), dtype=jnp.float32)
    Wm = jax.random.normal(ks[3], (HID_DIM, d), dtype=jnp.float32) * 0.02
    bm = jnp.zeros((HID_DIM,), dtype=jnp.float32)
    Wo = jax.random.normal(ks[4], (EMBED_SIZE, HID_DIM), dtype=jnp.float32) * 0.02
    bo = jnp.zeros((EMBED_SIZE,), dtype=jnp.float32)
    return {"feature": feature, "table": table, "Wp": Wp, "bp": bp, "Wm": Wm, "bm": bm, "Wo": Wo, "bo": bo}


def reference(feature, table, Wp, bp, Wm, bm, Wo, bo):
    # getIndex: embedding lookup (padding_idx row is zeros in table)
    emb = jnp.take(table, feature, axis=0)  # [B, position_num, embed_size]
    final = emb.reshape(emb.shape[0], -1)   # [B, position_num*embed_size]
    final = leaky_relu(final @ Wp.T + bp)
    final = leaky_relu(final @ Wm.T + bm)
    final = leaky_relu(final @ Wo.T + bo)
    return final

if __name__ == "__main__":
    import jax
    _d = setup_inputs()
    print(jax.jit(kernel)(*tuple(_d.values())))

</pallas_src>

<mosaic_0001>
#map = affine_map<(d0, d1) -> (0, 0)>
module attributes {stable_mosaic.version = 14 : i64} {
  func.func @k(%arg0: i32, %arg1: i32, %arg2: memref<250000x128xf32, #tpu.memory_space<hbm>>, %arg3: memref<1x163840xi32, #tpu.memory_space<hbm>>, %arg4: memref<163840x128xf32, #tpu.memory_space<hbm>>) attributes {dimension_semantics = [#tpu.dimension_semantics<core_parallel>, #tpu.dimension_semantics<subcore_parallel>], iteration_bounds = array<i64: 2, 16>, scalar_prefetch = 0 : i64, scratch_operands = 0 : i64, tpu.core_type = #tpu.core_type<sc_vector_subcore>, window_params = [{transform_indices = #map}, {transform_indices = #map}, {transform_indices = #map}]} {
    %mul3A = arith.constant 1 : i32
    %mul3A_0 = arith.muli %arg1, %mul3A : i32
    %add3A = arith.constant 0 : i32
    %add3A_1 = arith.addi %add3A, %mul3A_0 : i32
    %mul3A_2 = arith.constant 16 : i32
    %mul3A_3 = arith.muli %arg0, %mul3A_2 : i32
    %add3A_4 = arith.addi %add3A_1, %mul3A_3 : i32
    %mul3A_5 = arith.constant 40 : i32
    %mul3A_6 = arith.muli %add3A_4, %mul3A_5 : i32
    "tpu.region"() ({
      %run_scoped3A = memref.alloca() : memref<2x1x128xi32, #tpu.memory_space<vmem>>
      %run_scoped3A_7 = tpu.sem_alloc : memref<2x!tpu.dma_semaphore, #tpu.memory_space<semaphore_mem>>
      %run_scoped3A_8 = memref.alloca() : memref<2x128x128xf32, #tpu.memory_space<vmem>>
      %run_scoped3A_9 = tpu.sem_alloc : memref<2x!tpu.dma_semaphore, #tpu.memory_space<semaphore_mem>>
      %add3A_10 = arith.constant 0 : i32
      %add3A_11 = arith.addi %add3A_10, %mul3A_6 : i32
      %select_n3A = arith.constant true
      %select_n3A_12 = arith.constant 0 : i32
      %select_n3A_13 = arith.constant -1 : i32
      %select_n3A_14 = arith.select %select_n3A, %select_n3A_13, %select_n3A_12 : i32
      %eq3A = arith.constant -1 : i32
      %eq3A_15 = arith.cmpi eq, %select_n3A_14, %eq3A : i32
      %select_n3A_16 = arith.constant 39 : i32
      %select_n3A_17 = arith.select %eq3A_15, %select_n3A_16, %select_n3A_14 : i32
      %add3A_18 = arith.addi %select_n3A_17, %mul3A_6 : i32
      %select_n3A_19 = arith.constant true
      %select_n3A_20 = arith.constant 0 : i32
      %select_n3A_21 = arith.constant 1 : i32
      %select_n3A_22 = arith.select %select_n3A_19, %select_n3A_21, %select_n3A_20 : i32
      %eq3A_23 = arith.constant 40 : i32
      %eq3A_24 = arith.cmpi eq, %select_n3A_22, %eq3A_23 : i32
      %select_n3A_25 = arith.constant 0 : i32
      %select_n3A_26 = arith.select %eq3A_24, %select_n3A_25, %select_n3A_22 : i32
      %add3A_27 = arith.addi %select_n3A_26, %mul3A_6 : i32
      %add3A_28 = arith.constant 1 : i32
      %add3A_29 = arith.addi %select_n3A_26, %add3A_28 : i32
      %select_n3A_30 = arith.constant true
      %select_n3A_31 = arith.select %select_n3A_30, %add3A_29, %select_n3A_26 : i32
      %eq3A_32 = arith.constant 40 : i32
      %eq3A_33 = arith.cmpi eq, %select_n3A_31, %eq3A_32 : i32
      %select_n3A_34 = arith.constant 0 : i32
      %select_n3A_35 = arith.select %eq3A_33, %select_n3A_34, %select_n3A_31 : i32
      %add3A_36 = arith.addi %select_n3A_35, %mul3A_6 : i32
      "tpu.trace_start"() <{level = 10 : i32, message = "ep_initialize_0"}> : () -> ()
      %rem3A = arith.constant 0 : i32
      %rem3A_37 = arith.constant 2 : i32
      %rem3A_38 = arith.remui %rem3A, %rem3A_37 : i32
      %mul3A_39 = arith.constant 128 : i32
      %mul3A_40 = arith.muli %mul3A_39, %add3A_11 : i32
      %dma_start3A = arith.constant 0 : i32
      %dma_start3A_41 = arith.constant 0 : i32
      %dma_start3A_42 = tpu.memref_slice %run_scoped3A[%rem3A_38, %dma_start3A, %dma_start3A_41] : memref<2x1x128xi32, #tpu.memory_space<vmem>> -> memref<1x1x128xi32, #tpu.memory_space<vmem>>
      %dma_start3A_43 = tpu.memref_squeeze %dma_start3A_42 : memref<1x1x128xi32, #tpu.memory_space<vmem>> -> memref<1x128xi32, #tpu.memory_space<vmem>>
      %dma_start3A_44 = arith.constant 0 : i32
      %dma_start3A_45 = tpu.memref_slice %arg3[%dma_start3A_44, %mul3A_40] : memref<1x163840xi32, #tpu.memory_space<hbm>> -> memref<1x128xi32, #tpu.memory_space<hbm>>
      %dma_start3A_46 = tpu.memref_slice %run_scoped3A_7[%rem3A_38] : memref<2x!tpu.dma_semaphore, #tpu.memory_space<semaphore_mem>> -> memref<1x!tpu.dma_semaphore, #tpu.memory_space<semaphore_mem>>
      %dma_start3A_47 = tpu.memref_squeeze %dma_start3A_46 : memref<1x!tpu.dma_semaphore, #tpu.memory_space<semaphore_mem>> -> memref<!tpu.dma_semaphore, #tpu.memory_space<semaphore_mem>>
      %dma_start3A_48 = arith.constant 0 : i32
      %dma_start3A_49 = arith.constant 0 : i32
      %dma_start3A_50 = tpu.memref_slice %run_scoped3A[%rem3A_38, %dma_start3A_48, %dma_start3A_49] : memref<2x1x128xi32, #tpu.memory_space<vmem>> -> memref<1x1x128xi32, #tpu.memory_space<vmem>>
      %dma_start3A_51 = tpu.memref_squeeze %dma_start3A_50 : memref<1x1x128xi32, #tpu.memory_space<vmem>> -> memref<1x128xi32, #tpu.memory_space<vmem>>
      %dma_start3A_52 = arith.constant 0 : i32
      %dma_start3A_53 = tpu.memref_slice %arg3[%dma_start3A_52, %mul3A_40] : memref<1x163840xi32, #tpu.memory_space<hbm>> -> memref<1x128xi32, #tpu.memory_space<hbm>>
      tpu.enqueue_dma source(%dma_start3A_53 : memref<1x128xi32, #tpu.memory_space<hbm>>) target(%dma_start3A_51 : memref<1x128xi32, #tpu.memory_space<vmem>>) target_semaphore(%dma_start3A_47 : memref<!tpu.dma_semaphore, #tpu.memory_space<semaphore_mem>>)
      %add3A_54 = arith.constant 0 : i32
      %add3A_55 = arith.constant 1 : i32
      %add3A_56 = arith.addi %add3A_54, %add3A_55 : i32
      %select_n3A_57 = arith.constant true
      %select_n3A_58 = arith.constant 0 : i32
      %select_n3A_59 = arith.select %select_n3A_57, %add3A_56, %select_n3A_58 : i32
      "tpu.trace_stop"() : () -> ()
      %scan3A = arith.constant 0 : i32
      %scan3A_60 = arith.constant 0 : i32
      %scan3A_61 = arith.constant 0 : i32
      %scan3A_62 = arith.constant 0 : i32
      %scan3A_63 = arith.constant 0 : i32
      %scan3A_64 = arith.constant 40 : i32
      %scan3A_65 = arith.addi %scan3A_63, %scan3A_64 : i32
      %scan3A_66 = arith.constant 1 : i32
      %scan3A_67:5 = scf.for %scan3A_121 = %scan3A_63 to %scan3A_65 step %scan3A_66 iter_args(%scan3A_122 = %select_n3A_59, %scan3A_123 = %scan3A, %scan3A_124 = %scan3A_60, %scan3A_125 = %scan3A_61, %scan3A_126 = %scan3A_62) -> (i32, i32, i32, i32, i32)  : i32 {
        %eq3A_127 = arith.constant 0 : i32
        %eq3A_128 = arith.cmpi eq, %scan3A_121, %eq3A_127 : i32
        %eq3A_129 = arith.constant 39 : i32
        %eq3A_130 = arith.cmpi eq, %scan3A_121, %eq3A_129 : i32
        %add3A_131 = arith.addi %scan3A_126, %mul3A_6 : i32
        %sub3A_132 = arith.constant 1 : i32
        %sub3A_133 = arith.subi %scan3A_126, %sub3A_132 : i32
        %select_n3A_134 = arith.constant true
        %select_n3A_135 = arith.select %select_n3A_134, %sub3A_133, %scan3A_126 : i32
        %eq3A_136 = arith.constant -1 : i32
        %eq3A_137 = arith.cmpi eq, %select_n3A_135, %eq3A_136 : i32
        %select_n3A_138 = arith.constant 39 : i32
        %select_n3A_139 = arith.select %eq3A_137, %select_n3A_138, %select_n3A_135 : i32
        %add3A_140 = arith.addi %select_n3A_139, %mul3A_6 : i32
        %add3A_141 = arith.constant 1 : i32
        %add3A_142 = arith.addi %scan3A_126, %add3A_141 : i32
        %select_n3A_143 = arith.constant true
        %select_n3A_144 = arith.select %select_n3A_143, %add3A_142, %scan3A_126 : i32
        %eq3A_145 = arith.constant 40 : i32
        %eq3A_146 = arith.cmpi eq, %select_n3A_144, %eq3A_145 : i32
        %select_n3A_147 = arith.constant 0 : i32
        %select_n3A_148 = arith.select %eq3A_146, %select_n3A_147, %select_n3A_144 : i32
        %add3A_149 = arith.addi %select_n3A_148, %mul3A_6 : i32
        %add3A_150 = arith.constant 1 : i32
        %add3A_151 = arith.addi %select_n3A_148, %add3A_150 : i32
        %select_n3A_152 = arith.constant true
        %select_n3A_153 = arith.select %select_n3A_152, %add3A_151, %select_n3A_148 : i32
        %eq3A_154 = arith.constant 40 : i32
        %eq3A_155 = arith.cmpi eq, %select_n3A_153, %eq3A_154 : i32
        %select_n3A_156 = arith.constant 0 : i32
        %select_n3A_157 = arith.select %eq3A_155, %select_n3A_156, %select_n3A_153 : i32
        %add3A_158 = arith.addi %select_n3A_157, %mul3A_6 : i32
        %ne3A = arith.cmpi ne, %add3A_131, %add3A_149 : i32
        %or3A = arith.constant false
        %or3A_159 = arith.ori %or3A, %ne3A : i1
        %ge3A = arith.constant 39 : i32
        %ge3A_160 = arith.cmpi sge, %scan3A_121, %ge3A : i32
        %not3A = arith.constant true
        %not3A_161 = arith.xori %ge3A_160, %not3A : i1
        %and3A = arith.andi %or3A_159, %not3A_161 : i1
        %convert_element_type3A = arith.extui %and3A : i1 to i32
        %cond3A = arith.constant 0 : i32
        %cond3A_162 = arith.cmpi ne, %convert_element_type3A, %cond3A : i32
        scf.if %cond3A_162 {
          "tpu.trace_start"() <{level = 10 : i32, message = "ep_copy_in"}> : () -> ()
          %rem3A_264 = arith.constant 2 : i32
          %rem3A_265 = arith.remui %scan3A_122, %rem3A_264 : i32
          %mul3A_266 = arith.constant 128 : i32
          %mul3A_267 = arith.muli %mul3A_266, %add3A_149 : i32
          %dma_start3A_268 = arith.constant 0 : i32
          %dma_start3A_269 = arith.constant 0 : i32
          %dma_start3A_270 = tpu.memref_slice %run_scoped3A[%rem3A_265, %dma_start3A_268, %dma_start3A_269] : memref<2x1x128xi32, #tpu.memory_space<vmem>> -> memref<1x1x128xi32, #tpu.memory_space<vmem>>
          %dma_start3A_271 = tpu.memref_squeeze %dma_start3A_270 : memref<1x1x128xi32, #tpu.memory_space<vmem>> -> memref<1x128xi32, #tpu.memory_space<vmem>>
          %dma_start3A_272 = arith.constant 0 : i32
          %dma_start3A_273 = tpu.memref_slice %arg3[%dma_start3A_272, %mul3A_267] : memref<1x163840xi32, #tpu.memory_space<hbm>> -> memref<1x128xi32, #tpu.memory_space<hbm>>
          %dma_start3A_274 = tpu.memref_slice %run_scoped3A_7[%rem3A_265] : memref<2x!tpu.dma_semaphore, #tpu.memory_space<semaphore_mem>> -> memref<1x!tpu.dma_semaphore, #tpu.memory_space<semaphore_mem>>
          %dma_start3A_275 = tpu.memref_squeeze %dma_start3A_274 : memref<1x!tpu.dma_semaphore, #tpu.memory_space<semaphore_mem>> -> memref<!tpu.dma_semaphore, #tpu.memory_space<semaphore_mem>>
          %dma_start3A_276 = arith.constant 0 : i32
          %dma_start3A_277 = arith.constant 0 : i32
          %dma_start3A_278 = tpu.memref_slice %run_scoped3A[%rem3A_265, %dma_start3A_276, %dma_start3A_277] : memref<2x1x128xi32, #tpu.memory_space<vmem>> -> memref<1x1x128xi32, #tpu.memory_space<vmem>>
          %dma_start3A_279 = tpu.memref_squeeze %dma_start3A_278 : memref<1x1x128xi32, #tpu.memory_space<vmem>> -> memref<1x128xi32, #tpu.memory_space<vmem>>
          %dma_start3A_280 = arith.constant 0 : i32
          %dma_start3A_281 = tpu.memref_slice %arg3[%dma_start3A_280, %mul3A_267] : memref<1x163840xi32, #tpu.memory_space<hbm>> -> memref<1x128xi32, #tpu.memory_space<hbm>>
          tpu.enqueue_dma source(%dma_start3A_281 : memref<1x128xi32, #tpu.memory_space<hbm>>) target(%dma_start3A_279 : memref<1x128xi32, #tpu.memory_space<vmem>>) target_semaphore(%dma_start3A_275 : memref<!tpu.dma_semaphore, #tpu.memory_space<semaphore_mem>>)
          "tpu.trace_stop"() : () -> ()
        } else {
        }
        %and3A_163 = arith.constant true
        %and3A_164 = arith.andi %and3A, %and3A_163 : i1
        %add3A_165 = arith.constant 1 : i32
        %add3A_166 = arith.addi %scan3A_122, %add3A_165 : i32
        %select_n3A_167 = arith.select %and3A_164, %add3A_166, %scan3A_122 : i32
        %ne3A_168 = arith.cmpi ne, %add3A_131, %add3A_149 : i32
        %or3A_169 = arith.constant false
        %or3A_170 = arith.ori %or3A_169, %ne3A_168 : i1
        %or3A_171 = arith.constant false
        %or3A_172 = arith.ori %or3A_170, %or3A_171 : i1
        %ge3A_173 = arith.constant 39 : i32
        %ge3A_174 = arith.cmpi sge, %scan3A_121, %ge3A_173 : i32
        %not3A_175 = arith.constant true
        %not3A_176 = arith.xori %ge3A_174, %not3A_175 : i1
        %and3A_177 = arith.andi %or3A_172, %not3A_176 : i1
        %ne3A_178 = arith.cmpi ne, %add3A_131, %add3A_140 : i32
        %or3A_179 = arith.constant false
        %or3A_180 = arith.ori %or3A_179, %ne3A_178 : i1
        %or3A_181 = arith.ori %or3A_180, %eq3A_128 : i1
        %convert_element_type3A_182 = arith.extui %or3A_181 : i1 to i32
        %cond3A_183 = arith.constant 0 : i32
        %cond3A_184 = arith.cmpi ne, %convert_element_type3A_182, %cond3A_183 : i32
        scf.if %cond3A_184 {
          "tpu.trace_start"() <{level = 10 : i32, message = "ep_wait_in"}> : () -> ()
          %mul3A_264 = arith.constant 128 : i32
          %mul3A_265 = arith.muli %mul3A_264, %add3A_131 : i32
          %rem3A_266 = arith.constant 2 : i32
          %rem3A_267 = arith.remui %scan3A_123, %rem3A_266 : i32
          %dma_wait3A_268 = arith.constant 0 : i32
          %dma_wait3A_269 = arith.constant 0 : i32
          %dma_wait3A_270 = tpu.memref_slice %run_scoped3A[%rem3A_267, %dma_wait3A_268, %dma_wait3A_269] : memref<2x1x128xi32, #tpu.memory_space<vmem>> -> memref<1x1x128xi32, #tpu.memory_space<vmem>>
          %dma_wait3A_271 = tpu.memref_squeeze %dma_wait3A_270 : memref<1x1x128xi32, #tpu.memory_space<vmem>> -> memref<1x128xi32, #tpu.memory_space<vmem>>
          %dma_wait3A_272 = arith.constant 0 : i32
          %dma_wait3A_273 = tpu.memref_slice %arg3[%dma_wait3A_272, %mul3A_265] : memref<1x163840xi32, #tpu.memory_space<hbm>> -> memref<1x128xi32, #tpu.memory_space<hbm>>
          %dma_wait3A_274 = tpu.memref_slice %run_scoped3A_7[%rem3A_267] : memref<2x!tpu.dma_semaphore, #tpu.memory_space<semaphore_mem>> -> memref<1x!tpu.dma_semaphore, #tpu.memory_space<semaphore_mem>>
          %dma_wait3A_275 = tpu.memref_squeeze %dma_wait3A_274 : memref<1x!tpu.dma_semaphore, #tpu.memory_space<semaphore_mem>> -> memref<!tpu.dma_semaphore, #tpu.memory_space<semaphore_mem>>
          %dma_wait3A_276 = arith.constant 0 : i32
          %dma_wait3A_277 = arith.constant 0 : i32
          %dma_wait3A_278 = tpu.memref_slice %run_scoped3A[%rem3A_267, %dma_wait3A_276, %dma_wait3A_277] : memref<2x1x128xi32, #tpu.memory_space<vmem>> -> memref<1x1x128xi32, #tpu.memory_space<vmem>>
          %dma_wait3A_279 = tpu.memref_squeeze %dma_wait3A_278 : memref<1x1x128xi32, #tpu.memory_space<vmem>> -> memref<1x128xi32, #tpu.memory_space<vmem>>
          %dma_wait3A_280 = arith.constant 0 : i32
          %dma_wait3A_281 = tpu.memref_slice %arg3[%dma_wait3A_280, %mul3A_265] : memref<1x163840xi32, #tpu.memory_space<hbm>> -> memref<1x128xi32, #tpu.memory_space<hbm>>
          tpu.wait_dma2 semaphore(%dma_wait3A_275 : memref<!tpu.dma_semaphore, #tpu.memory_space<semaphore_mem>>) src(%dma_wait3A_281 : memref<1x128xi32, #tpu.memory_space<hbm>>) dst(%dma_wait3A_279 : memref<1x128xi32, #tpu.memory_space<vmem>>)
          "tpu.trace_stop"() : () -> ()
        } else {
        }
        %ne3A_185 = arith.cmpi ne, %add3A_131, %add3A_140 : i32
        %or3A_186 = arith.constant false
        %or3A_187 = arith.ori %or3A_186, %ne3A_185 : i1
        %or3A_188 = arith.constant false
        %or3A_189 = arith.ori %or3A_187, %or3A_188 : i1
        %or3A_190 = arith.ori %or3A_189, %eq3A_128 : i1
        %convert_element_type3A_191 = arith.extui %or3A_190 : i1 to i32
        %cond3A_192 = arith.constant 0 : i32
        %cond3A_193 = arith.cmpi ne, %convert_element_type3A_191, %cond3A_192 : i32
        scf.if %cond3A_193 {
        } else {
        }
        %rem3A_194 = arith.constant 2 : i32
        %rem3A_195 = arith.remui %scan3A_123, %rem3A_194 : i32
        %rem3A_196 = arith.constant 2 : i32
        %rem3A_197 = arith.remui %scan3A_124, %rem3A_196 : i32
        %run_scoped3A_198 = arith.constant 0 : i32
        "tpu.trace_start"() <{level = 10 : i32, message = "ep_run_kernel"}> : () -> ()
        "tpu.region"() ({
          %run_scoped3A_264 = tpu.sem_alloc : memref<!tpu.dma_semaphore, #tpu.memory_space<semaphore_mem>>
          %dma_start3A_265 = arith.constant 0 : i32
          %dma_start3A_266 = arith.constant 0 : i32
          %dma_start3A_267 = tpu.memref_slice %run_scoped3A_8[%rem3A_197, %dma_start3A_265, %dma_start3A_266] : memref<2x128x128xf32, #tpu.memory_space<vmem>> -> memref<1x128x128xf32, #tpu.memory_space<vmem>>
          %dma_start3A_268 = tpu.memref_squeeze %dma_start3A_267 : memref<1x128x128xf32, #tpu.memory_space<vmem>> -> memref<128x128xf32, #tpu.memory_space<vmem>>
          %dma_start3A_269 = arith.constant 0 : i32
          %dma_start3A_270 = arith.constant 0 : i32
          %dma_start3A_271 = tpu.memref_slice %run_scoped3A[%rem3A_195, %dma_start3A_269, %dma_start3A_270] : memref<2x1x128xi32, #tpu.memory_space<vmem>> -> memref<1x1x128xi32, #tpu.memory_space<vmem>>
          %dma_start3A_272 = tpu.memref_squeeze %dma_start3A_271 : memref<1x1x128xi32, #tpu.memory_space<vmem>> -> memref<1x128xi32, #tpu.memory_space<vmem>>
          %dma_start3A_273 = arith.constant 0 : i32
          %dma_start3A_274 = tpu.memref_slice %dma_start3A_272[%run_scoped3A_198, %dma_start3A_273] : memref<1x128xi32, #tpu.memory_space<vmem>> -> memref<1x128xi32, #tpu.memory_space<vmem>>
          %dma_start3A_275 = tpu.memref_squeeze %dma_start3A_274 : memref<1x128xi32, #tpu.memory_space<vmem>> -> memref<128xi32, #tpu.memory_space<vmem>>
          %dma_start3A_276 = arith.constant 0 : i32
          %dma_start3A_277 = arith.constant 0 : i32
          %dma_start3A_278 = tpu.memref_slice %arg2[%dma_start3A_276, %dma_start3A_277] : memref<250000x128xf32, #tpu.memory_space<hbm>> -> memref<250000x128xf32, #tpu.memory_space<hbm>>
          tpu.enqueue_indirect_dma source(%dma_start3A_278 : memref<250000x128xf32, #tpu.memory_space<hbm>>) target(%dma_start3A_268 : memref<128x128xf32, #tpu.memory_space<vmem>>) offsets(%dma_start3A_275 : memref<128xi32, #tpu.memory_space<vmem>>) semaphore(%run_scoped3A_264 : memref<!tpu.dma_semaphore, #tpu.memory_space<semaphore_mem>>)
          %dma_wait3A_279 = arith.constant 0 : i32
          %dma_wait3A_280 = arith.constant 0 : i32
          %dma_wait3A_281 = tpu.memref_slice %run_scoped3A_8[%rem3A_197, %dma_wait3A_279, %dma_wait3A_280] : memref<2x128x128xf32, #tpu.memory_space<vmem>> -> memref<1x128x128xf32, #tpu.memory_space<vmem>>
          %dma_wait3A_282 = tpu.memref_squeeze %dma_wait3A_281 : memref<1x128x128xf32, #tpu.memory_space<vmem>> -> memref<128x128xf32, #tpu.memory_space<vmem>>
          %dma_wait3A_283 = arith.constant 0 : i32
          %dma_wait3A_284 = arith.constant 0 : i32
          %dma_wait3A_285 = tpu.memref_slice %run_scoped3A[%rem3A_195, %dma_wait3A_283, %dma_wait3A_284] : memref<2x1x128xi32, #tpu.memory_space<vmem>> -> memref<1x1x128xi32, #tpu.memory_space<vmem>>
          %dma_wait3A_286 = tpu.memref_squeeze %dma_wait3A_285 : memref<1x1x128xi32, #tpu.memory_space<vmem>> -> memref<1x128xi32, #tpu.memory_space<vmem>>
          %dma_wait3A_287 = arith.constant 0 : i32
          %dma_wait3A_288 = tpu.memref_slice %dma_wait3A_286[%run_scoped3A_198, %dma_wait3A_287] : memref<1x128xi32, #tpu.memory_space<vmem>> -> memref<1x128xi32, #tpu.memory_space<vmem>>
          %dma_wait3A_289 = tpu.memref_squeeze %dma_wait3A_288 : memref<1x128xi32, #tpu.memory_space<vmem>> -> memref<128xi32, #tpu.memory_space<vmem>>
          %dma_wait3A_290 = arith.constant 0 : i32
          %dma_wait3A_291 = arith.constant 0 : i32
          %dma_wait3A_292 = tpu.memref_slice %arg2[%dma_wait3A_290, %dma_wait3A_291] : memref<250000x128xf32, #tpu.memory_space<hbm>> -> memref<250000x128xf32, #tpu.memory_space<hbm>>
          tpu.wait_indirect_dma semaphore(%run_scoped3A_264 : memref<!tpu.dma_semaphore, #tpu.memory_space<semaphore_mem>>) src(%dma_wait3A_292 : memref<250000x128xf32, #tpu.memory_space<hbm>>) dst(%dma_wait3A_282 : memref<128x128xf32, #tpu.memory_space<vmem>>)
          tpu.yield
        }) : () -> ()
        "tpu.trace_stop"() : () -> ()
        %ne3A_199 = arith.cmpi ne, %add3A_131, %add3A_149 : i32
        %or3A_200 = arith.constant false
        %or3A_201 = arith.ori %or3A_200, %ne3A_199 : i1
        %or3A_202 = arith.ori %or3A_201, %eq3A_130 : i1
        %convert_element_type3A_203 = arith.extui %or3A_202 : i1 to i32
        %cond3A_204 = arith.constant 0 : i32
        %cond3A_205 = arith.cmpi ne, %convert_element_type3A_203, %cond3A_204 : i32
        scf.if %cond3A_205 {
        } else {
        }
        %and3A_206 = arith.constant false
        %and3A_207 = arith.andi %or3A_202, %and3A_206 : i1
        %ne3A_208 = arith.cmpi ne, %add3A_131, %add3A_149 : i32
        %or3A_209 = arith.constant false
        %or3A_210 = arith.ori %or3A_209, %ne3A_208 : i1
        %or3A_211 = arith.constant false
        %or3A_212 = arith.ori %or3A_210, %or3A_211 : i1
        %or3A_213 = arith.ori %or3A_212, %eq3A_130 : i1
        %convert_element_type3A_214 = arith.extui %or3A_213 : i1 to i32
        %cond3A_215 = arith.constant 0 : i32
        %cond3A_216 = arith.cmpi ne, %convert_element_type3A_214, %cond3A_215 : i32
        scf.if %cond3A_216 {
          "tpu.trace_start"() <{level = 10 : i32, message = "ep_copy_out"}> : () -> ()
          %rem3A_264 = arith.constant 2 : i32
          %rem3A_265 = arith.remui %scan3A_124, %rem3A_264 : i32
          %mul3A_266 = arith.constant 128 : i32
          %mul3A_267 = arith.muli %mul3A_266, %add3A_131 : i32
          %dma_start3A_268 = arith.constant 0 : i32
          %dma_start3A_269 = arith.constant 0 : i32
          %dma_start3A_270 = tpu.memref_slice %run_scoped3A_8[%rem3A_265, %dma_start3A_268, %dma_start3A_269] : memref<2x128x128xf32, #tpu.memory_space<vmem>> -> memref<1x128x128xf32, #tpu.memory_space<vmem>>
          %dma_start3A_271 = tpu.memref_squeeze %dma_start3A_270 : memref<1x128x128xf32, #tpu.memory_space<vmem>> -> memref<128x128xf32, #tpu.memory_space<vmem>>
          %dma_start3A_272 = arith.constant 0 : i32
          %dma_start3A_273 = tpu.memref_slice %arg4[%mul3A_267, %dma_start3A_272] : memref<163840x128xf32, #tpu.memory_space<hbm>> -> memref<128x128xf32, #tpu.memory_space<hbm>>
          %dma_start3A_274 = tpu.memref_slice %run_scoped3A_9[%rem3A_265] : memref<2x!tpu.dma_semaphore, #tpu.memory_space<semaphore_mem>> -> memref<1x!tpu.dma_semaphore, #tpu.memory_space<semaphore_mem>>
          %dma_start3A_275 = tpu.memref_squeeze %dma_start3A_274 : memref<1x!tpu.dma_semaphore, #tpu.memory_space<semaphore_mem>> -> memref<!tpu.dma_semaphore, #tpu.memory_space<semaphore_mem>>
          %dma_start3A_276 = arith.constant 0 : i32
          %dma_start3A_277 = tpu.memref_slice %arg4[%mul3A_267, %dma_start3A_276] : memref<163840x128xf32, #tpu.memory_space<hbm>> -> memref<128x128xf32, #tpu.memory_space<hbm>>
          %dma_start3A_278 = arith.constant 0 : i32
          %dma_start3A_279 = arith.constant 0 : i32
          %dma_start3A_280 = tpu.memref_slice %run_scoped3A_8[%rem3A_265, %dma_start3A_278, %dma_start3A_279] : memref<2x128x128xf32, #tpu.memory_space<vmem>> -> memref<1x128x128xf32, #tpu.memory_space<vmem>>
          %dma_start3A_281 = tpu.memref_squeeze %dma_start3A_280 : memref<1x128x128xf32, #tpu.memory_space<vmem>> -> memref<128x128xf32, #tpu.memory_space<vmem>>
          tpu.enqueue_dma source(%dma_start3A_281 : memref<128x128xf32, #tpu.memory_space<vmem>>) target(%dma_start3A_277 : memref<128x128xf32, #tpu.memory_space<hbm>>) target_semaphore(%dma_start3A_275 : memref<!tpu.dma_semaphore, #tpu.memory_space<semaphore_mem>>)
          "tpu.trace_stop"() : () -> ()
        } else {
        }
        %and3A_217 = arith.constant true
        %and3A_218 = arith.andi %or3A_213, %and3A_217 : i1
        %add3A_219 = arith.constant 1 : i32
        %add3A_220 = arith.addi %scan3A_124, %add3A_219 : i32
        %select_n3A_221 = arith.select %and3A_218, %add3A_220, %scan3A_124 : i32
        %ne3A_222 = arith.cmpi ne, %add3A_131, %add3A_140 : i32
        %or3A_223 = arith.constant false
        %or3A_224 = arith.ori %or3A_223, %ne3A_222 : i1
        %not3A_225 = arith.constant true
        %not3A_226 = arith.xori %eq3A_128, %not3A_225 : i1
        %and3A_227 = arith.andi %or3A_224, %not3A_226 : i1
        %convert_element_type3A_228 = arith.extui %and3A_227 : i1 to i32
        %cond3A_229 = arith.constant 0 : i32
        %cond3A_230 = arith.cmpi ne, %convert_element_type3A_228, %cond3A_229 : i32
        scf.if %cond3A_230 {
        } else {
        }
        %and3A_231 = arith.constant false
        %and3A_232 = arith.andi %and3A_227, %and3A_231 : i1
        %ne3A_233 = arith.cmpi ne, %add3A_131, %add3A_140 : i32
        %or3A_234 = arith.constant false
        %or3A_235 = arith.ori %or3A_234, %ne3A_233 : i1
        %or3A_236 = arith.constant false
        %or3A_237 = arith.ori %or3A_235, %or3A_236 : i1
        %not3A_238 = arith.constant true
        %not3A_239 = arith.xori %eq3A_128, %not3A_238 : i1
        %and3A_240 = arith.andi %or3A_237, %not3A_239 : i1
        %convert_element_type3A_241 = arith.extui %and3A_240 : i1 to i32
        %cond3A_242 = arith.constant 0 : i32
        %cond3A_243 = arith.cmpi ne, %convert_element_type3A_241, %cond3A_242 : i32
        scf.if %cond3A_243 {
          "tpu.trace_start"() <{level = 10 : i32, message = "ep_wait_out"}> : () -> ()
          %rem3A_264 = arith.constant 2 : i32
          %rem3A_265 = arith.remui %scan3A_125, %rem3A_264 : i32
          %mul3A_266 = arith.constant 128 : i32
          %mul3A_267 = arith.muli %mul3A_266, %add3A_140 : i32
          %dma_wait3A_268 = arith.constant 0 : i32
          %dma_wait3A_269 = arith.constant 0 : i32
          %dma_wait3A_270 = tpu.memref_slice %run_scoped3A_8[%rem3A_265, %dma_wait3A_268, %dma_wait3A_269] : memref<2x128x128xf32, #tpu.memory_space<vmem>> -> memref<1x128x128xf32, #tpu.memory_space<vmem>>
          %dma_wait3A_271 = tpu.memref_squeeze %dma_wait3A_270 : memref<1x128x128xf32, #tpu.memory_space<vmem>> -> memref<128x128xf32, #tpu.memory_space<vmem>>
          %dma_wait3A_272 = arith.constant 0 : i32
          %dma_wait3A_273 = tpu.memref_slice %arg4[%mul3A_267, %dma_wait3A_272] : memref<163840x128xf32, #tpu.memory_space<hbm>> -> memref<128x128xf32, #tpu.memory_space<hbm>>
          %dma_wait3A_274 = tpu.memref_slice %run_scoped3A_9[%rem3A_265] : memref<2x!tpu.dma_semaphore, #tpu.memory_space<semaphore_mem>> -> memref<1x!tpu.dma_semaphore, #tpu.memory_space<semaphore_mem>>
          %dma_wait3A_275 = tpu.memref_squeeze %dma_wait3A_274 : memref<1x!tpu.dma_semaphore, #tpu.memory_space<semaphore_mem>> -> memref<!tpu.dma_semaphore, #tpu.memory_space<semaphore_mem>>
          %dma_wait3A_276 = arith.constant 0 : i32
          %dma_wait3A_277 = tpu.memref_slice %arg4[%mul3A_267, %dma_wait3A_276] : memref<163840x128xf32, #tpu.memory_space<hbm>> -> memref<128x128xf32, #tpu.memory_space<hbm>>
          %dma_wait3A_278 = arith.constant 0 : i32
          %dma_wait3A_279 = arith.constant 0 : i32
          %dma_wait3A_280 = tpu.memref_slice %run_scoped3A_8[%rem3A_265, %dma_wait3A_278, %dma_wait3A_279] : memref<2x128x128xf32, #tpu.memory_space<vmem>> -> memref<1x128x128xf32, #tpu.memory_space<vmem>>
          %dma_wait3A_281 = tpu.memref_squeeze %dma_wait3A_280 : memref<1x128x128xf32, #tpu.memory_space<vmem>> -> memref<128x128xf32, #tpu.memory_space<vmem>>
          tpu.wait_dma2 semaphore(%dma_wait3A_275 : memref<!tpu.dma_semaphore, #tpu.memory_space<semaphore_mem>>) src(%dma_wait3A_281 : memref<128x128xf32, #tpu.memory_space<vmem>>) dst(%dma_wait3A_277 : memref<128x128xf32, #tpu.memory_space<hbm>>)
          "tpu.trace_stop"() : () -> ()
        } else {
        }
        %and3A_244 = arith.constant true
        %and3A_245 = arith.andi %and3A_240, %and3A_244 : i1
        %add3A_246 = arith.constant 1 : i32
        %add3A_247 = arith.addi %scan3A_125, %add3A_246 : i32
        %select_n3A_248 = arith.select %and3A_245, %add3A_247, %scan3A_125 : i32
        %ne3A_249 = arith.cmpi ne, %add3A_131, %add3A_149 : i32
        %or3A_250 = arith.constant false
        %or3A_251 = arith.ori %or3A_250, %ne3A_249 : i1
        %or3A_252 = arith.ori %or3A_251, %eq3A_130 : i1
        %add3A_253 = arith.constant 1 : i32
        %add3A_254 = arith.addi %scan3A_123, %add3A_253 : i32
        %select_n3A_255 = arith.select %or3A_252, %add3A_254, %scan3A_123 : i32
        %add3A_256 = arith.constant 1 : i32
        %add3A_257 = arith.addi %scan3A_126, %add3A_256 : i32
        %select_n3A_258 = arith.constant true
        %select_n3A_259 = arith.select %select_n3A_258, %add3A_257, %scan3A_126 : i32
        %eq3A_260 = arith.constant 40 : i32
        %eq3A_261 = arith.cmpi eq, %select_n3A_259, %eq3A_260 : i32
        %select_n3A_262 = arith.constant 0 : i32
        %select_n3A_263 = arith.select %eq3A_261, %select_n3A_262, %select_n3A_259 : i32
        scf.yield %select_n3A_167, %select_n3A_255, %select_n3A_221, %select_n3A_248, %select_n3A_263 : i32, i32, i32, i32, i32
      }
      %scan3A_68 = arith.constant 40 : i32
      %sub3A = arith.constant 1 : i32
      %sub3A_69 = arith.subi %scan3A_67#4, %sub3A : i32
      %select_n3A_70 = arith.constant true
      %select_n3A_71 = arith.select %select_n3A_70, %sub3A_69, %scan3A_67#4 : i32
      %eq3A_72 = arith.constant -1 : i32
      %eq3A_73 = arith.cmpi eq, %select_n3A_71, %eq3A_72 : i32
      %select_n3A_74 = arith.constant 39 : i32
      %select_n3A_75 = arith.select %eq3A_73, %select_n3A_74, %select_n3A_71 : i32
      %add3A_76 = arith.addi %select_n3A_75, %mul3A_6 : i32
      %sub3A_77 = arith.constant 1 : i32
      %sub3A_78 = arith.subi %select_n3A_75, %sub3A_77 : i32
      %select_n3A_79 = arith.constant true
      %select_n3A_80 = arith.select %select_n3A_79, %sub3A_78, %select_n3A_75 : i32
      %eq3A_81 = arith.constant -1 : i32
      %eq3A_82 = arith.cmpi eq, %select_n3A_80, %eq3A_81 : i32
      %select_n3A_83 = arith.constant 39 : i32
      %select_n3A_84 = arith.select %eq3A_82, %select_n3A_83, %select_n3A_80 : i32
      %add3A_85 = arith.addi %select_n3A_84, %mul3A_6 : i32
      %add3A_86 = arith.constant 1 : i32
      %add3A_87 = arith.addi %select_n3A_75, %add3A_86 : i32
      %select_n3A_88 = arith.constant true
      %select_n3A_89 = arith.select %select_n3A_88, %add3A_87, %select_n3A_75 : i32
      %eq3A_90 = arith.constant 40 : i32
      %eq3A_91 = arith.cmpi eq, %select_n3A_89, %eq3A_90 : i32
      %select_n3A_92 = arith.constant 0 : i32
      %select_n3A_93 = arith.select %eq3A_91, %select_n3A_92, %select_n3A_89 : i32
      %add3A_94 = arith.addi %select_n3A_93, %mul3A_6 : i32
      %add3A_95 = arith.constant 1 : i32
      %add3A_96 = arith.addi %select_n3A_93, %add3A_95 : i32
      %select_n3A_97 = arith.constant true
      %select_n3A_98 = arith.select %select_n3A_97, %add3A_96, %select_n3A_93 : i32
      %eq3A_99 = arith.constant 40 : i32
      %eq3A_100 = arith.cmpi eq, %select_n3A_98, %eq3A_99 : i32
      %select_n3A_101 = arith.constant 0 : i32
      %select_n3A_102 = arith.select %eq3A_100, %select_n3A_101, %select_n3A_98 : i32
      %add3A_103 = arith.addi %select_n3A_102, %mul3A_6 : i32
      "tpu.trace_start"() <{level = 10 : i32, message = "ep_finalize"}> : () -> ()
      %rem3A_104 = arith.constant 2 : i32
      %rem3A_105 = arith.remui %scan3A_67#3, %rem3A_104 : i32
      %mul3A_106 = arith.constant 128 : i32
      %mul3A_107 = arith.muli %mul3A_106, %add3A_76 : i32
      %dma_wait3A = arith.constant 0 : i32
      %dma_wait3A_108 = arith.constant 0 : i32
      %dma_wait3A_109 = tpu.memref_slice %run_scoped3A_8[%rem3A_105, %dma_wait3A, %dma_wait3A_108] : memref<2x128x128xf32, #tpu.memory_space<vmem>> -> memref<1x128x128xf32, #tpu.memory_space<vmem>>
      %dma_wait3A_110 = tpu.memref_squeeze %dma_wait3A_109 : memref<1x128x128xf32, #tpu.memory_space<vmem>> -> memref<128x128xf32, #tpu.memory_space<vmem>>
      %dma_wait3A_111 = arith.constant 0 : i32
      %dma_wait3A_112 = tpu.memref_slice %arg4[%mul3A_107, %dma_wait3A_111] : memref<163840x128xf32, #tpu.memory_space<hbm>> -> memref<128x128xf32, #tpu.memory_space<hbm>>
      %dma_wait3A_113 = tpu.memref_slice %run_scoped3A_9[%rem3A_105] : memref<2x!tpu.dma_semaphore, #tpu.memory_space<semaphore_mem>> -> memref<1x!tpu.dma_semaphore, #tpu.memory_space<semaphore_mem>>
      %dma_wait3A_114 = tpu.memref_squeeze %dma_wait3A_113 : memref<1x!tpu.dma_semaphore, #tpu.memory_space<semaphore_mem>> -> memref<!tpu.dma_semaphore, #tpu.memory_space<semaphore_mem>>
      %dma_wait3A_115 = arith.constant 0 : i32
      %dma_wait3A_116 = tpu.memref_slice %arg4[%mul3A_107, %dma_wait3A_115] : memref<163840x128xf32, #tpu.memory_space<hbm>> -> memref<128x128xf32, #tpu.memory_space<hbm>>
      %dma_wait3A_117 = arith.constant 0 : i32
      %dma_wait3A_118 = arith.constant 0 : i32
      %dma_wait3A_119 = tpu.memref_slice %run_scoped3A_8[%rem3A_105, %dma_wait3A_117, %dma_wait3A_118] : memref<2x128x128xf32, #tpu.memory_space<vmem>> -> memref<1x128x128xf32, #tpu.memory_space<vmem>>
      %dma_wait3A_120 = tpu.memref_squeeze %dma_wait3A_119 : memref<1x128x128xf32, #tpu.memory_space<vmem>> -> memref<128x128xf32, #tpu.memory_space<vmem>>
      tpu.wait_dma2 semaphore(%dma_wait3A_114 : memref<!tpu.dma_semaphore, #tpu.memory_space<semaphore_mem>>) src(%dma_wait3A_120 : memref<128x128xf32, #tpu.memory_space<vmem>>) dst(%dma_wait3A_116 : memref<128x128xf32, #tpu.memory_space<hbm>>)
      "tpu.trace_stop"() : () -> ()
      tpu.yield
    }) : () -> ()
    return
  }
}

#map = affine_map<(d0, d1) -> (0, 0)>
module attributes {stable_mosaic.version = 14 : i64} {
  func.func @k(%arg0: i32, %arg1: i32, %arg2: memref<250000x128xf32, #tpu.memory_space<hbm>>, %arg3: memref<1x163840xi32, #tpu.memory_space<hbm>>, %arg4: memref<163840x128xf32, #tpu.memory_space<hbm>>) attributes {dimension_semantics = [#tpu.dimension_semantics<core_parallel>, #tpu.dimension_semantics<subcore_parallel>], iteration_bounds = array<i64: 2, 16>, scalar_prefetch = 0 : i64, scratch_operands = 0 : i64, tpu.core_type = #tpu.core_type<sc_vector_subcore>, window_params = [{transform_indices = #map}, {transform_indices = #map}, {transform_indices = #map}]} {
    %mul3A = arith.constant 1 : i32
    %mul3A_0 = arith.muli %arg1, %mul3A : i32
    %add3A = arith.constant 0 : i32
    %add3A_1 = arith.addi %add3A, %mul3A_0 : i32
    %mul3A_2 = arith.constant 16 : i32
    %mul3A_3 = arith.muli %arg0, %mul3A_2 : i32
    %add3A_4 = arith.addi %add3A_1, %mul3A_3 : i32
    %mul3A_5 = arith.constant 40 : i32
    %mul3A_6 = arith.muli %add3A_4, %mul3A_5 : i32
    "tpu.region"() ({
      %run_scoped3A = memref.alloca() : memref<2x1x128xi32, #tpu.memory_space<vmem>>
      %run_scoped3A_7 = tpu.sem_alloc : memref<2x!tpu.dma_semaphore, #tpu.memory_space<semaphore_mem>>
      %run_scoped3A_8 = memref.alloca() : memref<2x128x128xf32, #tpu.memory_space<vmem>>
      %run_scoped3A_9 = tpu.sem_alloc : memref<2x!tpu.dma_semaphore, #tpu.memory_space<semaphore_mem>>
      %add3A_10 = arith.constant 0 : i32
      %add3A_11 = arith.addi %add3A_10, %mul3A_6 : i32
      %select_n3A = arith.constant true
      %select_n3A_12 = arith.constant 0 : i32
      %select_n3A_13 = arith.constant -1 : i32
      %select_n3A_14 = arith.select %select_n3A, %select_n3A_13, %select_n3A_12 : i32
      %eq3A = arith.constant -1 : i32
      %eq3A_15 = arith.cmpi eq, %select_n3A_14, %eq3A : i32
      %select_n3A_16 = arith.constant 39 : i32
      %select_n3A_17 = arith.select %eq3A_15, %select_n3A_16, %select_n3A_14 : i32
      %add3A_18 = arith.addi %select_n3A_17, %mul3A_6 : i32
      %select_n3A_19 = arith.constant true
      %select_n3A_20 = arith.constant 0 : i32
      %select_n3A_21 = arith.constant 1 : i32
      %select_n3A_22 = arith.select %select_n3A_19, %select_n3A_21, %select_n3A_20 : i32
      %eq3A_23 = arith.constant 40 : i32
      %eq3A_24 = arith.cmpi eq, %select_n3A_22, %eq3A_23 : i32
      %select_n3A_25 = arith.constant 0 : i32
      %select_n3A_26 = arith.select %eq3A_24, %select_n3A_25, %select_n3A_22 : i32
      %add3A_27 = arith.addi %select_n3A_26, %mul3A_6 : i32
      %add3A_28 = arith.constant 1 : i32
      %add3A_29 = arith.addi %select_n3A_26, %add3A_28 : i32
      %select_n3A_30 = arith.constant true
      %select_n3A_31 = arith.select %select_n3A_30, %add3A_29, %select_n3A_26 : i32
      %eq3A_32 = arith.constant 40 : i32
      %eq3A_33 = arith.cmpi eq, %select_n3A_31, %eq3A_32 : i32
      %select_n3A_34 = arith.constant 0 : i32
      %select_n3A_35 = arith.select %eq3A_33, %select_n3A_34, %select_n3A_31 : i32
      %add3A_36 = arith.addi %select_n3A_35, %mul3A_6 : i32
      "tpu.trace_start"() <{level = 10 : i32, message = "ep_initialize_0"}> : () -> ()
      %rem3A = arith.constant 0 : i32
      %rem3A_37 = arith.constant 2 : i32
      %rem3A_38 = arith.remui %rem3A, %rem3A_37 : i32
      %mul3A_39 = arith.constant 128 : i32
      %mul3A_40 = arith.muli %mul3A_39, %add3A_11 : i32
      %dma_start3A = arith.constant 0 : i32
      %dma_start3A_41 = arith.constant 0 : i32
      %dma_start3A_42 = tpu.memref_slice %run_scoped3A[%rem3A_38, %dma_start3A, %dma_start3A_41] : memref<2x1x128xi32, #tpu.memory_space<vmem>> -> memref<1x1x128xi32, #tpu.memory_space<vmem>>
      %dma_start3A_43 = tpu.memref_squeeze %dma_start3A_42 : memref<1x1x128xi32, #tpu.memory_space<vmem>> -> memref<1x128xi32, #tpu.memory_space<vmem>>
      %dma_start3A_44 = arith.constant 0 : i32
      %dma_start3A_45 = tpu.memref_slice %arg3[%dma_start3A_44, %mul3A_40] : memref<1x163840xi32, #tpu.memory_space<hbm>> -> memref<1x128xi32, #tpu.memory_space<hbm>>
      %dma_start3A_46 = tpu.memref_slice %run_scoped3A_7[%rem3A_38] : memref<2x!tpu.dma_semaphore, #tpu.memory_space<semaphore_mem>> -> memref<1x!tpu.dma_semaphore, #tpu.memory_space<semaphore_mem>>
      %dma_start3A_47 = tpu.memref_squeeze %dma_start3A_46 : memref<1x!tpu.dma_semaphore, #tpu.memory_space<semaphore_mem>> -> memref<!tpu.dma_semaphore, #tpu.memory_space<semaphore_mem>>
      %dma_start3A_48 = arith.constant 0 : i32
      %dma_start3A_49 = arith.constant 0 : i32
      %dma_start3A_50 = tpu.memref_slice %run_scoped3A[%rem3A_38, %dma_start3A_48, %dma_start3A_49] : memref<2x1x128xi32, #tpu.memory_space<vmem>> -> memref<1x1x128xi32, #tpu.memory_space<vmem>>
      %dma_start3A_51 = tpu.memref_squeeze %dma_start3A_50 : memref<1x1x128xi32, #tpu.memory_space<vmem>> -> memref<1x128xi32, #tpu.memory_space<vmem>>
      %dma_start3A_52 = arith.constant 0 : i32
      %dma_start3A_53 = tpu.memref_slice %arg3[%dma_start3A_52, %mul3A_40] : memref<1x163840xi32, #tpu.memory_space<hbm>> -> memref<1x128xi32, #tpu.memory_space<hbm>>
      tpu.enqueue_dma source(%dma_start3A_53 : memref<1x128xi32, #tpu.memory_space<hbm>>) target(%dma_start3A_51 : memref<1x128xi32, #tpu.memory_space<vmem>>) target_semaphore(%dma_start3A_47 : memref<!tpu.dma_semaphore, #tpu.memory_space<semaphore_mem>>)
      %add3A_54 = arith.constant 0 : i32
      %add3A_55 = arith.constant 1 : i32
      %add3A_56 = arith.addi %add3A_54, %add3A_55 : i32
      %select_n3A_57 = arith.constant true
      %select_n3A_58 = arith.constant 0 : i32
      %select_n3A_59 = arith.select %select_n3A_57, %add3A_56, %select_n3A_58 : i32
      "tpu.trace_stop"() : () -> ()
      %scan3A = arith.constant 0 : i32
      %scan3A_60 = arith.constant 0 : i32
      %scan3A_61 = arith.constant 0 : i32
      %scan3A_62 = arith.constant 0 : i32
      %scan3A_63 = arith.constant 0 : i32
      %scan3A_64 = arith.constant 40 : i32
      %scan3A_65 = arith.addi %scan3A_63, %scan3A_64 : i32
      %scan3A_66 = arith.constant 1 : i32
      %scan3A_67:5 = scf.for %scan3A_121 = %scan3A_63 to %scan3A_65 step %scan3A_66 iter_args(%scan3A_122 = %select_n3A_59, %scan3A_123 = %scan3A, %scan3A_124 = %scan3A_60, %scan3A_125 = %scan3A_61, %scan3A_126 = %scan3A_62) -> (i32, i32, i32, i32, i32)  : i32 {
        %eq3A_127 = arith.constant 0 : i32
        %eq3A_128 = arith.cmpi eq, %scan3A_121, %eq3A_127 : i32
        %eq3A_129 = arith.constant 39 : i32
        %eq3A_130 = arith.cmpi eq, %scan3A_121, %eq3A_129 : i32
        %add3A_131 = arith.addi %scan3A_126, %mul3A_6 : i32
        %sub3A_132 = arith.constant 1 : i32
        %sub3A_133 = arith.subi %scan3A_126, %sub3A_132 : i32
        %select_n3A_134 = arith.constant true
        %select_n3A_135 = arith.select %select_n3A_134, %sub3A_133, %scan3A_126 : i32
        %eq3A_136 = arith.constant -1 : i32
        %eq3A_137 = arith.cmpi eq, %select_n3A_135, %eq3A_136 : i32
        %select_n3A_138 = arith.constant 39 : i32
        %select_n3A_139 = arith.select %eq3A_137, %select_n3A_138, %select_n3A_135 : i32
        %add3A_140 = arith.addi %select_n3A_139, %mul3A_6 : i32
        %add3A_141 = arith.constant 1 : i32
        %add3A_142 = arith.addi %scan3A_126, %add3A_141 : i32
        %select_n3A_143 = arith.constant true
        %select_n3A_144 = arith.select %select_n3A_143, %add3A_142, %scan3A_126 : i32
        %eq3A_145 = arith.constant 40 : i32
        %eq3A_146 = arith.cmpi eq, %select_n3A_144, %eq3A_145 : i32
        %select_n3A_147 = arith.constant 0 : i32
        %select_n3A_148 = arith.select %eq3A_146, %select_n3A_147, %select_n3A_144 : i32
        %add3A_149 = arith.addi %select_n3A_148, %mul3A_6 : i32
        %add3A_150 = arith.constant 1 : i32
        %add3A_151 = arith.addi %select_n3A_148, %add3A_150 : i32
        %select_n3A_152 = arith.constant true
        %select_n3A_153 = arith.select %select_n3A_152, %add3A_151, %select_n3A_148 : i32
        %eq3A_154 = arith.constant 40 : i32
        %eq3A_155 = arith.cmpi eq, %select_n3A_153, %eq3A_154 : i32
        %select_n3A_156 = arith.constant 0 : i32
        %select_n3A_157 = arith.select %eq3A_155, %select_n3A_156, %select_n3A_153 : i32
        %add3A_158 = arith.addi %select_n3A_157, %mul3A_6 : i32
        %ne3A = arith.cmpi ne, %add3A_131, %add3A_149 : i32
        %or3A = arith.constant false
        %or3A_159 = arith.ori %or3A, %ne3A : i1
        %ge3A = arith.constant 39 : i32
        %ge3A_160 = arith.cmpi sge, %scan3A_121, %ge3A : i32
        %not3A = arith.constant true
        %not3A_161 = arith.xori %ge3A_160, %not3A : i1
        %and3A = arith.andi %or3A_159, %not3A_161 : i1
        %convert_element_type3A = arith.extui %and3A : i1 to i32
        %cond3A = arith.constant 0 : i32
        %cond3A_162 = arith.cmpi ne, %convert_element_type3A, %cond3A : i32
        scf.if %cond3A_162 {
          "tpu.trace_start"() <{level = 10 : i32, message = "ep_copy_in"}> : () -> ()
          %rem3A_264 = arith.constant 2 : i32
          %rem3A_265 = arith.remui %scan3A_122, %rem3A_264 : i32
          %mul3A_266 = arith.constant 128 : i32
          %mul3A_267 = arith.muli %mul3A_266, %add3A_149 : i32
          %dma_start3A_268 = arith.constant 0 : i32
          %dma_start3A_269 = arith.constant 0 : i32
          %dma_start3A_270 = tpu.memref_slice %run_scoped3A[%rem3A_265, %dma_start3A_268, %dma_start3A_269] : memref<2x1x128xi32, #tpu.memory_space<vmem>> -> memref<1x1x128xi32, #tpu.memory_space<vmem>>
          %dma_start3A_271 = tpu.memref_squeeze %dma_start3A_270 : memref<1x1x128xi32, #tpu.memory_space<vmem>> -> memref<1x128xi32, #tpu.memory_space<vmem>>
          %dma_start3A_272 = arith.constant 0 : i32
          %dma_start3A_273 = tpu.memref_slice %arg3[%dma_start3A_272, %mul3A_267] : memref<1x163840xi32, #tpu.memory_space<hbm>> -> memref<1x128xi32, #tpu.memory_space<hbm>>
          %dma_start3A_274 = tpu.memref_slice %run_scoped3A_7[%rem3A_265] : memref<2x!tpu.dma_semaphore, #tpu.memory_space<semaphore_mem>> -> memref<1x!tpu.dma_semaphore, #tpu.memory_space<semaphore_mem>>
          %dma_start3A_275 = tpu.memref_squeeze %dma_start3A_274 : memref<1x!tpu.dma_semaphore, #tpu.memory_space<semaphore_mem>> -> memref<!tpu.dma_semaphore, #tpu.memory_space<semaphore_mem>>
          %dma_start3A_276 = arith.constant 0 : i32
          %dma_start3A_277 = arith.constant 0 : i32
          %dma_start3A_278 = tpu.memref_slice %run_scoped3A[%rem3A_265, %dma_start3A_276, %dma_start3A_277] : memref<2x1x128xi32, #tpu.memory_space<vmem>> -> memref<1x1x128xi32, #tpu.memory_space<vmem>>
          %dma_start3A_279 = tpu.memref_squeeze %dma_start3A_278 : memref<1x1x128xi32, #tpu.memory_space<vmem>> -> memref<1x128xi32, #tpu.memory_space<vmem>>
          %dma_start3A_280 = arith.constant 0 : i32
          %dma_start3A_281 = tpu.memref_slice %arg3[%dma_start3A_280, %mul3A_267] : memref<1x163840xi32, #tpu.memory_space<hbm>> -> memref<1x128xi32, #tpu.memory_space<hbm>>
          tpu.enqueue_dma source(%dma_start3A_281 : memref<1x128xi32, #tpu.memory_space<hbm>>) target(%dma_start3A_279 : memref<1x128xi32, #tpu.memory_space<vmem>>) target_semaphore(%dma_start3A_275 : memref<!tpu.dma_semaphore, #tpu.memory_space<semaphore_mem>>)
          "tpu.trace_stop"() : () -> ()
        } else {
        }
        %and3A_163 = arith.constant true
        %and3A_164 = arith.andi %and3A, %and3A_163 : i1
        %add3A_165 = arith.constant 1 : i32
        %add3A_166 = arith.addi %scan3A_122, %add3A_165 : i32
        %select_n3A_167 = arith.select %and3A_164, %add3A_166, %scan3A_122 : i32
        %ne3A_168 = arith.cmpi ne, %add3A_131, %add3A_149 : i32
        %or3A_169 = arith.constant false
        %or3A_170 = arith.ori %or3A_169, %ne3A_168 : i1
        %or3A_171 = arith.constant false
        %or3A_172 = arith.ori %or3A_170, %or3A_171 : i1
        %ge3A_173 = arith.constant 39 : i32
        %ge3A_174 = arith.cmpi sge, %scan3A_121, %ge3A_173 : i32
        %not3A_175 = arith.constant true
        %not3A_176 = arith.xori %ge3A_174, %not3A_175 : i1
        %and3A_177 = arith.andi %or3A_172, %not3A_176 : i1
        %ne3A_178 = arith.cmpi ne, %add3A_131, %add3A_140 : i32
        %or3A_179 = arith.constant false
        %or3A_180 = arith.ori %or3A_179, %ne3A_178 : i1
        %or3A_181 = arith.ori %or3A_180, %eq3A_128 : i1
        %convert_element_type3A_182 = arith.extui %or3A_181 : i1 to i32
        %cond3A_183 = arith.constant 0 : i32
        %cond3A_184 = arith.cmpi ne, %convert_element_type3A_182, %cond3A_183 : i32
        scf.if %cond3A_184 {
          "tpu.trace_start"() <{level = 10 : i32, message = "ep_wait_in"}> : () -> ()
          %mul3A_264 = arith.constant 128 : i32
          %mul3A_265 = arith.muli %mul3A_264, %add3A_131 : i32
          %rem3A_266 = arith.constant 2 : i32
          %rem3A_267 = arith.remui %scan3A_123, %rem3A_266 : i32
          %dma_wait3A_268 = arith.constant 0 : i32
          %dma_wait3A_269 = arith.constant 0 : i32
          %dma_wait3A_270 = tpu.memref_slice %run_scoped3A[%rem3A_267, %dma_wait3A_268, %dma_wait3A_269] : memref<2x1x128xi32, #tpu.memory_space<vmem>> -> memref<1x1x128xi32, #tpu.memory_space<vmem>>
          %dma_wait3A_271 = tpu.memref_squeeze %dma_wait3A_270 : memref<1x1x128xi32, #tpu.memory_space<vmem>> -> memref<1x128xi32, #tpu.memory_space<vmem>>
          %dma_wait3A_272 = arith.constant 0 : i32
          %dma_wait3A_273 = tpu.memref_slice %arg3[%dma_wait3A_272, %mul3A_265] : memref<1x163840xi32, #tpu.memory_space<hbm>> -> memref<1x128xi32, #tpu.memory_space<hbm>>
          %dma_wait3A_274 = tpu.memref_slice %run_scoped3A_7[%rem3A_267] : memref<2x!tpu.dma_semaphore, #tpu.memory_space<semaphore_mem>> -> memref<1x!tpu.dma_semaphore, #tpu.memory_space<semaphore_mem>>
          %dma_wait3A_275 = tpu.memref_squeeze %dma_wait3A_274 : memref<1x!tpu.dma_semaphore, #tpu.memory_space<semaphore_mem>> -> memref<!tpu.dma_semaphore, #tpu.memory_space<semaphore_mem>>
          %dma_wait3A_276 = arith.constant 0 : i32
          %dma_wait3A_277 = arith.constant 0 : i32
          %dma_wait3A_278 = tpu.memref_slice %run_scoped3A[%rem3A_267, %dma_wait3A_276, %dma_wait3A_277] : memref<2x1x128xi32, #tpu.memory_space<vmem>> -> memref<1x1x128xi32, #tpu.memory_space<vmem>>
          %dma_wait3A_279 = tpu.memref_squeeze %dma_wait3A_278 : memref<1x1x128xi32, #tpu.memory_space<vmem>> -> memref<1x128xi32, #tpu.memory_space<vmem>>
          %dma_wait3A_280 = arith.constant 0 : i32
          %dma_wait3A_281 = tpu.memref_slice %arg3[%dma_wait3A_280, %mul3A_265] : memref<1x163840xi32, #tpu.memory_space<hbm>> -> memref<1x128xi32, #tpu.memory_space<hbm>>
          tpu.wait_dma2 semaphore(%dma_wait3A_275 : memref<!tpu.dma_semaphore, #tpu.memory_space<semaphore_mem>>) src(%dma_wait3A_281 : memref<1x128xi32, #tpu.memory_space<hbm>>) dst(%dma_wait3A_279 : memref<1x128xi32, #tpu.memory_space<vmem>>)
          "tpu.trace_stop"() : () -> ()
        } else {
        }
        %ne3A_185 = arith.cmpi ne, %add3A_131, %add3A_140 : i32
        %or3A_186 = arith.constant false
        %or3A_187 = arith.ori %or3A_186, %ne3A_185 : i1
        %or3A_188 = arith.constant false
        %or3A_189 = arith.ori %or3A_187, %or3A_188 : i1
        %or3A_190 = arith.ori %or3A_189, %eq3A_128 : i1
        %convert_element_type3A_191 = arith.extui %or3A_190 : i1 to i32
        %cond3A_192 = arith.constant 0 : i32
        %cond3A_193 = arith.cmpi ne, %convert_element_type3A_191, %cond3A_192 : i32
        scf.if %cond3A_193 {
        } else {
        }
        %rem3A_194 = arith.constant 2 : i32
        %rem3A_195 = arith.remui %scan3A_123, %rem3A_194 : i32
        %rem3A_196 = arith.constant 2 : i32
        %rem3A_197 = arith.remui %scan3A_124, %rem3A_196 : i32
        %run_scoped3A_198 = arith.constant 0 : i32
        "tpu.trace_start"() <{level = 10 : i32, message = "ep_run_kernel"}> : () -> ()
        "tpu.region"() ({
          %run_scoped3A_264 = tpu.sem_alloc : memref<!tpu.dma_semaphore, #tpu.memory_space<semaphore_mem>>
          %dma_start3A_265 = arith.constant 0 : i32
          %dma_start3A_266 = arith.constant 0 : i32
          %dma_start3A_267 = tpu.memref_slice %run_scoped3A_8[%rem3A_197, %dma_start3A_265, %dma_start3A_266] : memref<2x128x128xf32, #tpu.memory_space<vmem>> -> memref<1x128x128xf32, #tpu.memory_space<vmem>>
          %dma_start3A_268 = tpu.memref_squeeze %dma_start3A_267 : memref<1x128x128xf32, #tpu.memory_space<vmem>> -> memref<128x128xf32, #tpu.memory_space<vmem>>
          %dma_start3A_269 = arith.constant 0 : i32
          %dma_start3A_270 = arith.constant 0 : i32
          %dma_start3A_271 = tpu.memref_slice %run_scoped3A[%rem3A_195, %dma_start3A_269, %dma_start3A_270] : memref<2x1x128xi32, #tpu.memory_space<vmem>> -> memref<1x1x128xi32, #tpu.memory_space<vmem>>
          %dma_start3A_272 = tpu.memref_squeeze %dma_start3A_271 : memref<1x1x128xi32, #tpu.memory_space<vmem>> -> memref<1x128xi32, #tpu.memory_space<vmem>>
          %dma_start3A_273 = arith.constant 0 : i32
          %dma_start3A_274 = tpu.memref_slice %dma_start3A_272[%run_scoped3A_198, %dma_start3A_273] : memref<1x128xi32, #tpu.memory_space<vmem>> -> memref<1x128xi32, #tpu.memory_space<vmem>>
          %dma_start3A_275 = tpu.memref_squeeze %dma_start3A_274 : memref<1x128xi32, #tpu.memory_space<vmem>> -> memref<128xi32, #tpu.memory_space<vmem>>
          %dma_start3A_276 = arith.constant 0 : i32
          %dma_start3A_277 = arith.constant 0 : i32
          %dma_start3A_278 = tpu.memref_slice %arg2[%dma_start3A_276, %dma_start3A_277] : memref<250000x128xf32, #tpu.memory_space<hbm>> -> memref<250000x128xf32, #tpu.memory_space<hbm>>
          tpu.enqueue_indirect_dma source(%dma_start3A_278 : memref<250000x128xf32, #tpu.memory_space<hbm>>) target(%dma_start3A_268 : memref<128x128xf32, #tpu.memory_space<vmem>>) offsets(%dma_start3A_275 : memref<128xi32, #tpu.memory_space<vmem>>) semaphore(%run_scoped3A_264 : memref<!tpu.dma_semaphore, #tpu.memory_space<semaphore_mem>>)
          %dma_wait3A_279 = arith.constant 0 : i32
          %dma_wait3A_280 = arith.constant 0 : i32
          %dma_wait3A_281 = tpu.memref_slice %run_scoped3A_8[%rem3A_197, %dma_wait3A_279, %dma_wait3A_280] : memref<2x128x128xf32, #tpu.memory_space<vmem>> -> memref<1x128x128xf32, #tpu.memory_space<vmem>>
          %dma_wait3A_282 = tpu.memref_squeeze %dma_wait3A_281 : memref<1x128x128xf32, #tpu.memory_space<vmem>> -> memref<128x128xf32, #tpu.memory_space<vmem>>
          %dma_wait3A_283 = arith.constant 0 : i32
          %dma_wait3A_284 = arith.constant 0 : i32
          %dma_wait3A_285 = tpu.memref_slice %run_scoped3A[%rem3A_195, %dma_wait3A_283, %dma_wait3A_284] : memref<2x1x128xi32, #tpu.memory_space<vmem>> -> memref<1x1x128xi32, #tpu.memory_space<vmem>>
          %dma_wait3A_286 = tpu.memref_squeeze %dma_wait3A_285 : memref<1x1x128xi32, #tpu.memory_space<vmem>> -> memref<1x128xi32, #tpu.memory_space<vmem>>
          %dma_wait3A_287 = arith.constant 0 : i32
          %dma_wait3A_288 = tpu.memref_slice %dma_wait3A_286[%run_scoped3A_198, %dma_wait3A_287] : memref<1x128xi32, #tpu.memory_space<vmem>> -> memref<1x128xi32, #tpu.memory_space<vmem>>
          %dma_wait3A_289 = tpu.memref_squeeze %dma_wait3A_288 : memref<1x128xi32, #tpu.memory_space<vmem>> -> memref<128xi32, #tpu.memory_space<vmem>>
          %dma_wait3A_290 = arith.constant 0 : i32
          %dma_wait3A_291 = arith.constant 0 : i32
          %dma_wait3A_292 = tpu.memref_slice %arg2[%dma_wait3A_290, %dma_wait3A_291] : memref<250000x128xf32, #tpu.memory_space<hbm>> -> memref<250000x128xf32, #tpu.memory_space<hbm>>
          tpu.wait_indirect_dma semaphore(%run_scoped3A_264 : memref<!tpu.dma_semaphore, #tpu.memory_space<semaphore_mem>>) src(%dma_wait3A_292 : memref<250000x128xf32, #tpu.memory_space<hbm>>) dst(%dma_wait3A_282 : memref<128x128xf32, #tpu.memory_space<vmem>>)
          tpu.yield
        }) : () -> ()
        "tpu.trace_stop"() : () -> ()
        %ne3A_199 = arith.cmpi ne, %add3A_131, %add3A_149 : i32
        %or3A_200 = arith.constant false
        %or3A_201 = arith.ori %or3A_200, %ne3A_199 : i1
        %or3A_202 = arith.ori %or3A_201, %eq3A_130 : i1
        %convert_element_type3A_203 = arith.extui %or3A_202 : i1 to i32
        %cond3A_204 = arith.constant 0 : i32
        %cond3A_205 = arith.cmpi ne, %convert_element_type3A_203, %cond3A_204 : i32
        scf.if %cond3A_205 {
        } else {
        }
        %and3A_206 = arith.constant false
        %and3A_207 = arith.andi %or3A_202, %and3A_206 : i1
        %ne3A_208 = arith.cmpi ne, %add3A_131, %add3A_149 : i32
        %or3A_209 = arith.constant false
        %or3A_210 = arith.ori %or3A_209, %ne3A_208 : i1
        %or3A_211 = arith.constant false
        %or3A_212 = arith.ori %or3A_210, %or3A_211 : i1
        %or3A_213 = arith.ori %or3A_212, %eq3A_130 : i1
        %convert_element_type3A_214 = arith.extui %or3A_213 : i1 to i32
        %cond3A_215 = arith.constant 0 : i32
        %cond3A_216 = arith.cmpi ne, %convert_element_type3A_214, %cond3A_215 : i32
        scf.if %cond3A_216 {
          "tpu.trace_start"() <{level = 10 : i32, message = "ep_copy_out"}> : () -> ()
          %rem3A_264 = arith.constant 2 : i32
          %rem3A_265 = arith.remui %scan3A_124, %rem3A_264 : i32
          %mul3A_266 = arith.constant 128 : i32
          %mul3A_267 = arith.muli %mul3A_266, %add3A_131 : i32
          %dma_start3A_268 = arith.constant 0 : i32
          %dma_start3A_269 = arith.constant 0 : i32
          %dma_start3A_270 = tpu.memref_slice %run_scoped3A_8[%rem3A_265, %dma_start3A_268, %dma_start3A_269] : memref<2x128x128xf32, #tpu.memory_space<vmem>> -> memref<1x128x128xf32, #tpu.memory_space<vmem>>
          %dma_start3A_271 = tpu.memref_squeeze %dma_start3A_270 : memref<1x128x128xf32, #tpu.memory_space<vmem>> -> memref<128x128xf32, #tpu.memory_space<vmem>>
          %dma_start3A_272 = arith.constant 0 : i32
          %dma_start3A_273 = tpu.memref_slice %arg4[%mul3A_267, %dma_start3A_272] : memref<163840x128xf32, #tpu.memory_space<hbm>> -> memref<128x128xf32, #tpu.memory_space<hbm>>
          %dma_start3A_274 = tpu.memref_slice %run_scoped3A_9[%rem3A_265] : memref<2x!tpu.dma_semaphore, #tpu.memory_space<semaphore_mem>> -> memref<1x!tpu.dma_semaphore, #tpu.memory_space<semaphore_mem>>
          %dma_start3A_275 = tpu.memref_squeeze %dma_start3A_274 : memref<1x!tpu.dma_semaphore, #tpu.memory_space<semaphore_mem>> -> memref<!tpu.dma_semaphore, #tpu.memory_space<semaphore_mem>>
          %dma_start3A_276 = arith.constant 0 : i32
          %dma_start3A_277 = tpu.memref_slice %arg4[%mul3A_267, %dma_start3A_276] : memref<163840x128xf32, #tpu.memory_space<hbm>> -> memref<128x128xf32, #tpu.memory_space<hbm>>
          %dma_start3A_278 = arith.constant 0 : i32
          %dma_start3A_279 = arith.constant 0 : i32
          %dma_start3A_280 = tpu.memref_slice %run_scoped3A_8[%rem3A_265, %dma_start3A_278, %dma_start3A_279] : memref<2x128x128xf32, #tpu.memory_space<vmem>> -> memref<1x128x128xf32, #tpu.memory_space<vmem>>
          %dma_start3A_281 = tpu.memref_squeeze %dma_start3A_280 : memref<1x128x128xf32, #tpu.memory_space<vmem>> -> memref<128x128xf32, #tpu.memory_space<vmem>>
          tpu.enqueue_dma source(%dma_start3A_281 : memref<128x128xf32, #tpu.memory_space<vmem>>) target(%dma_start3A_277 : memref<128x128xf32, #tpu.memory_space<hbm>>) target_semaphore(%dma_start3A_275 : memref<!tpu.dma_semaphore, #tpu.memory_space<semaphore_mem>>)
          "tpu.trace_stop"() : () -> ()
        } else {
        }
        %and3A_217 = arith.constant true
        %and3A_218 = arith.andi %or3A_213, %and3A_217 : i1
        %add3A_219 = arith.constant 1 : i32
        %add3A_220 = arith.addi %scan3A_124, %add3A_219 : i32
        %select_n3A_221 = arith.select %and3A_218, %add3A_220, %scan3A_124 : i32
        %ne3A_222 = arith.cmpi ne, %add3A_131, %add3A_140 : i32
        %or3A_223 = arith.constant false
        %or3A_224 = arith.ori %or3A_223, %ne3A_222 : i1
        %not3A_225 = arith.constant true
        %not3A_226 = arith.xori %eq3A_128, %not3A_225 : i1
        %and3A_227 = arith.andi %or3A_224, %not3A_226 : i1
        %convert_element_type3A_228 = arith.extui %and3A_227 : i1 to i32
        %cond3A_229 = arith.constant 0 : i32
        %cond3A_230 = arith.cmpi ne, %convert_element_type3A_228, %cond3A_229 : i32
        scf.if %cond3A_230 {
        } else {
        }
        %and3A_231 = arith.constant false
        %and3A_232 = arith.andi %and3A_227, %and3A_231 : i1
        %ne3A_233 = arith.cmpi ne, %add3A_131, %add3A_140 : i32
        %or3A_234 = arith.constant false
        %or3A_235 = arith.ori %or3A_234, %ne3A_233 : i1
        %or3A_236 = arith.constant false
        %or3A_237 = arith.ori %or3A_235, %or3A_236 : i1
        %not3A_238 = arith.constant true
        %not3A_239 = arith.xori %eq3A_128, %not3A_238 : i1
        %and3A_240 = arith.andi %or3A_237, %not3A_239 : i1
        %convert_element_type3A_241 = arith.extui %and3A_240 : i1 to i32
        %cond3A_242 = arith.constant 0 : i32
        %cond3A_243 = arith.cmpi ne, %convert_element_type3A_241, %cond3A_242 : i32
        scf.if %cond3A_243 {
          "tpu.trace_start"() <{level = 10 : i32, message = "ep_wait_out"}> : () -> ()
          %rem3A_264 = arith.constant 2 : i32
          %rem3A_265 = arith.remui %scan3A_125, %rem3A_264 : i32
          %mul3A_266 = arith.constant 128 : i32
          %mul3A_267 = arith.muli %mul3A_266, %add3A_140 : i32
          %dma_wait3A_268 = arith.constant 0 : i32
          %dma_wait3A_269 = arith.constant 0 : i32
          %dma_wait3A_270 = tpu.memref_slice %run_scoped3A_8[%rem3A_265, %dma_wait3A_268, %dma_wait3A_269] : memref<2x128x128xf32, #tpu.memory_space<vmem>> -> memref<1x128x128xf32, #tpu.memory_space<vmem>>
          %dma_wait3A_271 = tpu.memref_squeeze %dma_wait3A_270 : memref<1x128x128xf32, #tpu.memory_space<vmem>> -> memref<128x128xf32, #tpu.memory_space<vmem>>
          %dma_wait3A_272 = arith.constant 0 : i32
          %dma_wait3A_273 = tpu.memref_slice %arg4[%mul3A_267, %dma_wait3A_272] : memref<163840x128xf32, #tpu.memory_space<hbm>> -> memref<128x128xf32, #tpu.memory_space<hbm>>
          %dma_wait3A_274 = tpu.memref_slice %run_scoped3A_9[%rem3A_265] : memref<2x!tpu.dma_semaphore, #tpu.memory_space<semaphore_mem>> -> memref<1x!tpu.dma_semaphore, #tpu.memory_space<semaphore_mem>>
          %dma_wait3A_275 = tpu.memref_squeeze %dma_wait3A_274 : memref<1x!tpu.dma_semaphore, #tpu.memory_space<semaphore_mem>> -> memref<!tpu.dma_semaphore, #tpu.memory_space<semaphore_mem>>
          %dma_wait3A_276 = arith.constant 0 : i32
          %dma_wait3A_277 = tpu.memref_slice %arg4[%mul3A_267, %dma_wait3A_276] : memref<163840x128xf32, #tpu.memory_space<hbm>> -> memref<128x128xf32, #tpu.memory_space<hbm>>
          %dma_wait3A_278 = arith.constant 0 : i32
          %dma_wait3A_279 = arith.constant 0 : i32
          %dma_wait3A_280 = tpu.memref_slice %run_scoped3A_8[%rem3A_265, %dma_wait3A_278, %dma_wait3A_279] : memref<2x128x128xf32, #tpu.memory_space<vmem>> -> memref<1x128x128xf32, #tpu.memory_space<vmem>>
          %dma_wait3A_281 = tpu.memref_squeeze %dma_wait3A_280 : memref<1x128x128xf32, #tpu.memory_space<vmem>> -> memref<128x128xf32, #tpu.memory_space<vmem>>
          tpu.wait_dma2 semaphore(%dma_wait3A_275 : memref<!tpu.dma_semaphore, #tpu.memory_space<semaphore_mem>>) src(%dma_wait3A_281 : memref<128x128xf32, #tpu.memory_space<vmem>>) dst(%dma_wait3A_277 : memref<128x128xf32, #tpu.memory_space<hbm>>)
          "tpu.trace_stop"() : () -> ()
        } else {
        }
        %and3A_244 = arith.constant true
        %and3A_245 = arith.andi %and3A_240, %and3A_244 : i1
        %add3A_246 = arith.constant 1 : i32
        %add3A_247 = arith.addi %scan3A_125, %add3A_246 : i32
        %select_n3A_248 = arith.select %and3A_245, %add3A_247, %scan3A_125 : i32
        %ne3A_249 = arith.cmpi ne, %add3A_131, %add3A_149 : i32
        %or3A_250 = arith.constant false
        %or3A_251 = arith.ori %or3A_250, %ne3A_249 : i1
        %or3A_252 = arith.ori %or3A_251, %eq3A_130 : i1
        %add3A_253 = arith.constant 1 : i32
        %add3A_254 = arith.addi %scan3A_123, %add3A_253 : i32
        %select_n3A_255 = arith.select %or3A_252, %add3A_254, %scan3A_123 : i32
        %add3A_256 = arith.constant 1 : i32
        %add3A_257 = arith.addi %scan3A_126, %add3A_256 : i32
        %select_n3A_258 = arith.constant true
        %select_n3A_259 = arith.select %select_n3A_258, %add3A_257, %scan3A_126 : i32
        %eq3A_260 = arith.constant 40 : i32
        %eq3A_261 = arith.cmpi eq, %select_n3A_259, %eq3A_260 : i32
        %select_n3A_262 = arith.constant 0 : i32
        %select_n3A_263 = arith.select %eq3A_261, %select_n3A_262, %select_n3A_259 : i32
        scf.yield %select_n3A_167, %select_n3A_255, %select_n3A_221, %select_n3A_248, %select_n3A_263 : i32, i32, i32, i32, i32
      }
      %scan3A_68 = arith.constant 40 : i32
      %sub3A = arith.constant 1 : i32
      %sub3A_69 = arith.subi %scan3A_67#4, %sub3A : i32
      %select_n3A_70 = arith.constant true
      %select_n3A_71 = arith.select %select_n3A_70, %sub3A_69, %scan3A_67#4 : i32
      %eq3A_72 = arith.constant -1 : i32
      %eq3A_73 = arith.cmpi eq, %select_n3A_71, %eq3A_72 : i32
      %select_n3A_74 = arith.constant 39 : i32
      %select_n3A_75 = arith.select %eq3A_73, %select_n3A_74, %select_n3A_71 : i32
      %add3A_76 = arith.addi %select_n3A_75, %mul3A_6 : i32
      %sub3A_77 = arith.constant 1 : i32
      %sub3A_78 = arith.subi %select_n3A_75, %sub3A_77 : i32
      %select_n3A_79 = arith.constant true
      %select_n3A_80 = arith.select %select_n3A_79, %sub3A_78, %select_n3A_75 : i32
      %eq3A_81 = arith.constant -1 : i32
      %eq3A_82 = arith.cmpi eq, %select_n3A_80, %eq3A_81 : i32
      %select_n3A_83 = arith.constant 39 : i32
      %select_n3A_84 = arith.select %eq3A_82, %select_n3A_83, %select_n3A_80 : i32
      %add3A_85 = arith.addi %select_n3A_84, %mul3A_6 : i32
      %add3A_86 = arith.constant 1 : i32
      %add3A_87 = arith.addi %select_n3A_75, %add3A_86 : i32
      %select_n3A_88 = arith.constant true
      %select_n3A_89 = arith.select %select_n3A_88, %add3A_87, %select_n3A_75 : i32
      %eq3A_90 = arith.constant 40 : i32
      %eq3A_91 = arith.cmpi eq, %select_n3A_89, %eq3A_90 : i32
      %select_n3A_92 = arith.constant 0 : i32
      %select_n3A_93 = arith.select %eq3A_91, %select_n3A_92, %select_n3A_89 : i32
      %add3A_94 = arith.addi %select_n3A_93, %mul3A_6 : i32
      %add3A_95 = arith.constant 1 : i32
      %add3A_96 = arith.addi %select_n3A_93, %add3A_95 : i32
      %select_n3A_97 = arith.constant true
      %select_n3A_98 = arith.select %select_n3A_97, %add3A_96, %select_n3A_93 : i32
      %eq3A_99 = arith.constant 40 : i32
      %eq3A_100 = arith.cmpi eq, %select_n3A_98, %eq3A_99 : i32
      %select_n3A_101 = arith.constant 0 : i32
      %select_n3A_102 = arith.select %eq3A_100, %select_n3A_101, %select_n3A_98 : i32
      %add3A_103 = arith.addi %select_n3A_102, %mul3A_6 : i32
      "tpu.trace_start"() <{level = 10 : i32, message = "ep_finalize"}> : () -> ()
      %rem3A_104 = arith.constant 2 : i32
      %rem3A_105 = arith.remui %scan3A_67#3, %rem3A_104 : i32
      %mul3A_106 = arith.constant 128 : i32
      %mul3A_107 = arith.muli %mul3A_106, %add3A_76 : i32
      %dma_wait3A = arith.constant 0 : i32
      %dma_wait3A_108 = arith.constant 0 : i32
      %dma_wait3A_109 = tpu.memref_slice %run_scoped3A_8[%rem3A_105, %dma_wait3A, %dma_wait3A_108] : memref<2x128x128xf32, #tpu.memory_space<vmem>> -> memref<1x128x128xf32, #tpu.memory_space<vmem>>
      %dma_wait3A_110 = tpu.memref_squeeze %dma_wait3A_109 : memref<1x128x128xf32, #tpu.memory_space<vmem>> -> memref<128x128xf32, #tpu.memory_space<vmem>>
      %dma_wait3A_111 = arith.constant 0 : i32
      %dma_wait3A_112 = tpu.memref_slice %arg4[%mul3A_107, %dma_wait3A_111] : memref<163840x128xf32, #tpu.memory_space<hbm>> -> memref<128x128xf32, #tpu.memory_space<hbm>>
      %dma_wait3A_113 = tpu.memref_slice %run_scoped3A_9[%rem3A_105] : memref<2x!tpu.dma_semaphore, #tpu.memory_space<semaphore_mem>> -> memref<1x!tpu.dma_semaphore, #tpu.memory_space<semaphore_mem>>
      %dma_wait3A_114 = tpu.memref_squeeze %dma_wait3A_113 : memref<1x!tpu.dma_semaphore, #tpu.memory_space<semaphore_mem>> -> memref<!tpu.dma_semaphore, #tpu.memory_space<semaphore_mem>>
      %dma_wait3A_115 = arith.constant 0 : i32
      %dma_wait3A_116 = tpu.memref_slice %arg4[%mul3A_107, %dma_wait3A_115] : memref<163840x128xf32, #tpu.memory_space<hbm>> -> memref<128x128xf32, #tpu.memory_space<hbm>>
      %dma_wait3A_117 = arith.constant 0 : i32
      %dma_wait3A_118 = arith.constant 0 : i32
      %dma_wait3A_119 = tpu.memref_slice %run_scoped3A_8[%rem3A_105, %dma_wait3A_117, %dma_wait3A_118] : memref<2x128x128xf32, #tpu.memory_space<vmem>> -> memref<1x128x128xf32, #tpu.memory_space<vmem>>
      %dma_wait3A_120 = tpu.memref_squeeze %dma_wait3A_119 : memref<1x128x128xf32, #tpu.memory_space<vmem>> -> memref<128x128xf32, #tpu.memory_space<vmem>>
      tpu.wait_dma2 semaphore(%dma_wait3A_114 : memref<!tpu.dma_semaphore, #tpu.memory_space<semaphore_mem>>) src(%dma_wait3A_120 : memref<128x128xf32, #tpu.memory_space<vmem>>) dst(%dma_wait3A_116 : memref<128x128xf32, #tpu.memory_space<hbm>>)
      "tpu.trace_stop"() : () -> ()
      tpu.yield
    }) : () -> ()
    return
  }
}

#map = affine_map<(d0, d1) -> (0, 0)>
module attributes {stable_mosaic.version = 14 : i64} {
  func.func @k(%arg0: i32, %arg1: i32, %arg2: memref<250000x128xf32, #tpu.memory_space<hbm>>, %arg3: memref<1x163840xi32, #tpu.memory_space<hbm>>, %arg4: memref<163840x128xf32, #tpu.memory_space<hbm>>) attributes {dimension_semantics = [#tpu.dimension_semantics<core_parallel>, #tpu.dimension_semantics<subcore_parallel>], iteration_bounds = array<i64: 2, 16>, scalar_prefetch = 0 : i64, scratch_operands = 0 : i64, tpu.core_type = #tpu.core_type<sc_vector_subcore>, window_params = [{transform_indices = #map}, {transform_indices = #map}, {transform_indices = #map}]} {
    %mul3A = arith.constant 1 : i32
    %mul3A_0 = arith.muli %arg1, %mul3A : i32
    %add3A = arith.constant 0 : i32
    %add3A_1 = arith.addi %add3A, %mul3A_0 : i32
    %mul3A_2 = arith.constant 16 : i32
    %mul3A_3 = arith.muli %arg0, %mul3A_2 : i32
    %add3A_4 = arith.addi %add3A_1, %mul3A_3 : i32
    %mul3A_5 = arith.constant 40 : i32
    %mul3A_6 = arith.muli %add3A_4, %mul3A_5 : i32
    "tpu.region"() ({
      %run_scoped3A = memref.alloca() : memref<2x1x128xi32, #tpu.memory_space<vmem>>
      %run_scoped3A_7 = tpu.sem_alloc : memref<2x!tpu.dma_semaphore, #tpu.memory_space<semaphore_mem>>
      %run_scoped3A_8 = memref.alloca() : memref<2x128x128xf32, #tpu.memory_space<vmem>>
      %run_scoped3A_9 = tpu.sem_alloc : memref<2x!tpu.dma_semaphore, #tpu.memory_space<semaphore_mem>>
      %add3A_10 = arith.constant 0 : i32
      %add3A_11 = arith.addi %add3A_10, %mul3A_6 : i32
      %select_n3A = arith.constant true
      %select_n3A_12 = arith.constant 0 : i32
      %select_n3A_13 = arith.constant -1 : i32
      %select_n3A_14 = arith.select %select_n3A, %select_n3A_13, %select_n3A_12 : i32
      %eq3A = arith.constant -1 : i32
      %eq3A_15 = arith.cmpi eq, %select_n3A_14, %eq3A : i32
      %select_n3A_16 = arith.constant 39 : i32
      %select_n3A_17 = arith.select %eq3A_15, %select_n3A_16, %select_n3A_14 : i32
      %add3A_18 = arith.addi %select_n3A_17, %mul3A_6 : i32
      %select_n3A_19 = arith.constant true
      %select_n3A_20 = arith.constant 0 : i32
      %select_n3A_21 = arith.constant 1 : i32
      %select_n3A_22 = arith.select %select_n3A_19, %select_n3A_21, %select_n3A_20 : i32
      %eq3A_23 = arith.constant 40 : i32
      %eq3A_24 = arith.cmpi eq, %select_n3A_22, %eq3A_23 : i32
      %select_n3A_25 = arith.constant 0 : i32
      %select_n3A_26 = arith.select %eq3A_24, %select_n3A_25, %select_n3A_22 : i32
      %add3A_27 = arith.addi %select_n3A_26, %mul3A_6 : i32
      %add3A_28 = arith.constant 1 : i32
      %add3A_29 = arith.addi %select_n3A_26, %add3A_28 : i32
      %select_n3A_30 = arith.constant true
      %select_n3A_31 = arith.select %select_n3A_30, %add3A_29, %select_n3A_26 : i32
      %eq3A_32 = arith.constant 40 : i32
      %eq3A_33 = arith.cmpi eq, %select_n3A_31, %eq3A_32 : i32
      %select_n3A_34 = arith.constant 0 : i32
      %select_n3A_35 = arith.select %eq3A_33, %select_n3A_34, %select_n3A_31 : i32
      %add3A_36 = arith.addi %select_n3A_35, %mul3A_6 : i32
      "tpu.trace_start"() <{level = 10 : i32, message = "ep_initialize_0"}> : () -> ()
      %rem3A = arith.constant 0 : i32
      %rem3A_37 = arith.constant 2 : i32
      %rem3A_38 = arith.remui %rem3A, %rem3A_37 : i32
      %mul3A_39 = arith.constant 128 : i32
      %mul3A_40 = arith.muli %mul3A_39, %add3A_11 : i32
      %dma_start3A = arith.constant 0 : i32
      %dma_start3A_41 = arith.constant 0 : i32
      %dma_start3A_42 = tpu.memref_slice %run_scoped3A[%rem3A_38, %dma_start3A, %dma_start3A_41] : memref<2x1x128xi32, #tpu.memory_space<vmem>> -> memref<1x1x128xi32, #tpu.memory_space<vmem>>
      %dma_start3A_43 = tpu.memref_squeeze %dma_start3A_42 : memref<1x1x128xi32, #tpu.memory_space<vmem>> -> memref<1x128xi32, #tpu.memory_space<vmem>>
      %dma_start3A_44 = arith.constant 0 : i32
      %dma_start3A_45 = tpu.memref_slice %arg3[%dma_start3A_44, %mul3A_40] : memref<1x163840xi32, #tpu.memory_space<hbm>> -> memref<1x128xi32, #tpu.memory_space<hbm>>
      %dma_start3A_46 = tpu.memref_slice %run_scoped3A_7[%rem3A_38] : memref<2x!tpu.dma_semaphore, #tpu.memory_space<semaphore_mem>> -> memref<1x!tpu.dma_semaphore, #tpu.memory_space<semaphore_mem>>
      %dma_start3A_47 = tpu.memref_squeeze %dma_start3A_46 : memref<1x!tpu.dma_semaphore, #tpu.memory_space<semaphore_mem>> -> memref<!tpu.dma_semaphore, #tpu.memory_space<semaphore_mem>>
      %dma_start3A_48 = arith.constant 0 : i32
      %dma_start3A_49 = arith.constant 0 : i32
      %dma_start3A_50 = tpu.memref_slice %run_scoped3A[%rem3A_38, %dma_start3A_48, %dma_start3A_49] : memref<2x1x128xi32, #tpu.memory_space<vmem>> -> memref<1x1x128xi32, #tpu.memory_space<vmem>>
      %dma_start3A_51 = tpu.memref_squeeze %dma_start3A_50 : memref<1x1x128xi32, #tpu.memory_space<vmem>> -> memref<1x128xi32, #tpu.memory_space<vmem>>
      %dma_start3A_52 = arith.constant 0 : i32
      %dma_start3A_53 = tpu.memref_slice %arg3[%dma_start3A_52, %mul3A_40] : memref<1x163840xi32, #tpu.memory_space<hbm>> -> memref<1x128xi32, #tpu.memory_space<hbm>>
      tpu.enqueue_dma source(%dma_start3A_53 : memref<1x128xi32, #tpu.memory_space<hbm>>) target(%dma_start3A_51 : memref<1x128xi32, #tpu.memory_space<vmem>>) target_semaphore(%dma_start3A_47 : memref<!tpu.dma_semaphore, #tpu.memory_space<semaphore_mem>>)
      %add3A_54 = arith.constant 0 : i32
      %add3A_55 = arith.constant 1 : i32
      %add3A_56 = arith.addi %add3A_54, %add3A_55 : i32
      %select_n3A_57 = arith.constant true
      %select_n3A_58 = arith.constant 0 : i32
      %select_n3A_59 = arith.select %select_n3A_57, %add3A_56, %select_n3A_58 : i32
      "tpu.trace_stop"() : () -> ()
      %scan3A = arith.constant 0 : i32
      %scan3A_60 = arith.constant 0 : i32
      %scan3A_61 = arith.constant 0 : i32
      %scan3A_62 = arith.constant 0 : i32
      %scan3A_63 = arith.constant 0 : i32
      %scan3A_64 = arith.constant 40 : i32
      %scan3A_65 = arith.addi %scan3A_63, %scan3A_64 : i32
      %scan3A_66 = arith.constant 1 : i32
      %scan3A_67:5 = scf.for %scan3A_121 = %scan3A_63 to %scan3A_65 step %scan3A_66 iter_args(%scan3A_122 = %select_n3A_59, %scan3A_123 = %scan3A, %scan3A_124 = %scan3A_60, %scan3A_125 = %scan3A_61, %scan3A_126 = %scan3A_62) -> (i32, i32, i32, i32, i32)  : i32 {
        %eq3A_127 = arith.constant 0 : i32
        %eq3A_128 = arith.cmpi eq, %scan3A_121, %eq3A_127 : i32
        %eq3A_129 = arith.constant 39 : i32
        %eq3A_130 = arith.cmpi eq, %scan3A_121, %eq3A_129 : i32
        %add3A_131 = arith.addi %scan3A_126, %mul3A_6 : i32
        %sub3A_132 = arith.constant 1 : i32
        %sub3A_133 = arith.subi %scan3A_126, %sub3A_132 : i32
        %select_n3A_134 = arith.constant true
        %select_n3A_135 = arith.select %select_n3A_134, %sub3A_133, %scan3A_126 : i32
        %eq3A_136 = arith.constant -1 : i32
        %eq3A_137 = arith.cmpi eq, %select_n3A_135, %eq3A_136 : i32
        %select_n3A_138 = arith.constant 39 : i32
        %select_n3A_139 = arith.select %eq3A_137, %select_n3A_138, %select_n3A_135 : i32
        %add3A_140 = arith.addi %select_n3A_139, %mul3A_6 : i32
        %add3A_141 = arith.constant 1 : i32
        %add3A_142 = arith.addi %scan3A_126, %add3A_141 : i32
        %select_n3A_143 = arith.constant true
        %select_n3A_144 = arith.select %select_n3A_143, %add3A_142, %scan3A_126 : i32
        %eq3A_145 = arith.constant 40 : i32
        %eq3A_146 = arith.cmpi eq, %select_n3A_144, %eq3A_145 : i32
        %select_n3A_147 = arith.constant 0 : i32
        %select_n3A_148 = arith.select %eq3A_146, %select_n3A_147, %select_n3A_144 : i32
        %add3A_149 = arith.addi %select_n3A_148, %mul3A_6 : i32
        %add3A_150 = arith.constant 1 : i32
        %add3A_151 = arith.addi %select_n3A_148, %add3A_150 : i32
        %select_n3A_152 = arith.constant true
        %select_n3A_153 = arith.select %select_n3A_152, %add3A_151, %select_n3A_148 : i32
        %eq3A_154 = arith.constant 40 : i32
        %eq3A_155 = arith.cmpi eq, %select_n3A_153, %eq3A_154 : i32
        %select_n3A_156 = arith.constant 0 : i32
        %select_n3A_157 = arith.select %eq3A_155, %select_n3A_156, %select_n3A_153 : i32
        %add3A_158 = arith.addi %select_n3A_157, %mul3A_6 : i32
        %ne3A = arith.cmpi ne, %add3A_131, %add3A_149 : i32
        %or3A = arith.constant false
        %or3A_159 = arith.ori %or3A, %ne3A : i1
        %ge3A = arith.constant 39 : i32
        %ge3A_160 = arith.cmpi sge, %scan3A_121, %ge3A : i32
        %not3A = arith.constant true
        %not3A_161 = arith.xori %ge3A_160, %not3A : i1
        %and3A = arith.andi %or3A_159, %not3A_161 : i1
        %convert_element_type3A = arith.extui %and3A : i1 to i32
        %cond3A = arith.constant 0 : i32
        %cond3A_162 = arith.cmpi ne, %convert_element_type3A, %cond3A : i32
        scf.if %cond3A_162 {
          "tpu.trace_start"() <{level = 10 : i32, message = "ep_copy_in"}> : () -> ()
          %rem3A_264 = arith.constant 2 : i32
          %rem3A_265 = arith.remui %scan3A_122, %rem3A_264 : i32
          %mul3A_266 = arith.constant 128 : i32
          %mul3A_267 = arith.muli %mul3A_266, %add3A_149 : i32
          %dma_start3A_268 = arith.constant 0 : i32
          %dma_start3A_269 = arith.constant 0 : i32
          %dma_start3A_270 = tpu.memref_slice %run_scoped3A[%rem3A_265, %dma_start3A_268, %dma_start3A_269] : memref<2x1x128xi32, #tpu.memory_space<vmem>> -> memref<1x1x128xi32, #tpu.memory_space<vmem>>
          %dma_start3A_271 = tpu.memref_squeeze %dma_start3A_270 : memref<1x1x128xi32, #tpu.memory_space<vmem>> -> memref<1x128xi32, #tpu.memory_space<vmem>>
          %dma_start3A_272 = arith.constant 0 : i32
          %dma_start3A_273 = tpu.memref_slice %arg3[%dma_start3A_272, %mul3A_267] : memref<1x163840xi32, #tpu.memory_space<hbm>> -> memref<1x128xi32, #tpu.memory_space<hbm>>
          %dma_start3A_274 = tpu.memref_slice %run_scoped3A_7[%rem3A_265] : memref<2x!tpu.dma_semaphore, #tpu.memory_space<semaphore_mem>> -> memref<1x!tpu.dma_semaphore, #tpu.memory_space<semaphore_mem>>
          %dma_start3A_275 = tpu.memref_squeeze %dma_start3A_274 : memref<1x!tpu.dma_semaphore, #tpu.memory_space<semaphore_mem>> -> memref<!tpu.dma_semaphore, #tpu.memory_space<semaphore_mem>>
          %dma_start3A_276 = arith.constant 0 : i32
          %dma_start3A_277 = arith.constant 0 : i32
          %dma_start3A_278 = tpu.memref_slice %run_scoped3A[%rem3A_265, %dma_start3A_276, %dma_start3A_277] : memref<2x1x128xi32, #tpu.memory_space<vmem>> -> memref<1x1x128xi32, #tpu.memory_space<vmem>>
          %dma_start3A_279 = tpu.memref_squeeze %dma_start3A_278 : memref<1x1x128xi32, #tpu.memory_space<vmem>> -> memref<1x128xi32, #tpu.memory_space<vmem>>
          %dma_start3A_280 = arith.constant 0 : i32
          %dma_start3A_281 = tpu.memref_slice %arg3[%dma_start3A_280, %mul3A_267] : memref<1x163840xi32, #tpu.memory_space<hbm>> -> memref<1x128xi32, #tpu.memory_space<hbm>>
          tpu.enqueue_dma source(%dma_start3A_281 : memref<1x128xi32, #tpu.memory_space<hbm>>) target(%dma_start3A_279 : memref<1x128xi32, #tpu.memory_space<vmem>>) target_semaphore(%dma_start3A_275 : memref<!tpu.dma_semaphore, #tpu.memory_space<semaphore_mem>>)
          "tpu.trace_stop"() : () -> ()
        } else {
        }
        %and3A_163 = arith.constant true
        %and3A_164 = arith.andi %and3A, %and3A_163 : i1
        %add3A_165 = arith.constant 1 : i32
        %add3A_166 = arith.addi %scan3A_122, %add3A_165 : i32
        %select_n3A_167 = arith.select %and3A_164, %add3A_166, %scan3A_122 : i32
        %ne3A_168 = arith.cmpi ne, %add3A_131, %add3A_149 : i32
        %or3A_169 = arith.constant false
        %or3A_170 = arith.ori %or3A_169, %ne3A_168 : i1
        %or3A_171 = arith.constant false
        %or3A_172 = arith.ori %or3A_170, %or3A_171 : i1
        %ge3A_173 = arith.constant 39 : i32
        %ge3A_174 = arith.cmpi sge, %scan3A_121, %ge3A_173 : i32
        %not3A_175 = arith.constant true
        %not3A_176 = arith.xori %ge3A_174, %not3A_175 : i1
        %and3A_177 = arith.andi %or3A_172, %not3A_176 : i1
        %ne3A_178 = arith.cmpi ne, %add3A_131, %add3A_140 : i32
        %or3A_179 = arith.constant false
        %or3A_180 = arith.ori %or3A_179, %ne3A_178 : i1
        %or3A_181 = arith.ori %or3A_180, %eq3A_128 : i1
        %convert_element_type3A_182 = arith.extui %or3A_181 : i1 to i32
        %cond3A_183 = arith.constant 0 : i32
        %cond3A_184 = arith.cmpi ne, %convert_element_type3A_182, %cond3A_183 : i32
        scf.if %cond3A_184 {
          "tpu.trace_start"() <{level = 10 : i32, message = "ep_wait_in"}> : () -> ()
          %mul3A_264 = arith.constant 128 : i32
          %mul3A_265 = arith.muli %mul3A_264, %add3A_131 : i32
          %rem3A_266 = arith.constant 2 : i32
          %rem3A_267 = arith.remui %scan3A_123, %rem3A_266 : i32
          %dma_wait3A_268 = arith.constant 0 : i32
          %dma_wait3A_269 = arith.constant 0 : i32
          %dma_wait3A_270 = tpu.memref_slice %run_scoped3A[%rem3A_267, %dma_wait3A_268, %dma_wait3A_269] : memref<2x1x128xi32, #tpu.memory_space<vmem>> -> memref<1x1x128xi32, #tpu.memory_space<vmem>>
          %dma_wait3A_271 = tpu.memref_squeeze %dma_wait3A_270 : memref<1x1x128xi32, #tpu.memory_space<vmem>> -> memref<1x128xi32, #tpu.memory_space<vmem>>
          %dma_wait3A_272 = arith.constant 0 : i32
          %dma_wait3A_273 = tpu.memref_slice %arg3[%dma_wait3A_272, %mul3A_265] : memref<1x163840xi32, #tpu.memory_space<hbm>> -> memref<1x128xi32, #tpu.memory_space<hbm>>
          %dma_wait3A_274 = tpu.memref_slice %run_scoped3A_7[%rem3A_267] : memref<2x!tpu.dma_semaphore, #tpu.memory_space<semaphore_mem>> -> memref<1x!tpu.dma_semaphore, #tpu.memory_space<semaphore_mem>>
          %dma_wait3A_275 = tpu.memref_squeeze %dma_wait3A_274 : memref<1x!tpu.dma_semaphore, #tpu.memory_space<semaphore_mem>> -> memref<!tpu.dma_semaphore, #tpu.memory_space<semaphore_mem>>
          %dma_wait3A_276 = arith.constant 0 : i32
          %dma_wait3A_277 = arith.constant 0 : i32
          %dma_wait3A_278 = tpu.memref_slice %run_scoped3A[%rem3A_267, %dma_wait3A_276, %dma_wait3A_277] : memref<2x1x128xi32, #tpu.memory_space<vmem>> -> memref<1x1x128xi32, #tpu.memory_space<vmem>>
          %dma_wait3A_279 = tpu.memref_squeeze %dma_wait3A_278 : memref<1x1x128xi32, #tpu.memory_space<vmem>> -> memref<1x128xi32, #tpu.memory_space<vmem>>
          %dma_wait3A_280 = arith.constant 0 : i32
          %dma_wait3A_281 = tpu.memref_slice %arg3[%dma_wait3A_280, %mul3A_265] : memref<1x163840xi32, #tpu.memory_space<hbm>> -> memref<1x128xi32, #tpu.memory_space<hbm>>
          tpu.wait_dma2 semaphore(%dma_wait3A_275 : memref<!tpu.dma_semaphore, #tpu.memory_space<semaphore_mem>>) src(%dma_wait3A_281 : memref<1x128xi32, #tpu.memory_space<hbm>>) dst(%dma_wait3A_279 : memref<1x128xi32, #tpu.memory_space<vmem>>)
          "tpu.trace_stop"() : () -> ()
        } else {
        }
        %ne3A_185 = arith.cmpi ne, %add3A_131, %add3A_140 : i32
        %or3A_186 = arith.constant false
        %or3A_187 = arith.ori %or3A_186, %ne3A_185 : i1
        %or3A_188 = arith.constant false
        %or3A_189 = arith.ori %or3A_187, %or3A_188 : i1
        %or3A_190 = arith.ori %or3A_189, %eq3A_128 : i1
        %convert_element_type3A_191 = arith.extui %or3A_190 : i1 to i32
        %cond3A_192 = arith.constant 0 : i32
        %cond3A_193 = arith.cmpi ne, %convert_element_type3A_191, %cond3A_192 : i32
        scf.if %cond3A_193 {
        } else {
        }
        %rem3A_194 = arith.constant 2 : i32
        %rem3A_195 = arith.remui %scan3A_123, %rem3A_194 : i32
        %rem3A_196 = arith.constant 2 : i32
        %rem3A_197 = arith.remui %scan3A_124, %rem3A_196 : i32
        %run_scoped3A_198 = arith.constant 0 : i32
        "tpu.trace_start"() <{level = 10 : i32, message = "ep_run_kernel"}> : () -> ()
        "tpu.region"() ({
          %run_scoped3A_264 = tpu.sem_alloc : memref<!tpu.dma_semaphore, #tpu.memory_space<semaphore_mem>>
          %dma_start3A_265 = arith.constant 0 : i32
          %dma_start3A_266 = arith.constant 0 : i32
          %dma_start3A_267 = tpu.memref_slice %run_scoped3A_8[%rem3A_197, %dma_start3A_265, %dma_start3A_266] : memref<2x128x128xf32, #tpu.memory_space<vmem>> -> memref<1x128x128xf32, #tpu.memory_space<vmem>>
          %dma_start3A_268 = tpu.memref_squeeze %dma_start3A_267 : memref<1x128x128xf32, #tpu.memory_space<vmem>> -> memref<128x128xf32, #tpu.memory_space<vmem>>
          %dma_start3A_269 = arith.constant 0 : i32
          %dma_start3A_270 = arith.constant 0 : i32
          %dma_start3A_271 = tpu.memref_slice %run_scoped3A[%rem3A_195, %dma_start3A_269, %dma_start3A_270] : memref<2x1x128xi32, #tpu.memory_space<vmem>> -> memref<1x1x128xi32, #tpu.memory_space<vmem>>
          %dma_start3A_272 = tpu.memref_squeeze %dma_start3A_271 : memref<1x1x128xi32, #tpu.memory_space<vmem>> -> memref<1x128xi32, #tpu.memory_space<vmem>>
          %dma_start3A_273 = arith.constant 0 : i32
          %dma_start3A_274 = tpu.memref_slice %dma_start3A_272[%run_scoped3A_198, %dma_start3A_273] : memref<1x128xi32, #tpu.memory_space<vmem>> -> memref<1x128xi32, #tpu.memory_space<vmem>>
          %dma_start3A_275 = tpu.memref_squeeze %dma_start3A_274 : memref<1x128xi32, #tpu.memory_space<vmem>> -> memref<128xi32, #tpu.memory_space<vmem>>
          %dma_start3A_276 = arith.constant 0 : i32
          %dma_start3A_277 = arith.constant 0 : i32
          %dma_start3A_278 = tpu.memref_slice %arg2[%dma_start3A_276, %dma_start3A_277] : memref<250000x128xf32, #tpu.memory_space<hbm>> -> memref<250000x128xf32, #tpu.memory_space<hbm>>
          tpu.enqueue_indirect_dma source(%dma_start3A_278 : memref<250000x128xf32, #tpu.memory_space<hbm>>) target(%dma_start3A_268 : memref<128x128xf32, #tpu.memory_space<vmem>>) offsets(%dma_start3A_275 : memref<128xi32, #tpu.memory_space<vmem>>) semaphore(%run_scoped3A_264 : memref<!tpu.dma_semaphore, #tpu.memory_space<semaphore_mem>>)
          %dma_wait3A_279 = arith.constant 0 : i32
          %dma_wait3A_280 = arith.constant 0 : i32
          %dma_wait3A_281 = tpu.memref_slice %run_scoped3A_8[%rem3A_197, %dma_wait3A_279, %dma_wait3A_280] : memref<2x128x128xf32, #tpu.memory_space<vmem>> -> memref<1x128x128xf32, #tpu.memory_space<vmem>>
          %dma_wait3A_282 = tpu.memref_squeeze %dma_wait3A_281 : memref<1x128x128xf32, #tpu.memory_space<vmem>> -> memref<128x128xf32, #tpu.memory_space<vmem>>
          %dma_wait3A_283 = arith.constant 0 : i32
          %dma_wait3A_284 = arith.constant 0 : i32
          %dma_wait3A_285 = tpu.memref_slice %run_scoped3A[%rem3A_195, %dma_wait3A_283, %dma_wait3A_284] : memref<2x1x128xi32, #tpu.memory_space<vmem>> -> memref<1x1x128xi32, #tpu.memory_space<vmem>>
          %dma_wait3A_286 = tpu.memref_squeeze %dma_wait3A_285 : memref<1x1x128xi32, #tpu.memory_space<vmem>> -> memref<1x128xi32, #tpu.memory_space<vmem>>
          %dma_wait3A_287 = arith.constant 0 : i32
          %dma_wait3A_288 = tpu.memref_slice %dma_wait3A_286[%run_scoped3A_198, %dma_wait3A_287] : memref<1x128xi32, #tpu.memory_space<vmem>> -> memref<1x128xi32, #tpu.memory_space<vmem>>
          %dma_wait3A_289 = tpu.memref_squeeze %dma_wait3A_288 : memref<1x128xi32, #tpu.memory_space<vmem>> -> memref<128xi32, #tpu.memory_space<vmem>>
          %dma_wait3A_290 = arith.constant 0 : i32
          %dma_wait3A_291 = arith.constant 0 : i32
          %dma_wait3A_292 = tpu.memref_slice %arg2[%dma_wait3A_290, %dma_wait3A_291] : memref<250000x128xf32, #tpu.memory_space<hbm>> -> memref<250000x128xf32, #tpu.memory_space<hbm>>
          tpu.wait_indirect_dma semaphore(%run_scoped3A_264 : memref<!tpu.dma_semaphore, #tpu.memory_space<semaphore_mem>>) src(%dma_wait3A_292 : memref<250000x128xf32, #tpu.memory_space<hbm>>) dst(%dma_wait3A_282 : memref<128x128xf32, #tpu.memory_space<vmem>>)
          tpu.yield
        }) : () -> ()
        "tpu.trace_stop"() : () -> ()
        %ne3A_199 = arith.cmpi ne, %add3A_131, %add3A_149 : i32
        %or3A_200 = arith.constant false
        %or3A_201 = arith.ori %or3A_200, %ne3A_199 : i1
        %or3A_202 = arith.ori %or3A_201, %eq3A_130 : i1
        %convert_element_type3A_203 = arith.extui %or3A_202 : i1 to i32
        %cond3A_204 = arith.constant 0 : i32
        %cond3A_205 = arith.cmpi ne, %convert_element_type3A_203, %cond3A_204 : i32
        scf.if %cond3A_205 {
        } else {
        }
        %and3A_206 = arith.constant false
        %and3A_207 = arith.andi %or3A_202, %and3A_206 : i1
        %ne3A_208 = arith.cmpi ne, %add3A_131, %add3A_149 : i32
        %or3A_209 = arith.constant false
        %or3A_210 = arith.ori %or3A_209, %ne3A_208 : i1
        %or3A_211 = arith.constant false
        %or3A_212 = arith.ori %or3A_210, %or3A_211 : i1
        %or3A_213 = arith.ori %or3A_212, %eq3A_130 : i1
        %convert_element_type3A_214 = arith.extui %or3A_213 : i1 to i32
        %cond3A_215 = arith.constant 0 : i32
        %cond3A_216 = arith.cmpi ne, %convert_element_type3A_214, %cond3A_215 : i32
        scf.if %cond3A_216 {
          "tpu.trace_start"() <{level = 10 : i32, message = "ep_copy_out"}> : () -> ()
          %rem3A_264 = arith.constant 2 : i32
          %rem3A_265 = arith.remui %scan3A_124, %rem3A_264 : i32
          %mul3A_266 = arith.constant 128 : i32
          %mul3A_267 = arith.muli %mul3A_266, %add3A_131 : i32
          %dma_start3A_268 = arith.constant 0 : i32
          %dma_start3A_269 = arith.constant 0 : i32
          %dma_start3A_270 = tpu.memref_slice %run_scoped3A_8[%rem3A_265, %dma_start3A_268, %dma_start3A_269] : memref<2x128x128xf32, #tpu.memory_space<vmem>> -> memref<1x128x128xf32, #tpu.memory_space<vmem>>
          %dma_start3A_271 = tpu.memref_squeeze %dma_start3A_270 : memref<1x128x128xf32, #tpu.memory_space<vmem>> -> memref<128x128xf32, #tpu.memory_space<vmem>>
          %dma_start3A_272 = arith.constant 0 : i32
          %dma_start3A_273 = tpu.memref_slice %arg4[%mul3A_267, %dma_start3A_272] : memref<163840x128xf32, #tpu.memory_space<hbm>> -> memref<128x128xf32, #tpu.memory_space<hbm>>
          %dma_start3A_274 = tpu.memref_slice %run_scoped3A_9[%rem3A_265] : memref<2x!tpu.dma_semaphore, #tpu.memory_space<semaphore_mem>> -> memref<1x!tpu.dma_semaphore, #tpu.memory_space<semaphore_mem>>
          %dma_start3A_275 = tpu.memref_squeeze %dma_start3A_274 : memref<1x!tpu.dma_semaphore, #tpu.memory_space<semaphore_mem>> -> memref<!tpu.dma_semaphore, #tpu.memory_space<semaphore_mem>>
          %dma_start3A_276 = arith.constant 0 : i32
          %dma_start3A_277 = tpu.memref_slice %arg4[%mul3A_267, %dma_start3A_276] : memref<163840x128xf32, #tpu.memory_space<hbm>> -> memref<128x128xf32, #tpu.memory_space<hbm>>
          %dma_start3A_278 = arith.constant 0 : i32
          %dma_start3A_279 = arith.constant 0 : i32
          %dma_start3A_280 = tpu.memref_slice %run_scoped3A_8[%rem3A_265, %dma_start3A_278, %dma_start3A_279] : memref<2x128x128xf32, #tpu.memory_space<vmem>> -> memref<1x128x128xf32, #tpu.memory_space<vmem>>
          %dma_start3A_281 = tpu.memref_squeeze %dma_start3A_280 : memref<1x128x128xf32, #tpu.memory_space<vmem>> -> memref<128x128xf32, #tpu.memory_space<vmem>>
          tpu.enqueue_dma source(%dma_start3A_281 : memref<128x128xf32, #tpu.memory_space<vmem>>) target(%dma_start3A_277 : memref<128x128xf32, #tpu.memory_space<hbm>>) target_semaphore(%dma_start3A_275 : memref<!tpu.dma_semaphore, #tpu.memory_space<semaphore_mem>>)
          "tpu.trace_stop"() : () -> ()
        } else {
        }
        %and3A_217 = arith.constant true
        %and3A_218 = arith.andi %or3A_213, %and3A_217 : i1
        %add3A_219 = arith.constant 1 : i32
        %add3A_220 = arith.addi %scan3A_124, %add3A_219 : i32
        %select_n3A_221 = arith.select %and3A_218, %add3A_220, %scan3A_124 : i32
        %ne3A_222 = arith.cmpi ne, %add3A_131, %add3A_140 : i32
        %or3A_223 = arith.constant false
        %or3A_224 = arith.ori %or3A_223, %ne3A_222 : i1
        %not3A_225 = arith.constant true
        %not3A_226 = arith.xori %eq3A_128, %not3A_225 : i1
        %and3A_227 = arith.andi %or3A_224, %not3A_226 : i1
        %convert_element_type3A_228 = arith.extui %and3A_227 : i1 to i32
        %cond3A_229 = arith.constant 0 : i32
        %cond3A_230 = arith.cmpi ne, %convert_element_type3A_228, %cond3A_229 : i32
        scf.if %cond3A_230 {
        } else {
        }
        %and3A_231 = arith.constant false
        %and3A_232 = arith.andi %and3A_227, %and3A_231 : i1
        %ne3A_233 = arith.cmpi ne, %add3A_131, %add3A_140 : i32
        %or3A_234 = arith.constant false
        %or3A_235 = arith.ori %or3A_234, %ne3A_233 : i1
        %or3A_236 = arith.constant false
        %or3A_237 = arith.ori %or3A_235, %or3A_236 : i1
        %not3A_238 = arith.constant true
        %not3A_239 = arith.xori %eq3A_128, %not3A_238 : i1
        %and3A_240 = arith.andi %or3A_237, %not3A_239 : i1
        %convert_element_type3A_241 = arith.extui %and3A_240 : i1 to i32
        %cond3A_242 = arith.constant 0 : i32
        %cond3A_243 = arith.cmpi ne, %convert_element_type3A_241, %cond3A_242 : i32
        scf.if %cond3A_243 {
          "tpu.trace_start"() <{level = 10 : i32, message = "ep_wait_out"}> : () -> ()
          %rem3A_264 = arith.constant 2 : i32
          %rem3A_265 = arith.remui %scan3A_125, %rem3A_264 : i32
          %mul3A_266 = arith.constant 128 : i32
          %mul3A_267 = arith.muli %mul3A_266, %add3A_140 : i32
          %dma_wait3A_268 = arith.constant 0 : i32
          %dma_wait3A_269 = arith.constant 0 : i32
          %dma_wait3A_270 = tpu.memref_slice %run_scoped3A_8[%rem3A_265, %dma_wait3A_268, %dma_wait3A_269] : memref<2x128x128xf32, #tpu.memory_space<vmem>> -> memref<1x128x128xf32, #tpu.memory_space<vmem>>
          %dma_wait3A_271 = tpu.memref_squeeze %dma_wait3A_270 : memref<1x128x128xf32, #tpu.memory_space<vmem>> -> memref<128x128xf32, #tpu.memory_space<vmem>>
          %dma_wait3A_272 = arith.constant 0 : i32
          %dma_wait3A_273 = tpu.memref_slice %arg4[%mul3A_267, %dma_wait3A_272] : memref<163840x128xf32, #tpu.memory_space<hbm>> -> memref<128x128xf32, #tpu.memory_space<hbm>>
          %dma_wait3A_274 = tpu.memref_slice %run_scoped3A_9[%rem3A_265] : memref<2x!tpu.dma_semaphore, #tpu.memory_space<semaphore_mem>> -> memref<1x!tpu.dma_semaphore, #tpu.memory_space<semaphore_mem>>
          %dma_wait3A_275 = tpu.memref_squeeze %dma_wait3A_274 : memref<1x!tpu.dma_semaphore, #tpu.memory_space<semaphore_mem>> -> memref<!tpu.dma_semaphore, #tpu.memory_space<semaphore_mem>>
          %dma_wait3A_276 = arith.constant 0 : i32
          %dma_wait3A_277 = tpu.memref_slice %arg4[%mul3A_267, %dma_wait3A_276] : memref<163840x128xf32, #tpu.memory_space<hbm>> -> memref<128x128xf32, #tpu.memory_space<hbm>>
          %dma_wait3A_278 = arith.constant 0 : i32
          %dma_wait3A_279 = arith.constant 0 : i32
          %dma_wait3A_280 = tpu.memref_slice %run_scoped3A_8[%rem3A_265, %dma_wait3A_278, %dma_wait3A_279] : memref<2x128x128xf32, #tpu.memory_space<vmem>> -> memref<1x128x128xf32, #tpu.memory_space<vmem>>
          %dma_wait3A_281 = tpu.memref_squeeze %dma_wait3A_280 : memref<1x128x128xf32, #tpu.memory_space<vmem>> -> memref<128x128xf32, #tpu.memory_space<vmem>>
          tpu.wait_dma2 semaphore(%dma_wait3A_275 : memref<!tpu.dma_semaphore, #tpu.memory_space<semaphore_mem>>) src(%dma_wait3A_281 : memref<128x128xf32, #tpu.memory_space<vmem>>) dst(%dma_wait3A_277 : memref<128x128xf32, #tpu.memory_space<hbm>>)
          "tpu.trace_stop"() : () -> ()
        } else {
        }
        %and3A_244 = arith.constant true
        %and3A_245 = arith.andi %and3A_240, %and3A_244 : i1
        %add3A_246 = arith.constant 1 : i32
        %add3A_247 = arith.addi %scan3A_125, %add3A_246 : i32
        %select_n3A_248 = arith.select %and3A_245, %add3A_247, %scan3A_125 : i32
        %ne3A_249 = arith.cmpi ne, %add3A_131, %add3A_149 : i32
        %or3A_250 = arith.constant false
        %or3A_251 = arith.ori %or3A_250, %ne3A_249 : i1
        %or3A_252 = arith.ori %or3A_251, %eq3A_130 : i1
        %add3A_253 = arith.constant 1 : i32
        %add3A_254 = arith.addi %scan3A_123, %add3A_253 : i32
        %select_n3A_255 = arith.select %or3A_252, %add3A_254, %scan3A_123 : i32
        %add3A_256 = arith.constant 1 : i32
        %add3A_257 = arith.addi %scan3A_126, %add3A_256 : i32
        %select_n3A_258 = arith.constant true
        %select_n3A_259 = arith.select %select_n3A_258, %add3A_257, %scan3A_126 : i32
        %eq3A_260 = arith.constant 40 : i32
        %eq3A_261 = arith.cmpi eq, %select_n3A_259, %eq3A_260 : i32
        %select_n3A_262 = arith.constant 0 : i32
        %select_n3A_263 = arith.select %eq3A_261, %select_n3A_262, %select_n3A_259 : i32
        scf.yield %select_n3A_167, %select_n3A_255, %select_n3A_221, %select_n3A_248, %select_n3A_263 : i32, i32, i32, i32, i32
      }
      %scan3A_68 = arith.constant 40 : i32
      %sub3A = arith.constant 1 : i32
      %sub3A_69 = arith.subi %scan3A_67#4, %sub3A : i32
      %select_n3A_70 = arith.constant true
      %select_n3A_71 = arith.select %select_n3A_70, %sub3A_69, %scan3A_67#4 : i32
      %eq3A_72 = arith.constant -1 : i32
      %eq3A_73 = arith.cmpi eq, %select_n3A_71, %eq3A_72 : i32
      %select_n3A_74 = arith.constant 39 : i32
      %select_n3A_75 = arith.select %eq3A_73, %select_n3A_74, %select_n3A_71 : i32
      %add3A_76 = arith.addi %select_n3A_75, %mul3A_6 : i32
      %sub3A_77 = arith.constant 1 : i32
      %sub3A_78 = arith.subi %select_n3A_75, %sub3A_77 : i32
      %select_n3A_79 = arith.constant true
      %select_n3A_80 = arith.select %select_n3A_79, %sub3A_78, %select_n3A_75 : i32
      %eq3A_81 = arith.constant -1 : i32
      %eq3A_82 = arith.cmpi eq, %select_n3A_80, %eq3A_81 : i32
      %select_n3A_83 = arith.constant 39 : i32
      %select_n3A_84 = arith.select %eq3A_82, %select_n3A_83, %select_n3A_80 : i32
      %add3A_85 = arith.addi %select_n3A_84, %mul3A_6 : i32
      %add3A_86 = arith.constant 1 : i32
      %add3A_87 = arith.addi %select_n3A_75, %add3A_86 : i32
      %select_n3A_88 = arith.constant true
      %select_n3A_89 = arith.select %select_n3A_88, %add3A_87, %select_n3A_75 : i32
      %eq3A_90 = arith.constant 40 : i32
      %eq3A_91 = arith.cmpi eq, %select_n3A_89, %eq3A_90 : i32
      %select_n3A_92 = arith.constant 0 : i32
      %select_n3A_93 = arith.select %eq3A_91, %select_n3A_92, %select_n3A_89 : i32
      %add3A_94 = arith.addi %select_n3A_93, %mul3A_6 : i32
      %add3A_95 = arith.constant 1 : i32
      %add3A_96 = arith.addi %select_n3A_93, %add3A_95 : i32
      %select_n3A_97 = arith.constant true
      %select_n3A_98 = arith.select %select_n3A_97, %add3A_96, %select_n3A_93 : i32
      %eq3A_99 = arith.constant 40 : i32
      %eq3A_100 = arith.cmpi eq, %select_n3A_98, %eq3A_99 : i32
      %select_n3A_101 = arith.constant 0 : i32
      %select_n3A_102 = arith.select %eq3A_100, %select_n3A_101, %select_n3A_98 : i32
      %add3A_103 = arith.addi %select_n3A_102, %mul3A_6 : i32
      "tpu.trace_start"() <{level = 10 : i32, message = "ep_finalize"}> : () -> ()
      %rem3A_104 = arith.constant 2 : i32
      %rem3A_105 = arith.remui %scan3A_67#3, %rem3A_104 : i32
      %mul3A_106 = arith.constant 128 : i32
      %mul3A_107 = arith.muli %mul3A_106, %add3A_76 : i32
      %dma_wait3A = arith.constant 0 : i32
      %dma_wait3A_108 = arith.constant 0 : i32
      %dma_wait3A_109 = tpu.memref_slice %run_scoped3A_8[%rem3A_105, %dma_wait3A, %dma_wait3A_108] : memref<2x128x128xf32, #tpu.memory_space<vmem>> -> memref<1x128x128xf32, #tpu.memory_space<vmem>>
      %dma_wait3A_110 = tpu.memref_squeeze %dma_wait3A_109 : memref<1x128x128xf32, #tpu.memory_space<vmem>> -> memref<128x128xf32, #tpu.memory_space<vmem>>
      %dma_wait3A_111 = arith.constant 0 : i32
      %dma_wait3A_112 = tpu.memref_slice %arg4[%mul3A_107, %dma_wait3A_111] : memref<163840x128xf32, #tpu.memory_space<hbm>> -> memref<128x128xf32, #tpu.memory_space<hbm>>
      %dma_wait3A_113 = tpu.memref_slice %run_scoped3A_9[%rem3A_105] : memref<2x!tpu.dma_semaphore, #tpu.memory_space<semaphore_mem>> -> memref<1x!tpu.dma_semaphore, #tpu.memory_space<semaphore_mem>>
      %dma_wait3A_114 = tpu.memref_squeeze %dma_wait3A_113 : memref<1x!tpu.dma_semaphore, #tpu.memory_space<semaphore_mem>> -> memref<!tpu.dma_semaphore, #tpu.memory_space<semaphore_mem>>
      %dma_wait3A_115 = arith.constant 0 : i32
      %dma_wait3A_116 = tpu.memref_slice %arg4[%mul3A_107, %dma_wait3A_115] : memref<163840x128xf32, #tpu.memory_space<hbm>> -> memref<128x128xf32, #tpu.memory_space<hbm>>
      %dma_wait3A_117 = arith.constant 0 : i32
      %dma_wait3A_118 = arith.constant 0 : i32
      %dma_wait3A_119 = tpu.memref_slice %run_scoped3A_8[%rem3A_105, %dma_wait3A_117, %dma_wait3A_118] : memref<2x128x128xf32, #tpu.memory_space<vmem>> -> memref<1x128x128xf32, #tpu.memory_space<vmem>>
      %dma_wait3A_120 = tpu.memref_squeeze %dma_wait3A_119 : memref<1x128x128xf32, #tpu.memory_space<vmem>> -> memref<128x128xf32, #tpu.memory_space<vmem>>
      tpu.wait_dma2 semaphore(%dma_wait3A_114 : memref<!tpu.dma_semaphore, #tpu.memory_space<semaphore_mem>>) src(%dma_wait3A_120 : memref<128x128xf32, #tpu.memory_space<vmem>>) dst(%dma_wait3A_116 : memref<128x128xf32, #tpu.memory_space<hbm>>)
      "tpu.trace_stop"() : () -> ()
      tpu.yield
    }) : () -> ()
    return
  }
}

#map = affine_map<(d0, d1) -> (0, 0)>
module attributes {stable_mosaic.version = 14 : i64} {
  func.func @k(%arg0: i32, %arg1: i32, %arg2: memref<250000x128xf32, #tpu.memory_space<hbm>>, %arg3: memref<1x163840xi32, #tpu.memory_space<hbm>>, %arg4: memref<163840x128xf32, #tpu.memory_space<hbm>>) attributes {dimension_semantics = [#tpu.dimension_semantics<core_parallel>, #tpu.dimension_semantics<subcore_parallel>], iteration_bounds = array<i64: 2, 16>, scalar_prefetch = 0 : i64, scratch_operands = 0 : i64, tpu.core_type = #tpu.core_type<sc_vector_subcore>, window_params = [{transform_indices = #map}, {transform_indices = #map}, {transform_indices = #map}]} {
    %mul3A = arith.constant 1 : i32
    %mul3A_0 = arith.muli %arg1, %mul3A : i32
    %add3A = arith.constant 0 : i32
    %add3A_1 = arith.addi %add3A, %mul3A_0 : i32
    %mul3A_2 = arith.constant 16 : i32
    %mul3A_3 = arith.muli %arg0, %mul3A_2 : i32
    %add3A_4 = arith.addi %add3A_1, %mul3A_3 : i32
    %mul3A_5 = arith.constant 40 : i32
    %mul3A_6 = arith.muli %add3A_4, %mul3A_5 : i32
    "tpu.region"() ({
      %run_scoped3A = memref.alloca() : memref<2x1x128xi32, #tpu.memory_space<vmem>>
      %run_scoped3A_7 = tpu.sem_alloc : memref<2x!tpu.dma_semaphore, #tpu.memory_space<semaphore_mem>>
      %run_scoped3A_8 = memref.alloca() : memref<2x128x128xf32, #tpu.memory_space<vmem>>
      %run_scoped3A_9 = tpu.sem_alloc : memref<2x!tpu.dma_semaphore, #tpu.memory_space<semaphore_mem>>
      %add3A_10 = arith.constant 0 : i32
      %add3A_11 = arith.addi %add3A_10, %mul3A_6 : i32
      %select_n3A = arith.constant true
      %select_n3A_12 = arith.constant 0 : i32
      %select_n3A_13 = arith.constant -1 : i32
      %select_n3A_14 = arith.select %select_n3A, %select_n3A_13, %select_n3A_12 : i32
      %eq3A = arith.constant -1 : i32
      %eq3A_15 = arith.cmpi eq, %select_n3A_14, %eq3A : i32
      %select_n3A_16 = arith.constant 39 : i32
      %select_n3A_17 = arith.select %eq3A_15, %select_n3A_16, %select_n3A_14 : i32
      %add3A_18 = arith.addi %select_n3A_17, %mul3A_6 : i32
      %select_n3A_19 = arith.constant true
      %select_n3A_20 = arith.constant 0 : i32
      %select_n3A_21 = arith.constant 1 : i32
      %select_n3A_22 = arith.select %select_n3A_19, %select_n3A_21, %select_n3A_20 : i32
      %eq3A_23 = arith.constant 40 : i32
      %eq3A_24 = arith.cmpi eq, %select_n3A_22, %eq3A_23 : i32
      %select_n3A_25 = arith.constant 0 : i32
      %select_n3A_26 = arith.select %eq3A_24, %select_n3A_25, %select_n3A_22 : i32
      %add3A_27 = arith.addi %select_n3A_26, %mul3A_6 : i32
      %add3A_28 = arith.constant 1 : i32
      %add3A_29 = arith.addi %select_n3A_26, %add3A_28 : i32
      %select_n3A_30 = arith.constant true
      %select_n3A_31 = arith.select %select_n3A_30, %add3A_29, %select_n3A_26 : i32
      %eq3A_32 = arith.constant 40 : i32
      %eq3A_33 = arith.cmpi eq, %select_n3A_31, %eq3A_32 : i32
      %select_n3A_34 = arith.constant 0 : i32
      %select_n3A_35 = arith.select %eq3A_33, %select_n3A_34, %select_n3A_31 : i32
      %add3A_36 = arith.addi %select_n3A_35, %mul3A_6 : i32
      "tpu.trace_start"() <{level = 10 : i32, message = "ep_initialize_0"}> : () -> ()
      %rem3A = arith.constant 0 : i32
      %rem3A_37 = arith.constant 2 : i32
      %rem3A_38 = arith.remui %rem3A, %rem3A_37 : i32
      %mul3A_39 = arith.constant 128 : i32
      %mul3A_40 = arith.muli %mul3A_39, %add3A_11 : i32
      %dma_start3A = arith.constant 0 : i32
      %dma_start3A_41 = arith.constant 0 : i32
      %dma_start3A_42 = tpu.memref_slice %run_scoped3A[%rem3A_38, %dma_start3A, %dma_start3A_41] : memref<2x1x128xi32, #tpu.memory_space<vmem>> -> memref<1x1x128xi32, #tpu.memory_space<vmem>>
      %dma_start3A_43 = tpu.memref_squeeze %dma_start3A_42 : memref<1x1x128xi32, #tpu.memory_space<vmem>> -> memref<1x128xi32, #tpu.memory_space<vmem>>
      %dma_start3A_44 = arith.constant 0 : i32
      %dma_start3A_45 = tpu.memref_slice %arg3[%dma_start3A_44, %mul3A_40] : memref<1x163840xi32, #tpu.memory_space<hbm>> -> memref<1x128xi32, #tpu.memory_space<hbm>>
      %dma_start3A_46 = tpu.memref_slice %run_scoped3A_7[%rem3A_38] : memref<2x!tpu.dma_semaphore, #tpu.memory_space<semaphore_mem>> -> memref<1x!tpu.dma_semaphore, #tpu.memory_space<semaphore_mem>>
      %dma_start3A_47 = tpu.memref_squeeze %dma_start3A_46 : memref<1x!tpu.dma_semaphore, #tpu.memory_space<semaphore_mem>> -> memref<!tpu.dma_semaphore, #tpu.memory_space<semaphore_mem>>
      %dma_start3A_48 = arith.constant 0 : i32
      %dma_start3A_49 = arith.constant 0 : i32
      %dma_start3A_50 = tpu.memref_slice %run_scoped3A[%rem3A_38, %dma_start3A_48, %dma_start3A_49] : memref<2x1x128xi32, #tpu.memory_space<vmem>> -> memref<1x1x128xi32, #tpu.memory_space<vmem>>
      %dma_start3A_51 = tpu.memref_squeeze %dma_start3A_50 : memref<1x1x128xi32, #tpu.memory_space<vmem>> -> memref<1x128xi32, #tpu.memory_space<vmem>>
      %dma_start3A_52 = arith.constant 0 : i32
      %dma_start3A_53 = tpu.memref_slice %arg3[%dma_start3A_52, %mul3A_40] : memref<1x163840xi32, #tpu.memory_space<hbm>> -> memref<1x128xi32, #tpu.memory_space<hbm>>
      tpu.enqueue_dma source(%dma_start3A_53 : memref<1x128xi32, #tpu.memory_space<hbm>>) target(%dma_start3A_51 : memref<1x128xi32, #tpu.memory_space<vmem>>) target_semaphore(%dma_start3A_47 : memref<!tpu.dma_semaphore, #tpu.memory_space<semaphore_mem>>)
      %add3A_54 = arith.constant 0 : i32
      %add3A_55 = arith.constant 1 : i32
      %add3A_56 = arith.addi %add3A_54, %add3A_55 : i32
      %select_n3A_57 = arith.constant true
      %select_n3A_58 = arith.constant 0 : i32
      %select_n3A_59 = arith.select %select_n3A_57, %add3A_56, %select_n3A_58 : i32
      "tpu.trace_stop"() : () -> ()
      %scan3A = arith.constant 0 : i32
      %scan3A_60 = arith.constant 0 : i32
      %scan3A_61 = arith.constant 0 : i32
      %scan3A_62 = arith.constant 0 : i32
      %scan3A_63 = arith.constant 0 : i32
      %scan3A_64 = arith.constant 40 : i32
      %scan3A_65 = arith.addi %scan3A_63, %scan3A_64 : i32
      %scan3A_66 = arith.constant 1 : i32
      %scan3A_67:5 = scf.for %scan3A_121 = %scan3A_63 to %scan3A_65 step %scan3A_66 iter_args(%scan3A_122 = %select_n3A_59, %scan3A_123 = %scan3A, %scan3A_124 = %scan3A_60, %scan3A_125 = %scan3A_61, %scan3A_126 = %scan3A_62) -> (i32, i32, i32, i32, i32)  : i32 {
        %eq3A_127 = arith.constant 0 : i32
        %eq3A_128 = arith.cmpi eq, %scan3A_121, %eq3A_127 : i32
        %eq3A_129 = arith.constant 39 : i32
        %eq3A_130 = arith.cmpi eq, %scan3A_121, %eq3A_129 : i32
        %add3A_131 = arith.addi %scan3A_126, %mul3A_6 : i32
        %sub3A_132 = arith.constant 1 : i32
        %sub3A_133 = arith.subi %scan3A_126, %sub3A_132 : i32
        %select_n3A_134 = arith.constant true
        %select_n3A_135 = arith.select %select_n3A_134, %sub3A_133, %scan3A_126 : i32
        %eq3A_136 = arith.constant -1 : i32
        %eq3A_137 = arith.cmpi eq, %select_n3A_135, %eq3A_136 : i32
        %select_n3A_138 = arith.constant 39 : i32
        %select_n3A_139 = arith.select %eq3A_137, %select_n3A_138, %select_n3A_135 : i32
        %add3A_140 = arith.addi %select_n3A_139, %mul3A_6 : i32
        %add3A_141 = arith.constant 1 : i32
        %add3A_142 = arith.addi %scan3A_126, %add3A_141 : i32
        %select_n3A_143 = arith.constant true
        %select_n3A_144 = arith.select %select_n3A_143, %add3A_142, %scan3A_126 : i32
        %eq3A_145 = arith.constant 40 : i32
        %eq3A_146 = arith.cmpi eq, %select_n3A_144, %eq3A_145 : i32
        %select_n3A_147 = arith.constant 0 : i32
        %select_n3A_148 = arith.select %eq3A_146, %select_n3A_147, %select_n3A_144 : i32
        %add3A_149 = arith.addi %select_n3A_148, %mul3A_6 : i32
        %add3A_150 = arith.constant 1 : i32
        %add3A_151 = arith.addi %select_n3A_148, %add3A_150 : i32
        %select_n3A_152 = arith.constant true
        %select_n3A_153 = arith.select %select_n3A_152, %add3A_151, %select_n3A_148 : i32
        %eq3A_154 = arith.constant 40 : i32
        %eq3A_155 = arith.cmpi eq, %select_n3A_153, %eq3A_154 : i32
        %select_n3A_156 = arith.constant 0 : i32
        %select_n3A_157 = arith.select %eq3A_155, %select_n3A_156, %select_n3A_153 : i32
        %add3A_158 = arith.addi %select_n3A_157, %mul3A_6 : i32
        %ne3A = arith.cmpi ne, %add3A_131, %add3A_149 : i32
        %or3A = arith.constant false
        %or3A_159 = arith.ori %or3A, %ne3A : i1
        %ge3A = arith.constant 39 : i32
        %ge3A_160 = arith.cmpi sge, %scan3A_121, %ge3A : i32
        %not3A = arith.constant true
        %not3A_161 = arith.xori %ge3A_160, %not3A : i1
        %and3A = arith.andi %or3A_159, %not3A_161 : i1
        %convert_element_type3A = arith.extui %and3A : i1 to i32
        %cond3A = arith.constant 0 : i32
        %cond3A_162 = arith.cmpi ne, %convert_element_type3A, %cond3A : i32
        scf.if %cond3A_162 {
          "tpu.trace_start"() <{level = 10 : i32, message = "ep_copy_in"}> : () -> ()
          %rem3A_264 = arith.constant 2 : i32
          %rem3A_265 = arith.remui %scan3A_122, %rem3A_264 : i32
          %mul3A_266 = arith.constant 128 : i32
          %mul3A_267 = arith.muli %mul3A_266, %add3A_149 : i32
          %dma_start3A_268 = arith.constant 0 : i32
          %dma_start3A_269 = arith.constant 0 : i32
          %dma_start3A_270 = tpu.memref_slice %run_scoped3A[%rem3A_265, %dma_start3A_268, %dma_start3A_269] : memref<2x1x128xi32, #tpu.memory_space<vmem>> -> memref<1x1x128xi32, #tpu.memory_space<vmem>>
          %dma_start3A_271 = tpu.memref_squeeze %dma_start3A_270 : memref<1x1x128xi32, #tpu.memory_space<vmem>> -> memref<1x128xi32, #tpu.memory_space<vmem>>
          %dma_start3A_272 = arith.constant 0 : i32
          %dma_start3A_273 = tpu.memref_slice %arg3[%dma_start3A_272, %mul3A_267] : memref<1x163840xi32, #tpu.memory_space<hbm>> -> memref<1x128xi32, #tpu.memory_space<hbm>>
          %dma_start3A_274 = tpu.memref_slice %run_scoped3A_7[%rem3A_265] : memref<2x!tpu.dma_semaphore, #tpu.memory_space<semaphore_mem>> -> memref<1x!tpu.dma_semaphore, #tpu.memory_space<semaphore_mem>>
          %dma_start3A_275 = tpu.memref_squeeze %dma_start3A_274 : memref<1x!tpu.dma_semaphore, #tpu.memory_space<semaphore_mem>> -> memref<!tpu.dma_semaphore, #tpu.memory_space<semaphore_mem>>
          %dma_start3A_276 = arith.constant 0 : i32
          %dma_start3A_277 = arith.constant 0 : i32
          %dma_start3A_278 = tpu.memref_slice %run_scoped3A[%rem3A_265, %dma_start3A_276, %dma_start3A_277] : memref<2x1x128xi32, #tpu.memory_space<vmem>> -> memref<1x1x128xi32, #tpu.memory_space<vmem>>
          %dma_start3A_279 = tpu.memref_squeeze %dma_start3A_278 : memref<1x1x128xi32, #tpu.memory_space<vmem>> -> memref<1x128xi32, #tpu.memory_space<vmem>>
          %dma_start3A_280 = arith.constant 0 : i32
          %dma_start3A_281 = tpu.memref_slice %arg3[%dma_start3A_280, %mul3A_267] : memref<1x163840xi32, #tpu.memory_space<hbm>> -> memref<1x128xi32, #tpu.memory_space<hbm>>
          tpu.enqueue_dma source(%dma_start3A_281 : memref<1x128xi32, #tpu.memory_space<hbm>>) target(%dma_start3A_279 : memref<1x128xi32, #tpu.memory_space<vmem>>) target_semaphore(%dma_start3A_275 : memref<!tpu.dma_semaphore, #tpu.memory_space<semaphore_mem>>)
          "tpu.trace_stop"() : () -> ()
        } else {
        }
        %and3A_163 = arith.constant true
        %and3A_164 = arith.andi %and3A, %and3A_163 : i1
        %add3A_165 = arith.constant 1 : i32
        %add3A_166 = arith.addi %scan3A_122, %add3A_165 : i32
        %select_n3A_167 = arith.select %and3A_164, %add3A_166, %scan3A_122 : i32
        %ne3A_168 = arith.cmpi ne, %add3A_131, %add3A_149 : i32
        %or3A_169 = arith.constant false
        %or3A_170 = arith.ori %or3A_169, %ne3A_168 : i1
        %or3A_171 = arith.constant false
        %or3A_172 = arith.ori %or3A_170, %or3A_171 : i1
        %ge3A_173 = arith.constant 39 : i32
        %ge3A_174 = arith.cmpi sge, %scan3A_121, %ge3A_173 : i32
        %not3A_175 = arith.constant true
        %not3A_176 = arith.xori %ge3A_174, %not3A_175 : i1
        %and3A_177 = arith.andi %or3A_172, %not3A_176 : i1
        %ne3A_178 = arith.cmpi ne, %add3A_131, %add3A_140 : i32
        %or3A_179 = arith.constant false
        %or3A_180 = arith.ori %or3A_179, %ne3A_178 : i1
        %or3A_181 = arith.ori %or3A_180, %eq3A_128 : i1
        %convert_element_type3A_182 = arith.extui %or3A_181 : i1 to i32
        %cond3A_183 = arith.constant 0 : i32
        %cond3A_184 = arith.cmpi ne, %convert_element_type3A_182, %cond3A_183 : i32
        scf.if %cond3A_184 {
          "tpu.trace_start"() <{level = 10 : i32, message = "ep_wait_in"}> : () -> ()
          %mul3A_264 = arith.constant 128 : i32
          %mul3A_265 = arith.muli %mul3A_264, %add3A_131 : i32
          %rem3A_266 = arith.constant 2 : i32
          %rem3A_267 = arith.remui %scan3A_123, %rem3A_266 : i32
          %dma_wait3A_268 = arith.constant 0 : i32
          %dma_wait3A_269 = arith.constant 0 : i32
          %dma_wait3A_270 = tpu.memref_slice %run_scoped3A[%rem3A_267, %dma_wait3A_268, %dma_wait3A_269] : memref<2x1x128xi32, #tpu.memory_space<vmem>> -> memref<1x1x128xi32, #tpu.memory_space<vmem>>
          %dma_wait3A_271 = tpu.memref_squeeze %dma_wait3A_270 : memref<1x1x128xi32, #tpu.memory_space<vmem>> -> memref<1x128xi32, #tpu.memory_space<vmem>>
          %dma_wait3A_272 = arith.constant 0 : i32
          %dma_wait3A_273 = tpu.memref_slice %arg3[%dma_wait3A_272, %mul3A_265] : memref<1x163840xi32, #tpu.memory_space<hbm>> -> memref<1x128xi32, #tpu.memory_space<hbm>>
          %dma_wait3A_274 = tpu.memref_slice %run_scoped3A_7[%rem3A_267] : memref<2x!tpu.dma_semaphore, #tpu.memory_space<semaphore_mem>> -> memref<1x!tpu.dma_semaphore, #tpu.memory_space<semaphore_mem>>
          %dma_wait3A_275 = tpu.memref_squeeze %dma_wait3A_274 : memref<1x!tpu.dma_semaphore, #tpu.memory_space<semaphore_mem>> -> memref<!tpu.dma_semaphore, #tpu.memory_space<semaphore_mem>>
          %dma_wait3A_276 = arith.constant 0 : i32
          %dma_wait3A_277 = arith.constant 0 : i32
          %dma_wait3A_278 = tpu.memref_slice %run_scoped3A[%rem3A_267, %dma_wait3A_276, %dma_wait3A_277] : memref<2x1x128xi32, #tpu.memory_space<vmem>> -> memref<1x1x128xi32, #tpu.memory_space<vmem>>
          %dma_wait3A_279 = tpu.memref_squeeze %dma_wait3A_278 : memref<1x1x128xi32, #tpu.memory_space<vmem>> -> memref<1x128xi32, #tpu.memory_space<vmem>>
          %dma_wait3A_280 = arith.constant 0 : i32
          %dma_wait3A_281 = tpu.memref_slice %arg3[%dma_wait3A_280, %mul3A_265] : memref<1x163840xi32, #tpu.memory_space<hbm>> -> memref<1x128xi32, #tpu.memory_space<hbm>>
          tpu.wait_dma2 semaphore(%dma_wait3A_275 : memref<!tpu.dma_semaphore, #tpu.memory_space<semaphore_mem>>) src(%dma_wait3A_281 : memref<1x128xi32, #tpu.memory_space<hbm>>) dst(%dma_wait3A_279 : memref<1x128xi32, #tpu.memory_space<vmem>>)
          "tpu.trace_stop"() : () -> ()
        } else {
        }
        %ne3A_185 = arith.cmpi ne, %add3A_131, %add3A_140 : i32
        %or3A_186 = arith.constant false
        %or3A_187 = arith.ori %or3A_186, %ne3A_185 : i1
        %or3A_188 = arith.constant false
        %or3A_189 = arith.ori %or3A_187, %or3A_188 : i1
        %or3A_190 = arith.ori %or3A_189, %eq3A_128 : i1
        %convert_element_type3A_191 = arith.extui %or3A_190 : i1 to i32
        %cond3A_192 = arith.constant 0 : i32
        %cond3A_193 = arith.cmpi ne, %convert_element_type3A_191, %cond3A_192 : i32
        scf.if %cond3A_193 {
        } else {
        }
        %rem3A_194 = arith.constant 2 : i32
        %rem3A_195 = arith.remui %scan3A_123, %rem3A_194 : i32
        %rem3A_196 = arith.constant 2 : i32
        %rem3A_197 = arith.remui %scan3A_124, %rem3A_196 : i32
        %run_scoped3A_198 = arith.constant 0 : i32
        "tpu.trace_start"() <{level = 10 : i32, message = "ep_run_kernel"}> : () -> ()
        "tpu.region"() ({
          %run_scoped3A_264 = tpu.sem_alloc : memref<!tpu.dma_semaphore, #tpu.memory_space<semaphore_mem>>
          %dma_start3A_265 = arith.constant 0 : i32
          %dma_start3A_266 = arith.constant 0 : i32
          %dma_start3A_267 = tpu.memref_slice %run_scoped3A_8[%rem3A_197, %dma_start3A_265, %dma_start3A_266] : memref<2x128x128xf32, #tpu.memory_space<vmem>> -> memref<1x128x128xf32, #tpu.memory_space<vmem>>
          %dma_start3A_268 = tpu.memref_squeeze %dma_start3A_267 : memref<1x128x128xf32, #tpu.memory_space<vmem>> -> memref<128x128xf32, #tpu.memory_space<vmem>>
          %dma_start3A_269 = arith.constant 0 : i32
          %dma_start3A_270 = arith.constant 0 : i32
          %dma_start3A_271 = tpu.memref_slice %run_scoped3A[%rem3A_195, %dma_start3A_269, %dma_start3A_270] : memref<2x1x128xi32, #tpu.memory_space<vmem>> -> memref<1x1x128xi32, #tpu.memory_space<vmem>>
          %dma_start3A_272 = tpu.memref_squeeze %dma_start3A_271 : memref<1x1x128xi32, #tpu.memory_space<vmem>> -> memref<1x128xi32, #tpu.memory_space<vmem>>
          %dma_start3A_273 = arith.constant 0 : i32
          %dma_start3A_274 = tpu.memref_slice %dma_start3A_272[%run_scoped3A_198, %dma_start3A_273] : memref<1x128xi32, #tpu.memory_space<vmem>> -> memref<1x128xi32, #tpu.memory_space<vmem>>
          %dma_start3A_275 = tpu.memref_squeeze %dma_start3A_274 : memref<1x128xi32, #tpu.memory_space<vmem>> -> memref<128xi32, #tpu.memory_space<vmem>>
          %dma_start3A_276 = arith.constant 0 : i32
          %dma_start3A_277 = arith.constant 0 : i32
          %dma_start3A_278 = tpu.memref_slice %arg2[%dma_start3A_276, %dma_start3A_277] : memref<250000x128xf32, #tpu.memory_space<hbm>> -> memref<250000x128xf32, #tpu.memory_space<hbm>>
          tpu.enqueue_indirect_dma source(%dma_start3A_278 : memref<250000x128xf32, #tpu.memory_space<hbm>>) target(%dma_start3A_268 : memref<128x128xf32, #tpu.memory_space<vmem>>) offsets(%dma_start3A_275 : memref<128xi32, #tpu.memory_space<vmem>>) semaphore(%run_scoped3A_264 : memref<!tpu.dma_semaphore, #tpu.memory_space<semaphore_mem>>)
          %dma_wait3A_279 = arith.constant 0 : i32
          %dma_wait3A_280 = arith.constant 0 : i32
          %dma_wait3A_281 = tpu.memref_slice %run_scoped3A_8[%rem3A_197, %dma_wait3A_279, %dma_wait3A_280] : memref<2x128x128xf32, #tpu.memory_space<vmem>> -> memref<1x128x128xf32, #tpu.memory_space<vmem>>
          %dma_wait3A_282 = tpu.memref_squeeze %dma_wait3A_281 : memref<1x128x128xf32, #tpu.memory_space<vmem>> -> memref<128x128xf32, #tpu.memory_space<vmem>>
          %dma_wait3A_283 = arith.constant 0 : i32
          %dma_wait3A_284 = arith.constant 0 : i32
          %dma_wait3A_285 = tpu.memref_slice %run_scoped3A[%rem3A_195, %dma_wait3A_283, %dma_wait3A_284] : memref<2x1x128xi32, #tpu.memory_space<vmem>> -> memref<1x1x128xi32, #tpu.memory_space<vmem>>
          %dma_wait3A_286 = tpu.memref_squeeze %dma_wait3A_285 : memref<1x1x128xi32, #tpu.memory_space<vmem>> -> memref<1x128xi32, #tpu.memory_space<vmem>>
          %dma_wait3A_287 = arith.constant 0 : i32
          %dma_wait3A_288 = tpu.memref_slice %dma_wait3A_286[%run_scoped3A_198, %dma_wait3A_287] : memref<1x128xi32, #tpu.memory_space<vmem>> -> memref<1x128xi32, #tpu.memory_space<vmem>>
          %dma_wait3A_289 = tpu.memref_squeeze %dma_wait3A_288 : memref<1x128xi32, #tpu.memory_space<vmem>> -> memref<128xi32, #tpu.memory_space<vmem>>
          %dma_wait3A_290 = arith.constant 0 : i32
          %dma_wait3A_291 = arith.constant 0 : i32
          %dma_wait3A_292 = tpu.memref_slice %arg2[%dma_wait3A_290, %dma_wait3A_291] : memref<250000x128xf32, #tpu.memory_space<hbm>> -> memref<250000x128xf32, #tpu.memory_space<hbm>>
          tpu.wait_indirect_dma semaphore(%run_scoped3A_264 : memref<!tpu.dma_semaphore, #tpu.memory_space<semaphore_mem>>) src(%dma_wait3A_292 : memref<250000x128xf32, #tpu.memory_space<hbm>>) dst(%dma_wait3A_282 : memref<128x128xf32, #tpu.memory_space<vmem>>)
          tpu.yield
        }) : () -> ()
        "tpu.trace_stop"() : () -> ()
        %ne3A_199 = arith.cmpi ne, %add3A_131, %add3A_149 : i32
        %or3A_200 = arith.constant false
        %or3A_201 = arith.ori %or3A_200, %ne3A_199 : i1
        %or3A_202 = arith.ori %or3A_201, %eq3A_130 : i1
        %convert_element_type3A_203 = arith.extui %or3A_202 : i1 to i32
        %cond3A_204 = arith.constant 0 : i32
        %cond3A_205 = arith.cmpi ne, %convert_element_type3A_203, %cond3A_204 : i32
        scf.if %cond3A_205 {
        } else {
        }
        %and3A_206 = arith.constant false
        %and3A_207 = arith.andi %or3A_202, %and3A_206 : i1
        %ne3A_208 = arith.cmpi ne, %add3A_131, %add3A_149 : i32
        %or3A_209 = arith.constant false
        %or3A_210 = arith.ori %or3A_209, %ne3A_208 : i1
        %or3A_211 = arith.constant false
        %or3A_212 = arith.ori %or3A_210, %or3A_211 : i1
        %or3A_213 = arith.ori %or3A_212, %eq3A_130 : i1
        %convert_element_type3A_214 = arith.extui %or3A_213 : i1 to i32
        %cond3A_215 = arith.constant 0 : i32
        %cond3A_216 = arith.cmpi ne, %convert_element_type3A_214, %cond3A_215 : i32
        scf.if %cond3A_216 {
          "tpu.trace_start"() <{level = 10 : i32, message = "ep_copy_out"}> : () -> ()
          %rem3A_264 = arith.constant 2 : i32
          %rem3A_265 = arith.remui %scan3A_124, %rem3A_264 : i32
          %mul3A_266 = arith.constant 128 : i32
          %mul3A_267 = arith.muli %mul3A_266, %add3A_131 : i32
          %dma_start3A_268 = arith.constant 0 : i32
          %dma_start3A_269 = arith.constant 0 : i32
          %dma_start3A_270 = tpu.memref_slice %run_scoped3A_8[%rem3A_265, %dma_start3A_268, %dma_start3A_269] : memref<2x128x128xf32, #tpu.memory_space<vmem>> -> memref<1x128x128xf32, #tpu.memory_space<vmem>>
          %dma_start3A_271 = tpu.memref_squeeze %dma_start3A_270 : memref<1x128x128xf32, #tpu.memory_space<vmem>> -> memref<128x128xf32, #tpu.memory_space<vmem>>
          %dma_start3A_272 = arith.constant 0 : i32
          %dma_start3A_273 = tpu.memref_slice %arg4[%mul3A_267, %dma_start3A_272] : memref<163840x128xf32, #tpu.memory_space<hbm>> -> memref<128x128xf32, #tpu.memory_space<hbm>>
          %dma_start3A_274 = tpu.memref_slice %run_scoped3A_9[%rem3A_265] : memref<2x!tpu.dma_semaphore, #tpu.memory_space<semaphore_mem>> -> memref<1x!tpu.dma_semaphore, #tpu.memory_space<semaphore_mem>>
          %dma_start3A_275 = tpu.memref_squeeze %dma_start3A_274 : memref<1x!tpu.dma_semaphore, #tpu.memory_space<semaphore_mem>> -> memref<!tpu.dma_semaphore, #tpu.memory_space<semaphore_mem>>
          %dma_start3A_276 = arith.constant 0 : i32
          %dma_start3A_277 = tpu.memref_slice %arg4[%mul3A_267, %dma_start3A_276] : memref<163840x128xf32, #tpu.memory_space<hbm>> -> memref<128x128xf32, #tpu.memory_space<hbm>>
          %dma_start3A_278 = arith.constant 0 : i32
          %dma_start3A_279 = arith.constant 0 : i32
          %dma_start3A_280 = tpu.memref_slice %run_scoped3A_8[%rem3A_265, %dma_start3A_278, %dma_start3A_279] : memref<2x128x128xf32, #tpu.memory_space<vmem>> -> memref<1x128x128xf32, #tpu.memory_space<vmem>>
          %dma_start3A_281 = tpu.memref_squeeze %dma_start3A_280 : memref<1x128x128xf32, #tpu.memory_space<vmem>> -> memref<128x128xf32, #tpu.memory_space<vmem>>
          tpu.enqueue_dma source(%dma_start3A_281 : memref<128x128xf32, #tpu.memory_space<vmem>>) target(%dma_start3A_277 : memref<128x128xf32, #tpu.memory_space<hbm>>) target_semaphore(%dma_start3A_275 : memref<!tpu.dma_semaphore, #tpu.memory_space<semaphore_mem>>)
          "tpu.trace_stop"() : () -> ()
        } else {
        }
        %and3A_217 = arith.constant true
        %and3A_218 = arith.andi %or3A_213, %and3A_217 : i1
        %add3A_219 = arith.constant 1 : i32
        %add3A_220 = arith.addi %scan3A_124, %add3A_219 : i32
        %select_n3A_221 = arith.select %and3A_218, %add3A_220, %scan3A_124 : i32
        %ne3A_222 = arith.cmpi ne, %add3A_131, %add3A_140 : i32
        %or3A_223 = arith.constant false
        %or3A_224 = arith.ori %or3A_223, %ne3A_222 : i1
        %not3A_225 = arith.constant true
        %not3A_226 = arith.xori %eq3A_128, %not3A_225 : i1
        %and3A_227 = arith.andi %or3A_224, %not3A_226 : i1
        %convert_element_type3A_228 = arith.extui %and3A_227 : i1 to i32
        %cond3A_229 = arith.constant 0 : i32
        %cond3A_230 = arith.cmpi ne, %convert_element_type3A_228, %cond3A_229 : i32
        scf.if %cond3A_230 {
        } else {
        }
        %and3A_231 = arith.constant false
        %and3A_232 = arith.andi %and3A_227, %and3A_231 : i1
        %ne3A_233 = arith.cmpi ne, %add3A_131, %add3A_140 : i32
        %or3A_234 = arith.constant false
        %or3A_235 = arith.ori %or3A_234, %ne3A_233 : i1
        %or3A_236 = arith.constant false
        %or3A_237 = arith.ori %or3A_235, %or3A_236 : i1
        %not3A_238 = arith.constant true
        %not3A_239 = arith.xori %eq3A_128, %not3A_238 : i1
        %and3A_240 = arith.andi %or3A_237, %not3A_239 : i1
        %convert_element_type3A_241 = arith.extui %and3A_240 : i1 to i32
        %cond3A_242 = arith.constant 0 : i32
        %cond3A_243 = arith.cmpi ne, %convert_element_type3A_241, %cond3A_242 : i32
        scf.if %cond3A_243 {
          "tpu.trace_start"() <{level = 10 : i32, message = "ep_wait_out"}> : () -> ()
          %rem3A_264 = arith.constant 2 : i32
          %rem3A_265 = arith.remui %scan3A_125, %rem3A_264 : i32
          %mul3A_266 = arith.constant 128 : i32
          %mul3A_267 = arith.muli %mul3A_266, %add3A_140 : i32
          %dma_wait3A_268 = arith.constant 0 : i32
          %dma_wait3A_269 = arith.constant 0 : i32
          %dma_wait3A_270 = tpu.memref_slice %run_scoped3A_8[%rem3A_265, %dma_wait3A_268, %dma_wait3A_269] : memref<2x128x128xf32, #tpu.memory_space<vmem>> -> memref<1x128x128xf32, #tpu.memory_space<vmem>>
          %dma_wait3A_271 = tpu.memref_squeeze %dma_wait3A_270 : memref<1x128x128xf32, #tpu.memory_space<vmem>> -> memref<128x128xf32, #tpu.memory_space<vmem>>
          %dma_wait3A_272 = arith.constant 0 : i32
          %dma_wait3A_273 = tpu.memref_slice %arg4[%mul3A_267, %dma_wait3A_272] : memref<163840x128xf32, #tpu.memory_space<hbm>> -> memref<128x128xf32, #tpu.memory_space<hbm>>
          %dma_wait3A_274 = tpu.memref_slice %run_scoped3A_9[%rem3A_265] : memref<2x!tpu.dma_semaphore, #tpu.memory_space<semaphore_mem>> -> memref<1x!tpu.dma_semaphore, #tpu.memory_space<semaphore_mem>>
          %dma_wait3A_275 = tpu.memref_squeeze %dma_wait3A_274 : memref<1x!tpu.dma_semaphore, #tpu.memory_space<semaphore_mem>> -> memref<!tpu.dma_semaphore, #tpu.memory_space<semaphore_mem>>
          %dma_wait3A_276 = arith.constant 0 : i32
          %dma_wait3A_277 = tpu.memref_slice %arg4[%mul3A_267, %dma_wait3A_276] : memref<163840x128xf32, #tpu.memory_space<hbm>> -> memref<128x128xf32, #tpu.memory_space<hbm>>
          %dma_wait3A_278 = arith.constant 0 : i32
          %dma_wait3A_279 = arith.constant 0 : i32
          %dma_wait3A_280 = tpu.memref_slice %run_scoped3A_8[%rem3A_265, %dma_wait3A_278, %dma_wait3A_279] : memref<2x128x128xf32, #tpu.memory_space<vmem>> -> memref<1x128x128xf32, #tpu.memory_space<vmem>>
          %dma_wait3A_281 = tpu.memref_squeeze %dma_wait3A_280 : memref<1x128x128xf32, #tpu.memory_space<vmem>> -> memref<128x128xf32, #tpu.memory_space<vmem>>
          tpu.wait_dma2 semaphore(%dma_wait3A_275 : memref<!tpu.dma_semaphore, #tpu.memory_space<semaphore_mem>>) src(%dma_wait3A_281 : memref<128x128xf32, #tpu.memory_space<vmem>>) dst(%dma_wait3A_277 : memref<128x128xf32, #tpu.memory_space<hbm>>)
          "tpu.trace_stop"() : () -> ()
        } else {
        }
        %and3A_244 = arith.constant true
        %and3A_245 = arith.andi %and3A_240, %and3A_244 : i1
        %add3A_246 = arith.constant 1 : i32
        %add3A_247 = arith.addi %scan3A_125, %add3A_246 : i32
        %select_n3A_248 = arith.select %and3A_245, %add3A_247, %scan3A_125 : i32
        %ne3A_249 = arith.cmpi ne, %add3A_131, %add3A_149 : i32
        %or3A_250 = arith.constant false
        %or3A_251 = arith.ori %or3A_250, %ne3A_249 : i1
        %or3A_252 = arith.ori %or3A_251, %eq3A_130 : i1
        %add3A_253 = arith.constant 1 : i32
        %add3A_254 = arith.addi %scan3A_123, %add3A_253 : i32
        %select_n3A_255 = arith.select %or3A_252, %add3A_254, %scan3A_123 : i32
        %add3A_256 = arith.constant 1 : i32
        %add3A_257 = arith.addi %scan3A_126, %add3A_256 : i32
        %select_n3A_258 = arith.constant true
        %select_n3A_259 = arith.select %select_n3A_258, %add3A_257, %scan3A_126 : i32
        %eq3A_260 = arith.constant 40 : i32
        %eq3A_261 = arith.cmpi eq, %select_n3A_259, %eq3A_260 : i32
        %select_n3A_262 = arith.constant 0 : i32
        %select_n3A_263 = arith.select %eq3A_261, %select_n3A_262, %select_n3A_259 : i32
        scf.yield %select_n3A_167, %select_n3A_255, %select_n3A_221, %select_n3A_248, %select_n3A_263 : i32, i32, i32, i32, i32
      }
      %scan3A_68 = arith.constant 40 : i32
      %sub3A = arith.constant 1 : i32
      %sub3A_69 = arith.subi %scan3A_67#4, %sub3A : i32
      %select_n3A_70 = arith.constant true
      %select_n3A_71 = arith.select %select_n3A_70, %sub3A_69, %scan3A_67#4 : i32
      %eq3A_72 = arith.constant -1 : i32
      %eq3A_73 = arith.cmpi eq, %select_n3A_71, %eq3A_72 : i32
      %select_n3A_74 = arith.constant 39 : i32
      %select_n3A_75 = arith.select %eq3A_73, %select_n3A_74, %select_n3A_71 : i32
      %add3A_76 = arith.addi %select_n3A_75, %mul3A_6 : i32
      %sub3A_77 = arith.constant 1 : i32
      %sub3A_78 = arith.subi %select_n3A_75, %sub3A_77 : i32
      %select_n3A_79 = arith.constant true
      %select_n3A_80 = arith.select %select_n3A_79, %sub3A_78, %select_n3A_75 : i32
      %eq3A_81 = arith.constant -1 : i32
      %eq3A_82 = arith.cmpi eq, %select_n3A_80, %eq3A_81 : i32
      %select_n3A_83 = arith.constant 39 : i32
      %select_n3A_84 = arith.select %eq3A_82, %select_n3A_83, %select_n3A_80 : i32
      %add3A_85 = arith.addi %select_n3A_84, %mul3A_6 : i32
      %add3A_86 = arith.constant 1 : i32
      %add3A_87 = arith.addi %select_n3A_75, %add3A_86 : i32
      %select_n3A_88 = arith.constant true
      %select_n3A_89 = arith.select %select_n3A_88, %add3A_87, %select_n3A_75 : i32
      %eq3A_90 = arith.constant 40 : i32
      %eq3A_91 = arith.cmpi eq, %select_n3A_89, %eq3A_90 : i32
      %select_n3A_92 = arith.constant 0 : i32
      %select_n3A_93 = arith.select %eq3A_91, %select_n3A_92, %select_n3A_89 : i32
      %add3A_94 = arith.addi %select_n3A_93, %mul3A_6 : i32
      %add3A_95 = arith.constant 1 : i32
      %add3A_96 = arith.addi %select_n3A_93, %add3A_95 : i32
      %select_n3A_97 = arith.constant true
      %select_n3A_98 = arith.select %select_n3A_97, %add3A_96, %select_n3A_93 : i32
      %eq3A_99 = arith.constant 40 : i32
      %eq3A_100 = arith.cmpi eq, %select_n3A_98, %eq3A_99 : i32
      %select_n3A_101 = arith.constant 0 : i32
      %select_n3A_102 = arith.select %eq3A_100, %select_n3A_101, %select_n3A_98 : i32
      %add3A_103 = arith.addi %select_n3A_102, %mul3A_6 : i32
      "tpu.trace_start"() <{level = 10 : i32, message = "ep_finalize"}> : () -> ()
      %rem3A_104 = arith.constant 2 : i32
      %rem3A_105 = arith.remui %scan3A_67#3, %rem3A_104 : i32
      %mul3A_106 = arith.constant 128 : i32
      %mul3A_107 = arith.muli %mul3A_106, %add3A_76 : i32
      %dma_wait3A = arith.constant 0 : i32
      %dma_wait3A_108 = arith.constant 0 : i32
      %dma_wait3A_109 = tpu.memref_slice %run_scoped3A_8[%rem3A_105, %dma_wait3A, %dma_wait3A_108] : memref<2x128x128xf32, #tpu.memory_space<vmem>> -> memref<1x128x128xf32, #tpu.memory_space<vmem>>
      %dma_wait3A_110 = tpu.memref_squeeze %dma_wait3A_109 : memref<1x128x128xf32, #tpu.memory_space<vmem>> -> memref<128x128xf32, #tpu.memory_space<vmem>>
      %dma_wait3A_111 = arith.constant 0 : i32
      %dma_wait3A_112 = tpu.memref_slice %arg4[%mul3A_107, %dma_wait3A_111] : memref<163840x128xf32, #tpu.memory_space<hbm>> -> memref<128x128xf32, #tpu.memory_space<hbm>>
      %dma_wait3A_113 = tpu.memref_slice %run_scoped3A_9[%rem3A_105] : memref<2x!tpu.dma_semaphore, #tpu.memory_space<semaphore_mem>> -> memref<1x!tpu.dma_semaphore, #tpu.memory_space<semaphore_mem>>
      %dma_wait3A_114 = tpu.memref_squeeze %dma_wait3A_113 : memref<1x!tpu.dma_semaphore, #tpu.memory_space<semaphore_mem>> -> memref<!tpu.dma_semaphore, #tpu.memory_space<semaphore_mem>>
      %dma_wait3A_115 = arith.constant 0 : i32
      %dma_wait3A_116 = tpu.memref_slice %arg4[%mul3A_107, %dma_wait3A_115] : memref<163840x128xf32, #tpu.memory_space<hbm>> -> memref<128x128xf32, #tpu.memory_space<hbm>>
      %dma_wait3A_117 = arith.constant 0 : i32
      %dma_wait3A_118 = arith.constant 0 : i32
      %dma_wait3A_119 = tpu.memref_slice %run_scoped3A_8[%rem3A_105, %dma_wait3A_117, %dma_wait3A_118] : memref<2x128x128xf32, #tpu.memory_space<vmem>> -> memref<1x128x128xf32, #tpu.memory_space<vmem>>
      %dma_wait3A_120 = tpu.memref_squeeze %dma_wait3A_119 : memref<1x128x128xf32, #tpu.memory_space<vmem>> -> memref<128x128xf32, #tpu.memory_space<vmem>>
      tpu.wait_dma2 semaphore(%dma_wait3A_114 : memref<!tpu.dma_semaphore, #tpu.memory_space<semaphore_mem>>) src(%dma_wait3A_120 : memref<128x128xf32, #tpu.memory_space<vmem>>) dst(%dma_wait3A_116 : memref<128x128xf32, #tpu.memory_space<hbm>>)
      "tpu.trace_stop"() : () -> ()
      tpu.yield
    }) : () -> ()
    return
  }
}

module attributes {stable_mosaic.version = 14 : i64} {
  func.func @_mlp_body(%arg0: i32, %arg1: memref<256x40x128xf32, #tpu.memory_space<vmem>>, %arg2: memref<256x40xi32, #tpu.memory_space<vmem>>, %arg3: memref<128x32xbf16, #tpu.memory_space<vmem>>, %arg4: memref<1280x1280xbf16, #tpu.memory_space<vmem>>, %arg5: memref<1x1280xf32, #tpu.memory_space<vmem>>, %arg6: memref<256x1280xbf16, #tpu.memory_space<vmem>>, %arg7: memref<1x256xf32, #tpu.memory_space<vmem>>, %arg8: memref<32x256xbf16, #tpu.memory_space<vmem>>, %arg9: memref<1x32xf32, #tpu.memory_space<vmem>>, %arg10: memref<256x32xf32, #tpu.memory_space<vmem>>, %arg11: memref<256x1280xbf16, #tpu.memory_space<vmem>>) attributes {dimension_semantics = [#tpu.dimension_semantics<arbitrary>], iteration_bounds = array<i64: 16>, scalar_prefetch = 0 : i64, scratch_operands = 1 : i64, tpu.core_type = #tpu.core_type<tc>, window_params = [{transform_indices = @transform_0, window_bounds = array<i64: 256, 40, 128>}, {transform_indices = @transform_1, window_bounds = array<i64: 256, 40>}, {pipeline_mode = #tpu.pipeline_mode<synchronous>, transform_indices = @transform_2, window_bounds = array<i64: 128, 32>}, {pipeline_mode = #tpu.pipeline_mode<synchronous>, transform_indices = @transform_3, window_bounds = array<i64: 1280, 1280>}, {pipeline_mode = #tpu.pipeline_mode<synchronous>, transform_indices = @transform_4, window_bounds = array<i64: 1, 1280>}, {pipeline_mode = #tpu.pipeline_mode<synchronous>, transform_indices = @transform_5, window_bounds = array<i64: 256, 1280>}, {pipeline_mode = #tpu.pipeline_mode<synchronous>, transform_indices = @transform_6, window_bounds = array<i64: 1, 256>}, {pipeline_mode = #tpu.pipeline_mode<synchronous>, transform_indices = @transform_7, window_bounds = array<i64: 32, 256>}, {pipeline_mode = #tpu.pipeline_mode<synchronous>, transform_indices = @transform_8, window_bounds = array<i64: 1, 32>}, {transform_indices = @transform_9, window_bounds = array<i64: 256, 32>}]} {
    %iota3A = tpu.iota {dimensions = array<i32: 1>} : vector<1x128xi32>
    %jit3A = arith.constant 32 : i32
    %div3A = vector.broadcast %jit3A : i32 to vector<1x128xi32>
    %div3A_0 = arith.divsi %iota3A, %div3A : vector<1x128xi32>
    %sign3A = arith.constant 0 : i32
    %sign3A_1 = vector.broadcast %sign3A : i32 to vector<1x128xi32>
    %sign3A_2 = arith.cmpi sgt, %iota3A, %sign3A_1 : vector<1x128xi32>
    %sign3A_3 = arith.extui %sign3A_2 : vector<1x128xi1> to vector<1x128xi32>
    %sign3A_4 = arith.constant 0 : i32
    %sign3A_5 = vector.broadcast %sign3A_4 : i32 to vector<1x128xi32>
    %sign3A_6 = arith.cmpi slt, %iota3A, %sign3A_5 : vector<1x128xi32>
    %sign3A_7 = arith.extui %sign3A_6 : vector<1x128xi1> to vector<1x128xi32>
    %sign3A_8 = arith.subi %sign3A_3, %sign3A_7 : vector<1x128xi32>
    %sign3A_9 = arith.constant 0 : i32
    %sign3A_10 = arith.cmpi sgt, %jit3A, %sign3A_9 : i32
    %sign3A_11 = arith.extui %sign3A_10 : i1 to i32
    %sign3A_12 = arith.constant 0 : i32
    %sign3A_13 = arith.cmpi slt, %jit3A, %sign3A_12 : i32
    %sign3A_14 = arith.extui %sign3A_13 : i1 to i32
    %sign3A_15 = arith.subi %sign3A_11, %sign3A_14 : i32
    %ne3A = vector.broadcast %sign3A_15 : i32 to vector<1x128xi32>
    %ne3A_16 = arith.cmpi ne, %sign3A_8, %ne3A : vector<1x128xi32>
    %rem3A = vector.broadcast %jit3A : i32 to vector<1x128xi32>
    %rem3A_17 = arith.remsi %iota3A, %rem3A : vector<1x128xi32>
    %ne3A_18 = arith.constant 0 : i32
    %ne3A_19 = vector.broadcast %ne3A_18 : i32 to vector<1x128xi32>
    %ne3A_20 = arith.cmpi ne, %rem3A_17, %ne3A_19 : vector<1x128xi32>
    %and3A = arith.andi %ne3A_16, %ne3A_20 : vector<1x128xi1>
    %sub3A = arith.constant 1 : i32
    %sub3A_21 = vector.broadcast %sub3A : i32 to vector<1x128xi32>
    %sub3A_22 = arith.subi %div3A_0, %sub3A_21 : vector<1x128xi32>
    %select_n3A = arith.select %and3A, %sub3A_22, %div3A_0 : vector<1x128xi1>, vector<1x128xi32>
    %get3A = arith.constant 0 : index
    %get3A_23 = arith.constant 0 : index
    %get3A_24 = vector.load %arg2[%get3A, %get3A_23] : memref<256x40xi32, #tpu.memory_space<vmem>>, vector<256x1xi32>
    %eq3A = vector.broadcast %get3A_24 : vector<256x1xi32> to vector<256x128xi32>
    %eq3A_25 = vector.broadcast %select_n3A : vector<1x128xi32> to vector<256x128xi32>
    %eq3A_26 = arith.cmpi eq, %eq3A, %eq3A_25 : vector<256x128xi32>
    %get3A_27 = arith.constant 0 : index
    %get3A_28 = arith.constant 0 : index
    %get3A_29 = arith.constant 0 : index
    %get3A_30 = vector.load %arg1[%get3A_27, %get3A_28, %get3A_29] : memref<256x40x128xf32, #tpu.memory_space<vmem>>, vector<256x1x128xf32>
    %get3A_31 = vector.shape_cast %get3A_30 : vector<256x1x128xf32> to vector<256x128xf32>
    %jit3A_32 = arith.constant 0.000000e+00 : f32
    %broadcast_in_dim3A = vector.broadcast %jit3A_32 : f32 to vector<256x128xf32>
    %select_n3A_33 = arith.select %eq3A_26, %get3A_31, %broadcast_in_dim3A : vector<256x128xi1>, vector<256x128xf32>
    %convert_element_type3A = arith.truncf %select_n3A_33 : vector<256x128xf32> to vector<256x128xbf16>
    %get3A_34 = arith.constant 0 : index
    %get3A_35 = arith.constant 0 : index
    %get3A_36 = vector.load %arg3[%get3A_34, %get3A_35] : memref<128x32xbf16, #tpu.memory_space<vmem>>, vector<128x32xbf16>
    %dot_general3A = arith.constant dense<0.000000e+00> : vector<256x32xf32>
    %dot_general3A_37 = tpu.matmul %convert_element_type3A, %get3A_36, %dot_general3A {dimension_numbers = #tpu.dot_dimension_numbers<[1], [0], [0], [1], [0, 0, 1, 1], [], []>, transpose_lhs_hint = false} : vector<256x128xbf16>, vector<128x32xbf16>, vector<256x32xf32> -> vector<256x32xf32>
    %convert_element_type3A_38 = arith.truncf %dot_general3A_37 : vector<256x32xf32> to vector<256x32xbf16>
    %swap3A = arith.constant 0 : index
    %swap3A_39 = arith.constant 0 : index
    %swap3A_40 = vector.load %arg11[%swap3A, %swap3A_39] : memref<256x1280xbf16, #tpu.memory_space<vmem>>, vector<256x32xbf16>
    tpu.vector_store %arg11[%swap3A, %swap3A_39], %convert_element_type3A_38 {strides = array<i32>} : memref<256x1280xbf16, #tpu.memory_space<vmem>>, vector<256x32xbf16>,
    %get3A_41 = arith.constant 0 : index
    %get3A_42 = arith.constant 1 : index
    %get3A_43 = vector.load %arg2[%get3A_41, %get3A_42] : memref<256x40xi32, #tpu.memory_space<vmem>>, vector<256x1xi32>
    %eq3A_44 = vector.broadcast %get3A_43 : vector<256x1xi32> to vector<256x128xi32>
    %eq3A_45 = vector.broadcast %select_n3A : vector<1x128xi32> to vector<256x128xi32>
    %eq3A_46 = arith.cmpi eq, %eq3A_44, %eq3A_45 : vector<256x128xi32>
    %get3A_47 = arith.constant 0 : index
    %get3A_48 = arith.constant 1 : index
    %get3A_49 = arith.constant 0 : index
    %get3A_50 = vector.load %arg1[%get3A_47, %get3A_48, %get3A_49] : memref<256x40x128xf32, #tpu.memory_space<vmem>>, vector<256x1x128xf32>
    %get3A_51 = vector.shape_cast %get3A_50 : vector<256x1x128xf32> to vector<256x128xf32>
    %jit3A_52 = arith.constant 0.000000e+00 : f32
    %broadcast_in_dim3A_53 = vector.broadcast %jit3A_52 : f32 to vector<256x128xf32>
    %select_n3A_54 = arith.select %eq3A_46, %get3A_51, %broadcast_in_dim3A_53 : vector<256x128xi1>, vector<256x128xf32>
    %convert_element_type3A_55 = arith.truncf %select_n3A_54 : vector<256x128xf32> to vector<256x128xbf16>
    %get3A_56 = arith.constant 0 : index
    %get3A_57 = arith.constant 0 : index
    %get3A_58 = vector.load %arg3[%get3A_56, %get3A_57] : memref<128x32xbf16, #tpu.memory_space<vmem>>, vector<128x32xbf16>
    %dot_general3A_59 = arith.constant dense<0.000000e+00> : vector<256x32xf32>
    %dot_general3A_60 = tpu.matmul %convert_element_type3A_55, %get3A_58, %dot_general3A_59 {dimension_numbers = #tpu.dot_dimension_numbers<[1], [0], [0], [1], [0, 0, 1, 1], [], []>, transpose_lhs_hint = false} : vector<256x128xbf16>, vector<128x32xbf16>, vector<256x32xf32> -> vector<256x32xf32>
    %convert_element_type3A_61 = arith.truncf %dot_general3A_60 : vector<256x32xf32> to vector<256x32xbf16>
    %swap3A_62 = arith.constant 0 : index
    %swap3A_63 = arith.constant 32 : index
    %swap3A_64 = vector.load %arg11[%swap3A_62, %swap3A_63] : memref<256x1280xbf16, #tpu.memory_space<vmem>>, vector<256x32xbf16>
    tpu.vector_store %arg11[%swap3A_62, %swap3A_63], %convert_element_type3A_61 {strides = array<i32>} : memref<256x1280xbf16, #tpu.memory_space<vmem>>, vector<256x32xbf16>,
    %get3A_65 = arith.constant 0 : index
    %get3A_66 = arith.constant 2 : index
    %get3A_67 = vector.load %arg2[%get3A_65, %get3A_66] : memref<256x40xi32, #tpu.memory_space<vmem>>, vector<256x1xi32>
    %eq3A_68 = vector.broadcast %get3A_67 : vector<256x1xi32> to vector<256x128xi32>
    %eq3A_69 = vector.broadcast %select_n3A : vector<1x128xi32> to vector<256x128xi32>
    %eq3A_70 = arith.cmpi eq, %eq3A_68, %eq3A_69 : vector<256x128xi32>
    %get3A_71 = arith.constant 0 : index
    %get3A_72 = arith.constant 2 : index
    %get3A_73 = arith.constant 0 : index
    %get3A_74 = vector.load %arg1[%get3A_71, %get3A_72, %get3A_73] : memref<256x40x128xf32, #tpu.memory_space<vmem>>, vector<256x1x128xf32>
    %get3A_75 = vector.shape_cast %get3A_74 : vector<256x1x128xf32> to vector<256x128xf32>
    %jit3A_76 = arith.constant 0.000000e+00 : f32
    %broadcast_in_dim3A_77 = vector.broadcast %jit3A_76 : f32 to vector<256x128xf32>
    %select_n3A_78 = arith.select %eq3A_70, %get3A_75, %broadcast_in_dim3A_77 : vector<256x128xi1>, vector<256x128xf32>
    %convert_element_type3A_79 = arith.truncf %select_n3A_78 : vector<256x128xf32> to vector<256x128xbf16>
    %get3A_80 = arith.constant 0 : index
    %get3A_81 = arith.constant 0 : index
    %get3A_82 = vector.load %arg3[%get3A_80, %get3A_81] : memref<128x32xbf16, #tpu.memory_space<vmem>>, vector<128x32xbf16>
    %dot_general3A_83 = arith.constant dense<0.000000e+00> : vector<256x32xf32>
    %dot_general3A_84 = tpu.matmul %convert_element_type3A_79, %get3A_82, %dot_general3A_83 {dimension_numbers = #tpu.dot_dimension_numbers<[1], [0], [0], [1], [0, 0, 1, 1], [], []>, transpose_lhs_hint = false} : vector<256x128xbf16>, vector<128x32xbf16>, vector<256x32xf32> -> vector<256x32xf32>
    %convert_element_type3A_85 = arith.truncf %dot_general3A_84 : vector<256x32xf32> to vector<256x32xbf16>
    %swap3A_86 = arith.constant 0 : index
    %swap3A_87 = arith.constant 64 : index
    %swap3A_88 = vector.load %arg11[%swap3A_86, %swap3A_87] : memref<256x1280xbf16, #tpu.memory_space<vmem>>, vector<256x32xbf16>
    tpu.vector_store %arg11[%swap3A_86, %swap3A_87], %convert_element_type3A_85 {strides = array<i32>} : memref<256x1280xbf16, #tpu.memory_space<vmem>>, vector<256x32xbf16>,
    %get3A_89 = arith.constant 0 : index
    %get3A_90 = arith.constant 3 : index
    %get3A_91 = vector.load %arg2[%get3A_89, %get3A_90] : memref<256x40xi32, #tpu.memory_space<vmem>>, vector<256x1xi32>
    %eq3A_92 = vector.broadcast %get3A_91 : vector<256x1xi32> to vector<256x128xi32>
    %eq3A_93 = vector.broadcast %select_n3A : vector<1x128xi32> to vector<256x128xi32>
    %eq3A_94 = arith.cmpi eq, %eq3A_92, %eq3A_93 : vector<256x128xi32>
    %get3A_95 = arith.constant 0 : index
    %get3A_96 = arith.constant 3 : index
    %get3A_97 = arith.constant 0 : index
    %get3A_98 = vector.load %arg1[%get3A_95, %get3A_96, %get3A_97] : memref<256x40x128xf32, #tpu.memory_space<vmem>>, vector<256x1x128xf32>
    %get3A_99 = vector.shape_cast %get3A_98 : vector<256x1x128xf32> to vector<256x128xf32>
    %jit3A_100 = arith.constant 0.000000e+00 : f32
    %broadcast_in_dim3A_101 = vector.broadcast %jit3A_100 : f32 to vector<256x128xf32>
    %select_n3A_102 = arith.select %eq3A_94, %get3A_99, %broadcast_in_dim3A_101 : vector<256x128xi1>, vector<256x128xf32>
    %convert_element_type3A_103 = arith.truncf %select_n3A_102 : vector<256x128xf32> to vector<256x128xbf16>
    %get3A_104 = arith.constant 0 : index
    %get3A_105 = arith.constant 0 : index
    %get3A_106 = vector.load %arg3[%get3A_104, %get3A_105] : memref<128x32xbf16, #tpu.memory_space<vmem>>, vector<128x32xbf16>
    %dot_general3A_107 = arith.constant dense<0.000000e+00> : vector<256x32xf32>
    %dot_general3A_108 = tpu.matmul %convert_element_type3A_103, %get3A_106, %dot_general3A_107 {dimension_numbers = #tpu.dot_dimension_numbers<[1], [0], [0], [1], [0, 0, 1, 1], [], []>, transpose_lhs_hint = false} : vector<256x128xbf16>, vector<128x32xbf16>, vector<256x32xf32> -> vector<256x32xf32>
    %convert_element_type3A_109 = arith.truncf %dot_general3A_108 : vector<256x32xf32> to vector<256x32xbf16>
    %swap3A_110 = arith.constant 0 : index
    %swap3A_111 = arith.constant 96 : index
    %swap3A_112 = vector.load %arg11[%swap3A_110, %swap3A_111] : memref<256x1280xbf16, #tpu.memory_space<vmem>>, vector<256x32xbf16>
    tpu.vector_store %arg11[%swap3A_110, %swap3A_111], %convert_element_type3A_109 {strides = array<i32>} : memref<256x1280xbf16, #tpu.memory_space<vmem>>, vector<256x32xbf16>,
    %get3A_113 = arith.constant 0 : index
    %get3A_114 = arith.constant 4 : index
    %get3A_115 = vector.load %arg2[%get3A_113, %get3A_114] : memref<256x40xi32, #tpu.memory_space<vmem>>, vector<256x1xi32>
    %eq3A_116 = vector.broadcast %get3A_115 : vector<256x1xi32> to vector<256x128xi32>
    %eq3A_117 = vector.broadcast %select_n3A : vector<1x128xi32> to vector<256x128xi32>
    %eq3A_118 = arith.cmpi eq, %eq3A_116, %eq3A_117 : vector<256x128xi32>
    %get3A_119 = arith.constant 0 : index
    %get3A_120 = arith.constant 4 : index
    %get3A_121 = arith.constant 0 : index
    %get3A_122 = vector.load %arg1[%get3A_119, %get3A_120, %get3A_121] : memref<256x40x128xf32, #tpu.memory_space<vmem>>, vector<256x1x128xf32>
    %get3A_123 = vector.shape_cast %get3A_122 : vector<256x1x128xf32> to vector<256x128xf32>
    %jit3A_124 = arith.constant 0.000000e+00 : f32
    %broadcast_in_dim3A_125 = vector.broadcast %jit3A_124 : f32 to vector<256x128xf32>
    %select_n3A_126 = arith.select %eq3A_118, %get3A_123, %broadcast_in_dim3A_125 : vector<256x128xi1>, vector<256x128xf32>
    %convert_element_type3A_127 = arith.truncf %select_n3A_126 : vector<256x128xf32> to vector<256x128xbf16>
    %get3A_128 = arith.constant 0 : index
    %get3A_129 = arith.constant 0 : index
    %get3A_130 = vector.load %arg3[%get3A_128, %get3A_129] : memref<128x32xbf16, #tpu.memory_space<vmem>>, vector<128x32xbf16>
    %dot_general3A_131 = arith.constant dense<0.000000e+00> : vector<256x32xf32>
    %dot_general3A_132 = tpu.matmul %convert_element_type3A_127, %get3A_130, %dot_general3A_131 {dimension_numbers = #tpu.dot_dimension_numbers<[1], [0], [0], [1], [0, 0, 1, 1], [], []>, transpose_lhs_hint = false} : vector<256x128xbf16>, vector<128x32xbf16>, vector<256x32xf32> -> vector<256x32xf32>
    %convert_element_type3A_133 = arith.truncf %dot_general3A_132 : vector<256x32xf32> to vector<256x32xbf16>
    %swap3A_134 = arith.constant 0 : index
    %swap3A_135 = arith.constant 128 : index
    %swap3A_136 = vector.load %arg11[%swap3A_134, %swap3A_135] : memref<256x1280xbf16, #tpu.memory_space<vmem>>, vector<256x32xbf16>
    tpu.vector_store %arg11[%swap3A_134, %swap3A_135], %convert_element_type3A_133 {strides = array<i32>} : memref<256x1280xbf16, #tpu.memory_space<vmem>>, vector<256x32xbf16>,
    %get3A_137 = arith.constant 0 : index
    %get3A_138 = arith.constant 5 : index
    %get3A_139 = vector.load %arg2[%get3A_137, %get3A_138] : memref<256x40xi32, #tpu.memory_space<vmem>>, vector<256x1xi32>
    %eq3A_140 = vector.broadcast %get3A_139 : vector<256x1xi32> to vector<256x128xi32>
    %eq3A_141 = vector.broadcast %select_n3A : vector<1x128xi32> to vector<256x128xi32>
    %eq3A_142 = arith.cmpi eq, %eq3A_140, %eq3A_141 : vector<256x128xi32>
    %get3A_143 = arith.constant 0 : index
    %get3A_144 = arith.constant 5 : index
    %get3A_145 = arith.constant 0 : index
    %get3A_146 = vector.load %arg1[%get3A_143, %get3A_144, %get3A_145] : memref<256x40x128xf32, #tpu.memory_space<vmem>>, vector<256x1x128xf32>
    %get3A_147 = vector.shape_cast %get3A_146 : vector<256x1x128xf32> to vector<256x128xf32>
    %jit3A_148 = arith.constant 0.000000e+00 : f32
    %broadcast_in_dim3A_149 = vector.broadcast %jit3A_148 : f32 to vector<256x128xf32>
    %select_n3A_150 = arith.select %eq3A_142, %get3A_147, %broadcast_in_dim3A_149 : vector<256x128xi1>, vector<256x128xf32>
    %convert_element_type3A_151 = arith.truncf %select_n3A_150 : vector<256x128xf32> to vector<256x128xbf16>
    %get3A_152 = arith.constant 0 : index
    %get3A_153 = arith.constant 0 : index
    %get3A_154 = vector.load %arg3[%get3A_152, %get3A_153] : memref<128x32xbf16, #tpu.memory_space<vmem>>, vector<128x32xbf16>
    %dot_general3A_155 = arith.constant dense<0.000000e+00> : vector<256x32xf32>
    %dot_general3A_156 = tpu.matmul %convert_element_type3A_151, %get3A_154, %dot_general3A_155 {dimension_numbers = #tpu.dot_dimension_numbers<[1], [0], [0], [1], [0, 0, 1, 1], [], []>, transpose_lhs_hint = false} : vector<256x128xbf16>, vector<128x32xbf16>, vector<256x32xf32> -> vector<256x32xf32>
    %convert_element_type3A_157 = arith.truncf %dot_general3A_156 : vector<256x32xf32> to vector<256x32xbf16>
    %swap3A_158 = arith.constant 0 : index
    %swap3A_159 = arith.constant 160 : index
    %swap3A_160 = vector.load %arg11[%swap3A_158, %swap3A_159] : memref<256x1280xbf16, #tpu.memory_space<vmem>>, vector<256x32xbf16>
    tpu.vector_store %arg11[%swap3A_158, %swap3A_159], %convert_element_type3A_157 {strides = array<i32>} : memref<256x1280xbf16, #tpu.memory_space<vmem>>, vector<256x32xbf16>,
    %get3A_161 = arith.constant 0 : index
    %get3A_162 = arith.constant 6 : index
    %get3A_163 = vector.load %arg2[%get3A_161, %get3A_162] : memref<256x40xi32, #tpu.memory_space<vmem>>, vector<256x1xi32>
    %eq3A_164 = vector.broadcast %get3A_163 : vector<256x1xi32> to vector<256x128xi32>
    %eq3A_165 = vector.broadcast %select_n3A : vector<1x128xi32> to vector<256x128xi32>
    %eq3A_166 = arith.cmpi eq, %eq3A_164, %eq3A_165 : vector<256x128xi32>
    %get3A_167 = arith.constant 0 : index
    %get3A_168 = arith.constant 6 : index
    %get3A_169 = arith.constant 0 : index
    %get3A_170 = vector.load %arg1[%get3A_167, %get3A_168, %get3A_169] : memref<256x40x128xf32, #tpu.memory_space<vmem>>, vector<256x1x128xf32>
    %get3A_171 = vector.shape_cast %get3A_170 : vector<256x1x128xf32> to vector<256x128xf32>
    %jit3A_172 = arith.constant 0.000000e+00 : f32
    %broadcast_in_dim3A_173 = vector.broadcast %jit3A_172 : f32 to vector<256x128xf32>
    %select_n3A_174 = arith.select %eq3A_166, %get3A_171, %broadcast_in_dim3A_173 : vector<256x128xi1>, vector<256x128xf32>
    %convert_element_type3A_175 = arith.truncf %select_n3A_174 : vector<256x128xf32> to vector<256x128xbf16>
    %get3A_176 = arith.constant 0 : index
    %get3A_177 = arith.constant 0 : index
    %get3A_178 = vector.load %arg3[%get3A_176, %get3A_177] : memref<128x32xbf16, #tpu.memory_space<vmem>>, vector<128x32xbf16>
    %dot_general3A_179 = arith.constant dense<0.000000e+00> : vector<256x32xf32>
    %dot_general3A_180 = tpu.matmul %convert_element_type3A_175, %get3A_178, %dot_general3A_179 {dimension_numbers = #tpu.dot_dimension_numbers<[1], [0], [0], [1], [0, 0, 1, 1], [], []>, transpose_lhs_hint = false} : vector<256x128xbf16>, vector<128x32xbf16>, vector<256x32xf32> -> vector<256x32xf32>
    %convert_element_type3A_181 = arith.truncf %dot_general3A_180 : vector<256x32xf32> to vector<256x32xbf16>
    %swap3A_182 = arith.constant 0 : index
    %swap3A_183 = arith.constant 192 : index
    %swap3A_184 = vector.load %arg11[%swap3A_182, %swap3A_183] : memref<256x1280xbf16, #tpu.memory_space<vmem>>, vector<256x32xbf16>
    tpu.vector_store %arg11[%swap3A_182, %swap3A_183], %convert_element_type3A_181 {strides = array<i32>} : memref<256x1280xbf16, #tpu.memory_space<vmem>>, vector<256x32xbf16>,
    %get3A_185 = arith.constant 0 : index
    %get3A_186 = arith.constant 7 : index
    %get3A_187 = vector.load %arg2[%get3A_185, %get3A_186] : memref<256x40xi32, #tpu.memory_space<vmem>>, vector<256x1xi32>
    %eq3A_188 = vector.broadcast %get3A_187 : vector<256x1xi32> to vector<256x128xi32>
    %eq3A_189 = vector.broadcast %select_n3A : vector<1x128xi32> to vector<256x128xi32>
    %eq3A_190 = arith.cmpi eq, %eq3A_188, %eq3A_189 : vector<256x128xi32>
    %get3A_191 = arith.constant 0 : index
    %get3A_192 = arith.constant 7 : index
    %get3A_193 = arith.constant 0 : index
    %get3A_194 = vector.load %arg1[%get3A_191, %get3A_192, %get3A_193] : memref<256x40x128xf32, #tpu.memory_space<vmem>>, vector<256x1x128xf32>
    %get3A_195 = vector.shape_cast %get3A_194 : vector<256x1x128xf32> to vector<256x128xf32>
    %jit3A_196 = arith.constant 0.000000e+00 : f32
    %broadcast_in_dim3A_197 = vector.broadcast %jit3A_196 : f32 to vector<256x128xf32>
    %select_n3A_198 = arith.select %eq3A_190, %get3A_195, %broadcast_in_dim3A_197 : vector<256x128xi1>, vector<256x128xf32>
    %convert_element_type3A_199 = arith.truncf %select_n3A_198 : vector<256x128xf32> to vector<256x128xbf16>
    %get3A_200 = arith.constant 0 : index
    %get3A_201 = arith.constant 0 : index
    %get3A_202 = vector.load %arg3[%get3A_200, %get3A_201] : memref<128x32xbf16, #tpu.memory_space<vmem>>, vector<128x32xbf16>
    %dot_general3A_203 = arith.constant dense<0.000000e+00> : vector<256x32xf32>
    %dot_general3A_204 = tpu.matmul %convert_element_type3A_199, %get3A_202, %dot_general3A_203 {dimension_numbers = #tpu.dot_dimension_numbers<[1], [0], [0], [1], [0, 0, 1, 1], [], []>, transpose_lhs_hint = false} : vector<256x128xbf16>, vector<128x32xbf16>, vector<256x32xf32> -> vector<256x32xf32>
    %convert_element_type3A_205 = arith.truncf %dot_general3A_204 : vector<256x32xf32> to vector<256x32xbf16>
    %swap3A_206 = arith.constant 0 : index
    %swap3A_207 = arith.constant 224 : index
    %swap3A_208 = vector.load %arg11[%swap3A_206, %swap3A_207] : memref<256x1280xbf16, #tpu.memory_space<vmem>>, vector<256x32xbf16>
    tpu.vector_store %arg11[%swap3A_206, %swap3A_207], %convert_element_type3A_205 {strides = array<i32>} : memref<256x1280xbf16, #tpu.memory_space<vmem>>, vector<256x32xbf16>,
    %get3A_209 = arith.constant 0 : index
    %get3A_210 = arith.constant 8 : index
    %get3A_211 = vector.load %arg2[%get3A_209, %get3A_210] : memref<256x40xi32, #tpu.memory_space<vmem>>, vector<256x1xi32>
    %eq3A_212 = vector.broadcast %get3A_211 : vector<256x1xi32> to vector<256x128xi32>
    %eq3A_213 = vector.broadcast %select_n3A : vector<1x128xi32> to vector<256x128xi32>
    %eq3A_214 = arith.cmpi eq, %eq3A_212, %eq3A_213 : vector<256x128xi32>
    %get3A_215 = arith.constant 0 : index
    %get3A_216 = arith.constant 8 : index
    %get3A_217 = arith.constant 0 : index
    %get3A_218 = vector.load %arg1[%get3A_215, %get3A_216, %get3A_217] : memref<256x40x128xf32, #tpu.memory_space<vmem>>, vector<256x1x128xf32>
    %get3A_219 = vector.shape_cast %get3A_218 : vector<256x1x128xf32> to vector<256x128xf32>
    %jit3A_220 = arith.constant 0.000000e+00 : f32
    %broadcast_in_dim3A_221 = vector.broadcast %jit3A_220 : f32 to vector<256x128xf32>
    %select_n3A_222 = arith.select %eq3A_214, %get3A_219, %broadcast_in_dim3A_221 : vector<256x128xi1>, vector<256x128xf32>
    %convert_element_type3A_223 = arith.truncf %select_n3A_222 : vector<256x128xf32> to vector<256x128xbf16>
    %get3A_224 = arith.constant 0 : index
    %get3A_225 = arith.constant 0 : index
    %get3A_226 = vector.load %arg3[%get3A_224, %get3A_225] : memref<128x32xbf16, #tpu.memory_space<vmem>>, vector<128x32xbf16>
    %dot_general3A_227 = arith.constant dense<0.000000e+00> : vector<256x32xf32>
    %dot_general3A_228 = tpu.matmul %convert_element_type3A_223, %get3A_226, %dot_general3A_227 {dimension_numbers = #tpu.dot_dimension_numbers<[1], [0], [0], [1], [0, 0, 1, 1], [], []>, transpose_lhs_hint = false} : vector<256x128xbf16>, vector<128x32xbf16>, vector<256x32xf32> -> vector<256x32xf32>
    %convert_element_type3A_229 = arith.truncf %dot_general3A_228 : vector<256x32xf32> to vector<256x32xbf16>
    %swap3A_230 = arith.constant 0 : index
    %swap3A_231 = arith.constant 256 : index
    %swap3A_232 = vector.load %arg11[%swap3A_230, %swap3A_231] : memref<256x1280xbf16, #tpu.memory_space<vmem>>, vector<256x32xbf16>
    tpu.vector_store %arg11[%swap3A_230, %swap3A_231], %convert_element_type3A_229 {strides = array<i32>} : memref<256x1280xbf16, #tpu.memory_space<vmem>>, vector<256x32xbf16>,
    %get3A_233 = arith.constant 0 : index
    %get3A_234 = arith.constant 9 : index
    %get3A_235 = vector.load %arg2[%get3A_233, %get3A_234] : memref<256x40xi32, #tpu.memory_space<vmem>>, vector<256x1xi32>
    %eq3A_236 = vector.broadcast %get3A_235 : vector<256x1xi32> to vector<256x128xi32>
    %eq3A_237 = vector.broadcast %select_n3A : vector<1x128xi32> to vector<256x128xi32>
    %eq3A_238 = arith.cmpi eq, %eq3A_236, %eq3A_237 : vector<256x128xi32>
    %get3A_239 = arith.constant 0 : index
    %get3A_240 = arith.constant 9 : index
    %get3A_241 = arith.constant 0 : index
    %get3A_242 = vector.load %arg1[%get3A_239, %get3A_240, %get3A_241] : memref<256x40x128xf32, #tpu.memory_space<vmem>>, vector<256x1x128xf32>
    %get3A_243 = vector.shape_cast %get3A_242 : vector<256x1x128xf32> to vector<256x128xf32>
    %jit3A_244 = arith.constant 0.000000e+00 : f32
    %broadcast_in_dim3A_245 = vector.broadcast %jit3A_244 : f32 to vector<256x128xf32>
    %select_n3A_246 = arith.select %eq3A_238, %get3A_243, %broadcast_in_dim3A_245 : vector<256x128xi1>, vector<256x128xf32>
    %convert_element_type3A_247 = arith.truncf %select_n3A_246 : vector<256x128xf32> to vector<256x128xbf16>
    %get3A_248 = arith.constant 0 : index
    %get3A_249 = arith.constant 0 : index
    %get3A_250 = vector.load %arg3[%get3A_248, %get3A_249] : memref<128x32xbf16, #tpu.memory_space<vmem>>, vector<128x32xbf16>
    %dot_general3A_251 = arith.constant dense<0.000000e+00> : vector<256x32xf32>
    %dot_general3A_252 = tpu.matmul %convert_element_type3A_247, %get3A_250, %dot_general3A_251 {dimension_numbers = #tpu.dot_dimension_numbers<[1], [0], [0], [1], [0, 0, 1, 1], [], []>, transpose_lhs_hint = false} : vector<256x128xbf16>, vector<128x32xbf16>, vector<256x32xf32> -> vector<256x32xf32>
    %convert_element_type3A_253 = arith.truncf %dot_general3A_252 : vector<256x32xf32> to vector<256x32xbf16>
    %swap3A_254 = arith.constant 0 : index
    %swap3A_255 = arith.constant 288 : index
    %swap3A_256 = vector.load %arg11[%swap3A_254, %swap3A_255] : memref<256x1280xbf16, #tpu.memory_space<vmem>>, vector<256x32xbf16>
    tpu.vector_store %arg11[%swap3A_254, %swap3A_255], %convert_element_type3A_253 {strides = array<i32>} : memref<256x1280xbf16, #tpu.memory_space<vmem>>, vector<256x32xbf16>,
    %get3A_257 = arith.constant 0 : index
    %get3A_258 = arith.constant 10 : index
    %get3A_259 = vector.load %arg2[%get3A_257, %get3A_258] : memref<256x40xi32, #tpu.memory_space<vmem>>, vector<256x1xi32>
    %eq3A_260 = vector.broadcast %get3A_259 : vector<256x1xi32> to vector<256x128xi32>
    %eq3A_261 = vector.broadcast %select_n3A : vector<1x128xi32> to vector<256x128xi32>
    %eq3A_262 = arith.cmpi eq, %eq3A_260, %eq3A_261 : vector<256x128xi32>
    %get3A_263 = arith.constant 0 : index
    %get3A_264 = arith.constant 10 : index
    %get3A_265 = arith.constant 0 : index
    %get3A_266 = vector.load %arg1[%get3A_263, %get3A_264, %get3A_265] : memref<256x40x128xf32, #tpu.memory_space<vmem>>, vector<256x1x128xf32>
    %get3A_267 = vector.shape_cast %get3A_266 : vector<256x1x128xf32> to vector<256x128xf32>
    %jit3A_268 = arith.constant 0.000000e+00 : f32
    %broadcast_in_dim3A_269 = vector.broadcast %jit3A_268 : f32 to vector<256x128xf32>
    %select_n3A_270 = arith.select %eq3A_262, %get3A_267, %broadcast_in_dim3A_269 : vector<256x128xi1>, vector<256x128xf32>
    %convert_element_type3A_271 = arith.truncf %select_n3A_270 : vector<256x128xf32> to vector<256x128xbf16>
    %get3A_272 = arith.constant 0 : index
    %get3A_273 = arith.constant 0 : index
    %get3A_274 = vector.load %arg3[%get3A_272, %get3A_273] : memref<128x32xbf16, #tpu.memory_space<vmem>>, vector<128x32xbf16>
    %dot_general3A_275 = arith.constant dense<0.000000e+00> : vector<256x32xf32>
    %dot_general3A_276 = tpu.matmul %convert_element_type3A_271, %get3A_274, %dot_general3A_275 {dimension_numbers = #tpu.dot_dimension_numbers<[1], [0], [0], [1], [0, 0, 1, 1], [], []>, transpose_lhs_hint = false} : vector<256x128xbf16>, vector<128x32xbf16>, vector<256x32xf32> -> vector<256x32xf32>
    %convert_element_type3A_277 = arith.truncf %dot_general3A_276 : vector<256x32xf32> to vector<256x32xbf16>
    %swap3A_278 = arith.constant 0 : index
    %swap3A_279 = arith.constant 320 : index
    %swap3A_280 = vector.load %arg11[%swap3A_278, %swap3A_279] : memref<256x1280xbf16, #tpu.memory_space<vmem>>, vector<256x32xbf16>
    tpu.vector_store %arg11[%swap3A_278, %swap3A_279], %convert_element_type3A_277 {strides = array<i32>} : memref<256x1280xbf16, #tpu.memory_space<vmem>>, vector<256x32xbf16>,
    %get3A_281 = arith.constant 0 : index
    %get3A_282 = arith.constant 11 : index
    %get3A_283 = vector.load %arg2[%get3A_281, %get3A_282] : memref<256x40xi32, #tpu.memory_space<vmem>>, vector<256x1xi32>
    %eq3A_284 = vector.broadcast %get3A_283 : vector<256x1xi32> to vector<256x128xi32>
    %eq3A_285 = vector.broadcast %select_n3A : vector<1x128xi32> to vector<256x128xi32>
    %eq3A_286 = arith.cmpi eq, %eq3A_284, %eq3A_285 : vector<256x128xi32>
    %get3A_287 = arith.constant 0 : index
    %get3A_288 = arith.constant 11 : index
    %get3A_289 = arith.constant 0 : index
    %get3A_290 = vector.load %arg1[%get3A_287, %get3A_288, %get3A_289] : memref<256x40x128xf32, #tpu.memory_space<vmem>>, vector<256x1x128xf32>
    %get3A_291 = vector.shape_cast %get3A_290 : vector<256x1x128xf32> to vector<256x128xf32>
    %jit3A_292 = arith.constant 0.000000e+00 : f32
    %broadcast_in_dim3A_293 = vector.broadcast %jit3A_292 : f32 to vector<256x128xf32>
    %select_n3A_294 = arith.select %eq3A_286, %get3A_291, %broadcast_in_dim3A_293 : vector<256x128xi1>, vector<256x128xf32>
    %convert_element_type3A_295 = arith.truncf %select_n3A_294 : vector<256x128xf32> to vector<256x128xbf16>
    %get3A_296 = arith.constant 0 : index
    %get3A_297 = arith.constant 0 : index
    %get3A_298 = vector.load %arg3[%get3A_296, %get3A_297] : memref<128x32xbf16, #tpu.memory_space<vmem>>, vector<128x32xbf16>
    %dot_general3A_299 = arith.constant dense<0.000000e+00> : vector<256x32xf32>
    %dot_general3A_300 = tpu.matmul %convert_element_type3A_295, %get3A_298, %dot_general3A_299 {dimension_numbers = #tpu.dot_dimension_numbers<[1], [0], [0], [1], [0, 0, 1, 1], [], []>, transpose_lhs_hint = false} : vector<256x128xbf16>, vector<128x32xbf16>, vector<256x32xf32> -> vector<256x32xf32>
    %convert_element_type3A_301 = arith.truncf %dot_general3A_300 : vector<256x32xf32> to vector<256x32xbf16>
    %swap3A_302 = arith.constant 0 : index
    %swap3A_303 = arith.constant 352 : index
    %swap3A_304 = vector.load %arg11[%swap3A_302, %swap3A_303] : memref<256x1280xbf16, #tpu.memory_space<vmem>>, vector<256x32xbf16>
    tpu.vector_store %arg11[%swap3A_302, %swap3A_303], %convert_element_type3A_301 {strides = array<i32>} : memref<256x1280xbf16, #tpu.memory_space<vmem>>, vector<256x32xbf16>,
    %get3A_305 = arith.constant 0 : index
    %get3A_306 = arith.constant 12 : index
    %get3A_307 = vector.load %arg2[%get3A_305, %get3A_306] : memref<256x40xi32, #tpu.memory_space<vmem>>, vector<256x1xi32>
    %eq3A_308 = vector.broadcast %get3A_307 : vector<256x1xi32> to vector<256x128xi32>
    %eq3A_309 = vector.broadcast %select_n3A : vector<1x128xi32> to vector<256x128xi32>
    %eq3A_310 = arith.cmpi eq, %eq3A_308, %eq3A_309 : vector<256x128xi32>
    %get3A_311 = arith.constant 0 : index
    %get3A_312 = arith.constant 12 : index
    %get3A_313 = arith.constant 0 : index
    %get3A_314 = vector.load %arg1[%get3A_311, %get3A_312, %get3A_313] : memref<256x40x128xf32, #tpu.memory_space<vmem>>, vector<256x1x128xf32>
    %get3A_315 = vector.shape_cast %get3A_314 : vector<256x1x128xf32> to vector<256x128xf32>
    %jit3A_316 = arith.constant 0.000000e+00 : f32
    %broadcast_in_dim3A_317 = vector.broadcast %jit3A_316 : f32 to vector<256x128xf32>
    %select_n3A_318 = arith.select %eq3A_310, %get3A_315, %broadcast_in_dim3A_317 : vector<256x128xi1>, vector<256x128xf32>
    %convert_element_type3A_319 = arith.truncf %select_n3A_318 : vector<256x128xf32> to vector<256x128xbf16>
    %get3A_320 = arith.constant 0 : index
    %get3A_321 = arith.constant 0 : index
    %get3A_322 = vector.load %arg3[%get3A_320, %get3A_321] : memref<128x32xbf16, #tpu.memory_space<vmem>>, vector<128x32xbf16>
    %dot_general3A_323 = arith.constant dense<0.000000e+00> : vector<256x32xf32>
    %dot_general3A_324 = tpu.matmul %convert_element_type3A_319, %get3A_322, %dot_general3A_323 {dimension_numbers = #tpu.dot_dimension_numbers<[1], [0], [0], [1], [0, 0, 1, 1], [], []>, transpose_lhs_hint = false} : vector<256x128xbf16>, vector<128x32xbf16>, vector<256x32xf32> -> vector<256x32xf32>
    %convert_element_type3A_325 = arith.truncf %dot_general3A_324 : vector<256x32xf32> to vector<256x32xbf16>
    %swap3A_326 = arith.constant 0 : index
    %swap3A_327 = arith.constant 384 : index
    %swap3A_328 = vector.load %arg11[%swap3A_326, %swap3A_327] : memref<256x1280xbf16, #tpu.memory_space<vmem>>, vector<256x32xbf16>
    tpu.vector_store %arg11[%swap3A_326, %swap3A_327], %convert_element_type3A_325 {strides = array<i32>} : memref<256x1280xbf16, #tpu.memory_space<vmem>>, vector<256x32xbf16>,
    %get3A_329 = arith.constant 0 : index
    %get3A_330 = arith.constant 13 : index
    %get3A_331 = vector.load %arg2[%get3A_329, %get3A_330] : memref<256x40xi32, #tpu.memory_space<vmem>>, vector<256x1xi32>
    %eq3A_332 = vector.broadcast %get3A_331 : vector<256x1xi32> to vector<256x128xi32>
    %eq3A_333 = vector.broadcast %select_n3A : vector<1x128xi32> to vector<256x128xi32>
    %eq3A_334 = arith.cmpi eq, %eq3A_332, %eq3A_333 : vector<256x128xi32>
    %get3A_335 = arith.constant 0 : index
    %get3A_336 = arith.constant 13 : index
    %get3A_337 = arith.constant 0 : index
    %get3A_338 = vector.load %arg1[%get3A_335, %get3A_336, %get3A_337] : memref<256x40x128xf32, #tpu.memory_space<vmem>>, vector<256x1x128xf32>
    %get3A_339 = vector.shape_cast %get3A_338 : vector<256x1x128xf32> to vector<256x128xf32>
    %jit3A_340 = arith.constant 0.000000e+00 : f32
    %broadcast_in_dim3A_341 = vector.broadcast %jit3A_340 : f32 to vector<256x128xf32>
    %select_n3A_342 = arith.select %eq3A_334, %get3A_339, %broadcast_in_dim3A_341 : vector<256x128xi1>, vector<256x128xf32>
    %convert_element_type3A_343 = arith.truncf %select_n3A_342 : vector<256x128xf32> to vector<256x128xbf16>
    %get3A_344 = arith.constant 0 : index
    %get3A_345 = arith.constant 0 : index
    %get3A_346 = vector.load %arg3[%get3A_344, %get3A_345] : memref<128x32xbf16, #tpu.memory_space<vmem>>, vector<128x32xbf16>
    %dot_general3A_347 = arith.constant dense<0.000000e+00> : vector<256x32xf32>
    %dot_general3A_348 = tpu.matmul %convert_element_type3A_343, %get3A_346, %dot_general3A_347 {dimension_numbers = #tpu.dot_dimension_numbers<[1], [0], [0], [1], [0, 0, 1, 1], [], []>, transpose_lhs_hint = false} : vector<256x128xbf16>, vector<128x32xbf16>, vector<256x32xf32> -> vector<256x32xf32>
    %convert_element_type3A_349 = arith.truncf %dot_general3A_348 : vector<256x32xf32> to vector<256x32xbf16>
    %swap3A_350 = arith.constant 0 : index
    %swap3A_351 = arith.constant 416 : index
    %swap3A_352 = vector.load %arg11[%swap3A_350, %swap3A_351] : memref<256x1280xbf16, #tpu.memory_space<vmem>>, vector<256x32xbf16>
    tpu.vector_store %arg11[%swap3A_350, %swap3A_351], %convert_element_type3A_349 {strides = array<i32>} : memref<256x1280xbf16, #tpu.memory_space<vmem>>, vector<256x32xbf16>,
    %get3A_353 = arith.constant 0 : index
    %get3A_354 = arith.constant 14 : index
    %get3A_355 = vector.load %arg2[%get3A_353, %get3A_354] : memref<256x40xi32, #tpu.memory_space<vmem>>, vector<256x1xi32>
    %eq3A_356 = vector.broadcast %get3A_355 : vector<256x1xi32> to vector<256x128xi32>
    %eq3A_357 = vector.broadcast %select_n3A : vector<1x128xi32> to vector<256x128xi32>
    %eq3A_358 = arith.cmpi eq, %eq3A_356, %eq3A_357 : vector<256x128xi32>
    %get3A_359 = arith.constant 0 : index
    %get3A_360 = arith.constant 14 : index
    %get3A_361 = arith.constant 0 : index
    %get3A_362 = vector.load %arg1[%get3A_359, %get3A_360, %get3A_361] : memref<256x40x128xf32, #tpu.memory_space<vmem>>, vector<256x1x128xf32>
    %get3A_363 = vector.shape_cast %get3A_362 : vector<256x1x128xf32> to vector<256x128xf32>
    %jit3A_364 = arith.constant 0.000000e+00 : f32
    %broadcast_in_dim3A_365 = vector.broadcast %jit3A_364 : f32 to vector<256x128xf32>
    %select_n3A_366 = arith.select %eq3A_358, %get3A_363, %broadcast_in_dim3A_365 : vector<256x128xi1>, vector<256x128xf32>
    %convert_element_type3A_367 = arith.truncf %select_n3A_366 : vector<256x128xf32> to vector<256x128xbf16>
    %get3A_368 = arith.constant 0 : index
    %get3A_369 = arith.constant 0 : index
    %get3A_370 = vector.load %arg3[%get3A_368, %get3A_369] : memref<128x32xbf16, #tpu.memory_space<vmem>>, vector<128x32xbf16>
    %dot_general3A_371 = arith.constant dense<0.000000e+00> : vector<256x32xf32>
    %dot_general3A_372 = tpu.matmul %convert_element_type3A_367, %get3A_370, %dot_general3A_371 {dimension_numbers = #tpu.dot_dimension_numbers<[1], [0], [0], [1], [0, 0, 1, 1], [], []>, transpose_lhs_hint = false} : vector<256x128xbf16>, vector<128x32xbf16>, vector<256x32xf32> -> vector<256x32xf32>
    %convert_element_type3A_373 = arith.truncf %dot_general3A_372 : vector<256x32xf32> to vector<256x32xbf16>
    %swap3A_374 = arith.constant 0 : index
    %swap3A_375 = arith.constant 448 : index
    %swap3A_376 = vector.load %arg11[%swap3A_374, %swap3A_375] : memref<256x1280xbf16, #tpu.memory_space<vmem>>, vector<256x32xbf16>
    tpu.vector_store %arg11[%swap3A_374, %swap3A_375], %convert_element_type3A_373 {strides = array<i32>} : memref<256x1280xbf16, #tpu.memory_space<vmem>>, vector<256x32xbf16>,
    %get3A_377 = arith.constant 0 : index
    %get3A_378 = arith.constant 15 : index
    %get3A_379 = vector.load %arg2[%get3A_377, %get3A_378] : memref<256x40xi32, #tpu.memory_space<vmem>>, vector<256x1xi32>
    %eq3A_380 = vector.broadcast %get3A_379 : vector<256x1xi32> to vector<256x128xi32>
    %eq3A_381 = vector.broadcast %select_n3A : vector<1x128xi32> to vector<256x128xi32>
    %eq3A_382 = arith.cmpi eq, %eq3A_380, %eq3A_381 : vector<256x128xi32>
    %get3A_383 = arith.constant 0 : index
    %get3A_384 = arith.constant 15 : index
    %get3A_385 = arith.constant 0 : index
    %get3A_386 = vector.load %arg1[%get3A_383, %get3A_384, %get3A_385] : memref<256x40x128xf32, #tpu.memory_space<vmem>>, vector<256x1x128xf32>
    %get3A_387 = vector.shape_cast %get3A_386 : vector<256x1x128xf32> to vector<256x128xf32>
    %jit3A_388 = arith.constant 0.000000e+00 : f32
    %broadcast_in_dim3A_389 = vector.broadcast %jit3A_388 : f32 to vector<256x128xf32>
    %select_n3A_390 = arith.select %eq3A_382, %get3A_387, %broadcast_in_dim3A_389 : vector<256x128xi1>, vector<256x128xf32>
    %convert_element_type3A_391 = arith.truncf %select_n3A_390 : vector<256x128xf32> to vector<256x128xbf16>
    %get3A_392 = arith.constant 0 : index
    %get3A_393 = arith.constant 0 : index
    %get3A_394 = vector.load %arg3[%get3A_392, %get3A_393] : memref<128x32xbf16, #tpu.memory_space<vmem>>, vector<128x32xbf16>
    %dot_general3A_395 = arith.constant dense<0.000000e+00> : vector<256x32xf32>
    %dot_general3A_396 = tpu.matmul %convert_element_type3A_391, %get3A_394, %dot_general3A_395 {dimension_numbers = #tpu.dot_dimension_numbers<[1], [0], [0], [1], [0, 0, 1, 1], [], []>, transpose_lhs_hint = false} : vector<256x128xbf16>, vector<128x32xbf16>, vector<256x32xf32> -> vector<256x32xf32>
    %convert_element_type3A_397 = arith.truncf %dot_general3A_396 : vector<256x32xf32> to vector<256x32xbf16>
    %swap3A_398 = arith.constant 0 : index
    %swap3A_399 = arith.constant 480 : index
    %swap3A_400 = vector.load %arg11[%swap3A_398, %swap3A_399] : memref<256x1280xbf16, #tpu.memory_space<vmem>>, vector<256x32xbf16>
    tpu.vector_store %arg11[%swap3A_398, %swap3A_399], %convert_element_type3A_397 {strides = array<i32>} : memref<256x1280xbf16, #tpu.memory_space<vmem>>, vector<256x32xbf16>,
    %get3A_401 = arith.constant 0 : index
    %get3A_402 = arith.constant 16 : index
    %get3A_403 = vector.load %arg2[%get3A_401, %get3A_402] : memref<256x40xi32, #tpu.memory_space<vmem>>, vector<256x1xi32>
    %eq3A_404 = vector.broadcast %get3A_403 : vector<256x1xi32> to vector<256x128xi32>
    %eq3A_405 = vector.broadcast %select_n3A : vector<1x128xi32> to vector<256x128xi32>
    %eq3A_406 = arith.cmpi eq, %eq3A_404, %eq3A_405 : vector<256x128xi32>
    %get3A_407 = arith.constant 0 : index
    %get3A_408 = arith.constant 16 : index
    %get3A_409 = arith.constant 0 : index
    %get3A_410 = vector.load %arg1[%get3A_407, %get3A_408, %get3A_409] : memref<256x40x128xf32, #tpu.memory_space<vmem>>, vector<256x1x128xf32>
    %get3A_411 = vector.shape_cast %get3A_410 : vector<256x1x128xf32> to vector<256x128xf32>
    %jit3A_412 = arith.constant 0.000000e+00 : f32
    %broadcast_in_dim3A_413 = vector.broadcast %jit3A_412 : f32 to vector<256x128xf32>
    %select_n3A_414 = arith.select %eq3A_406, %get3A_411, %broadcast_in_dim3A_413 : vector<256x128xi1>, vector<256x128xf32>
    %convert_element_type3A_415 = arith.truncf %select_n3A_414 : vector<256x128xf32> to vector<256x128xbf16>
    %get3A_416 = arith.constant 0 : index
    %get3A_417 = arith.constant 0 : index
    %get3A_418 = vector.load %arg3[%get3A_416, %get3A_417] : memref<128x32xbf16, #tpu.memory_space<vmem>>, vector<128x32xbf16>
    %dot_general3A_419 = arith.constant dense<0.000000e+00> : vector<256x32xf32>
    %dot_general3A_420 = tpu.matmul %convert_element_type3A_415, %get3A_418, %dot_general3A_419 {dimension_numbers = #tpu.dot_dimension_numbers<[1], [0], [0], [1], [0, 0, 1, 1], [], []>, transpose_lhs_hint = false} : vector<256x128xbf16>, vector<128x32xbf16>, vector<256x32xf32> -> vector<256x32xf32>
    %convert_element_type3A_421 = arith.truncf %dot_general3A_420 : vector<256x32xf32> to vector<256x32xbf16>
    %swap3A_422 = arith.constant 0 : index
    %swap3A_423 = arith.constant 512 : index
    %swap3A_424 = vector.load %arg11[%swap3A_422, %swap3A_423] : memref<256x1280xbf16, #tpu.memory_space<vmem>>, vector<256x32xbf16>
    tpu.vector_store %arg11[%swap3A_422, %swap3A_423], %convert_element_type3A_421 {strides = array<i32>} : memref<256x1280xbf16, #tpu.memory_space<vmem>>, vector<256x32xbf16>,
    %get3A_425 = arith.constant 0 : index
    %get3A_426 = arith.constant 17 : index
    %get3A_427 = vector.load %arg2[%get3A_425, %get3A_426] : memref<256x40xi32, #tpu.memory_space<vmem>>, vector<256x1xi32>
    %eq3A_428 = vector.broadcast %get3A_427 : vector<256x1xi32> to vector<256x128xi32>
    %eq3A_429 = vector.broadcast %select_n3A : vector<1x128xi32> to vector<256x128xi32>
    %eq3A_430 = arith.cmpi eq, %eq3A_428, %eq3A_429 : vector<256x128xi32>
    %get3A_431 = arith.constant 0 : index
    %get3A_432 = arith.constant 17 : index
    %get3A_433 = arith.constant 0 : index
    %get3A_434 = vector.load %arg1[%get3A_431, %get3A_432, %get3A_433] : memref<256x40x128xf32, #tpu.memory_space<vmem>>, vector<256x1x128xf32>
    %get3A_435 = vector.shape_cast %get3A_434 : vector<256x1x128xf32> to vector<256x128xf32>
    %jit3A_436 = arith.constant 0.000000e+00 : f32
    %broadcast_in_dim3A_437 = vector.broadcast %jit3A_436 : f32 to vector<256x128xf32>
    %select_n3A_438 = arith.select %eq3A_430, %get3A_435, %broadcast_in_dim3A_437 : vector<256x128xi1>, vector<256x128xf32>
    %convert_element_type3A_439 = arith.truncf %select_n3A_438 : vector<256x128xf32> to vector<256x128xbf16>
    %get3A_440 = arith.constant 0 : index
    %get3A_441 = arith.constant 0 : index
    %get3A_442 = vector.load %arg3[%get3A_440, %get3A_441] : memref<128x32xbf16, #tpu.memory_space<vmem>>, vector<128x32xbf16>
    %dot_general3A_443 = arith.constant dense<0.000000e+00> : vector<256x32xf32>
    %dot_general3A_444 = tpu.matmul %convert_element_type3A_439, %get3A_442, %dot_general3A_443 {dimension_numbers = #tpu.dot_dimension_numbers<[1], [0], [0], [1], [0, 0, 1, 1], [], []>, transpose_lhs_hint = false} : vector<256x128xbf16>, vector<128x32xbf16>, vector<256x32xf32> -> vector<256x32xf32>
    %convert_element_type3A_445 = arith.truncf %dot_general3A_444 : vector<256x32xf32> to vector<256x32xbf16>
    %swap3A_446 = arith.constant 0 : index
    %swap3A_447 = arith.constant 544 : index
    %swap3A_448 = vector.load %arg11[%swap3A_446, %swap3A_447] : memref<256x1280xbf16, #tpu.memory_space<vmem>>, vector<256x32xbf16>
    tpu.vector_store %arg11[%swap3A_446, %swap3A_447], %convert_element_type3A_445 {strides = array<i32>} : memref<256x1280xbf16, #tpu.memory_space<vmem>>, vector<256x32xbf16>,
    %get3A_449 = arith.constant 0 : index
    %get3A_450 = arith.constant 18 : index
    %get3A_451 = vector.load %arg2[%get3A_449, %get3A_450] : memref<256x40xi32, #tpu.memory_space<vmem>>, vector<256x1xi32>
    %eq3A_452 = vector.broadcast %get3A_451 : vector<256x1xi32> to vector<256x128xi32>
    %eq3A_453 = vector.broadcast %select_n3A : vector<1x128xi32> to vector<256x128xi32>
    %eq3A_454 = arith.cmpi eq, %eq3A_452, %eq3A_453 : vector<256x128xi32>
    %get3A_455 = arith.constant 0 : index
    %get3A_456 = arith.constant 18 : index
    %get3A_457 = arith.constant 0 : index
    %get3A_458 = vector.load %arg1[%get3A_455, %get3A_456, %get3A_457] : memref<256x40x128xf32, #tpu.memory_space<vmem>>, vector<256x1x128xf32>
    %get3A_459 = vector.shape_cast %get3A_458 : vector<256x1x128xf32> to vector<256x128xf32>
    %jit3A_460 = arith.constant 0.000000e+00 : f32
    %broadcast_in_dim3A_461 = vector.broadcast %jit3A_460 : f32 to vector<256x128xf32>
    %select_n3A_462 = arith.select %eq3A_454, %get3A_459, %broadcast_in_dim3A_461 : vector<256x128xi1>, vector<256x128xf32>
    %convert_element_type3A_463 = arith.truncf %select_n3A_462 : vector<256x128xf32> to vector<256x128xbf16>
    %get3A_464 = arith.constant 0 : index
    %get3A_465 = arith.constant 0 : index
    %get3A_466 = vector.load %arg3[%get3A_464, %get3A_465] : memref<128x32xbf16, #tpu.memory_space<vmem>>, vector<128x32xbf16>
    %dot_general3A_467 = arith.constant dense<0.000000e+00> : vector<256x32xf32>
    %dot_general3A_468 = tpu.matmul %convert_element_type3A_463, %get3A_466, %dot_general3A_467 {dimension_numbers = #tpu.dot_dimension_numbers<[1], [0], [0], [1], [0, 0, 1, 1], [], []>, transpose_lhs_hint = false} : vector<256x128xbf16>, vector<128x32xbf16>, vector<256x32xf32> -> vector<256x32xf32>
    %convert_element_type3A_469 = arith.truncf %dot_general3A_468 : vector<256x32xf32> to vector<256x32xbf16>
    %swap3A_470 = arith.constant 0 : index
    %swap3A_471 = arith.constant 576 : index
    %swap3A_472 = vector.load %arg11[%swap3A_470, %swap3A_471] : memref<256x1280xbf16, #tpu.memory_space<vmem>>, vector<256x32xbf16>
    tpu.vector_store %arg11[%swap3A_470, %swap3A_471], %convert_element_type3A_469 {strides = array<i32>} : memref<256x1280xbf16, #tpu.memory_space<vmem>>, vector<256x32xbf16>,
    %get3A_473 = arith.constant 0 : index
    %get3A_474 = arith.constant 19 : index
    %get3A_475 = vector.load %arg2[%get3A_473, %get3A_474] : memref<256x40xi32, #tpu.memory_space<vmem>>, vector<256x1xi32>
    %eq3A_476 = vector.broadcast %get3A_475 : vector<256x1xi32> to vector<256x128xi32>
    %eq3A_477 = vector.broadcast %select_n3A : vector<1x128xi32> to vector<256x128xi32>
    %eq3A_478 = arith.cmpi eq, %eq3A_476, %eq3A_477 : vector<256x128xi32>
    %get3A_479 = arith.constant 0 : index
    %get3A_480 = arith.constant 19 : index
    %get3A_481 = arith.constant 0 : index
    %get3A_482 = vector.load %arg1[%get3A_479, %get3A_480, %get3A_481] : memref<256x40x128xf32, #tpu.memory_space<vmem>>, vector<256x1x128xf32>
    %get3A_483 = vector.shape_cast %get3A_482 : vector<256x1x128xf32> to vector<256x128xf32>
    %jit3A_484 = arith.constant 0.000000e+00 : f32
    %broadcast_in_dim3A_485 = vector.broadcast %jit3A_484 : f32 to vector<256x128xf32>
    %select_n3A_486 = arith.select %eq3A_478, %get3A_483, %broadcast_in_dim3A_485 : vector<256x128xi1>, vector<256x128xf32>
    %convert_element_type3A_487 = arith.truncf %select_n3A_486 : vector<256x128xf32> to vector<256x128xbf16>
    %get3A_488 = arith.constant 0 : index
    %get3A_489 = arith.constant 0 : index
    %get3A_490 = vector.load %arg3[%get3A_488, %get3A_489] : memref<128x32xbf16, #tpu.memory_space<vmem>>, vector<128x32xbf16>
    %dot_general3A_491 = arith.constant dense<0.000000e+00> : vector<256x32xf32>
    %dot_general3A_492 = tpu.matmul %convert_element_type3A_487, %get3A_490, %dot_general3A_491 {dimension_numbers = #tpu.dot_dimension_numbers<[1], [0], [0], [1], [0, 0, 1, 1], [], []>, transpose_lhs_hint = false} : vector<256x128xbf16>, vector<128x32xbf16>, vector<256x32xf32> -> vector<256x32xf32>
    %convert_element_type3A_493 = arith.truncf %dot_general3A_492 : vector<256x32xf32> to vector<256x32xbf16>
    %swap3A_494 = arith.constant 0 : index
    %swap3A_495 = arith.constant 608 : index
    %swap3A_496 = vector.load %arg11[%swap3A_494, %swap3A_495] : memref<256x1280xbf16, #tpu.memory_space<vmem>>, vector<256x32xbf16>
    tpu.vector_store %arg11[%swap3A_494, %swap3A_495], %convert_element_type3A_493 {strides = array<i32>} : memref<256x1280xbf16, #tpu.memory_space<vmem>>, vector<256x32xbf16>,
    %get3A_497 = arith.constant 0 : index
    %get3A_498 = arith.constant 20 : index
    %get3A_499 = vector.load %arg2[%get3A_497, %get3A_498] : memref<256x40xi32, #tpu.memory_space<vmem>>, vector<256x1xi32>
    %eq3A_500 = vector.broadcast %get3A_499 : vector<256x1xi32> to vector<256x128xi32>
    %eq3A_501 = vector.broadcast %select_n3A : vector<1x128xi32> to vector<256x128xi32>
    %eq3A_502 = arith.cmpi eq, %eq3A_500, %eq3A_501 : vector<256x128xi32>
    %get3A_503 = arith.constant 0 : index
    %get3A_504 = arith.constant 20 : index
    %get3A_505 = arith.constant 0 : index
    %get3A_506 = vector.load %arg1[%get3A_503, %get3A_504, %get3A_505] : memref<256x40x128xf32, #tpu.memory_space<vmem>>, vector<256x1x128xf32>
    %get3A_507 = vector.shape_cast %get3A_506 : vector<256x1x128xf32> to vector<256x128xf32>
    %jit3A_508 = arith.constant 0.000000e+00 : f32
    %broadcast_in_dim3A_509 = vector.broadcast %jit3A_508 : f32 to vector<256x128xf32>
    %select_n3A_510 = arith.select %eq3A_502, %get3A_507, %broadcast_in_dim3A_509 : vector<256x128xi1>, vector<256x128xf32>
    %convert_element_type3A_511 = arith.truncf %select_n3A_510 : vector<256x128xf32> to vector<256x128xbf16>
    %get3A_512 = arith.constant 0 : index
    %get3A_513 = arith.constant 0 : index
    %get3A_514 = vector.load %arg3[%get3A_512, %get3A_513] : memref<128x32xbf16, #tpu.memory_space<vmem>>, vector<128x32xbf16>
    %dot_general3A_515 = arith.constant dense<0.000000e+00> : vector<256x32xf32>
    %dot_general3A_516 = tpu.matmul %convert_element_type3A_511, %get3A_514, %dot_general3A_515 {dimension_numbers = #tpu.dot_dimension_numbers<[1], [0], [0], [1], [0, 0, 1, 1], [], []>, transpose_lhs_hint = false} : vector<256x128xbf16>, vector<128x32xbf16>, vector<256x32xf32> -> vector<256x32xf32>
    %convert_element_type3A_517 = arith.truncf %dot_general3A_516 : vector<256x32xf32> to vector<256x32xbf16>
    %swap3A_518 = arith.constant 0 : index
    %swap3A_519 = arith.constant 640 : index
    %swap3A_520 = vector.load %arg11[%swap3A_518, %swap3A_519] : memref<256x1280xbf16, #tpu.memory_space<vmem>>, vector<256x32xbf16>
    tpu.vector_store %arg11[%swap3A_518, %swap3A_519], %convert_element_type3A_517 {strides = array<i32>} : memref<256x1280xbf16, #tpu.memory_space<vmem>>, vector<256x32xbf16>,
    %get3A_521 = arith.constant 0 : index
    %get3A_522 = arith.constant 21 : index
    %get3A_523 = vector.load %arg2[%get3A_521, %get3A_522] : memref<256x40xi32, #tpu.memory_space<vmem>>, vector<256x1xi32>
    %eq3A_524 = vector.broadcast %get3A_523 : vector<256x1xi32> to vector<256x128xi32>
    %eq3A_525 = vector.broadcast %select_n3A : vector<1x128xi32> to vector<256x128xi32>
    %eq3A_526 = arith.cmpi eq, %eq3A_524, %eq3A_525 : vector<256x128xi32>
    %get3A_527 = arith.constant 0 : index
    %get3A_528 = arith.constant 21 : index
    %get3A_529 = arith.constant 0 : index
    %get3A_530 = vector.load %arg1[%get3A_527, %get3A_528, %get3A_529] : memref<256x40x128xf32, #tpu.memory_space<vmem>>, vector<256x1x128xf32>
    %get3A_531 = vector.shape_cast %get3A_530 : vector<256x1x128xf32> to vector<256x128xf32>
    %jit3A_532 = arith.constant 0.000000e+00 : f32
    %broadcast_in_dim3A_533 = vector.broadcast %jit3A_532 : f32 to vector<256x128xf32>
    %select_n3A_534 = arith.select %eq3A_526, %get3A_531, %broadcast_in_dim3A_533 : vector<256x128xi1>, vector<256x128xf32>
    %convert_element_type3A_535 = arith.truncf %select_n3A_534 : vector<256x128xf32> to vector<256x128xbf16>
    %get3A_536 = arith.constant 0 : index
    %get3A_537 = arith.constant 0 : index
    %get3A_538 = vector.load %arg3[%get3A_536, %get3A_537] : memref<128x32xbf16, #tpu.memory_space<vmem>>, vector<128x32xbf16>
    %dot_general3A_539 = arith.constant dense<0.000000e+00> : vector<256x32xf32>
    %dot_general3A_540 = tpu.matmul %convert_element_type3A_535, %get3A_538, %dot_general3A_539 {dimension_numbers = #tpu.dot_dimension_numbers<[1], [0], [0], [1], [0, 0, 1, 1], [], []>, transpose_lhs_hint = false} : vector<256x128xbf16>, vector<128x32xbf16>, vector<256x32xf32> -> vector<256x32xf32>
    %convert_element_type3A_541 = arith.truncf %dot_general3A_540 : vector<256x32xf32> to vector<256x32xbf16>
    %swap3A_542 = arith.constant 0 : index
    %swap3A_543 = arith.constant 672 : index
    %swap3A_544 = vector.load %arg11[%swap3A_542, %swap3A_543] : memref<256x1280xbf16, #tpu.memory_space<vmem>>, vector<256x32xbf16>
    tpu.vector_store %arg11[%swap3A_542, %swap3A_543], %convert_element_type3A_541 {strides = array<i32>} : memref<256x1280xbf16, #tpu.memory_space<vmem>>, vector<256x32xbf16>,
    %get3A_545 = arith.constant 0 : index
    %get3A_546 = arith.constant 22 : index
    %get3A_547 = vector.load %arg2[%get3A_545, %get3A_546] : memref<256x40xi32, #tpu.memory_space<vmem>>, vector<256x1xi32>
    %eq3A_548 = vector.broadcast %get3A_547 : vector<256x1xi32> to vector<256x128xi32>
    %eq3A_549 = vector.broadcast %select_n3A : vector<1x128xi32> to vector<256x128xi32>
    %eq3A_550 = arith.cmpi eq, %eq3A_548, %eq3A_549 : vector<256x128xi32>
    %get3A_551 = arith.constant 0 : index
    %get3A_552 = arith.constant 22 : index
    %get3A_553 = arith.constant 0 : index
    %get3A_554 = vector.load %arg1[%get3A_551, %get3A_552, %get3A_553] : memref<256x40x128xf32, #tpu.memory_space<vmem>>, vector<256x1x128xf32>
    %get3A_555 = vector.shape_cast %get3A_554 : vector<256x1x128xf32> to vector<256x128xf32>
    %jit3A_556 = arith.constant 0.000000e+00 : f32
    %broadcast_in_dim3A_557 = vector.broadcast %jit3A_556 : f32 to vector<256x128xf32>
    %select_n3A_558 = arith.select %eq3A_550, %get3A_555, %broadcast_in_dim3A_557 : vector<256x128xi1>, vector<256x128xf32>
    %convert_element_type3A_559 = arith.truncf %select_n3A_558 : vector<256x128xf32> to vector<256x128xbf16>
    %get3A_560 = arith.constant 0 : index
    %get3A_561 = arith.constant 0 : index
    %get3A_562 = vector.load %arg3[%get3A_560, %get3A_561] : memref<128x32xbf16, #tpu.memory_space<vmem>>, vector<128x32xbf16>
    %dot_general3A_563 = arith.constant dense<0.000000e+00> : vector<256x32xf32>
    %dot_general3A_564 = tpu.matmul %convert_element_type3A_559, %get3A_562, %dot_general3A_563 {dimension_numbers = #tpu.dot_dimension_numbers<[1], [0], [0], [1], [0, 0, 1, 1], [], []>, transpose_lhs_hint = false} : vector<256x128xbf16>, vector<128x32xbf16>, vector<256x32xf32> -> vector<256x32xf32>
    %convert_element_type3A_565 = arith.truncf %dot_general3A_564 : vector<256x32xf32> to vector<256x32xbf16>
    %swap3A_566 = arith.constant 0 : index
    %swap3A_567 = arith.constant 704 : index
    %swap3A_568 = vector.load %arg11[%swap3A_566, %swap3A_567] : memref<256x1280xbf16, #tpu.memory_space<vmem>>, vector<256x32xbf16>
    tpu.vector_store %arg11[%swap3A_566, %swap3A_567], %convert_element_type3A_565 {strides = array<i32>} : memref<256x1280xbf16, #tpu.memory_space<vmem>>, vector<256x32xbf16>,
    %get3A_569 = arith.constant 0 : index
    %get3A_570 = arith.constant 23 : index
    %get3A_571 = vector.load %arg2[%get3A_569, %get3A_570] : memref<256x40xi32, #tpu.memory_space<vmem>>, vector<256x1xi32>
    %eq3A_572 = vector.broadcast %get3A_571 : vector<256x1xi32> to vector<256x128xi32>
    %eq3A_573 = vector.broadcast %select_n3A : vector<1x128xi32> to vector<256x128xi32>
    %eq3A_574 = arith.cmpi eq, %eq3A_572, %eq3A_573 : vector<256x128xi32>
    %get3A_575 = arith.constant 0 : index
    %get3A_576 = arith.constant 23 : index
    %get3A_577 = arith.constant 0 : index
    %get3A_578 = vector.load %arg1[%get3A_575, %get3A_576, %get3A_577] : memref<256x40x128xf32, #tpu.memory_space<vmem>>, vector<256x1x128xf32>
    %get3A_579 = vector.shape_cast %get3A_578 : vector<256x1x128xf32> to vector<256x128xf32>
    %jit3A_580 = arith.constant 0.000000e+00 : f32
    %broadcast_in_dim3A_581 = vector.broadcast %jit3A_580 : f32 to vector<256x128xf32>
    %select_n3A_582 = arith.select %eq3A_574, %get3A_579, %broadcast_in_dim3A_581 : vector<256x128xi1>, vector<256x128xf32>
    %convert_element_type3A_583 = arith.truncf %select_n3A_582 : vector<256x128xf32> to vector<256x128xbf16>
    %get3A_584 = arith.constant 0 : index
    %get3A_585 = arith.constant 0 : index
    %get3A_586 = vector.load %arg3[%get3A_584, %get3A_585] : memref<128x32xbf16, #tpu.memory_space<vmem>>, vector<128x32xbf16>
    %dot_general3A_587 = arith.constant dense<0.000000e+00> : vector<256x32xf32>
    %dot_general3A_588 = tpu.matmul %convert_element_type3A_583, %get3A_586, %dot_general3A_587 {dimension_numbers = #tpu.dot_dimension_numbers<[1], [0], [0], [1], [0, 0, 1, 1], [], []>, transpose_lhs_hint = false} : vector<256x128xbf16>, vector<128x32xbf16>, vector<256x32xf32> -> vector<256x32xf32>
    %convert_element_type3A_589 = arith.truncf %dot_general3A_588 : vector<256x32xf32> to vector<256x32xbf16>
    %swap3A_590 = arith.constant 0 : index
    %swap3A_591 = arith.constant 736 : index
    %swap3A_592 = vector.load %arg11[%swap3A_590, %swap3A_591] : memref<256x1280xbf16, #tpu.memory_space<vmem>>, vector<256x32xbf16>
    tpu.vector_store %arg11[%swap3A_590, %swap3A_591], %convert_element_type3A_589 {strides = array<i32>} : memref<256x1280xbf16, #tpu.memory_space<vmem>>, vector<256x32xbf16>,
    %get3A_593 = arith.constant 0 : index
    %get3A_594 = arith.constant 24 : index
    %get3A_595 = vector.load %arg2[%get3A_593, %get3A_594] : memref<256x40xi32, #tpu.memory_space<vmem>>, vector<256x1xi32>
    %eq3A_596 = vector.broadcast %get3A_595 : vector<256x1xi32> to vector<256x128xi32>
    %eq3A_597 = vector.broadcast %select_n3A : vector<1x128xi32> to vector<256x128xi32>
    %eq3A_598 = arith.cmpi eq, %eq3A_596, %eq3A_597 : vector<256x128xi32>
    %get3A_599 = arith.constant 0 : index
    %get3A_600 = arith.constant 24 : index
    %get3A_601 = arith.constant 0 : index
    %get3A_602 = vector.load %arg1[%get3A_599, %get3A_600, %get3A_601] : memref<256x40x128xf32, #tpu.memory_space<vmem>>, vector<256x1x128xf32>
    %get3A_603 = vector.shape_cast %get3A_602 : vector<256x1x128xf32> to vector<256x128xf32>
    %jit3A_604 = arith.constant 0.000000e+00 : f32
    %broadcast_in_dim3A_605 = vector.broadcast %jit3A_604 : f32 to vector<256x128xf32>
    %select_n3A_606 = arith.select %eq3A_598, %get3A_603, %broadcast_in_dim3A_605 : vector<256x128xi1>, vector<256x128xf32>
    %convert_element_type3A_607 = arith.truncf %select_n3A_606 : vector<256x128xf32> to vector<256x128xbf16>
    %get3A_608 = arith.constant 0 : index
    %get3A_609 = arith.constant 0 : index
    %get3A_610 = vector.load %arg3[%get3A_608, %get3A_609] : memref<128x32xbf16, #tpu.memory_space<vmem>>, vector<128x32xbf16>
    %dot_general3A_611 = arith.constant dense<0.000000e+00> : vector<256x32xf32>
    %dot_general3A_612 = tpu.matmul %convert_element_type3A_607, %get3A_610, %dot_general3A_611 {dimension_numbers = #tpu.dot_dimension_numbers<[1], [0], [0], [1], [0, 0, 1, 1], [], []>, transpose_lhs_hint = false} : vector<256x128xbf16>, vector<128x32xbf16>, vector<256x32xf32> -> vector<256x32xf32>
    %convert_element_type3A_613 = arith.truncf %dot_general3A_612 : vector<256x32xf32> to vector<256x32xbf16>
    %swap3A_614 = arith.constant 0 : index
    %swap3A_615 = arith.constant 768 : index
    %swap3A_616 = vector.load %arg11[%swap3A_614, %swap3A_615] : memref<256x1280xbf16, #tpu.memory_space<vmem>>, vector<256x32xbf16>
    tpu.vector_store %arg11[%swap3A_614, %swap3A_615], %convert_element_type3A_613 {strides = array<i32>} : memref<256x1280xbf16, #tpu.memory_space<vmem>>, vector<256x32xbf16>,
    %get3A_617 = arith.constant 0 : index
    %get3A_618 = arith.constant 25 : index
    %get3A_619 = vector.load %arg2[%get3A_617, %get3A_618] : memref<256x40xi32, #tpu.memory_space<vmem>>, vector<256x1xi32>
    %eq3A_620 = vector.broadcast %get3A_619 : vector<256x1xi32> to vector<256x128xi32>
    %eq3A_621 = vector.broadcast %select_n3A : vector<1x128xi32> to vector<256x128xi32>
    %eq3A_622 = arith.cmpi eq, %eq3A_620, %eq3A_621 : vector<256x128xi32>
    %get3A_623 = arith.constant 0 : index
    %get3A_624 = arith.constant 25 : index
    %get3A_625 = arith.constant 0 : index
    %get3A_626 = vector.load %arg1[%get3A_623, %get3A_624, %get3A_625] : memref<256x40x128xf32, #tpu.memory_space<vmem>>, vector<256x1x128xf32>
    %get3A_627 = vector.shape_cast %get3A_626 : vector<256x1x128xf32> to vector<256x128xf32>
    %jit3A_628 = arith.constant 0.000000e+00 : f32
    %broadcast_in_dim3A_629 = vector.broadcast %jit3A_628 : f32 to vector<256x128xf32>
    %select_n3A_630 = arith.select %eq3A_622, %get3A_627, %broadcast_in_dim3A_629 : vector<256x128xi1>, vector<256x128xf32>
    %convert_element_type3A_631 = arith.truncf %select_n3A_630 : vector<256x128xf32> to vector<256x128xbf16>
    %get3A_632 = arith.constant 0 : index
    %get3A_633 = arith.constant 0 : index
    %get3A_634 = vector.load %arg3[%get3A_632, %get3A_633] : memref<128x32xbf16, #tpu.memory_space<vmem>>, vector<128x32xbf16>
    %dot_general3A_635 = arith.constant dense<0.000000e+00> : vector<256x32xf32>
    %dot_general3A_636 = tpu.matmul %convert_element_type3A_631, %get3A_634, %dot_general3A_635 {dimension_numbers = #tpu.dot_dimension_numbers<[1], [0], [0], [1], [0, 0, 1, 1], [], []>, transpose_lhs_hint = false} : vector<256x128xbf16>, vector<128x32xbf16>, vector<256x32xf32> -> vector<256x32xf32>
    %convert_element_type3A_637 = arith.truncf %dot_general3A_636 : vector<256x32xf32> to vector<256x32xbf16>
    %swap3A_638 = arith.constant 0 : index
    %swap3A_639 = arith.constant 800 : index
    %swap3A_640 = vector.load %arg11[%swap3A_638, %swap3A_639] : memref<256x1280xbf16, #tpu.memory_space<vmem>>, vector<256x32xbf16>
    tpu.vector_store %arg11[%swap3A_638, %swap3A_639], %convert_element_type3A_637 {strides = array<i32>} : memref<256x1280xbf16, #tpu.memory_space<vmem>>, vector<256x32xbf16>,
    %get3A_641 = arith.constant 0 : index
    %get3A_642 = arith.constant 26 : index
    %get3A_643 = vector.load %arg2[%get3A_641, %get3A_642] : memref<256x40xi32, #tpu.memory_space<vmem>>, vector<256x1xi32>
    %eq3A_644 = vector.broadcast %get3A_643 : vector<256x1xi32> to vector<256x128xi32>
    %eq3A_645 = vector.broadcast %select_n3A : vector<1x128xi32> to vector<256x128xi32>
    %eq3A_646 = arith.cmpi eq, %eq3A_644, %eq3A_645 : vector<256x128xi32>
    %get3A_647 = arith.constant 0 : index
    %get3A_648 = arith.constant 26 : index
    %get3A_649 = arith.constant 0 : index
    %get3A_650 = vector.load %arg1[%get3A_647, %get3A_648, %get3A_649] : memref<256x40x128xf32, #tpu.memory_space<vmem>>, vector<256x1x128xf32>
    %get3A_651 = vector.shape_cast %get3A_650 : vector<256x1x128xf32> to vector<256x128xf32>
    %jit3A_652 = arith.constant 0.000000e+00 : f32
    %broadcast_in_dim3A_653 = vector.broadcast %jit3A_652 : f32 to vector<256x128xf32>
    %select_n3A_654 = arith.select %eq3A_646, %get3A_651, %broadcast_in_dim3A_653 : vector<256x128xi1>, vector<256x128xf32>
    %convert_element_type3A_655 = arith.truncf %select_n3A_654 : vector<256x128xf32> to vector<256x128xbf16>
    %get3A_656 = arith.constant 0 : index
    %get3A_657 = arith.constant 0 : index
    %get3A_658 = vector.load %arg3[%get3A_656, %get3A_657] : memref<128x32xbf16, #tpu.memory_space<vmem>>, vector<128x32xbf16>
    %dot_general3A_659 = arith.constant dense<0.000000e+00> : vector<256x32xf32>
    %dot_general3A_660 = tpu.matmul %convert_element_type3A_655, %get3A_658, %dot_general3A_659 {dimension_numbers = #tpu.dot_dimension_numbers<[1], [0], [0], [1], [0, 0, 1, 1], [], []>, transpose_lhs_hint = false} : vector<256x128xbf16>, vector<128x32xbf16>, vector<256x32xf32> -> vector<256x32xf32>
    %convert_element_type3A_661 = arith.truncf %dot_general3A_660 : vector<256x32xf32> to vector<256x32xbf16>
    %swap3A_662 = arith.constant 0 : index
    %swap3A_663 = arith.constant 832 : index
    %swap3A_664 = vector.load %arg11[%swap3A_662, %swap3A_663] : memref<256x1280xbf16, #tpu.memory_space<vmem>>, vector<256x32xbf16>
    tpu.vector_store %arg11[%swap3A_662, %swap3A_663], %convert_element_type3A_661 {strides = array<i32>} : memref<256x1280xbf16, #tpu.memory_space<vmem>>, vector<256x32xbf16>,
    %get3A_665 = arith.constant 0 : index
    %get3A_666 = arith.constant 27 : index
    %get3A_667 = vector.load %arg2[%get3A_665, %get3A_666] : memref<256x40xi32, #tpu.memory_space<vmem>>, vector<256x1xi32>
    %eq3A_668 = vector.broadcast %get3A_667 : vector<256x1xi32> to vector<256x128xi32>
    %eq3A_669 = vector.broadcast %select_n3A : vector<1x128xi32> to vector<256x128xi32>
    %eq3A_670 = arith.cmpi eq, %eq3A_668, %eq3A_669 : vector<256x128xi32>
    %get3A_671 = arith.constant 0 : index
    %get3A_672 = arith.constant 27 : index
    %get3A_673 = arith.constant 0 : index
    %get3A_674 = vector.load %arg1[%get3A_671, %get3A_672, %get3A_673] : memref<256x40x128xf32, #tpu.memory_space<vmem>>, vector<256x1x128xf32>
    %get3A_675 = vector.shape_cast %get3A_674 : vector<256x1x128xf32> to vector<256x128xf32>
    %jit3A_676 = arith.constant 0.000000e+00 : f32
    %broadcast_in_dim3A_677 = vector.broadcast %jit3A_676 : f32 to vector<256x128xf32>
    %select_n3A_678 = arith.select %eq3A_670, %get3A_675, %broadcast_in_dim3A_677 : vector<256x128xi1>, vector<256x128xf32>
    %convert_element_type3A_679 = arith.truncf %select_n3A_678 : vector<256x128xf32> to vector<256x128xbf16>
    %get3A_680 = arith.constant 0 : index
    %get3A_681 = arith.constant 0 : index
    %get3A_682 = vector.load %arg3[%get3A_680, %get3A_681] : memref<128x32xbf16, #tpu.memory_space<vmem>>, vector<128x32xbf16>
    %dot_general3A_683 = arith.constant dense<0.000000e+00> : vector<256x32xf32>
    %dot_general3A_684 = tpu.matmul %convert_element_type3A_679, %get3A_682, %dot_general3A_683 {dimension_numbers = #tpu.dot_dimension_numbers<[1], [0], [0], [1], [0, 0, 1, 1], [], []>, transpose_lhs_hint = false} : vector<256x128xbf16>, vector<128x32xbf16>, vector<256x32xf32> -> vector<256x32xf32>
    %convert_element_type3A_685 = arith.truncf %dot_general3A_684 : vector<256x32xf32> to vector<256x32xbf16>
    %swap3A_686 = arith.constant 0 : index
    %swap3A_687 = arith.constant 864 : index
    %swap3A_688 = vector.load %arg11[%swap3A_686, %swap3A_687] : memref<256x1280xbf16, #tpu.memory_space<vmem>>, vector<256x32xbf16>
    tpu.vector_store %arg11[%swap3A_686, %swap3A_687], %convert_element_type3A_685 {strides = array<i32>} : memref<256x1280xbf16, #tpu.memory_space<vmem>>, vector<256x32xbf16>,
    %get3A_689 = arith.constant 0 : index
    %get3A_690 = arith.constant 28 : index
    %get3A_691 = vector.load %arg2[%get3A_689, %get3A_690] : memref<256x40xi32, #tpu.memory_space<vmem>>, vector<256x1xi32>
    %eq3A_692 = vector.broadcast %get3A_691 : vector<256x1xi32> to vector<256x128xi32>
    %eq3A_693 = vector.broadcast %select_n3A : vector<1x128xi32> to vector<256x128xi32>
    %eq3A_694 = arith.cmpi eq, %eq3A_692, %eq3A_693 : vector<256x128xi32>
    %get3A_695 = arith.constant 0 : index
    %get3A_696 = arith.constant 28 : index
    %get3A_697 = arith.constant 0 : index
    %get3A_698 = vector.load %arg1[%get3A_695, %get3A_696, %get3A_697] : memref<256x40x128xf32, #tpu.memory_space<vmem>>, vector<256x1x128xf32>
    %get3A_699 = vector.shape_cast %get3A_698 : vector<256x1x128xf32> to vector<256x128xf32>
    %jit3A_700 = arith.constant 0.000000e+00 : f32
    %broadcast_in_dim3A_701 = vector.broadcast %jit3A_700 : f32 to vector<256x128xf32>
    %select_n3A_702 = arith.select %eq3A_694, %get3A_699, %broadcast_in_dim3A_701 : vector<256x128xi1>, vector<256x128xf32>
    %convert_element_type3A_703 = arith.truncf %select_n3A_702 : vector<256x128xf32> to vector<256x128xbf16>
    %get3A_704 = arith.constant 0 : index
    %get3A_705 = arith.constant 0 : index
    %get3A_706 = vector.load %arg3[%get3A_704, %get3A_705] : memref<128x32xbf16, #tpu.memory_space<vmem>>, vector<128x32xbf16>
    %dot_general3A_707 = arith.constant dense<0.000000e+00> : vector<256x32xf32>
    %dot_general3A_708 = tpu.matmul %convert_element_type3A_703, %get3A_706, %dot_general3A_707 {dimension_numbers = #tpu.dot_dimension_numbers<[1], [0], [0], [1], [0, 0, 1, 1], [], []>, transpose_lhs_hint = false} : vector<256x128xbf16>, vector<128x32xbf16>, vector<256x32xf32> -> vector<256x32xf32>
    %convert_element_type3A_709 = arith.truncf %dot_general3A_708 : vector<256x32xf32> to vector<256x32xbf16>
    %swap3A_710 = arith.constant 0 : index
    %swap3A_711 = arith.constant 896 : index
    %swap3A_712 = vector.load %arg11[%swap3A_710, %swap3A_711] : memref<256x1280xbf16, #tpu.memory_space<vmem>>, vector<256x32xbf16>
    tpu.vector_store %arg11[%swap3A_710, %swap3A_711], %convert_element_type3A_709 {strides = array<i32>} : memref<256x1280xbf16, #tpu.memory_space<vmem>>, vector<256x32xbf16>,
    %get3A_713 = arith.constant 0 : index
    %get3A_714 = arith.constant 29 : index
    %get3A_715 = vector.load %arg2[%get3A_713, %get3A_714] : memref<256x40xi32, #tpu.memory_space<vmem>>, vector<256x1xi32>
    %eq3A_716 = vector.broadcast %get3A_715 : vector<256x1xi32> to vector<256x128xi32>
    %eq3A_717 = vector.broadcast %select_n3A : vector<1x128xi32> to vector<256x128xi32>
    %eq3A_718 = arith.cmpi eq, %eq3A_716, %eq3A_717 : vector<256x128xi32>
    %get3A_719 = arith.constant 0 : index
    %get3A_720 = arith.constant 29 : index
    %get3A_721 = arith.constant 0 : index
    %get3A_722 = vector.load %arg1[%get3A_719, %get3A_720, %get3A_721] : memref<256x40x128xf32, #tpu.memory_space<vmem>>, vector<256x1x128xf32>
    %get3A_723 = vector.shape_cast %get3A_722 : vector<256x1x128xf32> to vector<256x128xf32>
    %jit3A_724 = arith.constant 0.000000e+00 : f32
    %broadcast_in_dim3A_725 = vector.broadcast %jit3A_724 : f32 to vector<256x128xf32>
    %select_n3A_726 = arith.select %eq3A_718, %get3A_723, %broadcast_in_dim3A_725 : vector<256x128xi1>, vector<256x128xf32>
    %convert_element_type3A_727 = arith.truncf %select_n3A_726 : vector<256x128xf32> to vector<256x128xbf16>
    %get3A_728 = arith.constant 0 : index
    %get3A_729 = arith.constant 0 : index
    %get3A_730 = vector.load %arg3[%get3A_728, %get3A_729] : memref<128x32xbf16, #tpu.memory_space<vmem>>, vector<128x32xbf16>
    %dot_general3A_731 = arith.constant dense<0.000000e+00> : vector<256x32xf32>
    %dot_general3A_732 = tpu.matmul %convert_element_type3A_727, %get3A_730, %dot_general3A_731 {dimension_numbers = #tpu.dot_dimension_numbers<[1], [0], [0], [1], [0, 0, 1, 1], [], []>, transpose_lhs_hint = false} : vector<256x128xbf16>, vector<128x32xbf16>, vector<256x32xf32> -> vector<256x32xf32>
    %convert_element_type3A_733 = arith.truncf %dot_general3A_732 : vector<256x32xf32> to vector<256x32xbf16>
    %swap3A_734 = arith.constant 0 : index
    %swap3A_735 = arith.constant 928 : index
    %swap3A_736 = vector.load %arg11[%swap3A_734, %swap3A_735] : memref<256x1280xbf16, #tpu.memory_space<vmem>>, vector<256x32xbf16>
    tpu.vector_store %arg11[%swap3A_734, %swap3A_735], %convert_element_type3A_733 {strides = array<i32>} : memref<256x1280xbf16, #tpu.memory_space<vmem>>, vector<256x32xbf16>,
    %get3A_737 = arith.constant 0 : index
    %get3A_738 = arith.constant 30 : index
    %get3A_739 = vector.load %arg2[%get3A_737, %get3A_738] : memref<256x40xi32, #tpu.memory_space<vmem>>, vector<256x1xi32>
    %eq3A_740 = vector.broadcast %get3A_739 : vector<256x1xi32> to vector<256x128xi32>
    %eq3A_741 = vector.broadcast %select_n3A : vector<1x128xi32> to vector<256x128xi32>
    %eq3A_742 = arith.cmpi eq, %eq3A_740, %eq3A_741 : vector<256x128xi32>
    %get3A_743 = arith.constant 0 : index
    %get3A_744 = arith.constant 30 : index
    %get3A_745 = arith.constant 0 : index
    %get3A_746 = vector.load %arg1[%get3A_743, %get3A_744, %get3A_745] : memref<256x40x128xf32, #tpu.memory_space<vmem>>, vector<256x1x128xf32>
    %get3A_747 = vector.shape_cast %get3A_746 : vector<256x1x128xf32> to vector<256x128xf32>
    %jit3A_748 = arith.constant 0.000000e+00 : f32
    %broadcast_in_dim3A_749 = vector.broadcast %jit3A_748 : f32 to vector<256x128xf32>
    %select_n3A_750 = arith.select %eq3A_742, %get3A_747, %broadcast_in_dim3A_749 : vector<256x128xi1>, vector<256x128xf32>
    %convert_element_type3A_751 = arith.truncf %select_n3A_750 : vector<256x128xf32> to vector<256x128xbf16>
    %get3A_752 = arith.constant 0 : index
    %get3A_753 = arith.constant 0 : index
    %get3A_754 = vector.load %arg3[%get3A_752, %get3A_753] : memref<128x32xbf16, #tpu.memory_space<vmem>>, vector<128x32xbf16>
    %dot_general3A_755 = arith.constant dense<0.000000e+00> : vector<256x32xf32>
    %dot_general3A_756 = tpu.matmul %convert_element_type3A_751, %get3A_754, %dot_general3A_755 {dimension_numbers = #tpu.dot_dimension_numbers<[1], [0], [0], [1], [0, 0, 1, 1], [], []>, transpose_lhs_hint = false} : vector<256x128xbf16>, vector<128x32xbf16>, vector<256x32xf32> -> vector<256x32xf32>
    %convert_element_type3A_757 = arith.truncf %dot_general3A_756 : vector<256x32xf32> to vector<256x32xbf16>
    %swap3A_758 = arith.constant 0 : index
    %swap3A_759 = arith.constant 960 : index
    %swap3A_760 = vector.load %arg11[%swap3A_758, %swap3A_759] : memref<256x1280xbf16, #tpu.memory_space<vmem>>, vector<256x32xbf16>
    tpu.vector_store %arg11[%swap3A_758, %swap3A_759], %convert_element_type3A_757 {strides = array<i32>} : memref<256x1280xbf16, #tpu.memory_space<vmem>>, vector<256x32xbf16>,
    %get3A_761 = arith.constant 0 : index
    %get3A_762 = arith.constant 31 : index
    %get3A_763 = vector.load %arg2[%get3A_761, %get3A_762] : memref<256x40xi32, #tpu.memory_space<vmem>>, vector<256x1xi32>
    %eq3A_764 = vector.broadcast %get3A_763 : vector<256x1xi32> to vector<256x128xi32>
    %eq3A_765 = vector.broadcast %select_n3A : vector<1x128xi32> to vector<256x128xi32>
    %eq3A_766 = arith.cmpi eq, %eq3A_764, %eq3A_765 : vector<256x128xi32>
    %get3A_767 = arith.constant 0 : index
    %get3A_768 = arith.constant 31 : index
    %get3A_769 = arith.constant 0 : index
    %get3A_770 = vector.load %arg1[%get3A_767, %get3A_768, %get3A_769] : memref<256x40x128xf32, #tpu.memory_space<vmem>>, vector<256x1x128xf32>
    %get3A_771 = vector.shape_cast %get3A_770 : vector<256x1x128xf32> to vector<256x128xf32>
    %jit3A_772 = arith.constant 0.000000e+00 : f32
    %broadcast_in_dim3A_773 = vector.broadcast %jit3A_772 : f32 to vector<256x128xf32>
    %select_n3A_774 = arith.select %eq3A_766, %get3A_771, %broadcast_in_dim3A_773 : vector<256x128xi1>, vector<256x128xf32>
    %convert_element_type3A_775 = arith.truncf %select_n3A_774 : vector<256x128xf32> to vector<256x128xbf16>
    %get3A_776 = arith.constant 0 : index
    %get3A_777 = arith.constant 0 : index
    %get3A_778 = vector.load %arg3[%get3A_776, %get3A_777] : memref<128x32xbf16, #tpu.memory_space<vmem>>, vector<128x32xbf16>
    %dot_general3A_779 = arith.constant dense<0.000000e+00> : vector<256x32xf32>
    %dot_general3A_780 = tpu.matmul %convert_element_type3A_775, %get3A_778, %dot_general3A_779 {dimension_numbers = #tpu.dot_dimension_numbers<[1], [0], [0], [1], [0, 0, 1, 1], [], []>, transpose_lhs_hint = false} : vector<256x128xbf16>, vector<128x32xbf16>, vector<256x32xf32> -> vector<256x32xf32>
    %convert_element_type3A_781 = arith.truncf %dot_general3A_780 : vector<256x32xf32> to vector<256x32xbf16>
    %swap3A_782 = arith.constant 0 : index
    %swap3A_783 = arith.constant 992 : index
    %swap3A_784 = vector.load %arg11[%swap3A_782, %swap3A_783] : memref<256x1280xbf16, #tpu.memory_space<vmem>>, vector<256x32xbf16>
    tpu.vector_store %arg11[%swap3A_782, %swap3A_783], %convert_element_type3A_781 {strides = array<i32>} : memref<256x1280xbf16, #tpu.memory_space<vmem>>, vector<256x32xbf16>,
    %get3A_785 = arith.constant 0 : index
    %get3A_786 = arith.constant 32 : index
    %get3A_787 = vector.load %arg2[%get3A_785, %get3A_786] : memref<256x40xi32, #tpu.memory_space<vmem>>, vector<256x1xi32>
    %eq3A_788 = vector.broadcast %get3A_787 : vector<256x1xi32> to vector<256x128xi32>
    %eq3A_789 = vector.broadcast %select_n3A : vector<1x128xi32> to vector<256x128xi32>
    %eq3A_790 = arith.cmpi eq, %eq3A_788, %eq3A_789 : vector<256x128xi32>
    %get3A_791 = arith.constant 0 : index
    %get3A_792 = arith.constant 32 : index
    %get3A_793 = arith.constant 0 : index
    %get3A_794 = vector.load %arg1[%get3A_791, %get3A_792, %get3A_793] : memref<256x40x128xf32, #tpu.memory_space<vmem>>, vector<256x1x128xf32>
    %get3A_795 = vector.shape_cast %get3A_794 : vector<256x1x128xf32> to vector<256x128xf32>
    %jit3A_796 = arith.constant 0.000000e+00 : f32
    %broadcast_in_dim3A_797 = vector.broadcast %jit3A_796 : f32 to vector<256x128xf32>
    %select_n3A_798 = arith.select %eq3A_790, %get3A_795, %broadcast_in_dim3A_797 : vector<256x128xi1>, vector<256x128xf32>
    %convert_element_type3A_799 = arith.truncf %select_n3A_798 : vector<256x128xf32> to vector<256x128xbf16>
    %get3A_800 = arith.constant 0 : index
    %get3A_801 = arith.constant 0 : index
    %get3A_802 = vector.load %arg3[%get3A_800, %get3A_801] : memref<128x32xbf16, #tpu.memory_space<vmem>>, vector<128x32xbf16>
    %dot_general3A_803 = arith.constant dense<0.000000e+00> : vector<256x32xf32>
    %dot_general3A_804 = tpu.matmul %convert_element_type3A_799, %get3A_802, %dot_general3A_803 {dimension_numbers = #tpu.dot_dimension_numbers<[1], [0], [0], [1], [0, 0, 1, 1], [], []>, transpose_lhs_hint = false} : vector<256x128xbf16>, vector<128x32xbf16>, vector<256x32xf32> -> vector<256x32xf32>
    %convert_element_type3A_805 = arith.truncf %dot_general3A_804 : vector<256x32xf32> to vector<256x32xbf16>
    %swap3A_806 = arith.constant 0 : index
    %swap3A_807 = arith.constant 1024 : index
    %swap3A_808 = vector.load %arg11[%swap3A_806, %swap3A_807] : memref<256x1280xbf16, #tpu.memory_space<vmem>>, vector<256x32xbf16>
    tpu.vector_store %arg11[%swap3A_806, %swap3A_807], %convert_element_type3A_805 {strides = array<i32>} : memref<256x1280xbf16, #tpu.memory_space<vmem>>, vector<256x32xbf16>,
    %get3A_809 = arith.constant 0 : index
    %get3A_810 = arith.constant 33 : index
    %get3A_811 = vector.load %arg2[%get3A_809, %get3A_810] : memref<256x40xi32, #tpu.memory_space<vmem>>, vector<256x1xi32>
    %eq3A_812 = vector.broadcast %get3A_811 : vector<256x1xi32> to vector<256x128xi32>
    %eq3A_813 = vector.broadcast %select_n3A : vector<1x128xi32> to vector<256x128xi32>
    %eq3A_814 = arith.cmpi eq, %eq3A_812, %eq3A_813 : vector<256x128xi32>
    %get3A_815 = arith.constant 0 : index
    %get3A_816 = arith.constant 33 : index
    %get3A_817 = arith.constant 0 : index
    %get3A_818 = vector.load %arg1[%get3A_815, %get3A_816, %get3A_817] : memref<256x40x128xf32, #tpu.memory_space<vmem>>, vector<256x1x128xf32>
    %get3A_819 = vector.shape_cast %get3A_818 : vector<256x1x128xf32> to vector<256x128xf32>
    %jit3A_820 = arith.constant 0.000000e+00 : f32
    %broadcast_in_dim3A_821 = vector.broadcast %jit3A_820 : f32 to vector<256x128xf32>
    %select_n3A_822 = arith.select %eq3A_814, %get3A_819, %broadcast_in_dim3A_821 : vector<256x128xi1>, vector<256x128xf32>
    %convert_element_type3A_823 = arith.truncf %select_n3A_822 : vector<256x128xf32> to vector<256x128xbf16>
    %get3A_824 = arith.constant 0 : index
    %get3A_825 = arith.constant 0 : index
    %get3A_826 = vector.load %arg3[%get3A_824, %get3A_825] : memref<128x32xbf16, #tpu.memory_space<vmem>>, vector<128x32xbf16>
    %dot_general3A_827 = arith.constant dense<0.000000e+00> : vector<256x32xf32>
    %dot_general3A_828 = tpu.matmul %convert_element_type3A_823, %get3A_826, %dot_general3A_827 {dimension_numbers = #tpu.dot_dimension_numbers<[1], [0], [0], [1], [0, 0, 1, 1], [], []>, transpose_lhs_hint = false} : vector<256x128xbf16>, vector<128x32xbf16>, vector<256x32xf32> -> vector<256x32xf32>
    %convert_element_type3A_829 = arith.truncf %dot_general3A_828 : vector<256x32xf32> to vector<256x32xbf16>
    %swap3A_830 = arith.constant 0 : index
    %swap3A_831 = arith.constant 1056 : index
    %swap3A_832 = vector.load %arg11[%swap3A_830, %swap3A_831] : memref<256x1280xbf16, #tpu.memory_space<vmem>>, vector<256x32xbf16>
    tpu.vector_store %arg11[%swap3A_830, %swap3A_831], %convert_element_type3A_829 {strides = array<i32>} : memref<256x1280xbf16, #tpu.memory_space<vmem>>, vector<256x32xbf16>,
    %get3A_833 = arith.constant 0 : index
    %get3A_834 = arith.constant 34 : index
    %get3A_835 = vector.load %arg2[%get3A_833, %get3A_834] : memref<256x40xi32, #tpu.memory_space<vmem>>, vector<256x1xi32>
    %eq3A_836 = vector.broadcast %get3A_835 : vector<256x1xi32> to vector<256x128xi32>
    %eq3A_837 = vector.broadcast %select_n3A : vector<1x128xi32> to vector<256x128xi32>
    %eq3A_838 = arith.cmpi eq, %eq3A_836, %eq3A_837 : vector<256x128xi32>
    %get3A_839 = arith.constant 0 : index
    %get3A_840 = arith.constant 34 : index
    %get3A_841 = arith.constant 0 : index
    %get3A_842 = vector.load %arg1[%get3A_839, %get3A_840, %get3A_841] : memref<256x40x128xf32, #tpu.memory_space<vmem>>, vector<256x1x128xf32>
    %get3A_843 = vector.shape_cast %get3A_842 : vector<256x1x128xf32> to vector<256x128xf32>
    %jit3A_844 = arith.constant 0.000000e+00 : f32
    %broadcast_in_dim3A_845 = vector.broadcast %jit3A_844 : f32 to vector<256x128xf32>
    %select_n3A_846 = arith.select %eq3A_838, %get3A_843, %broadcast_in_dim3A_845 : vector<256x128xi1>, vector<256x128xf32>
    %convert_element_type3A_847 = arith.truncf %select_n3A_846 : vector<256x128xf32> to vector<256x128xbf16>
    %get3A_848 = arith.constant 0 : index
    %get3A_849 = arith.constant 0 : index
    %get3A_850 = vector.load %arg3[%get3A_848, %get3A_849] : memref<128x32xbf16, #tpu.memory_space<vmem>>, vector<128x32xbf16>
    %dot_general3A_851 = arith.constant dense<0.000000e+00> : vector<256x32xf32>
    %dot_general3A_852 = tpu.matmul %convert_element_type3A_847, %get3A_850, %dot_general3A_851 {dimension_numbers = #tpu.dot_dimension_numbers<[1], [0], [0], [1], [0, 0, 1, 1], [], []>, transpose_lhs_hint = false} : vector<256x128xbf16>, vector<128x32xbf16>, vector<256x32xf32> -> vector<256x32xf32>
    %convert_element_type3A_853 = arith.truncf %dot_general3A_852 : vector<256x32xf32> to vector<256x32xbf16>
    %swap3A_854 = arith.constant 0 : index
    %swap3A_855 = arith.constant 1088 : index
    %swap3A_856 = vector.load %arg11[%swap3A_854, %swap3A_855] : memref<256x1280xbf16, #tpu.memory_space<vmem>>, vector<256x32xbf16>
    tpu.vector_store %arg11[%swap3A_854, %swap3A_855], %convert_element_type3A_853 {strides = array<i32>} : memref<256x1280xbf16, #tpu.memory_space<vmem>>, vector<256x32xbf16>,
    %get3A_857 = arith.constant 0 : index
    %get3A_858 = arith.constant 35 : index
    %get3A_859 = vector.load %arg2[%get3A_857, %get3A_858] : memref<256x40xi32, #tpu.memory_space<vmem>>, vector<256x1xi32>
    %eq3A_860 = vector.broadcast %get3A_859 : vector<256x1xi32> to vector<256x128xi32>
    %eq3A_861 = vector.broadcast %select_n3A : vector<1x128xi32> to vector<256x128xi32>
    %eq3A_862 = arith.cmpi eq, %eq3A_860, %eq3A_861 : vector<256x128xi32>
    %get3A_863 = arith.constant 0 : index
    %get3A_864 = arith.constant 35 : index
    %get3A_865 = arith.constant 0 : index
    %get3A_866 = vector.load %arg1[%get3A_863, %get3A_864, %get3A_865] : memref<256x40x128xf32, #tpu.memory_space<vmem>>, vector<256x1x128xf32>
    %get3A_867 = vector.shape_cast %get3A_866 : vector<256x1x128xf32> to vector<256x128xf32>
    %jit3A_868 = arith.constant 0.000000e+00 : f32
    %broadcast_in_dim3A_869 = vector.broadcast %jit3A_868 : f32 to vector<256x128xf32>
    %select_n3A_870 = arith.select %eq3A_862, %get3A_867, %broadcast_in_dim3A_869 : vector<256x128xi1>, vector<256x128xf32>
    %convert_element_type3A_871 = arith.truncf %select_n3A_870 : vector<256x128xf32> to vector<256x128xbf16>
    %get3A_872 = arith.constant 0 : index
    %get3A_873 = arith.constant 0 : index
    %get3A_874 = vector.load %arg3[%get3A_872, %get3A_873] : memref<128x32xbf16, #tpu.memory_space<vmem>>, vector<128x32xbf16>
    %dot_general3A_875 = arith.constant dense<0.000000e+00> : vector<256x32xf32>
    %dot_general3A_876 = tpu.matmul %convert_element_type3A_871, %get3A_874, %dot_general3A_875 {dimension_numbers = #tpu.dot_dimension_numbers<[1], [0], [0], [1], [0, 0, 1, 1], [], []>, transpose_lhs_hint = false} : vector<256x128xbf16>, vector<128x32xbf16>, vector<256x32xf32> -> vector<256x32xf32>
    %convert_element_type3A_877 = arith.truncf %dot_general3A_876 : vector<256x32xf32> to vector<256x32xbf16>
    %swap3A_878 = arith.constant 0 : index
    %swap3A_879 = arith.constant 1120 : index
    %swap3A_880 = vector.load %arg11[%swap3A_878, %swap3A_879] : memref<256x1280xbf16, #tpu.memory_space<vmem>>, vector<256x32xbf16>
    tpu.vector_store %arg11[%swap3A_878, %swap3A_879], %convert_element_type3A_877 {strides = array<i32>} : memref<256x1280xbf16, #tpu.memory_space<vmem>>, vector<256x32xbf16>,
    %get3A_881 = arith.constant 0 : index
    %get3A_882 = arith.constant 36 : index
    %get3A_883 = vector.load %arg2[%get3A_881, %get3A_882] : memref<256x40xi32, #tpu.memory_space<vmem>>, vector<256x1xi32>
    %eq3A_884 = vector.broadcast %get3A_883 : vector<256x1xi32> to vector<256x128xi32>
    %eq3A_885 = vector.broadcast %select_n3A : vector<1x128xi32> to vector<256x128xi32>
    %eq3A_886 = arith.cmpi eq, %eq3A_884, %eq3A_885 : vector<256x128xi32>
    %get3A_887 = arith.constant 0 : index
    %get3A_888 = arith.constant 36 : index
    %get3A_889 = arith.constant 0 : index
    %get3A_890 = vector.load %arg1[%get3A_887, %get3A_888, %get3A_889] : memref<256x40x128xf32, #tpu.memory_space<vmem>>, vector<256x1x128xf32>
    %get3A_891 = vector.shape_cast %get3A_890 : vector<256x1x128xf32> to vector<256x128xf32>
    %jit3A_892 = arith.constant 0.000000e+00 : f32
    %broadcast_in_dim3A_893 = vector.broadcast %jit3A_892 : f32 to vector<256x128xf32>
    %select_n3A_894 = arith.select %eq3A_886, %get3A_891, %broadcast_in_dim3A_893 : vector<256x128xi1>, vector<256x128xf32>
    %convert_element_type3A_895 = arith.truncf %select_n3A_894 : vector<256x128xf32> to vector<256x128xbf16>
    %get3A_896 = arith.constant 0 : index
    %get3A_897 = arith.constant 0 : index
    %get3A_898 = vector.load %arg3[%get3A_896, %get3A_897] : memref<128x32xbf16, #tpu.memory_space<vmem>>, vector<128x32xbf16>
    %dot_general3A_899 = arith.constant dense<0.000000e+00> : vector<256x32xf32>
    %dot_general3A_900 = tpu.matmul %convert_element_type3A_895, %get3A_898, %dot_general3A_899 {dimension_numbers = #tpu.dot_dimension_numbers<[1], [0], [0], [1], [0, 0, 1, 1], [], []>, transpose_lhs_hint = false} : vector<256x128xbf16>, vector<128x32xbf16>, vector<256x32xf32> -> vector<256x32xf32>
    %convert_element_type3A_901 = arith.truncf %dot_general3A_900 : vector<256x32xf32> to vector<256x32xbf16>
    %swap3A_902 = arith.constant 0 : index
    %swap3A_903 = arith.constant 1152 : index
    %swap3A_904 = vector.load %arg11[%swap3A_902, %swap3A_903] : memref<256x1280xbf16, #tpu.memory_space<vmem>>, vector<256x32xbf16>
    tpu.vector_store %arg11[%swap3A_902, %swap3A_903], %convert_element_type3A_901 {strides = array<i32>} : memref<256x1280xbf16, #tpu.memory_space<vmem>>, vector<256x32xbf16>,
    %get3A_905 = arith.constant 0 : index
    %get3A_906 = arith.constant 37 : index
    %get3A_907 = vector.load %arg2[%get3A_905, %get3A_906] : memref<256x40xi32, #tpu.memory_space<vmem>>, vector<256x1xi32>
    %eq3A_908 = vector.broadcast %get3A_907 : vector<256x1xi32> to vector<256x128xi32>
    %eq3A_909 = vector.broadcast %select_n3A : vector<1x128xi32> to vector<256x128xi32>
    %eq3A_910 = arith.cmpi eq, %eq3A_908, %eq3A_909 : vector<256x128xi32>
    %get3A_911 = arith.constant 0 : index
    %get3A_912 = arith.constant 37 : index
    %get3A_913 = arith.constant 0 : index
    %get3A_914 = vector.load %arg1[%get3A_911, %get3A_912, %get3A_913] : memref<256x40x128xf32, #tpu.memory_space<vmem>>, vector<256x1x128xf32>
    %get3A_915 = vector.shape_cast %get3A_914 : vector<256x1x128xf32> to vector<256x128xf32>
    %jit3A_916 = arith.constant 0.000000e+00 : f32
    %broadcast_in_dim3A_917 = vector.broadcast %jit3A_916 : f32 to vector<256x128xf32>
    %select_n3A_918 = arith.select %eq3A_910, %get3A_915, %broadcast_in_dim3A_917 : vector<256x128xi1>, vector<256x128xf32>
    %convert_element_type3A_919 = arith.truncf %select_n3A_918 : vector<256x128xf32> to vector<256x128xbf16>
    %get3A_920 = arith.constant 0 : index
    %get3A_921 = arith.constant 0 : index
    %get3A_922 = vector.load %arg3[%get3A_920, %get3A_921] : memref<128x32xbf16, #tpu.memory_space<vmem>>, vector<128x32xbf16>
    %dot_general3A_923 = arith.constant dense<0.000000e+00> : vector<256x32xf32>
    %dot_general3A_924 = tpu.matmul %convert_element_type3A_919, %get3A_922, %dot_general3A_923 {dimension_numbers = #tpu.dot_dimension_numbers<[1], [0], [0], [1], [0, 0, 1, 1], [], []>, transpose_lhs_hint = false} : vector<256x128xbf16>, vector<128x32xbf16>, vector<256x32xf32> -> vector<256x32xf32>
    %convert_element_type3A_925 = arith.truncf %dot_general3A_924 : vector<256x32xf32> to vector<256x32xbf16>
    %swap3A_926 = arith.constant 0 : index
    %swap3A_927 = arith.constant 1184 : index
    %swap3A_928 = vector.load %arg11[%swap3A_926, %swap3A_927] : memref<256x1280xbf16, #tpu.memory_space<vmem>>, vector<256x32xbf16>
    tpu.vector_store %arg11[%swap3A_926, %swap3A_927], %convert_element_type3A_925 {strides = array<i32>} : memref<256x1280xbf16, #tpu.memory_space<vmem>>, vector<256x32xbf16>,
    %get3A_929 = arith.constant 0 : index
    %get3A_930 = arith.constant 38 : index
    %get3A_931 = vector.load %arg2[%get3A_929, %get3A_930] : memref<256x40xi32, #tpu.memory_space<vmem>>, vector<256x1xi32>
    %eq3A_932 = vector.broadcast %get3A_931 : vector<256x1xi32> to vector<256x128xi32>
    %eq3A_933 = vector.broadcast %select_n3A : vector<1x128xi32> to vector<256x128xi32>
    %eq3A_934 = arith.cmpi eq, %eq3A_932, %eq3A_933 : vector<256x128xi32>
    %get3A_935 = arith.constant 0 : index
    %get3A_936 = arith.constant 38 : index
    %get3A_937 = arith.constant 0 : index
    %get3A_938 = vector.load %arg1[%get3A_935, %get3A_936, %get3A_937] : memref<256x40x128xf32, #tpu.memory_space<vmem>>, vector<256x1x128xf32>
    %get3A_939 = vector.shape_cast %get3A_938 : vector<256x1x128xf32> to vector<256x128xf32>
    %jit3A_940 = arith.constant 0.000000e+00 : f32
    %broadcast_in_dim3A_941 = vector.broadcast %jit3A_940 : f32 to vector<256x128xf32>
    %select_n3A_942 = arith.select %eq3A_934, %get3A_939, %broadcast_in_dim3A_941 : vector<256x128xi1>, vector<256x128xf32>
    %convert_element_type3A_943 = arith.truncf %select_n3A_942 : vector<256x128xf32> to vector<256x128xbf16>
    %get3A_944 = arith.constant 0 : index
    %get3A_945 = arith.constant 0 : index
    %get3A_946 = vector.load %arg3[%get3A_944, %get3A_945] : memref<128x32xbf16, #tpu.memory_space<vmem>>, vector<128x32xbf16>
    %dot_general3A_947 = arith.constant dense<0.000000e+00> : vector<256x32xf32>
    %dot_general3A_948 = tpu.matmul %convert_element_type3A_943, %get3A_946, %dot_general3A_947 {dimension_numbers = #tpu.dot_dimension_numbers<[1], [0], [0], [1], [0, 0, 1, 1], [], []>, transpose_lhs_hint = false} : vector<256x128xbf16>, vector<128x32xbf16>, vector<256x32xf32> -> vector<256x32xf32>
    %convert_element_type3A_949 = arith.truncf %dot_general3A_948 : vector<256x32xf32> to vector<256x32xbf16>
    %swap3A_950 = arith.constant 0 : index
    %swap3A_951 = arith.constant 1216 : index
    %swap3A_952 = vector.load %arg11[%swap3A_950, %swap3A_951] : memref<256x1280xbf16, #tpu.memory_space<vmem>>, vector<256x32xbf16>
    tpu.vector_store %arg11[%swap3A_950, %swap3A_951], %convert_element_type3A_949 {strides = array<i32>} : memref<256x1280xbf16, #tpu.memory_space<vmem>>, vector<256x32xbf16>,
    %get3A_953 = arith.constant 0 : index
    %get3A_954 = arith.constant 39 : index
    %get3A_955 = vector.load %arg2[%get3A_953, %get3A_954] : memref<256x40xi32, #tpu.memory_space<vmem>>, vector<256x1xi32>
    %eq3A_956 = vector.broadcast %get3A_955 : vector<256x1xi32> to vector<256x128xi32>
    %eq3A_957 = vector.broadcast %select_n3A : vector<1x128xi32> to vector<256x128xi32>
    %eq3A_958 = arith.cmpi eq, %eq3A_956, %eq3A_957 : vector<256x128xi32>
    %get3A_959 = arith.constant 0 : index
    %get3A_960 = arith.constant 39 : index
    %get3A_961 = arith.constant 0 : index
    %get3A_962 = vector.load %arg1[%get3A_959, %get3A_960, %get3A_961] : memref<256x40x128xf32, #tpu.memory_space<vmem>>, vector<256x1x128xf32>
    %get3A_963 = vector.shape_cast %get3A_962 : vector<256x1x128xf32> to vector<256x128xf32>
    %jit3A_964 = arith.constant 0.000000e+00 : f32
    %broadcast_in_dim3A_965 = vector.broadcast %jit3A_964 : f32 to vector<256x128xf32>
    %select_n3A_966 = arith.select %eq3A_958, %get3A_963, %broadcast_in_dim3A_965 : vector<256x128xi1>, vector<256x128xf32>
    %convert_element_type3A_967 = arith.truncf %select_n3A_966 : vector<256x128xf32> to vector<256x128xbf16>
    %get3A_968 = arith.constant 0 : index
    %get3A_969 = arith.constant 0 : index
    %get3A_970 = vector.load %arg3[%get3A_968, %get3A_969] : memref<128x32xbf16, #tpu.memory_space<vmem>>, vector<128x32xbf16>
    %dot_general3A_971 = arith.constant dense<0.000000e+00> : vector<256x32xf32>
    %dot_general3A_972 = tpu.matmul %convert_element_type3A_967, %get3A_970, %dot_general3A_971 {dimension_numbers = #tpu.dot_dimension_numbers<[1], [0], [0], [1], [0, 0, 1, 1], [], []>, transpose_lhs_hint = false} : vector<256x128xbf16>, vector<128x32xbf16>, vector<256x32xf32> -> vector<256x32xf32>
    %convert_element_type3A_973 = arith.truncf %dot_general3A_972 : vector<256x32xf32> to vector<256x32xbf16>
    %swap3A_974 = arith.constant 0 : index
    %swap3A_975 = arith.constant 1248 : index
    %swap3A_976 = vector.load %arg11[%swap3A_974, %swap3A_975] : memref<256x1280xbf16, #tpu.memory_space<vmem>>, vector<256x32xbf16>
    tpu.vector_store %arg11[%swap3A_974, %swap3A_975], %convert_element_type3A_973 {strides = array<i32>} : memref<256x1280xbf16, #tpu.memory_space<vmem>>, vector<256x32xbf16>,
    %get3A_977 = arith.constant 0 : index
    %get3A_978 = arith.constant 0 : index
    %get3A_979 = vector.load %arg11[%get3A_977, %get3A_978] : memref<256x1280xbf16, #tpu.memory_space<vmem>>, vector<256x1280xbf16>
    %get3A_980 = arith.constant 0 : index
    %get3A_981 = arith.constant 0 : index
    %get3A_982 = vector.load %arg4[%get3A_980, %get3A_981] : memref<1280x1280xbf16, #tpu.memory_space<vmem>>, vector<1280x1280xbf16>
    %dot_general3A_983 = arith.constant dense<0.000000e+00> : vector<256x1280xf32>
    %dot_general3A_984 = tpu.matmul %get3A_979, %get3A_982, %dot_general3A_983 {dimension_numbers = #tpu.dot_dimension_numbers<[1], [1], [0], [0], [0, 0, 1, 0], [], []>, transpose_lhs_hint = false} : vector<256x1280xbf16>, vector<1280x1280xbf16>, vector<256x1280xf32> -> vector<256x1280xf32>
    %get3A_985 = arith.constant 0 : index
    %get3A_986 = arith.constant 0 : index
    %get3A_987 = vector.load %arg5[%get3A_985, %get3A_986] : memref<1x1280xf32, #tpu.memory_space<vmem>>, vector<1x1280xf32>
    %add3A = vector.broadcast %get3A_987 : vector<1x1280xf32> to vector<256x1280xf32>
    %add3A_988 = arith.addf %dot_general3A_984, %add3A : vector<256x1280xf32>
    %ge3A = arith.constant 0.000000e+00 : f32
    %ge3A_989 = vector.broadcast %ge3A : f32 to vector<256x1280xf32>
    %ge3A_990 = arith.cmpf oge, %add3A_988, %ge3A_989 : vector<256x1280xf32>
    %mul3A = arith.constant 0.00999999977 : f32
    %mul3A_991 = vector.broadcast %mul3A : f32 to vector<256x1280xf32>
    %mul3A_992 = arith.mulf %mul3A_991, %add3A_988 : vector<256x1280xf32>
    %select_n3A_993 = arith.select %ge3A_990, %add3A_988, %mul3A_992 : vector<256x1280xi1>, vector<256x1280xf32>
    %convert_element_type3A_994 = arith.truncf %select_n3A_993 : vector<256x1280xf32> to vector<256x1280xbf16>
    %get3A_995 = arith.constant 0 : index
    %get3A_996 = arith.constant 0 : index
    %get3A_997 = vector.load %arg6[%get3A_995, %get3A_996] : memref<256x1280xbf16, #tpu.memory_space<vmem>>, vector<256x1280xbf16>
    %dot_general3A_998 = arith.constant dense<0.000000e+00> : vector<256x256xf32>
    %dot_general3A_999 = tpu.matmul %convert_element_type3A_994, %get3A_997, %dot_general3A_998 {dimension_numbers = #tpu.dot_dimension_numbers<[1], [1], [0], [0], [0, 0, 1, 0], [], []>, transpose_lhs_hint = false} : vector<256x1280xbf16>, vector<256x1280xbf16>, vector<256x256xf32> -> vector<256x256xf32>
    %get3A_1000 = arith.constant 0 : index
    %get3A_1001 = arith.constant 0 : index
    %get3A_1002 = vector.load %arg7[%get3A_1000, %get3A_1001] : memref<1x256xf32, #tpu.memory_space<vmem>>, vector<1x256xf32>
    %add3A_1003 = vector.broadcast %get3A_1002 : vector<1x256xf32> to vector<256x256xf32>
    %add3A_1004 = arith.addf %dot_general3A_999, %add3A_1003 : vector<256x256xf32>
    %ge3A_1005 = arith.constant 0.000000e+00 : f32
    %ge3A_1006 = vector.broadcast %ge3A_1005 : f32 to vector<256x256xf32>
    %ge3A_1007 = arith.cmpf oge, %add3A_1004, %ge3A_1006 : vector<256x256xf32>
    %mul3A_1008 = arith.constant 0.00999999977 : f32
    %mul3A_1009 = vector.broadcast %mul3A_1008 : f32 to vector<256x256xf32>
    %mul3A_1010 = arith.mulf %mul3A_1009, %add3A_1004 : vector<256x256xf32>
    %select_n3A_1011 = arith.select %ge3A_1007, %add3A_1004, %mul3A_1010 : vector<256x256xi1>, vector<256x256xf32>
    %convert_element_type3A_1012 = arith.truncf %select_n3A_1011 : vector<256x256xf32> to vector<256x256xbf16>
    %get3A_1013 = arith.constant 0 : index
    %get3A_1014 = arith.constant 0 : index
    %get3A_1015 = vector.load %arg8[%get3A_1013, %get3A_1014] : memref<32x256xbf16, #tpu.memory_space<vmem>>, vector<32x256xbf16>
    %dot_general3A_1016 = arith.constant dense<0.000000e+00> : vector<256x32xf32>
    %dot_general3A_1017 = tpu.matmul %convert_element_type3A_1012, %get3A_1015, %dot_general3A_1016 {dimension_numbers = #tpu.dot_dimension_numbers<[1], [1], [0], [0], [0, 0, 1, 0], [], []>, transpose_lhs_hint = false} : vector<256x256xbf16>, vector<32x256xbf16>, vector<256x32xf32> -> vector<256x32xf32>
    %get3A_1018 = arith.constant 0 : index
    %get3A_1019 = arith.constant 0 : index
    %get3A_1020 = vector.load %arg9[%get3A_1018, %get3A_1019] : memref<1x32xf32, #tpu.memory_space<vmem>>, vector<1x32xf32>
    %add3A_1021 = vector.broadcast %get3A_1020 : vector<1x32xf32> to vector<256x32xf32>
    %add3A_1022 = arith.addf %dot_general3A_1017, %add3A_1021 : vector<256x32xf32>
    %ge3A_1023 = arith.constant 0.000000e+00 : f32
    %ge3A_1024 = vector.broadcast %ge3A_1023 : f32 to vector<256x32xf32>
    %ge3A_1025 = arith.cmpf oge, %add3A_1022, %ge3A_1024 : vector<256x32xf32>
    %mul3A_1026 = arith.constant 0.00999999977 : f32
    %mul3A_1027 = vector.broadcast %mul3A_1026 : f32 to vector<256x32xf32>
    %mul3A_1028 = arith.mulf %mul3A_1027, %add3A_1022 : vector<256x32xf32>
    %select_n3A_1029 = arith.select %ge3A_1025, %add3A_1022, %mul3A_1028 : vector<256x32xi1>, vector<256x32xf32>
    %swap3A_1030 = arith.constant 0 : index
    %swap3A_1031 = arith.constant 0 : index
    %swap3A_1032 = vector.load %arg10[%swap3A_1030, %swap3A_1031] : memref<256x32xf32, #tpu.memory_space<vmem>>, vector<256x32xf32>
    tpu.vector_store %arg10[%swap3A_1030, %swap3A_1031], %select_n3A_1029 {strides = array<i32>} : memref<256x32xf32, #tpu.memory_space<vmem>>, vector<256x32xf32>,
    return
  }
  func.func @transform_0(%arg0: i32) -> (i32, i32, i32) {
    %c0_i32 = arith.constant 0 : i32
    %c0_i32_0 = arith.constant 0 : i32
    %c0_i32_1 = arith.constant 0 : i32
    return %arg0, %c0_i32, %c0_i32_0 : i32, i32, i32
  }
  func.func @transform_1(%arg0: i32) -> (i32, i32) {
    %c0_i32 = arith.constant 0 : i32
    %c0_i32_0 = arith.constant 0 : i32
    return %arg0, %c0_i32 : i32, i32
  }
  func.func @transform_2(%arg0: i32) -> (i32, i32) {
    %c0_i32 = arith.constant 0 : i32
    %c0_i32_0 = arith.constant 0 : i32
    %c0_i32_1 = arith.constant 0 : i32
    return %c0_i32, %c0_i32_0 : i32, i32
  }
  func.func @transform_3(%arg0: i32) -> (i32, i32) {
    %c0_i32 = arith.constant 0 : i32
    %c0_i32_0 = arith.constant 0 : i32
    %c0_i32_1 = arith.constant 0 : i32
    return %c0_i32, %c0_i32_0 : i32, i32
  }
  func.func @transform_4(%arg0: i32) -> (i32, i32) {
    %c0_i32 = arith.constant 0 : i32
    %c0_i32_0 = arith.constant 0 : i32
    %c0_i32_1 = arith.constant 0 : i32
    return %c0_i32, %c0_i32_0 : i32, i32
  }
  func.func @transform_5(%arg0: i32) -> (i32, i32) {
    %c0_i32 = arith.constant 0 : i32
    %c0_i32_0 = arith.constant 0 : i32
    %c0_i32_1 = arith.constant 0 : i32
    return %c0_i32, %c0_i32_0 : i32, i32
  }
  func.func @transform_6(%arg0: i32) -> (i32, i32) {
    %c0_i32 = arith.constant 0 : i32
    %c0_i32_0 = arith.constant 0 : i32
    %c0_i32_1 = arith.constant 0 : i32
    return %c0_i32, %c0_i32_0 : i32, i32
  }
  func.func @transform_7(%arg0: i32) -> (i32, i32) {
    %c0_i32 = arith.constant 0 : i32
    %c0_i32_0 = arith.constant 0 : i32
    %c0_i32_1 = arith.constant 0 : i32
    return %c0_i32, %c0_i32_0 : i32, i32
  }
  func.func @transform_8(%arg0: i32) -> (i32, i32) {
    %c0_i32 = arith.constant 0 : i32
    %c0_i32_0 = arith.constant 0 : i32
    %c0_i32_1 = arith.constant 0 : i32
    return %c0_i32, %c0_i32_0 : i32, i32
  }
  func.func @transform_9(%arg0: i32) -> (i32, i32) {
    %c0_i32 = arith.constant 0 : i32
    %c0_i32_0 = arith.constant 0 : i32
    return %arg0, %c0_i32 : i32, i32
  }
}

</mosaic_0001>

<sc_bundles>
// kernel: kernel.10.cloned.1.call-start
scs
__scs_entry_jumppad:
0x0: {  	(pc) =	sbr.rel $0x88, $3  }
0x1: {  	(tag) =	ssettag $0x0;
	lr =	simm.s32 $0x1  }
0x2: {  	[smem:$0x3F99] =	sst lr;
	_ =	strace $0xD0000000  }
0x3: {  	_ = 	snop  }
0x4: {  	_ = 	snop  }
0x5: {  	_ = 	snop  }
0x6: {  	_ = 	snop  }
0x7: {  	_ = 	snop  }
__scs_overlays_trampoline_lowered:
0x8: {  	[smem:$0x3FA8] =	sst s0  }
0x9: {  	[smem:$0x3FA9] =	sst s1  }
0xa: {  	[smem:$0x3FAA] =	sst s2  }
0xb: {  	[smem:$0x3FAB] =	sst s3  }
0xc: {  	[smem:$0x3FAC] =	sst s4  }
0xd: {  	[smem:$0x3FAD] =	sst s5  }
0xe: {  	[smem:$0x3FAE] =	sst s6  }
0xf: {  	[smem:$0x3FAF] =	sst s7  }
0x10: {  	[smem:$0x3FB0] =	sst s8  }
0x11: {  	[smem:$0x3FB1] =	sst s9;
	s0 =	simm.s32 @!p0 $0x0  }
0x12: {  	s1 =	sld [smem:$0x3F97];
	s0 =	simm.s32 @p0 $0x1  }
0x13: {  	[smem:$0x3FB2] =	sst s0;
	s0 =	simm.s32 @!p1 $0x0  }
0x14: {  	s2 =	sld [smem:$0x3F96];
	s0 =	simm.s32 @p1 $0x1  }
0x15: {  	[smem:$0x3FB3] =	sst s0;
	s0 =	simm.s32 @!p2 $0x0  }
0x16: {  	s3 =	sld [smem:$0x3FDB];
	s0 =	simm.s32 @p2 $0x1  }
0x17: {  	s4 =	simm.s32 $0x1BF5;
	[smem:$0x3FB5] =	sst s0  }
0x18: {  	s0 =	sld [smem:$0x3F98];
	_ =	swait.ge [sflag:s4], $0x0  }
0x19: {  	s7 =	sld [smem:$0x3F99]  }
0x1a: {  	s8 =	sadd.s32 $0xFFFFE003, lr  }
0x1b: {  	s9 =	sadd.s32 $0xFFFFFEF7, lr;
	s5 =	simm.s32 $0xFFFFFFFF;
	p2 =	slt.u32 s8, $0xFFFFF086  }
0x1c: {  	p1 =	slt.u32 s9, $0xF7A;
	s5 =	simm.s32 @!p2 $0x0  }
0x1d: {  	s5 =	simm.s32 @p1 $0x1;
	p0 =	seq.s32 s7, s2  }
0x1e: {  	s7 =	smul.u32 @!p0 $0xF7A, s2;
	p2 =	seq.s32 @!p0 s5, $0x0  }
0x1f: {  	s9 =	smul.u32 $0xF7A, s1;
	s8 =	simm.s32 @!p0 $0x1BF5;
	p2 =	por !p2, p0  }
0x20: {  	[sflag:s8] =	ssyncset.s32 @!p0 $0xFFFFF086;
	s6 =	sadd.s32 @!p0 s3, s7;
	s7 =	simm.s32 @!p0 $0x108  }
0x21: {  	s3 =	sadd.s32 s3, s9;
	s6 =	sadd.s32 @!p0 $0x88, s6;
	s7 =	simm.s32 @p2 $0x1082  }
0x22: {  	[simem:s7], [sflag:s8] =	dma.local @!p0 [hbm:s6], $0xF7A  }
0x23: {  	s9 =	sor.u32 $0xD0000000, s2;
	s6 =	simm.s32 $0x108;
	_ =	swait.ge @!p0 [sflag:s8], $0x0  }
0x24: {  	s3 =	sadd.s32 $0x88, s3;
	s6 =	simm.s32 @!p1 $0x1082;
	[sflag:s4] =	ssyncset.s32 $0xFFFFF086  }
0x25: {  	[simem:s6], [sflag:s4] =	dma.local [hbm:s3], $0xF7A  }
0x26: {  	[smem:$0x3F99] =	sst s1;
	(tag) =	ssettag s2;
	_ =	strace s9  }
0x27: {  	s1 =	sld [smem:$0x3FA9]  }
0x28: {  	s2 =	sld [smem:$0x3FAA]  }
0x29: {  	s4 =	sld [smem:$0x3FAC]  }
0x2a: {  	p0 =	seq.s32 s5, $0x0;
	s5 =	sld [smem:$0x3FAD]  }
0x2b: {  	s6 =	sld [smem:$0x3FAE]  }
0x2c: {  	s7 =	sld [smem:$0x3FAF]  }
0x2d: {  	s3 =	simm.s32 $0x108;
	s8 =	sld [smem:$0x3FB0]  }
0x2e: {  	s3 =	simm.s32 @!p0 $0x1082;
	s9 =	sld [smem:$0x3FB1]  }
0x2f: {  	lr =	sadd.s32 s0, s3;
	s0 =	sld [smem:$0x3FA8]  }
0x30: {  	s3 =	sld [smem:$0x3FAB]  }
0x31: {  	[smem:$0x3FB4] =	sst s10  }
0x32: {  	s10 =	sld [smem:$0x3FB2];
	_ =	sdelay $0x3  }
0x33: {  	p0 =	seq.s32 s10, $0x1;
	s10 =	sld [smem:$0x3FB4];
	_ =	sdelay $0x3  }
0x34: {  	[smem:$0x3FB4] =	sst s10  }
0x35: {  	s10 =	sld [smem:$0x3FB3];
	_ =	sdelay $0x3  }
0x36: {  	p1 =	seq.s32 s10, $0x1;
	s10 =	sld [smem:$0x3FB4];
	_ =	sdelay $0x3  }
0x37: {  	[smem:$0x3FB4] =	sst s10  }
0x38: {  	s10 =	sld [smem:$0x3FB5]  }
0x39: {  	_ = 	snop;
	(pc) =	sbr.ind lr, $3  }
0x3a: {  	_ = 	snop  }
0x3b: {  	_ = 	snop  }
0x3c: {  	p2 =	seq.s32 s10, $0x1;
	s10 =	sld [smem:$0x3FB4]  }
0x3d: {  	_ =	shalt  }
0x3e: {  	_ =	shalt  }
0x3f: {  	_ =	shalt  }
0x40: {  	_ =	shalt  }
0x41: {  	_ =	shalt  }
0x42: {  	_ =	shalt  }
0x43: {  	_ =	shalt  }
0x44: {  	_ =	shalt  }
0x45: {  	_ =	shalt  }
0x46: {  	_ =	shalt  }
0x47: {  	_ =	shalt  }
0x48: {  	_ =	shalt  }
0x49: {  	_ =	shalt  }
0x4a: {  	_ =	shalt  }
0x4b: {  	_ =	shalt  }
0x4c: {  	_ =	shalt  }
0x4d: {  	_ =	shalt  }
0x4e: {  	_ =	shalt  }
0x4f: {  	_ =	shalt  }
0x50: {  	_ =	shalt  }
0x51: {  	_ =	shalt  }
0x52: {  	_ =	shalt  }
0x53: {  	_ =	shalt  }
0x54: {  	_ =	shalt  }
0x55: {  	_ =	shalt  }
0x56: {  	_ =	shalt  }
0x57: {  	_ =	shalt  }
0x58: {  	_ =	shalt  }
0x59: {  	_ =	shalt  }
0x5a: {  	_ =	shalt  }
0x5b: {  	_ =	shalt  }
0x5c: {  	_ =	shalt  }
0x5d: {  	_ =	shalt  }
0x5e: {  	_ =	shalt  }
0x5f: {  	_ =	shalt  }
0x60: {  	_ =	shalt  }
0x61: {  	_ =	shalt  }
0x62: {  	_ =	shalt  }
0x63: {  	_ =	shalt  }
0x64: {  	_ =	shalt  }
0x65: {  	_ =	shalt  }
0x66: {  	_ =	shalt  }
0x67: {  	_ =	shalt  }
0x68: {  	_ =	shalt  }
0x69: {  	_ =	shalt  }
0x6a: {  	_ =	shalt  }
0x6b: {  	_ =	shalt  }
0x6c: {  	_ =	shalt  }
0x6d: {  	_ =	shalt  }
0x6e: {  	_ =	shalt  }
0x6f: {  	_ =	shalt  }
0x70: {  	_ =	shalt  }
0x71: {  	_ =	shalt  }
0x72: {  	_ =	shalt  }
0x73: {  	_ =	shalt  }
0x74: {  	_ =	shalt  }
0x75: {  	_ =	shalt  }
0x76: {  	_ =	shalt  }
0x77: {  	_ =	shalt  }
0x78: {  	_ =	shalt  }
0x79: {  	_ =	shalt  }
0x7a: {  	_ =	shalt  }
0x7b: {  	_ =	shalt  }
0x7c: {  	_ =	shalt  }
0x7d: {  	_ =	shalt  }
0x7e: {  	_ =	shalt  }
0x7f: {  	_ =	shalt  }
0x80: {  	_ =	shalt  }
0x81: {  	_ =	shalt  }
0x82: {  	_ =	shalt  }
0x83: {  	_ =	shalt  }
0x84: {  	_ =	shalt  }
0x85: {  	_ =	shalt  }
0x86: {  	_ =	shalt  }
0x87: {  	_ =	shalt  }
.Lfunc_end0:
.L_simem_size_0:
called_computation_lowered:
.L_overlay_start_0:
0x88: {  	s2 =	sld [smem:$0x3FD9]  }
0x89: {  	s3 =	sld [smem:$0x3FFE];
	_ =	sdelay $0x1  }
0x8a: {  	s1 =	srdreg.scid  }
0x8b: {  	s0 =	sand.u32 $0x1, s1  }
0x8c: {  	s17 =	sshll.u32 s0, $0xA;
	s2 =	sadd.s32 s3, s2  }
0x8d: {  	s2 =	sadd.s32 s2, s17  }
0x8e: {  	[smem:$0x3FC0] =	sst s2  }
0x8f: {  	_ = 	snop  }
0x90: {  	(tm) =	ssettm $0x1  }
0x91: {  	s18 =	sld [smem:$0x3FFB];
	_ =	sdelay $0x3  }
0x92: {  	_ =	strace s18  }
0x93: {  	s2 =	sld [smem:$0x3FFC];
	_ =	sdelay $0x3  }
0x94: {  	_ =	strace s2  }
0x95: {  	s2 =	sld [smem:$0x3FFD];
	_ =	sdelay $0x3  }
0x96: {  	_ =	strace s2  }
0x97: {  	_ =	strace $0x8FFFFFFF  }
0x98: {  	s19 =	sld [smem:$0x3FDB];
	_ =	sdelay $0x1  }
0x99: {  	s20 =	simm.s32 $_scs_section_size  }
0x9a: {  	s4 =	simm.s32 $_size__tile_overlayer_lowered;
	s5 =	simm.s32 $_tile_overlayer_lowered  }
0x9b: {  	s6 =	simm.s32 $0x1BFF;
	s21 =	sshll.u32 s5, $0x1;
	s3 =	sadd.s32 s20, s19  }
0x9c: {  	s22 =	simm.s32 $0x0;
	s4 =	sshll.u32 s4, $0x1;
	s5 =	sadd.s32 s21, s3  }
0x9d: {  	[timem:s22], [sflag:s6] =	dma.local [hbm:s5], s4  }
0x9e: {  	_ =	swait.ge [sflag:s6], s4  }
0x9f: {  	s4 =	ssub.s32 $0x0, s4;
	[sflag:s6] =	ssyncset.done $0x0  }
0xa0: {  	[sflag:s6] =	ssyncadd.s32 s4;
	_ =	sdelay $0x1  }
0xa1: {  	s23 =	simm.s32 $0x1B8B  }
0xa2: {  	_ =	swait.ge [sflag:s23], $0x1  }
0xa3: {  	[sflag:s23] =	ssyncset.done $0x0  }
0xa4: {  	[sflag:s23] =	ssyncadd.s32 $0xFFFFFFFF  }
0xa5: {  	s4 =	sld [smem:$0x0]  }
0xa6: {  	s5 =	sand.u32 $0xFFFFFFFE, s1  }
0xa7: {  	p0 =	sne.s32 s1, s5  }
0xa8: {  	s5 =	sshll.u32 @p0 s5, $0xE  }
0xa9: {  	s5 =	sadd.s32 @p0 $0x11B8D, s5;
	s6 =	sshll.u32 @p0 s4, $0x11  }
0xaa: {  	s5 =	sor.u32 @p0 s6, s5  }
0xab: {  	[sflag:s5] =	ssyncadd.remote.s32 @p0 $0x1;
	_ =	sdelay $0x1  }
0xac: {  	s5 =	simm.s32 @p0 $0x1B8D  }
0xad: {  	_ =	swait.eq @p0 [sflag:s5], $0x1  }
0xae: {  	[sflag:s5] =	ssyncadd.s32 @p0 $0xFFFFFFFF  }
0xaf: {  	s6 =	sshll.u32 @!p0 s1, $0xE  }
0xb0: {  	s6 =	sor.u32 @!p0 $0x4000, s6;
	s5 =	simm.s32 @!p0 $0x1B8D  }
0xb1: {  	s4 =	sshll.u32 @!p0 s4, $0x11;
	s6 =	sadd.s32 @!p0 $0x11B8D, s6;
	_ =	swait.eq @!p0 [sflag:s5], $0x1  }
0xb2: {  	s4 =	sor.u32 @!p0 s4, s6;
	[sflag:s5] =	ssyncadd.s32 @!p0 $0xFFFFFFFF  }
0xb3: {  	s25 =	simm.s32 $0x1B8E;
	s24 =	sld [smem:$0x3FFE];
	[sflag:s4] =	ssyncadd.remote.s32 @!p0 $0x1  }
0xb4: {  	s26 =	simm.s32 $execute0_lowered;
	[smem:$0x3FD2] =	sst s25  }
0xb5: {  	s5 =	sshll.u32 s26, $0x1;
	_ =	strace $0x80000064;
	[dreg:$0x1] =	wrdreg $0xFFFFFFFF  }
0xb6: {  	s28 =	simm.s32 $_size_execute0_lowered;
	s3 =	sadd.s32 s3, s5;
	[dreg:$0x0] =	wrdreg $0x0  }
0xb7: {  	s5 =	sshll.u32 s28, $0x1;
	[dreg:$0x2] =	wrdreg s3  }
0xb8: {  	[dreg:$0x3] =	wrdreg s5  }
0xb9: {  	[dreg:$0x4] =	wrdreg $0xC0  }
0xba: {  	_ =	task [dreg:s22], $0x5FFFF  }
0xbb: {  	[dreg:$0x1] =	wrdreg $0xFFFFFFFF  }
0xbc: {  	[dreg:$0x0] =	wrdreg $0x60  }
0xbd: {  	[dreg:$0x2] =	wrdreg s24  }
0xbe: {  	[dreg:$0x3] =	wrdreg $0x9  }
0xbf: {  	_ =	task.clear_ibuf [dreg:s22], $0x4FFFF;
	_ =	strace $0x90000064  }
0xc0: {  	s29 =	simm.s32 $0x9;
	_ =	strace $0x8000006D  }
0xc1: {  	_ =	swait.ge [sflag:s29], $0x1  }
0xc2: {  	[sflag:s29] =	ssyncadd.s32 $0xFFFFFFFF  }
0xc3: {  	_ =	strace $0x9000006D  }
0xc4: {  	_ =	sfence  }
0xc5: {  	s30 =	sld [smem:$0x0];
	_ =	sdelay $0x2  }
0xc6: {  	s31 =	sshll.u32 s1, $0xD;
	s1 =	sshrl.u32 s1, $0x2  }
0xc7: {  	s4 =	sand.u32 $0x4000, s31;
	s1 =	sadd.s32 s1, s30  }
0xc8: {  	s0 =	sor.u32 s4, s0;
	s1 =	sshll.u32 s1, $0x11  }
0xc9: {  	s0 =	sor.u32 s1, s0  }
0xca: {  	s0 =	sadd.s32 $0x8F2B, s0  }
0xcb: {  	[sflag:s0] =	ssyncadd.remote.s32 $0x1  }
0xcc: {  	_ =	sfence.sel $0xFFFF  }
0xcd: {  	[dreg:$0x0] =	wrdreg $0xFFFFFFFF;
	(pc) =	sbr.abs _section_cstart, $3  }
0xce: {  	[dreg:$0x1] =	wrdreg $0xFFFFFFFF  }
0xcf: {  	_ =	task.clear_ibuf [dreg:s22], $0x2FFFF;
	_ =	strace $0x9FFFFFFF  }
0xd0: {  	(tm) =	ssettm $0x7FFFFFFF  }
0xd1: {  	_ =	shalt  }
tec
execute0_lowered:
.L_overlay_start_1:
0x0: {  	(tag) =	ssettag $0x1  }
0x1: {  	s3 =	rddreg [dreg:$0x0]  }
0x2: {  	s0 =	rddreg [dreg:$0x1];
	s1 =	simm.s32 $0x0;
	s2 =	srdreg.scid  }
0x3: {  	s31 =	simm.s32 $0x80;
	s9 =	simm.s32 $0x4;
	s10 =	simm.s32 $0x0  }
0x4: {  	[smem:$0x7FF] =	sst s1;
	s4 =	sand.u32 $0x1, s2;
	s5 =	sadd.s32 $0xF45800, s3  }
0x5: {  	s2 =	stileid.u32;
	s29 =	sadd.s32 $0x7C7400, s3;
	s3 =	sadd.s32 $0xD400, s3  }
0x6: {  	_ =	strace $0x80000065;
	s6 =	sshll.u32 s4, $0x4;
	[dreg:$0x2] =	wrdreg s5  }
0x7: {  	s4 =	ssub.s32 $0x2, s4;
	[dreg:$0x4] =	wrdreg s29;
	s28 =	sor.u32 s2, s6  }
0x8: {  	[dreg:$0x3] =	wrdreg s31;
	s7 =	sshrl.u32 s4, $0x1;
	s8 =	smul.u32 $0x280, s28  }
0x9: {  	s30 =	ssub.s32 s4, s7;
	s4 =	smul.u32 $0x28, s28;
	s7 =	simm.s32 $0x1  }
0xa: {  	s6 =	smax.u32 s30, $0x1;
	s5 =	sadd.s32 s3, s8;
	s8 =	simm.s32 $0x5  }
.LBB2_1:
0xb: {  	_ =	strace $0x80000066;
	s11 =	simm.s32 $0x1;
	p0 =	por $0x0, $0x0  }
0xc: {  	[tilespmem:s1], [sflag:$0x1] =	stream.linear.gather [hbm4b:s5+s1], $0x80, $0x200038;
	[tilespmem:$0x8100] =	vst v63  }
0xd: {  	s11 =	simm.s32 @p0 $0x0  }
0xe: {  	p4 =	por $0x1, $0x1;
	s20 =	sand.u32 $0x1, s1;
	p1 =	sne.s32 s11, $0x0  }
0xf: {  	p2 =	por $0x1, $0x1;
	s18 =	simm.s32 $0x26;
	p0 =	por !p4, !p1  }
0x10: {  	s16 =	simm.s32 $0x0;
	p5 =	por $0x0, $0x0;
	p0 =	por !p0, !p0  }
0x11: {  	s23 =	sadd.s32 $0x0, s4;
	s30 =	sadd.s32 $0x1, s20;
	s12 =	sadd.s32 @p0 s4, s11  }
0x12: {  	_ =	strace $0x90000066;
	s13 =	sand.u32 @p0 $0x1, s7;
	s12 =	sshll.u32 @p0 s12, $0x4  }
0x13: {  	_ =	strace @p0 $0x80000067;
	s15 =	simm.s32 @p0 $0x0;
	s12 =	sand.u32 @p0 $0x1FFFFFF0, s12  }
0x14: {  	s14 =	sshll.u32 @p0 s13, $0x7;
	s13 =	sadd.s32 @p0 $0x1, s13;
	s12 =	sadd.s32 @p0 s3, s12  }
0x15: {  	[tilespmem:s14], [sflag:s13] =	stream.linear.gather @p0 [hbm4b:s12+s15], $0x80, $0x200038;
	[tilespmem:$0x8100] =	vst v63  }
0x16: {  	p3 =	por p2, p2;
	s21 =	sshll.u32 s20, $0xE;
	_ =	strace @p0 $0x90000067  }
0x17: {  	s16 =	sand.u32 $0x80, s16;
	p2 =	por p5, p5;
	_ =	strace $0x80000068  }
0x18: {  	s17 =	sadd.s32 $0x1, s11;
	s22 =	sor.u32 $0x100, s21;
	_ =	swait.ge [sflag:s30], $0x80  }
0x19: {  	s21 =	simm.s32 $0x1;
	p6 =	por p1, p1;
	[sflag:s30] =	ssyncset.done $0x0  }
0x1a: {  	p1 =	por p3, p3;
	p4 =	por $0x1, $0x1;
	[sflag:s30] =	ssyncadd.s32 $0xFFFFFF80  }
0x1b: {  	s12 =	simm.s32 $0x27;
	s15 =	sand.u32 @!p3 $0x1, s1;
	_ =	strace $0x90000068  }
0x1c: {  	s13 =	simm.s32 $0x1;
	p3 =	seq.s32 s17, $0x28;
	_ =	strace $0x80000069  }
0x1d: {  	s13 =	simm.s32 @!p0 $0x0;
	s17 =	simm.s32 @p3 $0x0;
	s19 =	rddreg [dreg:$0x3]  }
0x1e: {  	p0 =	por $0x0, $0x0;
	s14 =	sadd.s32 $0x1, s13;
	s31 =	rddreg [dreg:$0x2]  }
0x1f: {  	[tilespmem:s22], [sflag:$0x5] =	stream.indirect.gather [hbm4b:s31+s19], $0x80, s16, s19, $0x2000b8;
	[tilespmem:$0x8100] =	vst v63  }
0x20: {  	p3 =	sne.s32 s11, s17;
	s21 =	simm.s32 @!p0 $0x0;
	_ =	swait.ge [sflag:s8], $0x4000  }
0x21: {  	p5 =	por !p4, !p3;
	p4 =	por $0x0, $0x0;
	[sflag:s8] =	ssyncset.done $0x0  }
0x22: {  	s13 =	simm.s32 $0x0;
	p6 =	por p4, p6;
	[sflag:s8] =	ssyncadd.s32 $0xFFFFC000  }
0x23: {  	s16 =	simm.s32 $0x0;
	s19 =	simm.s32 $0x0;
	_ =	strace $0x90000069  }
.LBB2_2:
0x24: {  	_ =	strace @p6 $0x8000006A;
	s13 =	sadd.s32 s21, s13;
	s21 =	smov.u32 s12  }
0x25: {  	s12 =	smov.u32 s18;
	s18 =	sadd.s32 $0xFFFFFFFF, s18;
	p0 =	por p3, p3  }
0x26: {  	s28 =	sshll.u32 @p6 s23, $0xB;
	s20 =	sadd.s32 @p6 $0x3, s20;
	s24 =	simm.s32 @!p0 $0x0  }
0x27: {  	s25 =	rddreg [dreg:$0x4];
	s28 =	sand.u32 @p6 $0x1FFFF800, s28;
	s24 =	simm.s32 @p0 $0x1  }
0x28: {  	s25 =	sadd.s32 @p6 s25, s28;
	s28 =	simm.s32 @p6 $0x0;
	p0 =	sne.s32 s18, $0x0  }
0x29: {  	[hbm4b:s25+s28] =	stream.linear.scatter @p6 [tilespmem:s22], [sflag:s20], $0x4000, $0x200038;
	[tilespmem:$0x8100] =	vst v63  }
0x2a: {  	s20 =	sadd.s32 @!p1 $0x3, s15;
	s15 =	simm.s32 @!p0 $0x0  }
0x2b: {  	s26 =	simm.s32 $0x1;
	[smem:$0x7FC] =	sst s24;
	s15 =	simm.s32 @p0 $0x1  }
0x2c: {  	s26 =	simm.s32 @!p6 $0x0;
	_ =	strace @p6 $0x9000006A;
	[smem:$0x7FD] =	sst s15  }
0x2d: {  	p5 =	por !p5, !p5;
	s19 =	sadd.s32 s26, s19;
	_ =	strace @!p1 $0x8000006B  }
0x2e: {  	s24 =	sand.u32 @!p2 $0x1, s13;
	s22 =	sand.u32 @p5 $0x1, s14;
	_ =	swait.ge @!p1 [sflag:s20], $0x4000  }
0x2f: {  	s15 =	smov.u32 s24;
	s24 =	sadd.s32 @p5 s4, s17;
	[sflag:s20] =	ssyncset.done @!p1 $0x0  }
0x30: {  	s25 =	sshll.u32 @p5 s22, $0x7;
	s24 =	sshll.u32 @p5 s24, $0x4;
	[sflag:s20] =	ssyncadd.s32 @!p1 $0xFFFFC000  }
0x31: {  	s20 =	sadd.s32 @p5 $0x1, s22;
	s22 =	sand.u32 @p5 $0x1FFFFFF0, s24;
	_ =	strace @!p1 $0x9000006B  }
0x32: {  	s24 =	simm.s32 @p5 $0x0;
	s22 =	sadd.s32 @p5 s3, s22;
	_ =	strace @p5 $0x80000067  }
0x33: {  	[tilespmem:s25], [sflag:s20] =	stream.linear.gather @p5 [hbm4b:s22+s24], $0x80, $0x200038;
	[tilespmem:$0x8100] =	vst v63  }
0x34: {  	s16 =	sadd.s32 s26, s16;
	s26 =	sand.u32 $0x1, s19;
	_ =	strace @p5 $0x90000067  }
0x35: {  	s24 =	sadd.s32 $0x1, s26;
	_ =	strace $0x80000068  }
0x36: {  	_ =	swait.ge [sflag:s24], $0x80  }
0x37: {  	[sflag:s24] =	ssyncset.done $0x0  }
0x38: {  	s20 =	simm.s32 $0x1;
	[sflag:s24] =	ssyncadd.s32 $0xFFFFFF80  }
0x39: {  	s20 =	simm.s32 @!p5 $0x0;
	_ =	strace $0x90000068  }
0x3a: {  	s14 =	sadd.s32 s20, s14;
	s20 =	sand.u32 $0x1, s16;
	_ =	strace $0x80000069  }
0x3b: {  	s29 =	sshll.u32 s19, $0x7;
	s25 =	sshll.u32 s20, $0xE;
	s26 =	rddreg [dreg:$0x3]  }
0x3c: {  	s29 =	sand.u32 $0x80, s29;
	s22 =	sor.u32 $0x100, s25;
	s30 =	rddreg [dreg:$0x2]  }
0x3d: {  	[tilespmem:s22], [sflag:$0x5] =	stream.indirect.gather [hbm4b:s30+s26], $0x80, s29, s26, $0x2000b8;
	[tilespmem:$0x8100] =	vst v63  }
0x3e: {  	_ =	swait.ge [sflag:s8], $0x4000  }
0x3f: {  	s31 =	sadd.s32 $0x1, s17;
	[sflag:s8] =	ssyncset.done $0x0  }
0x40: {  	s23 =	sadd.s32 s4, s11;
	s11 =	smov.u32 s17;
	[sflag:s8] =	ssyncadd.s32 $0xFFFFC000  }
0x41: {  	p3 =	seq.s32 s31, $0x28;
	s17 =	smov.u32 s31;
	_ =	strace $0x90000069  }
0x42: {  	s17 =	simm.s32 @p3 $0x0;
	s31 =	sld [smem:$0x7FD]  }
0x43: {  	p6 =	sne.s32 s12, $0x1;
	p0 =	sne.s32 s21, $0x28;
	p3 =	sne.s32 s11, s17  }
0x44: {  	p5 =	por !p6, !p3;
	p6 =	seq.s32 s21, $0x1;
	s21 =	simm.s32 $0x1  }
0x45: {  	s21 =	simm.s32 @!p0 $0x0;
	p0 =	seq.s32 s31, $0x1  }
.Ltmp0:
0x46: {  	s30 =	sld [smem:$0x7FC];
	(pc) =	sbr.rel @p0 .LBB2_2-.Ltmp0, $4  }
0x47: {  	_ = 	snop  }
0x48: {  	p4 =	seq.s32 s12, $0x28  }
0x49: {  	p1 =	por p2, p2;
	p2 =	por p4, p4;
	p4 =	seq.s32 s30, $0x1  }
0x4a: {  	p6 =	por p6, p4  }
0x4b: {  	_ =	strace @p6 $0x8000006A;
	s23 =	sshll.u32 @p6 s23, $0xB  }
0x4c: {  	s18 =	rddreg [dreg:$0x4];
	s23 =	sand.u32 @p6 $0x1FFFF800, s23  }
0x4d: {  	s20 =	sadd.s32 @p6 $0x3, s20;
	s18 =	sadd.s32 @p6 s18, s23;
	s23 =	simm.s32 @p6 $0x0  }
0x4e: {  	[hbm4b:s18+s23] =	stream.linear.scatter @p6 [tilespmem:s22], [sflag:s20], $0x4000, $0x200038;
	[tilespmem:$0x8100] =	vst v63  }
0x4f: {  	p0 =	por !p5, !p5;
	_ =	strace @p6 $0x9000006A  }
0x50: {  	s15 =	sadd.s32 @!p1 $0x3, s15;
	s17 =	sadd.s32 @p0 s4, s17;
	_ =	strace @!p1 $0x8000006B  }
0x51: {  	s14 =	sand.u32 @p0 $0x1, s14;
	s17 =	sshll.u32 @p0 s17, $0x4;
	_ =	swait.ge @!p1 [sflag:s15], $0x4000  }
0x52: {  	s18 =	simm.s32 $0x1;
	s20 =	sshll.u32 @p0 s14, $0x7;
	[sflag:s15] =	ssyncset.done @!p1 $0x0  }
0x53: {  	s14 =	sadd.s32 @p0 $0x1, s14;
	s18 =	simm.s32 @!p6 $0x0;
	[sflag:s15] =	ssyncadd.s32 @!p1 $0xFFFFC000  }
0x54: {  	s19 =	sadd.s32 s18, s19;
	s15 =	sand.u32 @p0 $0x1FFFFFF0, s17;
	_ =	strace @!p1 $0x9000006B  }
0x55: {  	s17 =	simm.s32 @p0 $0x0;
	s15 =	sadd.s32 @p0 s3, s15;
	_ =	strace @p0 $0x80000067  }
0x56: {  	[tilespmem:s20], [sflag:s14] =	stream.linear.gather @p0 [hbm4b:s15+s17], $0x80, $0x200038;
	[tilespmem:$0x8100] =	vst v63  }
0x57: {  	s25 =	sand.u32 $0x1, s19;
	_ =	strace @p0 $0x90000067  }
0x58: {  	s14 =	sadd.s32 $0x1, s25;
	_ =	strace $0x80000068  }
0x59: {  	_ =	swait.ge [sflag:s14], $0x80  }
0x5a: {  	[sflag:s14] =	ssyncset.done $0x0  }
0x5b: {  	[sflag:s14] =	ssyncadd.s32 $0xFFFFFF80  }
0x5c: {  	s26 =	sadd.s32 s18, s16;
	_ =	strace $0x90000068  }
0x5d: {  	s14 =	sand.u32 $0x1, s26;
	_ =	strace $0x80000069  }
0x5e: {  	s30 =	sshll.u32 s19, $0x7;
	s31 =	sshll.u32 s14, $0xE;
	s28 =	rddreg [dreg:$0x3]  }
0x5f: {  	s17 =	sand.u32 $0x80, s30;
	s18 =	sor.u32 $0x100, s31;
	s29 =	rddreg [dreg:$0x2]  }
0x60: {  	[tilespmem:s18], [sflag:$0x5] =	stream.indirect.gather [hbm4b:s29+s28], $0x80, s17, s28, $0x2000b8;
	[tilespmem:$0x8100] =	vst v63  }
0x61: {  	_ =	swait.ge [sflag:s8], $0x4000  }
0x62: {  	[sflag:s8] =	ssyncset.done $0x0  }
0x63: {  	p5 =	por p3, p3;
	p6 =	seq.s32 s12, $0x1;
	[sflag:s8] =	ssyncadd.s32 $0xFFFFC000  }
0x64: {  	s11 =	sadd.s32 s4, s11;
	p0 =	por p6, p5;
	_ =	strace $0x90000069  }
0x65: {  	s11 =	sshll.u32 @p0 s11, $0xB;
	_ =	strace @p0 $0x8000006A  }
0x66: {  	s13 =	sadd.s32 s21, s13;
	s11 =	sand.u32 @p0 $0x1FFFF800, s11;
	s12 =	rddreg [dreg:$0x4]  }
0x67: {  	s14 =	sadd.s32 @p0 $0x3, s14;
	s11 =	sadd.s32 @p0 s12, s11;
	s12 =	simm.s32 @p0 $0x0  }
0x68: {  	[hbm4b:s11+s12] =	stream.linear.scatter @p0 [tilespmem:s18], [sflag:s14], $0x4000, $0x200038;
	[tilespmem:$0x8100] =	vst v63  }
0x69: {  	p1 =	por p2, p2;
	s11 =	sand.u32 @!p2 $0x1, s13;
	_ =	strace @p0 $0x9000006A  }
0x6a: {  	s11 =	sadd.s32 @!p1 $0x3, s11;
	_ =	strace @!p1 $0x8000006B  }
0x6b: {  	_ =	swait.ge @!p1 [sflag:s11], $0x4000  }
0x6c: {  	[sflag:s11] =	ssyncset.done @!p1 $0x0  }
0x6d: {  	s10 =	sadd.s32 $0x1, s10;
	[sflag:s11] =	ssyncadd.s32 @!p1 $0xFFFFC000  }
0x6e: {  	p0 =	sne.s32 s10, s6;
	_ =	strace @!p1 $0x9000006B  }
.Ltmp1:
0x6f: {  	_ =	strace $0x8000006C;
	(pc) =	sbr.rel @p0 .LBB2_1-.Ltmp1, $4  }
0x70: {  	_ =	swait.ge [sflag:s9], $0x4000  }
0x71: {  	[sflag:s9] =	ssyncset.done $0x0  }
0x72: {  	[sflag:s9] =	ssyncadd.s32 $0xFFFFC000  }
0x73: {  	_ =	strace $0x9000006C  }
0x74: {  	_ =	sfence.sel $0x180000  }
0x75: {  	[bflag:$0x0] =	sbarrier.arrive $0xFFFF  }
0x76: {  	p0 =	sne.s32 s2, $0x0;
	_ =	strace $0x90000065  }
0x77: {  	s0 =	sadd.s32 @!p0 $0x100000, s0;
	[bflag:$0x2] =	sbarrier.arrive $0xFFFF  }
0x78: {  	[sflag:s0] =	ssyncadd.tile.s32 @!p0 $0x1;
	_ =	shalt  }
.Lfunc_end2:
_tile_overlayer_lowered:
.L_overlay_start_2:
0x79: {  	(tag) =	ssettag $0x2  }
0x7a: {  	s0 =	rddreg [dreg:$0x0];
	s2 =	stileid.u32  }
0x7b: {  	s1 =	rddreg [dreg:$0x1];
	p0 =	sne.s32 s2, $0x0  }
0x7c: {  	s3 =	rddreg [dreg:$0x2];
	[bflag:$0x3] =	sbarrier.arrive $0xFFFF;
	s2 =	simm.s32 @!p0 $0x1C01  }
0x7d: {  	[timem:s3], [sflag:s2] =	dma.local @!p0 [hbm:s0], s1  }
0x7e: {  	s0 =	simm.s32 @!p0 $0x1  }
0x7f: {  	_ =	swait.ge @!p0 [sflag:s0], s1  }
0x80: {  	s1 =	ssub.s32 @!p0 $0x0, s1;
	[sflag:s0] =	ssyncset.done @!p0 $0x0  }
0x81: {  	[sflag:s0] =	ssyncadd.s32 @!p0 s1  }
0x82: {  	[bflag:$0x3] =	sbarrier.arrive $0xFFFF  }
0x83: {  	_ =	shalt  }

// kernel: kernel.13.cloned.1.call-start
scs
__scs_entry_jumppad:
0x0: {  	(pc) =	sbr.rel $0x88, $3  }
0x1: {  	(tag) =	ssettag $0x0;
	lr =	simm.s32 $0x1  }
0x2: {  	[smem:$0x3F99] =	sst lr;
	_ =	strace $0xD0000000  }
0x3: {  	_ = 	snop  }
0x4: {  	_ = 	snop  }
0x5: {  	_ = 	snop  }
0x6: {  	_ = 	snop  }
0x7: {  	_ = 	snop  }
__scs_overlays_trampoline_lowered:
0x8: {  	[smem:$0x3FA8] =	sst s0  }
0x9: {  	[smem:$0x3FA9] =	sst s1  }
0xa: {  	[smem:$0x3FAA] =	sst s2  }
0xb: {  	[smem:$0x3FAB] =	sst s3  }
0xc: {  	[smem:$0x3FAC] =	sst s4  }
0xd: {  	[smem:$0x3FAD] =	sst s5  }
0xe: {  	[smem:$0x3FAE] =	sst s6  }
0xf: {  	[smem:$0x3FAF] =	sst s7  }
0x10: {  	[smem:$0x3FB0] =	sst s8  }
0x11: {  	[smem:$0x3FB1] =	sst s9;
	s0 =	simm.s32 @!p0 $0x0  }
0x12: {  	s1 =	sld [smem:$0x3F97];
	s0 =	simm.s32 @p0 $0x1  }
0x13: {  	[smem:$0x3FB2] =	sst s0;
	s0 =	simm.s32 @!p1 $0x0  }
0x14: {  	s2 =	sld [smem:$0x3F96];
	s0 =	simm.s32 @p1 $0x1  }
0x15: {  	[smem:$0x3FB3] =	sst s0;
	s0 =	simm.s32 @!p2 $0x0  }
0x16: {  	s3 =	sld [smem:$0x3FDB];
	s0 =	simm.s32 @p2 $0x1  }
0x17: {  	s4 =	simm.s32 $0x1BF5;
	[smem:$0x3FB5] =	sst s0  }
0x18: {  	s0 =	sld [smem:$0x3F98];
	_ =	swait.ge [sflag:s4], $0x0  }
0x19: {  	s7 =	sld [smem:$0x3F99]  }
0x1a: {  	s8 =	sadd.s32 $0xFFFFE003, lr  }
0x1b: {  	s9 =	sadd.s32 $0xFFFFFEF7, lr;
	s5 =	simm.s32 $0xFFFFFFFF;
	p2 =	slt.u32 s8, $0xFFFFF086  }
0x1c: {  	p1 =	slt.u32 s9, $0xF7A;
	s5 =	simm.s32 @!p2 $0x0  }
0x1d: {  	s5 =	simm.s32 @p1 $0x1;
	p0 =	seq.s32 s7, s2  }
0x1e: {  	s7 =	smul.u32 @!p0 $0xF7A, s2;
	p2 =	seq.s32 @!p0 s5, $0x0  }
0x1f: {  	s9 =	smul.u32 $0xF7A, s1;
	s8 =	simm.s32 @!p0 $0x1BF5;
	p2 =	por !p2, p0  }
0x20: {  	[sflag:s8] =	ssyncset.s32 @!p0 $0xFFFFF086;
	s6 =	sadd.s32 @!p0 s3, s7;
	s7 =	simm.s32 @!p0 $0x108  }
0x21: {  	s3 =	sadd.s32 s3, s9;
	s6 =	sadd.s32 @!p0 $0x88, s6;
	s7 =	simm.s32 @p2 $0x1082  }
0x22: {  	[simem:s7], [sflag:s8] =	dma.local @!p0 [hbm:s6], $0xF7A  }
0x23: {  	s9 =	sor.u32 $0xD0000000, s2;
	s6 =	simm.s32 $0x108;
	_ =	swait.ge @!p0 [sflag:s8], $0x0  }
0x24: {  	s3 =	sadd.s32 $0x88, s3;
	s6 =	simm.s32 @!p1 $0x1082;
	[sflag:s4] =	ssyncset.s32 $0xFFFFF086  }
0x25: {  	[simem:s6], [sflag:s4] =	dma.local [hbm:s3], $0xF7A  }
0x26: {  	[smem:$0x3F99] =	sst s1;
	(tag) =	ssettag s2;
	_ =	strace s9  }
0x27: {  	s1 =	sld [smem:$0x3FA9]  }
0x28: {  	s2 =	sld [smem:$0x3FAA]  }
0x29: {  	s4 =	sld [smem:$0x3FAC]  }
0x2a: {  	p0 =	seq.s32 s5, $0x0;
	s5 =	sld [smem:$0x3FAD]  }
0x2b: {  	s6 =	sld [smem:$0x3FAE]  }
0x2c: {  	s7 =	sld [smem:$0x3FAF]  }
0x2d: {  	s3 =	simm.s32 $0x108;
	s8 =	sld [smem:$0x3FB0]  }
0x2e: {  	s3 =	simm.s32 @!p0 $0x1082;
	s9 =	sld [smem:$0x3FB1]  }
0x2f: {  	lr =	sadd.s32 s0, s3;
	s0 =	sld [smem:$0x3FA8]  }
0x30: {  	s3 =	sld [smem:$0x3FAB]  }
0x31: {  	[smem:$0x3FB4] =	sst s10  }
0x32: {  	s10 =	sld [smem:$0x3FB2];
	_ =	sdelay $0x3  }
0x33: {  	p0 =	seq.s32 s10, $0x1;
	s10 =	sld [smem:$0x3FB4];
	_ =	sdelay $0x3  }
0x34: {  	[smem:$0x3FB4] =	sst s10  }
0x35: {  	s10 =	sld [smem:$0x3FB3];
	_ =	sdelay $0x3  }
0x36: {  	p1 =	seq.s32 s10, $0x1;
	s10 =	sld [smem:$0x3FB4];
	_ =	sdelay $0x3  }
0x37: {  	[smem:$0x3FB4] =	sst s10  }
0x38: {  	s10 =	sld [smem:$0x3FB5]  }
0x39: {  	_ = 	snop;
	(pc) =	sbr.ind lr, $3  }
0x3a: {  	_ = 	snop  }
0x3b: {  	_ = 	snop  }
0x3c: {  	p2 =	seq.s32 s10, $0x1;
	s10 =	sld [smem:$0x3FB4]  }
0x3d: {  	_ =	shalt  }
0x3e: {  	_ =	shalt  }
0x3f: {  	_ =	shalt  }
0x40: {  	_ =	shalt  }
0x41: {  	_ =	shalt  }
0x42: {  	_ =	shalt  }
0x43: {  	_ =	shalt  }
0x44: {  	_ =	shalt  }
0x45: {  	_ =	shalt  }
0x46: {  	_ =	shalt  }
0x47: {  	_ =	shalt  }
0x48: {  	_ =	shalt  }
0x49: {  	_ =	shalt  }
0x4a: {  	_ =	shalt  }
0x4b: {  	_ =	shalt  }
0x4c: {  	_ =	shalt  }
0x4d: {  	_ =	shalt  }
0x4e: {  	_ =	shalt  }
0x4f: {  	_ =	shalt  }
0x50: {  	_ =	shalt  }
0x51: {  	_ =	shalt  }
0x52: {  	_ =	shalt  }
0x53: {  	_ =	shalt  }
0x54: {  	_ =	shalt  }
0x55: {  	_ =	shalt  }
0x56: {  	_ =	shalt  }
0x57: {  	_ =	shalt  }
0x58: {  	_ =	shalt  }
0x59: {  	_ =	shalt  }
0x5a: {  	_ =	shalt  }
0x5b: {  	_ =	shalt  }
0x5c: {  	_ =	shalt  }
0x5d: {  	_ =	shalt  }
0x5e: {  	_ =	shalt  }
0x5f: {  	_ =	shalt  }
0x60: {  	_ =	shalt  }
0x61: {  	_ =	shalt  }
0x62: {  	_ =	shalt  }
0x63: {  	_ =	shalt  }
0x64: {  	_ =	shalt  }
0x65: {  	_ =	shalt  }
0x66: {  	_ =	shalt  }
0x67: {  	_ =	shalt  }
0x68: {  	_ =	shalt  }
0x69: {  	_ =	shalt  }
0x6a: {  	_ =	shalt  }
0x6b: {  	_ =	shalt  }
0x6c: {  	_ =	shalt  }
0x6d: {  	_ =	shalt  }
0x6e: {  	_ =	shalt  }
0x6f: {  	_ =	shalt  }
0x70: {  	_ =	shalt  }
0x71: {  	_ =	shalt  }
0x72: {  	_ =	shalt  }
0x73: {  	_ =	shalt  }
0x74: {  	_ =	shalt  }
0x75: {  	_ =	shalt  }
0x76: {  	_ =	shalt  }
0x77: {  	_ =	shalt  }
0x78: {  	_ =	shalt  }
0x79: {  	_ =	shalt  }
0x7a: {  	_ =	shalt  }
0x7b: {  	_ =	shalt  }
0x7c: {  	_ =	shalt  }
0x7d: {  	_ =	shalt  }
0x7e: {  	_ =	shalt  }
0x7f: {  	_ =	shalt  }
0x80: {  	_ =	shalt  }
0x81: {  	_ =	shalt  }
0x82: {  	_ =	shalt  }
0x83: {  	_ =	shalt  }
0x84: {  	_ =	shalt  }
0x85: {  	_ =	shalt  }
0x86: {  	_ =	shalt  }
0x87: {  	_ =	shalt  }
.Lfunc_end0:
.L_simem_size_0:
called_computation.1_lowered:
.L_overlay_start_0:
0x88: {  	s2 =	sld [smem:$0x3FD9]  }
0x89: {  	s3 =	sld [smem:$0x3FFE];
	_ =	sdelay $0x1  }
0x8a: {  	s1 =	srdreg.scid  }
0x8b: {  	s0 =	sand.u32 $0x1, s1  }
0x8c: {  	s17 =	sshll.u32 s0, $0xA;
	s2 =	sadd.s32 s3, s2  }
0x8d: {  	s2 =	sadd.s32 s2, s17  }
0x8e: {  	[smem:$0x3FC0] =	sst s2  }
0x8f: {  	_ = 	snop  }
0x90: {  	(tm) =	ssettm $0x1  }
0x91: {  	s18 =	sld [smem:$0x3FFB];
	_ =	sdelay $0x3  }
0x92: {  	_ =	strace s18  }
0x93: {  	s2 =	sld [smem:$0x3FFC];
	_ =	sdelay $0x3  }
0x94: {  	_ =	strace s2  }
0x95: {  	s2 =	sld [smem:$0x3FFD];
	_ =	sdelay $0x3  }
0x96: {  	_ =	strace s2  }
0x97: {  	_ =	strace $0x8FFFFFFF  }
0x98: {  	s19 =	sld [smem:$0x3FDB];
	_ =	sdelay $0x1  }
0x99: {  	s20 =	simm.s32 $_scs_section_size  }
0x9a: {  	s4 =	simm.s32 $_size__tile_overlayer_lowered;
	s5 =	simm.s32 $_tile_overlayer_lowered  }
0x9b: {  	s6 =	simm.s32 $0x1BFF;
	s21 =	sshll.u32 s5, $0x1;
	s3 =	sadd.s32 s20, s19  }
0x9c: {  	s22 =	simm.s32 $0x0;
	s4 =	sshll.u32 s4, $0x1;
	s5 =	sadd.s32 s21, s3  }
0x9d: {  	[timem:s22], [sflag:s6] =	dma.local [hbm:s5], s4  }
0x9e: {  	_ =	swait.ge [sflag:s6], s4  }
0x9f: {  	s4 =	ssub.s32 $0x0, s4;
	[sflag:s6] =	ssyncset.done $0x0  }
0xa0: {  	[sflag:s6] =	ssyncadd.s32 s4;
	_ =	sdelay $0x1  }
0xa1: {  	s23 =	simm.s32 $0x1B8B  }
0xa2: {  	_ =	swait.ge [sflag:s23], $0x1  }
0xa3: {  	[sflag:s23] =	ssyncset.done $0x0  }
0xa4: {  	[sflag:s23] =	ssyncadd.s32 $0xFFFFFFFF  }
0xa5: {  	s4 =	sld [smem:$0x0]  }
0xa6: {  	s5 =	sand.u32 $0xFFFFFFFE, s1  }
0xa7: {  	p0 =	sne.s32 s1, s5  }
0xa8: {  	s5 =	sshll.u32 @p0 s5, $0xE  }
0xa9: {  	s5 =	sadd.s32 @p0 $0x11B8D, s5;
	s6 =	sshll.u32 @p0 s4, $0x11  }
0xaa: {  	s5 =	sor.u32 @p0 s6, s5  }
0xab: {  	[sflag:s5] =	ssyncadd.remote.s32 @p0 $0x1;
	_ =	sdelay $0x1  }
0xac: {  	s5 =	simm.s32 @p0 $0x1B8D  }
0xad: {  	_ =	swait.eq @p0 [sflag:s5], $0x1  }
0xae: {  	[sflag:s5] =	ssyncadd.s32 @p0 $0xFFFFFFFF  }
0xaf: {  	s6 =	sshll.u32 @!p0 s1, $0xE  }
0xb0: {  	s6 =	sor.u32 @!p0 $0x4000, s6;
	s5 =	simm.s32 @!p0 $0x1B8D  }
0xb1: {  	s4 =	sshll.u32 @!p0 s4, $0x11;
	s6 =	sadd.s32 @!p0 $0x11B8D, s6;
	_ =	swait.eq @!p0 [sflag:s5], $0x1  }
0xb2: {  	s4 =	sor.u32 @!p0 s4, s6;
	[sflag:s5] =	ssyncadd.s32 @!p0 $0xFFFFFFFF  }
0xb3: {  	s25 =	simm.s32 $0x1B8E;
	s24 =	sld [smem:$0x3FFE];
	[sflag:s4] =	ssyncadd.remote.s32 @!p0 $0x1  }
0xb4: {  	s26 =	simm.s32 $execute0_lowered;
	[smem:$0x3FD2] =	sst s25  }
0xb5: {  	s5 =	sshll.u32 s26, $0x1;
	_ =	strace $0x8000005A;
	[dreg:$0x1] =	wrdreg $0xFFFFFFFF  }
0xb6: {  	s28 =	simm.s32 $_size_execute0_lowered;
	s3 =	sadd.s32 s3, s5;
	[dreg:$0x0] =	wrdreg $0x0  }
0xb7: {  	s5 =	sshll.u32 s28, $0x1;
	[dreg:$0x2] =	wrdreg s3  }
0xb8: {  	[dreg:$0x3] =	wrdreg s5  }
0xb9: {  	[dreg:$0x4] =	wrdreg $0xC0  }
0xba: {  	_ =	task [dreg:s22], $0x5FFFF  }
0xbb: {  	[dreg:$0x1] =	wrdreg $0xFFFFFFFF  }
0xbc: {  	[dreg:$0x0] =	wrdreg $0x60  }
0xbd: {  	[dreg:$0x2] =	wrdreg s24  }
0xbe: {  	[dreg:$0x3] =	wrdreg $0xA  }
0xbf: {  	_ =	task.clear_ibuf [dreg:s22], $0x4FFFF;
	_ =	strace $0x9000005A  }
0xc0: {  	s29 =	simm.s32 $0xA;
	_ =	strace $0x80000063  }
0xc1: {  	_ =	swait.ge [sflag:s29], $0x1  }
0xc2: {  	[sflag:s29] =	ssyncadd.s32 $0xFFFFFFFF  }
0xc3: {  	_ =	strace $0x90000063  }
0xc4: {  	_ =	sfence  }
0xc5: {  	s30 =	sld [smem:$0x0];
	_ =	sdelay $0x2  }
0xc6: {  	s31 =	sshll.u32 s1, $0xD;
	s1 =	sshrl.u32 s1, $0x2  }
0xc7: {  	s4 =	sand.u32 $0x4000, s31;
	s1 =	sadd.s32 s1, s30  }
0xc8: {  	s0 =	sor.u32 s4, s0;
	s1 =	sshll.u32 s1, $0x11  }
0xc9: {  	s0 =	sor.u32 s1, s0  }
0xca: {  	s0 =	sadd.s32 $0x8F2B, s0  }
0xcb: {  	[sflag:s0] =	ssyncadd.remote.s32 $0x1  }
0xcc: {  	_ =	sfence.sel $0xFFFF  }
0xcd: {  	[dreg:$0x0] =	wrdreg $0xFFFFFFFF;
	(pc) =	sbr.abs _section_cstart, $3  }
0xce: {  	[dreg:$0x1] =	wrdreg $0xFFFFFFFF  }
0xcf: {  	_ =	task.clear_ibuf [dreg:s22], $0x2FFFF;
	_ =	strace $0x9FFFFFFF  }
0xd0: {  	(tm) =	ssettm $0x7FFFFFFF  }
0xd1: {  	_ =	shalt  }
tec
execute0_lowered:
.L_overlay_start_1:
0x0: {  	(tag) =	ssettag $0x1  }
0x1: {  	s3 =	rddreg [dreg:$0x0]  }
0x2: {  	s0 =	rddreg [dreg:$0x1];
	s1 =	simm.s32 $0x0;
	s2 =	srdreg.scid  }
0x3: {  	s31 =	simm.s32 $0x80;
	s9 =	simm.s32 $0x4;
	s10 =	simm.s32 $0x0  }
0x4: {  	[smem:$0x7FF] =	sst s1;
	s4 =	sand.u32 $0x1, s2;
	s5 =	sadd.s32 $0xF45800, s3  }
0x5: {  	s2 =	stileid.u32;
	s29 =	sadd.s32 $0x537400, s3;
	s3 =	sadd.s32 $0x8400, s3  }
0x6: {  	_ =	strace $0x8000005B;
	s6 =	sshll.u32 s4, $0x4;
	[dreg:$0x2] =	wrdreg s5  }
0x7: {  	s4 =	ssub.s32 $0x2, s4;
	[dreg:$0x4] =	wrdreg s29;
	s28 =	sor.u32 s2, s6  }
0x8: {  	[dreg:$0x3] =	wrdreg s31;
	s7 =	sshrl.u32 s4, $0x1;
	s8 =	smul.u32 $0x280, s28  }
0x9: {  	s30 =	ssub.s32 s4, s7;
	s4 =	smul.u32 $0x28, s28;
	s7 =	simm.s32 $0x1  }
0xa: {  	s6 =	smax.u32 s30, $0x1;
	s5 =	sadd.s32 s3, s8;
	s8 =	simm.s32 $0x5  }
.LBB2_1:
0xb: {  	_ =	strace $0x8000005C;
	s11 =	simm.s32 $0x1;
	p0 =	por $0x0, $0x0  }
0xc: {  	[tilespmem:s1], [sflag:$0x1] =	stream.linear.gather [hbm4b:s5+s1], $0x80, $0x200038;
	[tilespmem:$0x8100] =	vst v63  }
0xd: {  	s11 =	simm.s32 @p0 $0x0  }
0xe: {  	p4 =	por $0x1, $0x1;
	s20 =	sand.u32 $0x1, s1;
	p1 =	sne.s32 s11, $0x0  }
0xf: {  	p2 =	por $0x1, $0x1;
	s18 =	simm.s32 $0x26;
	p0 =	por !p4, !p1  }
0x10: {  	s16 =	simm.s32 $0x0;
	p5 =	por $0x0, $0x0;
	p0 =	por !p0, !p0  }
0x11: {  	s23 =	sadd.s32 $0x0, s4;
	s30 =	sadd.s32 $0x1, s20;
	s12 =	sadd.s32 @p0 s4, s11  }
0x12: {  	_ =	strace $0x9000005C;
	s13 =	sand.u32 @p0 $0x1, s7;
	s12 =	sshll.u32 @p0 s12, $0x4  }
0x13: {  	_ =	strace @p0 $0x8000005D;
	s15 =	simm.s32 @p0 $0x0;
	s12 =	sand.u32 @p0 $0x1FFFFFF0, s12  }
0x14: {  	s14 =	sshll.u32 @p0 s13, $0x7;
	s13 =	sadd.s32 @p0 $0x1, s13;
	s12 =	sadd.s32 @p0 s3, s12  }
0x15: {  	[tilespmem:s14], [sflag:s13] =	stream.linear.gather @p0 [hbm4b:s12+s15], $0x80, $0x200038;
	[tilespmem:$0x8100] =	vst v63  }
0x16: {  	p3 =	por p2, p2;
	s21 =	sshll.u32 s20, $0xE;
	_ =	strace @p0 $0x9000005D  }
0x17: {  	s16 =	sand.u32 $0x80, s16;
	p2 =	por p5, p5;
	_ =	strace $0x8000005E  }
0x18: {  	s17 =	sadd.s32 $0x1, s11;
	s22 =	sor.u32 $0x100, s21;
	_ =	swait.ge [sflag:s30], $0x80  }
0x19: {  	s21 =	simm.s32 $0x1;
	p6 =	por p1, p1;
	[sflag:s30] =	ssyncset.done $0x0  }
0x1a: {  	p1 =	por p3, p3;
	p4 =	por $0x1, $0x1;
	[sflag:s30] =	ssyncadd.s32 $0xFFFFFF80  }
0x1b: {  	s12 =	simm.s32 $0x27;
	s15 =	sand.u32 @!p3 $0x1, s1;
	_ =	strace $0x9000005E  }
0x1c: {  	s13 =	simm.s32 $0x1;
	p3 =	seq.s32 s17, $0x28;
	_ =	strace $0x8000005F  }
0x1d: {  	s13 =	simm.s32 @!p0 $0x0;
	s17 =	simm.s32 @p3 $0x0;
	s19 =	rddreg [dreg:$0x3]  }
0x1e: {  	p0 =	por $0x0, $0x0;
	s14 =	sadd.s32 $0x1, s13;
	s31 =	rddreg [dreg:$0x2]  }
0x1f: {  	[tilespmem:s22], [sflag:$0x5] =	stream.indirect.gather [hbm4b:s31+s19], $0x80, s16, s19, $0x2000b8;
	[tilespmem:$0x8100] =	vst v63  }
0x20: {  	p3 =	sne.s32 s11, s17;
	s21 =	simm.s32 @!p0 $0x0;
	_ =	swait.ge [sflag:s8], $0x4000  }
0x21: {  	p5 =	por !p4, !p3;
	p4 =	por $0x0, $0x0;
	[sflag:s8] =	ssyncset.done $0x0  }
0x22: {  	s13 =	simm.s32 $0x0;
	p6 =	por p4, p6;
	[sflag:s8] =	ssyncadd.s32 $0xFFFFC000  }
0x23: {  	s16 =	simm.s32 $0x0;
	s19 =	simm.s32 $0x0;
	_ =	strace $0x9000005F  }
.LBB2_2:
0x24: {  	_ =	strace @p6 $0x80000060;
	s13 =	sadd.s32 s21, s13;
	s21 =	smov.u32 s12  }
0x25: {  	s12 =	smov.u32 s18;
	s18 =	sadd.s32 $0xFFFFFFFF, s18;
	p0 =	por p3, p3  }
0x26: {  	s28 =	sshll.u32 @p6 s23, $0xB;
	s20 =	sadd.s32 @p6 $0x3, s20;
	s24 =	simm.s32 @!p0 $0x0  }
0x27: {  	s25 =	rddreg [dreg:$0x4];
	s28 =	sand.u32 @p6 $0x1FFFF800, s28;
	s24 =	simm.s32 @p0 $0x1  }
0x28: {  	s25 =	sadd.s32 @p6 s25, s28;
	s28 =	simm.s32 @p6 $0x0;
	p0 =	sne.s32 s18, $0x0  }
0x29: {  	[hbm4b:s25+s28] =	stream.linear.scatter @p6 [tilespmem:s22], [sflag:s20], $0x4000, $0x200038;
	[tilespmem:$0x8100] =	vst v63  }
0x2a: {  	s20 =	sadd.s32 @!p1 $0x3, s15;
	s15 =	simm.s32 @!p0 $0x0  }
0x2b: {  	s26 =	simm.s32 $0x1;
	[smem:$0x7FC] =	sst s24;
	s15 =	simm.s32 @p0 $0x1  }
0x2c: {  	s26 =	simm.s32 @!p6 $0x0;
	_ =	strace @p6 $0x90000060;
	[smem:$0x7FD] =	sst s15  }
0x2d: {  	p5 =	por !p5, !p5;
	s19 =	sadd.s32 s26, s19;
	_ =	strace @!p1 $0x80000061  }
0x2e: {  	s24 =	sand.u32 @!p2 $0x1, s13;
	s22 =	sand.u32 @p5 $0x1, s14;
	_ =	swait.ge @!p1 [sflag:s20], $0x4000  }
0x2f: {  	s15 =	smov.u32 s24;
	s24 =	sadd.s32 @p5 s4, s17;
	[sflag:s20] =	ssyncset.done @!p1 $0x0  }
0x30: {  	s25 =	sshll.u32 @p5 s22, $0x7;
	s24 =	sshll.u32 @p5 s24, $0x4;
	[sflag:s20] =	ssyncadd.s32 @!p1 $0xFFFFC000  }
0x31: {  	s20 =	sadd.s32 @p5 $0x1, s22;
	s22 =	sand.u32 @p5 $0x1FFFFFF0, s24;
	_ =	strace @!p1 $0x90000061  }
0x32: {  	s24 =	simm.s32 @p5 $0x0;
	s22 =	sadd.s32 @p5 s3, s22;
	_ =	strace @p5 $0x8000005D  }
0x33: {  	[tilespmem:s25], [sflag:s20] =	stream.linear.gather @p5 [hbm4b:s22+s24], $0x80, $0x200038;
	[tilespmem:$0x8100] =	vst v63  }
0x34: {  	s16 =	sadd.s32 s26, s16;
	s26 =	sand.u32 $0x1, s19;
	_ =	strace @p5 $0x9000005D  }
0x35: {  	s24 =	sadd.s32 $0x1, s26;
	_ =	strace $0x8000005E  }
0x36: {  	_ =	swait.ge [sflag:s24], $0x80  }
0x37: {  	[sflag:s24] =	ssyncset.done $0x0  }
0x38: {  	s20 =	simm.s32 $0x1;
	[sflag:s24] =	ssyncadd.s32 $0xFFFFFF80  }
0x39: {  	s20 =	simm.s32 @!p5 $0x0;
	_ =	strace $0x9000005E  }
0x3a: {  	s14 =	sadd.s32 s20, s14;
	s20 =	sand.u32 $0x1, s16;
	_ =	strace $0x8000005F  }
0x3b: {  	s29 =	sshll.u32 s19, $0x7;
	s25 =	sshll.u32 s20, $0xE;
	s26 =	rddreg [dreg:$0x3]  }
0x3c: {  	s29 =	sand.u32 $0x80, s29;
	s22 =	sor.u32 $0x100, s25;
	s30 =	rddreg [dreg:$0x2]  }
0x3d: {  	[tilespmem:s22], [sflag:$0x5] =	stream.indirect.gather [hbm4b:s30+s26], $0x80, s29, s26, $0x2000b8;
	[tilespmem:$0x8100] =	vst v63  }
0x3e: {  	_ =	swait.ge [sflag:s8], $0x4000  }
0x3f: {  	s31 =	sadd.s32 $0x1, s17;
	[sflag:s8] =	ssyncset.done $0x0  }
0x40: {  	s23 =	sadd.s32 s4, s11;
	s11 =	smov.u32 s17;
	[sflag:s8] =	ssyncadd.s32 $0xFFFFC000  }
0x41: {  	p3 =	seq.s32 s31, $0x28;
	s17 =	smov.u32 s31;
	_ =	strace $0x9000005F  }
0x42: {  	s17 =	simm.s32 @p3 $0x0;
	s31 =	sld [smem:$0x7FD]  }
0x43: {  	p6 =	sne.s32 s12, $0x1;
	p0 =	sne.s32 s21, $0x28;
	p3 =	sne.s32 s11, s17  }
0x44: {  	p5 =	por !p6, !p3;
	p6 =	seq.s32 s21, $0x1;
	s21 =	simm.s32 $0x1  }
0x45: {  	s21 =	simm.s32 @!p0 $0x0;
	p0 =	seq.s32 s31, $0x1  }
.Ltmp0:
0x46: {  	s30 =	sld [smem:$0x7FC];
	(pc) =	sbr.rel @p0 .LBB2_2-.Ltmp0, $4  }
0x47: {  	_ = 	snop  }
0x48: {  	p4 =	seq.s32 s12, $0x28  }
0x49: {  	p1 =	por p2, p2;
	p2 =	por p4, p4;
	p4 =	seq.s32 s30, $0x1  }
0x4a: {  	p6 =	por p6, p4  }
0x4b: {  	_ =	strace @p6 $0x80000060;
	s23 =	sshll.u32 @p6 s23, $0xB  }
0x4c: {  	s18 =	rddreg [dreg:$0x4];
	s23 =	sand.u32 @p6 $0x1FFFF800, s23  }
0x4d: {  	s20 =	sadd.s32 @p6 $0x3, s20;
	s18 =	sadd.s32 @p6 s18, s23;
	s23 =	simm.s32 @p6 $0x0  }
0x4e: {  	[hbm4b:s18+s23] =	stream.linear.scatter @p6 [tilespmem:s22], [sflag:s20], $0x4000, $0x200038;
	[tilespmem:$0x8100] =	vst v63  }
0x4f: {  	p0 =	por !p5, !p5;
	_ =	strace @p6 $0x90000060  }
0x50: {  	s15 =	sadd.s32 @!p1 $0x3, s15;
	s17 =	sadd.s32 @p0 s4, s17;
	_ =	strace @!p1 $0x80000061  }
0x51: {  	s14 =	sand.u32 @p0 $0x1, s14;
	s17 =	sshll.u32 @p0 s17, $0x4;
	_ =	swait.ge @!p1 [sflag:s15], $0x4000  }
0x52: {  	s18 =	simm.s32 $0x1;
	s20 =	sshll.u32 @p0 s14, $0x7;
	[sflag:s15] =	ssyncset.done @!p1 $0x0  }
0x53: {  	s14 =	sadd.s32 @p0 $0x1, s14;
	s18 =	simm.s32 @!p6 $0x0;
	[sflag:s15] =	ssyncadd.s32 @!p1 $0xFFFFC000  }
0x54: {  	s19 =	sadd.s32 s18, s19;
	s15 =	sand.u32 @p0 $0x1FFFFFF0, s17;
	_ =	strace @!p1 $0x90000061  }
0x55: {  	s17 =	simm.s32 @p0 $0x0;
	s15 =	sadd.s32 @p0 s3, s15;
	_ =	strace @p0 $0x8000005D  }
0x56: {  	[tilespmem:s20], [sflag:s14] =	stream.linear.gather @p0 [hbm4b:s15+s17], $0x80, $0x200038;
	[tilespmem:$0x8100] =	vst v63  }
0x57: {  	s25 =	sand.u32 $0x1, s19;
	_ =	strace @p0 $0x9000005D  }
0x58: {  	s14 =	sadd.s32 $0x1, s25;
	_ =	strace $0x8000005E  }
0x59: {  	_ =	swait.ge [sflag:s14], $0x80  }
0x5a: {  	[sflag:s14] =	ssyncset.done $0x0  }
0x5b: {  	[sflag:s14] =	ssyncadd.s32 $0xFFFFFF80  }
0x5c: {  	s26 =	sadd.s32 s18, s16;
	_ =	strace $0x9000005E  }
0x5d: {  	s14 =	sand.u32 $0x1, s26;
	_ =	strace $0x8000005F  }
0x5e: {  	s30 =	sshll.u32 s19, $0x7;
	s31 =	sshll.u32 s14, $0xE;
	s28 =	rddreg [dreg:$0x3]  }
0x5f: {  	s17 =	sand.u32 $0x80, s30;
	s18 =	sor.u32 $0x100, s31;
	s29 =	rddreg [dreg:$0x2]  }
0x60: {  	[tilespmem:s18], [sflag:$0x5] =	stream.indirect.gather [hbm4b:s29+s28], $0x80, s17, s28, $0x2000b8;
	[tilespmem:$0x8100] =	vst v63  }
0x61: {  	_ =	swait.ge [sflag:s8], $0x4000  }
0x62: {  	[sflag:s8] =	ssyncset.done $0x0  }
0x63: {  	p5 =	por p3, p3;
	p6 =	seq.s32 s12, $0x1;
	[sflag:s8] =	ssyncadd.s32 $0xFFFFC000  }
0x64: {  	s11 =	sadd.s32 s4, s11;
	p0 =	por p6, p5;
	_ =	strace $0x9000005F  }
0x65: {  	s11 =	sshll.u32 @p0 s11, $0xB;
	_ =	strace @p0 $0x80000060  }
0x66: {  	s13 =	sadd.s32 s21, s13;
	s11 =	sand.u32 @p0 $0x1FFFF800, s11;
	s12 =	rddreg [dreg:$0x4]  }
0x67: {  	s14 =	sadd.s32 @p0 $0x3, s14;
	s11 =	sadd.s32 @p0 s12, s11;
	s12 =	simm.s32 @p0 $0x0  }
0x68: {  	[hbm4b:s11+s12] =	stream.linear.scatter @p0 [tilespmem:s18], [sflag:s14], $0x4000, $0x200038;
	[tilespmem:$0x8100] =	vst v63  }
0x69: {  	p1 =	por p2, p2;
	s11 =	sand.u32 @!p2 $0x1, s13;
	_ =	strace @p0 $0x90000060  }
0x6a: {  	s11 =	sadd.s32 @!p1 $0x3, s11;
	_ =	strace @!p1 $0x80000061  }
0x6b: {  	_ =	swait.ge @!p1 [sflag:s11], $0x4000  }
0x6c: {  	[sflag:s11] =	ssyncset.done @!p1 $0x0  }
0x6d: {  	s10 =	sadd.s32 $0x1, s10;
	[sflag:s11] =	ssyncadd.s32 @!p1 $0xFFFFC000  }
0x6e: {  	p0 =	sne.s32 s10, s6;
	_ =	strace @!p1 $0x90000061  }
.Ltmp1:
0x6f: {  	_ =	strace $0x80000062;
	(pc) =	sbr.rel @p0 .LBB2_1-.Ltmp1, $4  }
0x70: {  	_ =	swait.ge [sflag:s9], $0x4000  }
0x71: {  	[sflag:s9] =	ssyncset.done $0x0  }
0x72: {  	[sflag:s9] =	ssyncadd.s32 $0xFFFFC000  }
0x73: {  	_ =	strace $0x90000062  }
0x74: {  	_ =	sfence.sel $0x180000  }
0x75: {  	[bflag:$0x0] =	sbarrier.arrive $0xFFFF  }
0x76: {  	p0 =	sne.s32 s2, $0x0;
	_ =	strace $0x9000005B  }
0x77: {  	s0 =	sadd.s32 @!p0 $0x100000, s0;
	[bflag:$0x2] =	sbarrier.arrive $0xFFFF  }
0x78: {  	[sflag:s0] =	ssyncadd.tile.s32 @!p0 $0x1;
	_ =	shalt  }
.Lfunc_end2:
_tile_overlayer_lowered:
.L_overlay_start_2:
0x79: {  	(tag) =	ssettag $0x2  }
0x7a: {  	s0 =	rddreg [dreg:$0x0];
	s2 =	stileid.u32  }
0x7b: {  	s1 =	rddreg [dreg:$0x1];
	p0 =	sne.s32 s2, $0x0  }
0x7c: {  	s3 =	rddreg [dreg:$0x2];
	[bflag:$0x3] =	sbarrier.arrive $0xFFFF;
	s2 =	simm.s32 @!p0 $0x1C01  }
0x7d: {  	[timem:s3], [sflag:s2] =	dma.local @!p0 [hbm:s0], s1  }
0x7e: {  	s0 =	simm.s32 @!p0 $0x1  }
0x7f: {  	_ =	swait.ge @!p0 [sflag:s0], s1  }
0x80: {  	s1 =	ssub.s32 @!p0 $0x0, s1;
	[sflag:s0] =	ssyncset.done @!p0 $0x0  }
0x81: {  	[sflag:s0] =	ssyncadd.s32 @!p0 s1  }
0x82: {  	[bflag:$0x3] =	sbarrier.arrive $0xFFFF  }
0x83: {  	_ =	shalt  }

// kernel: kernel.16.cloned.1.call-start
scs
__scs_entry_jumppad:
0x0: {  	(pc) =	sbr.rel $0x88, $3  }
0x1: {  	(tag) =	ssettag $0x0;
	lr =	simm.s32 $0x1  }
0x2: {  	[smem:$0x3F99] =	sst lr;
	_ =	strace $0xD0000000  }
0x3: {  	_ = 	snop  }
0x4: {  	_ = 	snop  }
0x5: {  	_ = 	snop  }
0x6: {  	_ = 	snop  }
0x7: {  	_ = 	snop  }
__scs_overlays_trampoline_lowered:
0x8: {  	[smem:$0x3FA8] =	sst s0  }
0x9: {  	[smem:$0x3FA9] =	sst s1  }
0xa: {  	[smem:$0x3FAA] =	sst s2  }
0xb: {  	[smem:$0x3FAB] =	sst s3  }
0xc: {  	[smem:$0x3FAC] =	sst s4  }
0xd: {  	[smem:$0x3FAD] =	sst s5  }
0xe: {  	[smem:$0x3FAE] =	sst s6  }
0xf: {  	[smem:$0x3FAF] =	sst s7  }
0x10: {  	[smem:$0x3FB0] =	sst s8  }
0x11: {  	[smem:$0x3FB1] =	sst s9;
	s0 =	simm.s32 @!p0 $0x0  }
0x12: {  	s1 =	sld [smem:$0x3F97];
	s0 =	simm.s32 @p0 $0x1  }
0x13: {  	[smem:$0x3FB2] =	sst s0;
	s0 =	simm.s32 @!p1 $0x0  }
0x14: {  	s2 =	sld [smem:$0x3F96];
	s0 =	simm.s32 @p1 $0x1  }
0x15: {  	[smem:$0x3FB3] =	sst s0;
	s0 =	simm.s32 @!p2 $0x0  }
0x16: {  	s3 =	sld [smem:$0x3FDB];
	s0 =	simm.s32 @p2 $0x1  }
0x17: {  	s4 =	simm.s32 $0x1BF5;
	[smem:$0x3FB5] =	sst s0  }
0x18: {  	s0 =	sld [smem:$0x3F98];
	_ =	swait.ge [sflag:s4], $0x0  }
0x19: {  	s7 =	sld [smem:$0x3F99]  }
0x1a: {  	s8 =	sadd.s32 $0xFFFFE003, lr  }
0x1b: {  	s9 =	sadd.s32 $0xFFFFFEF7, lr;
	s5 =	simm.s32 $0xFFFFFFFF;
	p2 =	slt.u32 s8, $0xFFFFF086  }
0x1c: {  	p1 =	slt.u32 s9, $0xF7A;
	s5 =	simm.s32 @!p2 $0x0  }
0x1d: {  	s5 =	simm.s32 @p1 $0x1;
	p0 =	seq.s32 s7, s2  }
0x1e: {  	s7 =	smul.u32 @!p0 $0xF7A, s2;
	p2 =	seq.s32 @!p0 s5, $0x0  }
0x1f: {  	s9 =	smul.u32 $0xF7A, s1;
	s8 =	simm.s32 @!p0 $0x1BF5;
	p2 =	por !p2, p0  }
0x20: {  	[sflag:s8] =	ssyncset.s32 @!p0 $0xFFFFF086;
	s6 =	sadd.s32 @!p0 s3, s7;
	s7 =	simm.s32 @!p0 $0x108  }
0x21: {  	s3 =	sadd.s32 s3, s9;
	s6 =	sadd.s32 @!p0 $0x88, s6;
	s7 =	simm.s32 @p2 $0x1082  }
0x22: {  	[simem:s7], [sflag:s8] =	dma.local @!p0 [hbm:s6], $0xF7A  }
0x23: {  	s9 =	sor.u32 $0xD0000000, s2;
	s6 =	simm.s32 $0x108;
	_ =	swait.ge @!p0 [sflag:s8], $0x0  }
0x24: {  	s3 =	sadd.s32 $0x88, s3;
	s6 =	simm.s32 @!p1 $0x1082;
	[sflag:s4] =	ssyncset.s32 $0xFFFFF086  }
0x25: {  	[simem:s6], [sflag:s4] =	dma.local [hbm:s3], $0xF7A  }
0x26: {  	[smem:$0x3F99] =	sst s1;
	(tag) =	ssettag s2;
	_ =	strace s9  }
0x27: {  	s1 =	sld [smem:$0x3FA9]  }
0x28: {  	s2 =	sld [smem:$0x3FAA]  }
0x29: {  	s4 =	sld [smem:$0x3FAC]  }
0x2a: {  	p0 =	seq.s32 s5, $0x0;
	s5 =	sld [smem:$0x3FAD]  }
0x2b: {  	s6 =	sld [smem:$0x3FAE]  }
0x2c: {  	s7 =	sld [smem:$0x3FAF]  }
0x2d: {  	s3 =	simm.s32 $0x108;
	s8 =	sld [smem:$0x3FB0]  }
0x2e: {  	s3 =	simm.s32 @!p0 $0x1082;
	s9 =	sld [smem:$0x3FB1]  }
0x2f: {  	lr =	sadd.s32 s0, s3;
	s0 =	sld [smem:$0x3FA8]  }
0x30: {  	s3 =	sld [smem:$0x3FAB]  }
0x31: {  	[smem:$0x3FB4] =	sst s10  }
0x32: {  	s10 =	sld [smem:$0x3FB2];
	_ =	sdelay $0x3  }
0x33: {  	p0 =	seq.s32 s10, $0x1;
	s10 =	sld [smem:$0x3FB4];
	_ =	sdelay $0x3  }
0x34: {  	[smem:$0x3FB4] =	sst s10  }
0x35: {  	s10 =	sld [smem:$0x3FB3];
	_ =	sdelay $0x3  }
0x36: {  	p1 =	seq.s32 s10, $0x1;
	s10 =	sld [smem:$0x3FB4];
	_ =	sdelay $0x3  }
0x37: {  	[smem:$0x3FB4] =	sst s10  }
0x38: {  	s10 =	sld [smem:$0x3FB5]  }
0x39: {  	_ = 	snop;
	(pc) =	sbr.ind lr, $3  }
0x3a: {  	_ = 	snop  }
0x3b: {  	_ = 	snop  }
0x3c: {  	p2 =	seq.s32 s10, $0x1;
	s10 =	sld [smem:$0x3FB4]  }
0x3d: {  	_ =	shalt  }
0x3e: {  	_ =	shalt  }
0x3f: {  	_ =	shalt  }
0x40: {  	_ =	shalt  }
0x41: {  	_ =	shalt  }
0x42: {  	_ =	shalt  }
0x43: {  	_ =	shalt  }
0x44: {  	_ =	shalt  }
0x45: {  	_ =	shalt  }
0x46: {  	_ =	shalt  }
0x47: {  	_ =	shalt  }
0x48: {  	_ =	shalt  }
0x49: {  	_ =	shalt  }
0x4a: {  	_ =	shalt  }
0x4b: {  	_ =	shalt  }
0x4c: {  	_ =	shalt  }
0x4d: {  	_ =	shalt  }
0x4e: {  	_ =	shalt  }
0x4f: {  	_ =	shalt  }
0x50: {  	_ =	shalt  }
0x51: {  	_ =	shalt  }
0x52: {  	_ =	shalt  }
0x53: {  	_ =	shalt  }
0x54: {  	_ =	shalt  }
0x55: {  	_ =	shalt  }
0x56: {  	_ =	shalt  }
0x57: {  	_ =	shalt  }
0x58: {  	_ =	shalt  }
0x59: {  	_ =	shalt  }
0x5a: {  	_ =	shalt  }
0x5b: {  	_ =	shalt  }
0x5c: {  	_ =	shalt  }
0x5d: {  	_ =	shalt  }
0x5e: {  	_ =	shalt  }
0x5f: {  	_ =	shalt  }
0x60: {  	_ =	shalt  }
0x61: {  	_ =	shalt  }
0x62: {  	_ =	shalt  }
0x63: {  	_ =	shalt  }
0x64: {  	_ =	shalt  }
0x65: {  	_ =	shalt  }
0x66: {  	_ =	shalt  }
0x67: {  	_ =	shalt  }
0x68: {  	_ =	shalt  }
0x69: {  	_ =	shalt  }
0x6a: {  	_ =	shalt  }
0x6b: {  	_ =	shalt  }
0x6c: {  	_ =	shalt  }
0x6d: {  	_ =	shalt  }
0x6e: {  	_ =	shalt  }
0x6f: {  	_ =	shalt  }
0x70: {  	_ =	shalt  }
0x71: {  	_ =	shalt  }
0x72: {  	_ =	shalt  }
0x73: {  	_ =	shalt  }
0x74: {  	_ =	shalt  }
0x75: {  	_ =	shalt  }
0x76: {  	_ =	shalt  }
0x77: {  	_ =	shalt  }
0x78: {  	_ =	shalt  }
0x79: {  	_ =	shalt  }
0x7a: {  	_ =	shalt  }
0x7b: {  	_ =	shalt  }
0x7c: {  	_ =	shalt  }
0x7d: {  	_ =	shalt  }
0x7e: {  	_ =	shalt  }
0x7f: {  	_ =	shalt  }
0x80: {  	_ =	shalt  }
0x81: {  	_ =	shalt  }
0x82: {  	_ =	shalt  }
0x83: {  	_ =	shalt  }
0x84: {  	_ =	shalt  }
0x85: {  	_ =	shalt  }
0x86: {  	_ =	shalt  }
0x87: {  	_ =	shalt  }
.Lfunc_end0:
.L_simem_size_0:
called_computation.2_lowered:
.L_overlay_start_0:
0x88: {  	s2 =	sld [smem:$0x3FD9]  }
0x89: {  	s3 =	sld [smem:$0x3FFE];
	_ =	sdelay $0x1  }
0x8a: {  	s1 =	srdreg.scid  }
0x8b: {  	s0 =	sand.u32 $0x1, s1  }
0x8c: {  	s17 =	sshll.u32 s0, $0xA;
	s2 =	sadd.s32 s3, s2  }
0x8d: {  	s2 =	sadd.s32 s2, s17  }
0x8e: {  	[smem:$0x3FC0] =	sst s2  }
0x8f: {  	_ = 	snop  }
0x90: {  	(tm) =	ssettm $0x1  }
0x91: {  	s18 =	sld [smem:$0x3FFB];
	_ =	sdelay $0x3  }
0x92: {  	_ =	strace s18  }
0x93: {  	s2 =	sld [smem:$0x3FFC];
	_ =	sdelay $0x3  }
0x94: {  	_ =	strace s2  }
0x95: {  	s2 =	sld [smem:$0x3FFD];
	_ =	sdelay $0x3  }
0x96: {  	_ =	strace s2  }
0x97: {  	_ =	strace $0x8FFFFFFF  }
0x98: {  	s19 =	sld [smem:$0x3FDB];
	_ =	sdelay $0x1  }
0x99: {  	s20 =	simm.s32 $_scs_section_size  }
0x9a: {  	s4 =	simm.s32 $_size__tile_overlayer_lowered;
	s5 =	simm.s32 $_tile_overlayer_lowered  }
0x9b: {  	s6 =	simm.s32 $0x1BFF;
	s21 =	sshll.u32 s5, $0x1;
	s3 =	sadd.s32 s20, s19  }
0x9c: {  	s22 =	simm.s32 $0x0;
	s4 =	sshll.u32 s4, $0x1;
	s5 =	sadd.s32 s21, s3  }
0x9d: {  	[timem:s22], [sflag:s6] =	dma.local [hbm:s5], s4  }
0x9e: {  	_ =	swait.ge [sflag:s6], s4  }
0x9f: {  	s4 =	ssub.s32 $0x0, s4;
	[sflag:s6] =	ssyncset.done $0x0  }
0xa0: {  	[sflag:s6] =	ssyncadd.s32 s4;
	_ =	sdelay $0x1  }
0xa1: {  	s23 =	simm.s32 $0x1B8B  }
0xa2: {  	_ =	swait.ge [sflag:s23], $0x1  }
0xa3: {  	[sflag:s23] =	ssyncset.done $0x0  }
0xa4: {  	[sflag:s23] =	ssyncadd.s32 $0xFFFFFFFF  }
0xa5: {  	s4 =	sld [smem:$0x0]  }
0xa6: {  	s5 =	sand.u32 $0xFFFFFFFE, s1  }
0xa7: {  	p0 =	sne.s32 s1, s5  }
0xa8: {  	s5 =	sshll.u32 @p0 s5, $0xE  }
0xa9: {  	s5 =	sadd.s32 @p0 $0x11B8D, s5;
	s6 =	sshll.u32 @p0 s4, $0x11  }
0xaa: {  	s5 =	sor.u32 @p0 s6, s5  }
0xab: {  	[sflag:s5] =	ssyncadd.remote.s32 @p0 $0x1;
	_ =	sdelay $0x1  }
0xac: {  	s5 =	simm.s32 @p0 $0x1B8D  }
0xad: {  	_ =	swait.eq @p0 [sflag:s5], $0x1  }
0xae: {  	[sflag:s5] =	ssyncadd.s32 @p0 $0xFFFFFFFF  }
0xaf: {  	s6 =	sshll.u32 @!p0 s1, $0xE  }
0xb0: {  	s6 =	sor.u32 @!p0 $0x4000, s6;
	s5 =	simm.s32 @!p0 $0x1B8D  }
0xb1: {  	s4 =	sshll.u32 @!p0 s4, $0x11;
	s6 =	sadd.s32 @!p0 $0x11B8D, s6;
	_ =	swait.eq @!p0 [sflag:s5], $0x1  }
0xb2: {  	s4 =	sor.u32 @!p0 s4, s6;
	[sflag:s5] =	ssyncadd.s32 @!p0 $0xFFFFFFFF  }
0xb3: {  	s25 =	simm.s32 $0x1B8E;
	s24 =	sld [smem:$0x3FFE];
	[sflag:s4] =	ssyncadd.remote.s32 @!p0 $0x1  }
0xb4: {  	s26 =	simm.s32 $execute0_lowered;
	[smem:$0x3FD2] =	sst s25  }
0xb5: {  	s5 =	sshll.u32 s26, $0x1;
	_ =	strace $0x80000050;
	[dreg:$0x1] =	wrdreg $0xFFFFFFFF  }
0xb6: {  	s28 =	simm.s32 $_size_execute0_lowered;
	s3 =	sadd.s32 s3, s5;
	[dreg:$0x0] =	wrdreg $0x0  }
0xb7: {  	s5 =	sshll.u32 s28, $0x1;
	[dreg:$0x2] =	wrdreg s3  }
0xb8: {  	[dreg:$0x3] =	wrdreg s5  }
0xb9: {  	[dreg:$0x4] =	wrdreg $0xC0  }
0xba: {  	_ =	task [dreg:s22], $0x5FFFF  }
0xbb: {  	[dreg:$0x1] =	wrdreg $0xFFFFFFFF  }
0xbc: {  	[dreg:$0x0] =	wrdreg $0x60  }
0xbd: {  	[dreg:$0x2] =	wrdreg s24  }
0xbe: {  	[dreg:$0x3] =	wrdreg $0xB  }
0xbf: {  	_ =	task.clear_ibuf [dreg:s22], $0x4FFFF;
	_ =	strace $0x90000050  }
0xc0: {  	s29 =	simm.s32 $0xB;
	_ =	strace $0x80000059  }
0xc1: {  	_ =	swait.ge [sflag:s29], $0x1  }
0xc2: {  	[sflag:s29] =	ssyncadd.s32 $0xFFFFFFFF  }
0xc3: {  	_ =	strace $0x90000059  }
0xc4: {  	_ =	sfence  }
0xc5: {  	s30 =	sld [smem:$0x0];
	_ =	sdelay $0x2  }
0xc6: {  	s31 =	sshll.u32 s1, $0xD;
	s1 =	sshrl.u32 s1, $0x2  }
0xc7: {  	s4 =	sand.u32 $0x4000, s31;
	s1 =	sadd.s32 s1, s30  }
0xc8: {  	s0 =	sor.u32 s4, s0;
	s1 =	sshll.u32 s1, $0x11  }
0xc9: {  	s0 =	sor.u32 s1, s0  }
0xca: {  	s0 =	sadd.s32 $0x8F2B, s0  }
0xcb: {  	[sflag:s0] =	ssyncadd.remote.s32 $0x1  }
0xcc: {  	_ =	sfence.sel $0xFFFF  }
0xcd: {  	[dreg:$0x0] =	wrdreg $0xFFFFFFFF;
	(pc) =	sbr.abs _section_cstart, $3  }
0xce: {  	[dreg:$0x1] =	wrdreg $0xFFFFFFFF  }
0xcf: {  	_ =	task.clear_ibuf [dreg:s22], $0x2FFFF;
	_ =	strace $0x9FFFFFFF  }
0xd0: {  	(tm) =	ssettm $0x7FFFFFFF  }
0xd1: {  	_ =	shalt  }
tec
execute0_lowered:
.L_overlay_start_1:
0x0: {  	(tag) =	ssettag $0x1  }
0x1: {  	s3 =	rddreg [dreg:$0x0]  }
0x2: {  	s0 =	rddreg [dreg:$0x1];
	s1 =	simm.s32 $0x0;
	s2 =	srdreg.scid  }
0x3: {  	s31 =	simm.s32 $0x80;
	s9 =	simm.s32 $0x4;
	s10 =	simm.s32 $0x0  }
0x4: {  	[smem:$0x7FF] =	sst s1;
	s4 =	sand.u32 $0x1, s2;
	s5 =	sadd.s32 $0xF45800, s3  }
0x5: {  	s2 =	stileid.u32;
	s29 =	sadd.s32 $0x2A7400, s3;
	s3 =	sadd.s32 $0x3400, s3  }
0x6: {  	_ =	strace $0x80000051;
	s6 =	sshll.u32 s4, $0x4;
	[dreg:$0x2] =	wrdreg s5  }
0x7: {  	s4 =	ssub.s32 $0x2, s4;
	[dreg:$0x4] =	wrdreg s29;
	s28 =	sor.u32 s2, s6  }
0x8: {  	[dreg:$0x3] =	wrdreg s31;
	s7 =	sshrl.u32 s4, $0x1;
	s8 =	smul.u32 $0x280, s28  }
0x9: {  	s30 =	ssub.s32 s4, s7;
	s4 =	smul.u32 $0x28, s28;
	s7 =	simm.s32 $0x1  }
0xa: {  	s6 =	smax.u32 s30, $0x1;
	s5 =	sadd.s32 s3, s8;
	s8 =	simm.s32 $0x5  }
.LBB2_1:
0xb: {  	_ =	strace $0x80000052;
	s11 =	simm.s32 $0x1;
	p0 =	por $0x0, $0x0  }
0xc: {  	[tilespmem:s1], [sflag:$0x1] =	stream.linear.gather [hbm4b:s5+s1], $0x80, $0x200038;
	[tilespmem:$0x8100] =	vst v63  }
0xd: {  	s11 =	simm.s32 @p0 $0x0  }
0xe: {  	p4 =	por $0x1, $0x1;
	s20 =	sand.u32 $0x1, s1;
	p1 =	sne.s32 s11, $0x0  }
0xf: {  	p2 =	por $0x1, $0x1;
	s18 =	simm.s32 $0x26;
	p0 =	por !p4, !p1  }
0x10: {  	s16 =	simm.s32 $0x0;
	p5 =	por $0x0, $0x0;
	p0 =	por !p0, !p0  }
0x11: {  	s23 =	sadd.s32 $0x0, s4;
	s30 =	sadd.s32 $0x1, s20;
	s12 =	sadd.s32 @p0 s4, s11  }
0x12: {  	_ =	strace $0x90000052;
	s13 =	sand.u32 @p0 $0x1, s7;
	s12 =	sshll.u32 @p0 s12, $0x4  }
0x13: {  	_ =	strace @p0 $0x80000053;
	s15 =	simm.s32 @p0 $0x0;
	s12 =	sand.u32 @p0 $0x1FFFFFF0, s12  }
0x14: {  	s14 =	sshll.u32 @p0 s13, $0x7;
	s13 =	sadd.s32 @p0 $0x1, s13;
	s12 =	sadd.s32 @p0 s3, s12  }
0x15: {  	[tilespmem:s14], [sflag:s13] =	stream.linear.gather @p0 [hbm4b:s12+s15], $0x80, $0x200038;
	[tilespmem:$0x8100] =	vst v63  }
0x16: {  	p3 =	por p2, p2;
	s21 =	sshll.u32 s20, $0xE;
	_ =	strace @p0 $0x90000053  }
0x17: {  	s16 =	sand.u32 $0x80, s16;
	p2 =	por p5, p5;
	_ =	strace $0x80000054  }
0x18: {  	s17 =	sadd.s32 $0x1, s11;
	s22 =	sor.u32 $0x100, s21;
	_ =	swait.ge [sflag:s30], $0x80  }
0x19: {  	s21 =	simm.s32 $0x1;
	p6 =	por p1, p1;
	[sflag:s30] =	ssyncset.done $0x0  }
0x1a: {  	p1 =	por p3, p3;
	p4 =	por $0x1, $0x1;
	[sflag:s30] =	ssyncadd.s32 $0xFFFFFF80  }
0x1b: {  	s12 =	simm.s32 $0x27;
	s15 =	sand.u32 @!p3 $0x1, s1;
	_ =	strace $0x90000054  }
0x1c: {  	s13 =	simm.s32 $0x1;
	p3 =	seq.s32 s17, $0x28;
	_ =	strace $0x80000055  }
0x1d: {  	s13 =	simm.s32 @!p0 $0x0;
	s17 =	simm.s32 @p3 $0x0;
	s19 =	rddreg [dreg:$0x3]  }
0x1e: {  	p0 =	por $0x0, $0x0;
	s14 =	sadd.s32 $0x1, s13;
	s31 =	rddreg [dreg:$0x2]  }
0x1f: {  	[tilespmem:s22], [sflag:$0x5] =	stream.indirect.gather [hbm4b:s31+s19], $0x80, s16, s19, $0x2000b8;
	[tilespmem:$0x8100] =	vst v63  }
0x20: {  	p3 =	sne.s32 s11, s17;
	s21 =	simm.s32 @!p0 $0x0;
	_ =	swait.ge [sflag:s8], $0x4000  }
0x21: {  	p5 =	por !p4, !p3;
	p4 =	por $0x0, $0x0;
	[sflag:s8] =	ssyncset.done $0x0  }
0x22: {  	s13 =	simm.s32 $0x0;
	p6 =	por p4, p6;
	[sflag:s8] =	ssyncadd.s32 $0xFFFFC000  }
0x23: {  	s16 =	simm.s32 $0x0;
	s19 =	simm.s32 $0x0;
	_ =	strace $0x90000055  }
.LBB2_2:
0x24: {  	_ =	strace @p6 $0x80000056;
	s13 =	sadd.s32 s21, s13;
	s21 =	smov.u32 s12  }
0x25: {  	s12 =	smov.u32 s18;
	s18 =	sadd.s32 $0xFFFFFFFF, s18;
	p0 =	por p3, p3  }
0x26: {  	s28 =	sshll.u32 @p6 s23, $0xB;
	s20 =	sadd.s32 @p6 $0x3, s20;
	s24 =	simm.s32 @!p0 $0x0  }
0x27: {  	s25 =	rddreg [dreg:$0x4];
	s28 =	sand.u32 @p6 $0x1FFFF800, s28;
	s24 =	simm.s32 @p0 $0x1  }
0x28: {  	s25 =	sadd.s32 @p6 s25, s28;
	s28 =	simm.s32 @p6 $0x0;
	p0 =	sne.s32 s18, $0x0  }
0x29: {  	[hbm4b:s25+s28] =	stream.linear.scatter @p6 [tilespmem:s22], [sflag:s20], $0x4000, $0x200038;
	[tilespmem:$0x8100] =	vst v63  }
0x2a: {  	s20 =	sadd.s32 @!p1 $0x3, s15;
	s15 =	simm.s32 @!p0 $0x0  }
0x2b: {  	s26 =	simm.s32 $0x1;
	[smem:$0x7FC] =	sst s24;
	s15 =	simm.s32 @p0 $0x1  }
0x2c: {  	s26 =	simm.s32 @!p6 $0x0;
	_ =	strace @p6 $0x90000056;
	[smem:$0x7FD] =	sst s15  }
0x2d: {  	p5 =	por !p5, !p5;
	s19 =	sadd.s32 s26, s19;
	_ =	strace @!p1 $0x80000057  }
0x2e: {  	s24 =	sand.u32 @!p2 $0x1, s13;
	s22 =	sand.u32 @p5 $0x1, s14;
	_ =	swait.ge @!p1 [sflag:s20], $0x4000  }
0x2f: {  	s15 =	smov.u32 s24;
	s24 =	sadd.s32 @p5 s4, s17;
	[sflag:s20] =	ssyncset.done @!p1 $0x0  }
0x30: {  	s25 =	sshll.u32 @p5 s22, $0x7;
	s24 =	sshll.u32 @p5 s24, $0x4;
	[sflag:s20] =	ssyncadd.s32 @!p1 $0xFFFFC000  }
0x31: {  	s20 =	sadd.s32 @p5 $0x1, s22;
	s22 =	sand.u32 @p5 $0x1FFFFFF0, s24;
	_ =	strace @!p1 $0x90000057  }
0x32: {  	s24 =	simm.s32 @p5 $0x0;
	s22 =	sadd.s32 @p5 s3, s22;
	_ =	strace @p5 $0x80000053  }
0x33: {  	[tilespmem:s25], [sflag:s20] =	stream.linear.gather @p5 [hbm4b:s22+s24], $0x80, $0x200038;
	[tilespmem:$0x8100] =	vst v63  }
0x34: {  	s16 =	sadd.s32 s26, s16;
	s26 =	sand.u32 $0x1, s19;
	_ =	strace @p5 $0x90000053  }
0x35: {  	s24 =	sadd.s32 $0x1, s26;
	_ =	strace $0x80000054  }
0x36: {  	_ =	swait.ge [sflag:s24], $0x80  }
0x37: {  	[sflag:s24] =	ssyncset.done $0x0  }
0x38: {  	s20 =	simm.s32 $0x1;
	[sflag:s24] =	ssyncadd.s32 $0xFFFFFF80  }
0x39: {  	s20 =	simm.s32 @!p5 $0x0;
	_ =	strace $0x90000054  }
0x3a: {  	s14 =	sadd.s32 s20, s14;
	s20 =	sand.u32 $0x1, s16;
	_ =	strace $0x80000055  }
0x3b: {  	s29 =	sshll.u32 s19, $0x7;
	s25 =	sshll.u32 s20, $0xE;
	s26 =	rddreg [dreg:$0x3]  }
0x3c: {  	s29 =	sand.u32 $0x80, s29;
	s22 =	sor.u32 $0x100, s25;
	s30 =	rddreg [dreg:$0x2]  }
0x3d: {  	[tilespmem:s22], [sflag:$0x5] =	stream.indirect.gather [hbm4b:s30+s26], $0x80, s29, s26, $0x2000b8;
	[tilespmem:$0x8100] =	vst v63  }
0x3e: {  	_ =	swait.ge [sflag:s8], $0x4000  }
0x3f: {  	s31 =	sadd.s32 $0x1, s17;
	[sflag:s8] =	ssyncset.done $0x0  }
0x40: {  	s23 =	sadd.s32 s4, s11;
	s11 =	smov.u32 s17;
	[sflag:s8] =	ssyncadd.s32 $0xFFFFC000  }
0x41: {  	p3 =	seq.s32 s31, $0x28;
	s17 =	smov.u32 s31;
	_ =	strace $0x90000055  }
0x42: {  	s17 =	simm.s32 @p3 $0x0;
	s31 =	sld [smem:$0x7FD]  }
0x43: {  	p6 =	sne.s32 s12, $0x1;
	p0 =	sne.s32 s21, $0x28;
	p3 =	sne.s32 s11, s17  }
0x44: {  	p5 =	por !p6, !p3;
	p6 =	seq.s32 s21, $0x1;
	s21 =	simm.s32 $0x1  }
0x45: {  	s21 =	simm.s32 @!p0 $0x0;
	p0 =	seq.s32 s31, $0x1  }
.Ltmp0:
0x46: {  	s30 =	sld [smem:$0x7FC];
	(pc) =	sbr.rel @p0 .LBB2_2-.Ltmp0, $4  }
0x47: {  	_ = 	snop  }
0x48: {  	p4 =	seq.s32 s12, $0x28  }
0x49: {  	p1 =	por p2, p2;
	p2 =	por p4, p4;
	p4 =	seq.s32 s30, $0x1  }
0x4a: {  	p6 =	por p6, p4  }
0x4b: {  	_ =	strace @p6 $0x80000056;
	s23 =	sshll.u32 @p6 s23, $0xB  }
0x4c: {  	s18 =	rddreg [dreg:$0x4];
	s23 =	sand.u32 @p6 $0x1FFFF800, s23  }
0x4d: {  	s20 =	sadd.s32 @p6 $0x3, s20;
	s18 =	sadd.s32 @p6 s18, s23;
	s23 =	simm.s32 @p6 $0x0  }
0x4e: {  	[hbm4b:s18+s23] =	stream.linear.scatter @p6 [tilespmem:s22], [sflag:s20], $0x4000, $0x200038;
	[tilespmem:$0x8100] =	vst v63  }
0x4f: {  	p0 =	por !p5, !p5;
	_ =	strace @p6 $0x90000056  }
0x50: {  	s15 =	sadd.s32 @!p1 $0x3, s15;
	s17 =	sadd.s32 @p0 s4, s17;
	_ =	strace @!p1 $0x80000057  }
0x51: {  	s14 =	sand.u32 @p0 $0x1, s14;
	s17 =	sshll.u32 @p0 s17, $0x4;
	_ =	swait.ge @!p1 [sflag:s15], $0x4000  }
0x52: {  	s18 =	simm.s32 $0x1;
	s20 =	sshll.u32 @p0 s14, $0x7;
	[sflag:s15] =	ssyncset.done @!p1 $0x0  }
0x53: {  	s14 =	sadd.s32 @p0 $0x1, s14;
	s18 =	simm.s32 @!p6 $0x0;
	[sflag:s15] =	ssyncadd.s32 @!p1 $0xFFFFC000  }
0x54: {  	s19 =	sadd.s32 s18, s19;
	s15 =	sand.u32 @p0 $0x1FFFFFF0, s17;
	_ =	strace @!p1 $0x90000057  }
0x55: {  	s17 =	simm.s32 @p0 $0x0;
	s15 =	sadd.s32 @p0 s3, s15;
	_ =	strace @p0 $0x80000053  }
0x56: {  	[tilespmem:s20], [sflag:s14] =	stream.linear.gather @p0 [hbm4b:s15+s17], $0x80, $0x200038;
	[tilespmem:$0x8100] =	vst v63  }
0x57: {  	s25 =	sand.u32 $0x1, s19;
	_ =	strace @p0 $0x90000053  }
0x58: {  	s14 =	sadd.s32 $0x1, s25;
	_ =	strace $0x80000054  }
0x59: {  	_ =	swait.ge [sflag:s14], $0x80  }
0x5a: {  	[sflag:s14] =	ssyncset.done $0x0  }
0x5b: {  	[sflag:s14] =	ssyncadd.s32 $0xFFFFFF80  }
0x5c: {  	s26 =	sadd.s32 s18, s16;
	_ =	strace $0x90000054  }
0x5d: {  	s14 =	sand.u32 $0x1, s26;
	_ =	strace $0x80000055  }
0x5e: {  	s30 =	sshll.u32 s19, $0x7;
	s31 =	sshll.u32 s14, $0xE;
	s28 =	rddreg [dreg:$0x3]  }
0x5f: {  	s17 =	sand.u32 $0x80, s30;
	s18 =	sor.u32 $0x100, s31;
	s29 =	rddreg [dreg:$0x2]  }
0x60: {  	[tilespmem:s18], [sflag:$0x5] =	stream.indirect.gather [hbm4b:s29+s28], $0x80, s17, s28, $0x2000b8;
	[tilespmem:$0x8100] =	vst v63  }
0x61: {  	_ =	swait.ge [sflag:s8], $0x4000  }
0x62: {  	[sflag:s8] =	ssyncset.done $0x0  }
0x63: {  	p5 =	por p3, p3;
	p6 =	seq.s32 s12, $0x1;
	[sflag:s8] =	ssyncadd.s32 $0xFFFFC000  }
0x64: {  	s11 =	sadd.s32 s4, s11;
	p0 =	por p6, p5;
	_ =	strace $0x90000055  }
0x65: {  	s11 =	sshll.u32 @p0 s11, $0xB;
	_ =	strace @p0 $0x80000056  }
0x66: {  	s13 =	sadd.s32 s21, s13;
	s11 =	sand.u32 @p0 $0x1FFFF800, s11;
	s12 =	rddreg [dreg:$0x4]  }
0x67: {  	s14 =	sadd.s32 @p0 $0x3, s14;
	s11 =	sadd.s32 @p0 s12, s11;
	s12 =	simm.s32 @p0 $0x0  }
0x68: {  	[hbm4b:s11+s12] =	stream.linear.scatter @p0 [tilespmem:s18], [sflag:s14], $0x4000, $0x200038;
	[tilespmem:$0x8100] =	vst v63  }
0x69: {  	p1 =	por p2, p2;
	s11 =	sand.u32 @!p2 $0x1, s13;
	_ =	strace @p0 $0x90000056  }
0x6a: {  	s11 =	sadd.s32 @!p1 $0x3, s11;
	_ =	strace @!p1 $0x80000057  }
0x6b: {  	_ =	swait.ge @!p1 [sflag:s11], $0x4000  }
0x6c: {  	[sflag:s11] =	ssyncset.done @!p1 $0x0  }
0x6d: {  	s10 =	sadd.s32 $0x1, s10;
	[sflag:s11] =	ssyncadd.s32 @!p1 $0xFFFFC000  }
0x6e: {  	p0 =	sne.s32 s10, s6;
	_ =	strace @!p1 $0x90000057  }
.Ltmp1:
0x6f: {  	_ =	strace $0x80000058;
	(pc) =	sbr.rel @p0 .LBB2_1-.Ltmp1, $4  }
0x70: {  	_ =	swait.ge [sflag:s9], $0x4000  }
0x71: {  	[sflag:s9] =	ssyncset.done $0x0  }
0x72: {  	[sflag:s9] =	ssyncadd.s32 $0xFFFFC000  }
0x73: {  	_ =	strace $0x90000058  }
0x74: {  	_ =	sfence.sel $0x180000  }
0x75: {  	[bflag:$0x0] =	sbarrier.arrive $0xFFFF  }
0x76: {  	p0 =	sne.s32 s2, $0x0;
	_ =	strace $0x90000051  }
0x77: {  	s0 =	sadd.s32 @!p0 $0x100000, s0;
	[bflag:$0x2] =	sbarrier.arrive $0xFFFF  }
0x78: {  	[sflag:s0] =	ssyncadd.tile.s32 @!p0 $0x1;
	_ =	shalt  }
.Lfunc_end2:
_tile_overlayer_lowered:
.L_overlay_start_2:
0x79: {  	(tag) =	ssettag $0x2  }
0x7a: {  	s0 =	rddreg [dreg:$0x0];
	s2 =	stileid.u32  }
0x7b: {  	s1 =	rddreg [dreg:$0x1];
	p0 =	sne.s32 s2, $0x0  }
0x7c: {  	s3 =	rddreg [dreg:$0x2];
	[bflag:$0x3] =	sbarrier.arrive $0xFFFF;
	s2 =	simm.s32 @!p0 $0x1C01  }
0x7d: {  	[timem:s3], [sflag:s2] =	dma.local @!p0 [hbm:s0], s1  }
0x7e: {  	s0 =	simm.s32 @!p0 $0x1  }
0x7f: {  	_ =	swait.ge @!p0 [sflag:s0], s1  }
0x80: {  	s1 =	ssub.s32 @!p0 $0x0, s1;
	[sflag:s0] =	ssyncset.done @!p0 $0x0  }
0x81: {  	[sflag:s0] =	ssyncadd.s32 @!p0 s1  }
0x82: {  	[bflag:$0x3] =	sbarrier.arrive $0xFFFF  }
0x83: {  	_ =	shalt  }

// kernel: kernel.19.cloned.1.call-start
scs
__scs_entry_jumppad:
0x0: {  	(pc) =	sbr.rel $0x88, $3  }
0x1: {  	(tag) =	ssettag $0x0;
	lr =	simm.s32 $0x1  }
0x2: {  	[smem:$0x3F99] =	sst lr;
	_ =	strace $0xD0000000  }
0x3: {  	_ = 	snop  }
0x4: {  	_ = 	snop  }
0x5: {  	_ = 	snop  }
0x6: {  	_ = 	snop  }
0x7: {  	_ = 	snop  }
__scs_overlays_trampoline_lowered:
0x8: {  	[smem:$0x3FA8] =	sst s0  }
0x9: {  	[smem:$0x3FA9] =	sst s1  }
0xa: {  	[smem:$0x3FAA] =	sst s2  }
0xb: {  	[smem:$0x3FAB] =	sst s3  }
0xc: {  	[smem:$0x3FAC] =	sst s4  }
0xd: {  	[smem:$0x3FAD] =	sst s5  }
0xe: {  	[smem:$0x3FAE] =	sst s6  }
0xf: {  	[smem:$0x3FAF] =	sst s7  }
0x10: {  	[smem:$0x3FB0] =	sst s8  }
0x11: {  	[smem:$0x3FB1] =	sst s9;
	s0 =	simm.s32 @!p0 $0x0  }
0x12: {  	s1 =	sld [smem:$0x3F97];
	s0 =	simm.s32 @p0 $0x1  }
0x13: {  	[smem:$0x3FB2] =	sst s0;
	s0 =	simm.s32 @!p1 $0x0  }
0x14: {  	s2 =	sld [smem:$0x3F96];
	s0 =	simm.s32 @p1 $0x1  }
0x15: {  	[smem:$0x3FB3] =	sst s0;
	s0 =	simm.s32 @!p2 $0x0  }
0x16: {  	s3 =	sld [smem:$0x3FDB];
	s0 =	simm.s32 @p2 $0x1  }
0x17: {  	s4 =	simm.s32 $0x1BF5;
	[smem:$0x3FB5] =	sst s0  }
0x18: {  	s0 =	sld [smem:$0x3F98];
	_ =	swait.ge [sflag:s4], $0x0  }
0x19: {  	s7 =	sld [smem:$0x3F99]  }
0x1a: {  	s8 =	sadd.s32 $0xFFFFE003, lr  }
0x1b: {  	s9 =	sadd.s32 $0xFFFFFEF7, lr;
	s5 =	simm.s32 $0xFFFFFFFF;
	p2 =	slt.u32 s8, $0xFFFFF086  }
0x1c: {  	p1 =	slt.u32 s9, $0xF7A;
	s5 =	simm.s32 @!p2 $0x0  }
0x1d: {  	s5 =	simm.s32 @p1 $0x1;
	p0 =	seq.s32 s7, s2  }
0x1e: {  	s7 =	smul.u32 @!p0 $0xF7A, s2;
	p2 =	seq.s32 @!p0 s5, $0x0  }
0x1f: {  	s9 =	smul.u32 $0xF7A, s1;
	s8 =	simm.s32 @!p0 $0x1BF5;
	p2 =	por !p2, p0  }
0x20: {  	[sflag:s8] =	ssyncset.s32 @!p0 $0xFFFFF086;
	s6 =	sadd.s32 @!p0 s3, s7;
	s7 =	simm.s32 @!p0 $0x108  }
0x21: {  	s3 =	sadd.s32 s3, s9;
	s6 =	sadd.s32 @!p0 $0x88, s6;
	s7 =	simm.s32 @p2 $0x1082  }
0x22: {  	[simem:s7], [sflag:s8] =	dma.local @!p0 [hbm:s6], $0xF7A  }
0x23: {  	s9 =	sor.u32 $0xD0000000, s2;
	s6 =	simm.s32 $0x108;
	_ =	swait.ge @!p0 [sflag:s8], $0x0  }
0x24: {  	s3 =	sadd.s32 $0x88, s3;
	s6 =	simm.s32 @!p1 $0x1082;
	[sflag:s4] =	ssyncset.s32 $0xFFFFF086  }
0x25: {  	[simem:s6], [sflag:s4] =	dma.local [hbm:s3], $0xF7A  }
0x26: {  	[smem:$0x3F99] =	sst s1;
	(tag) =	ssettag s2;
	_ =	strace s9  }
0x27: {  	s1 =	sld [smem:$0x3FA9]  }
0x28: {  	s2 =	sld [smem:$0x3FAA]  }
0x29: {  	s4 =	sld [smem:$0x3FAC]  }
0x2a: {  	p0 =	seq.s32 s5, $0x0;
	s5 =	sld [smem:$0x3FAD]  }
0x2b: {  	s6 =	sld [smem:$0x3FAE]  }
0x2c: {  	s7 =	sld [smem:$0x3FAF]  }
0x2d: {  	s3 =	simm.s32 $0x108;
	s8 =	sld [smem:$0x3FB0]  }
0x2e: {  	s3 =	simm.s32 @!p0 $0x1082;
	s9 =	sld [smem:$0x3FB1]  }
0x2f: {  	lr =	sadd.s32 s0, s3;
	s0 =	sld [smem:$0x3FA8]  }
0x30: {  	s3 =	sld [smem:$0x3FAB]  }
0x31: {  	[smem:$0x3FB4] =	sst s10  }
0x32: {  	s10 =	sld [smem:$0x3FB2];
	_ =	sdelay $0x3  }
0x33: {  	p0 =	seq.s32 s10, $0x1;
	s10 =	sld [smem:$0x3FB4];
	_ =	sdelay $0x3  }
0x34: {  	[smem:$0x3FB4] =	sst s10  }
0x35: {  	s10 =	sld [smem:$0x3FB3];
	_ =	sdelay $0x3  }
0x36: {  	p1 =	seq.s32 s10, $0x1;
	s10 =	sld [smem:$0x3FB4];
	_ =	sdelay $0x3  }
0x37: {  	[smem:$0x3FB4] =	sst s10  }
0x38: {  	s10 =	sld [smem:$0x3FB5]  }
0x39: {  	_ = 	snop;
	(pc) =	sbr.ind lr, $3  }
0x3a: {  	_ = 	snop  }
0x3b: {  	_ = 	snop  }
0x3c: {  	p2 =	seq.s32 s10, $0x1;
	s10 =	sld [smem:$0x3FB4]  }
0x3d: {  	_ =	shalt  }
0x3e: {  	_ =	shalt  }
0x3f: {  	_ =	shalt  }
0x40: {  	_ =	shalt  }
0x41: {  	_ =	shalt  }
0x42: {  	_ =	shalt  }
0x43: {  	_ =	shalt  }
0x44: {  	_ =	shalt  }
0x45: {  	_ =	shalt  }
0x46: {  	_ =	shalt  }
0x47: {  	_ =	shalt  }
0x48: {  	_ =	shalt  }
0x49: {  	_ =	shalt  }
0x4a: {  	_ =	shalt  }
0x4b: {  	_ =	shalt  }
0x4c: {  	_ =	shalt  }
0x4d: {  	_ =	shalt  }
0x4e: {  	_ =	shalt  }
0x4f: {  	_ =	shalt  }
0x50: {  	_ =	shalt  }
0x51: {  	_ =	shalt  }
0x52: {  	_ =	shalt  }
0x53: {  	_ =	shalt  }
0x54: {  	_ =	shalt  }
0x55: {  	_ =	shalt  }
0x56: {  	_ =	shalt  }
0x57: {  	_ =	shalt  }
0x58: {  	_ =	shalt  }
0x59: {  	_ =	shalt  }
0x5a: {  	_ =	shalt  }
0x5b: {  	_ =	shalt  }
0x5c: {  	_ =	shalt  }
0x5d: {  	_ =	shalt  }
0x5e: {  	_ =	shalt  }
0x5f: {  	_ =	shalt  }
0x60: {  	_ =	shalt  }
0x61: {  	_ =	shalt  }
0x62: {  	_ =	shalt  }
0x63: {  	_ =	shalt  }
0x64: {  	_ =	shalt  }
0x65: {  	_ =	shalt  }
0x66: {  	_ =	shalt  }
0x67: {  	_ =	shalt  }
0x68: {  	_ =	shalt  }
0x69: {  	_ =	shalt  }
0x6a: {  	_ =	shalt  }
0x6b: {  	_ =	shalt  }
0x6c: {  	_ =	shalt  }
0x6d: {  	_ =	shalt  }
0x6e: {  	_ =	shalt  }
0x6f: {  	_ =	shalt  }
0x70: {  	_ =	shalt  }
0x71: {  	_ =	shalt  }
0x72: {  	_ =	shalt  }
0x73: {  	_ =	shalt  }
0x74: {  	_ =	shalt  }
0x75: {  	_ =	shalt  }
0x76: {  	_ =	shalt  }
0x77: {  	_ =	shalt  }
0x78: {  	_ =	shalt  }
0x79: {  	_ =	shalt  }
0x7a: {  	_ =	shalt  }
0x7b: {  	_ =	shalt  }
0x7c: {  	_ =	shalt  }
0x7d: {  	_ =	shalt  }
0x7e: {  	_ =	shalt  }
0x7f: {  	_ =	shalt  }
0x80: {  	_ =	shalt  }
0x81: {  	_ =	shalt  }
0x82: {  	_ =	shalt  }
0x83: {  	_ =	shalt  }
0x84: {  	_ =	shalt  }
0x85: {  	_ =	shalt  }
0x86: {  	_ =	shalt  }
0x87: {  	_ =	shalt  }
.Lfunc_end0:
.L_simem_size_0:
called_computation.3_lowered:
.L_overlay_start_0:
0x88: {  	s2 =	sld [smem:$0x3FD9]  }
0x89: {  	s3 =	sld [smem:$0x3FFE];
	_ =	sdelay $0x1  }
0x8a: {  	s1 =	srdreg.scid  }
0x8b: {  	s0 =	sand.u32 $0x1, s1  }
0x8c: {  	s16 =	sshll.u32 s0, $0xA;
	s2 =	sadd.s32 s3, s2  }
0x8d: {  	s2 =	sadd.s32 s2, s16  }
0x8e: {  	[smem:$0x3FC0] =	sst s2  }
0x8f: {  	_ = 	snop  }
0x90: {  	(tm) =	ssettm $0x1  }
0x91: {  	s17 =	sld [smem:$0x3FFB];
	_ =	sdelay $0x3  }
0x92: {  	_ =	strace s17  }
0x93: {  	s2 =	sld [smem:$0x3FFC];
	_ =	sdelay $0x3  }
0x94: {  	_ =	strace s2  }
0x95: {  	s2 =	sld [smem:$0x3FFD];
	_ =	sdelay $0x3  }
0x96: {  	_ =	strace s2  }
0x97: {  	_ =	strace $0x8FFFFFFF  }
0x98: {  	s18 =	sld [smem:$0x3FDB];
	_ =	sdelay $0x1  }
0x99: {  	s19 =	simm.s32 $_scs_section_size  }
0x9a: {  	s4 =	simm.s32 $_size__tile_overlayer_lowered;
	s5 =	simm.s32 $_tile_overlayer_lowered  }
0x9b: {  	s22 =	simm.s32 $0x1BFF;
	s21 =	sshll.u32 s5, $0x1;
	s2 =	sadd.s32 s19, s18  }
0x9c: {  	s6 =	simm.s32 $0x0;
	s20 =	sshll.u32 s4, $0x1;
	s4 =	sadd.s32 s21, s2  }
0x9d: {  	[timem:s6], [sflag:s22] =	dma.local [hbm:s4], s20  }
0x9e: {  	_ =	swait.ge [sflag:s22], s20  }
0x9f: {  	s3 =	ssub.s32 $0x0, s20;
	[sflag:s22] =	ssyncset.done $0x0  }
0xa0: {  	[sflag:s22] =	ssyncadd.s32 s3;
	_ =	sdelay $0x1  }
0xa1: {  	s23 =	simm.s32 $0x1B8B  }
0xa2: {  	_ =	swait.ge [sflag:s23], $0x1  }
0xa3: {  	[sflag:s23] =	ssyncset.done $0x0  }
0xa4: {  	s25 =	simm.s32 $0x1B8E;
	s24 =	sld [smem:$0x3FFE];
	[sflag:s23] =	ssyncadd.s32 $0xFFFFFFFF  }
0xa5: {  	s26 =	simm.s32 $execute0_lowered;
	[smem:$0x3FD2] =	sst s25  }
0xa6: {  	s4 =	sshll.u32 s26, $0x1;
	_ =	strace $0x80000046;
	[dreg:$0x1] =	wrdreg $0xFFFFFFFF  }
0xa7: {  	s28 =	simm.s32 $_size_execute0_lowered;
	s2 =	sadd.s32 s2, s4;
	[dreg:$0x0] =	wrdreg $0x0  }
0xa8: {  	s4 =	sshll.u32 s28, $0x1;
	[dreg:$0x2] =	wrdreg s2  }
0xa9: {  	[dreg:$0x3] =	wrdreg s4  }
0xaa: {  	[dreg:$0x4] =	wrdreg $0xC0  }
0xab: {  	_ =	task [dreg:s6], $0x5FFFF  }
0xac: {  	[dreg:$0x1] =	wrdreg $0xFFFFFFFF  }
0xad: {  	[dreg:$0x0] =	wrdreg $0x60  }
0xae: {  	[dreg:$0x2] =	wrdreg s24  }
0xaf: {  	[dreg:$0x3] =	wrdreg $0xC  }
0xb0: {  	_ =	task.clear_ibuf [dreg:s6], $0x4FFFF;
	_ =	strace $0x90000046  }
0xb1: {  	s29 =	simm.s32 $0xC;
	_ =	strace $0x8000004F  }
0xb2: {  	_ =	swait.ge [sflag:s29], $0x1  }
0xb3: {  	[sflag:s29] =	ssyncadd.s32 $0xFFFFFFFF  }
0xb4: {  	_ =	strace $0x9000004F  }
0xb5: {  	_ =	sfence  }
0xb6: {  	s30 =	sld [smem:$0x0];
	_ =	sdelay $0x2  }
0xb7: {  	s31 =	sshll.u32 s1, $0xD;
	s1 =	sshrl.u32 s1, $0x2  }
0xb8: {  	s3 =	sand.u32 $0x4000, s31;
	s1 =	sadd.s32 s1, s30  }
0xb9: {  	s0 =	sor.u32 s3, s0;
	s1 =	sshll.u32 s1, $0x11  }
0xba: {  	s0 =	sor.u32 s1, s0  }
0xbb: {  	s0 =	sadd.s32 $0x8F2B, s0  }
0xbc: {  	[sflag:s0] =	ssyncadd.remote.s32 $0x1  }
0xbd: {  	_ =	sfence.sel $0xFFFF  }
0xbe: {  	[dreg:$0x0] =	wrdreg $0xFFFFFFFF;
	(pc) =	sbr.abs _section_cstart, $3  }
0xbf: {  	[dreg:$0x1] =	wrdreg $0xFFFFFFFF  }
0xc0: {  	_ =	task.clear_ibuf [dreg:s6], $0x2FFFF;
	_ =	strace $0x9FFFFFFF  }
0xc1: {  	(tm) =	ssettm $0x7FFFFFFF  }
tec
execute0_lowered:
.L_overlay_start_1:
0x0: {  	(tag) =	ssettag $0x1  }
0x1: {  	s3 =	rddreg [dreg:$0x0]  }
0x2: {  	s0 =	rddreg [dreg:$0x1];
	s1 =	simm.s32 $0x0;
	s2 =	srdreg.scid  }
0x3: {  	s31 =	simm.s32 $0x80;
	s9 =	simm.s32 $0x4;
	s10 =	simm.s32 $0x0  }
0x4: {  	[smem:$0x7FF] =	sst s1;
	s4 =	sand.u32 $0x1, s2;
	s5 =	sadd.s32 $0xF45800, s3  }
0x5: {  	s2 =	stileid.u32;
	s29 =	sadd.s32 $0x17400, s3;
	s3 =	sadd.s32 $0x12400, s3  }
0x6: {  	_ =	strace $0x80000047;
	s6 =	sshll.u32 s4, $0x4;
	[dreg:$0x2] =	wrdreg s5  }
0x7: {  	s4 =	ssub.s32 $0x2, s4;
	[dreg:$0x4] =	wrdreg s29;
	s28 =	sor.u32 s2, s6  }
0x8: {  	[dreg:$0x3] =	wrdreg s31;
	s7 =	sshrl.u32 s4, $0x1;
	s8 =	smul.u32 $0x280, s28  }
0x9: {  	s30 =	ssub.s32 s4, s7;
	s4 =	smul.u32 $0x28, s28;
	s7 =	simm.s32 $0x1  }
0xa: {  	s6 =	smax.u32 s30, $0x1;
	s5 =	sadd.s32 s3, s8;
	s8 =	simm.s32 $0x5  }
.LBB2_1:
0xb: {  	_ =	strace $0x80000048;
	s11 =	simm.s32 $0x1;
	p0 =	por $0x0, $0x0  }
0xc: {  	[tilespmem:s1], [sflag:$0x1] =	stream.linear.gather [hbm4b:s5+s1], $0x80, $0x200038;
	[tilespmem:$0x8100] =	vst v63  }
0xd: {  	s11 =	simm.s32 @p0 $0x0  }
0xe: {  	p4 =	por $0x1, $0x1;
	s20 =	sand.u32 $0x1, s1;
	p1 =	sne.s32 s11, $0x0  }
0xf: {  	p2 =	por $0x1, $0x1;
	s18 =	simm.s32 $0x26;
	p0 =	por !p4, !p1  }
0x10: {  	s16 =	simm.s32 $0x0;
	p5 =	por $0x0, $0x0;
	p0 =	por !p0, !p0  }
0x11: {  	s23 =	sadd.s32 $0x0, s4;
	s30 =	sadd.s32 $0x1, s20;
	s12 =	sadd.s32 @p0 s4, s11  }
0x12: {  	_ =	strace $0x90000048;
	s13 =	sand.u32 @p0 $0x1, s7;
	s12 =	sshll.u32 @p0 s12, $0x4  }
0x13: {  	_ =	strace @p0 $0x80000049;
	s15 =	simm.s32 @p0 $0x0;
	s12 =	sand.u32 @p0 $0x1FFFFFF0, s12  }
0x14: {  	s14 =	sshll.u32 @p0 s13, $0x7;
	s13 =	sadd.s32 @p0 $0x1, s13;
	s12 =	sadd.s32 @p0 s3, s12  }
0x15: {  	[tilespmem:s14], [sflag:s13] =	stream.linear.gather @p0 [hbm4b:s12+s15], $0x80, $0x200038;
	[tilespmem:$0x8100] =	vst v63  }
0x16: {  	p3 =	por p2, p2;
	s21 =	sshll.u32 s20, $0xE;
	_ =	strace @p0 $0x90000049  }
0x17: {  	s16 =	sand.u32 $0x80, s16;
	p2 =	por p5, p5;
	_ =	strace $0x8000004A  }
0x18: {  	s17 =	sadd.s32 $0x1, s11;
	s22 =	sor.u32 $0x100, s21;
	_ =	swait.ge [sflag:s30], $0x80  }
0x19: {  	s21 =	simm.s32 $0x1;
	p6 =	por p1, p1;
	[sflag:s30] =	ssyncset.done $0x0  }
0x1a: {  	p1 =	por p3, p3;
	p4 =	por $0x1, $0x1;
	[sflag:s30] =	ssyncadd.s32 $0xFFFFFF80  }
0x1b: {  	s12 =	simm.s32 $0x27;
	s15 =	sand.u32 @!p3 $0x1, s1;
	_ =	strace $0x9000004A  }
0x1c: {  	s13 =	simm.s32 $0x1;
	p3 =	seq.s32 s17, $0x28;
	_ =	strace $0x8000004B  }
0x1d: {  	s13 =	simm.s32 @!p0 $0x0;
	s17 =	simm.s32 @p3 $0x0;
	s19 =	rddreg [dreg:$0x3]  }
0x1e: {  	p0 =	por $0x0, $0x0;
	s14 =	sadd.s32 $0x1, s13;
	s31 =	rddreg [dreg:$0x2]  }
0x1f: {  	[tilespmem:s22], [sflag:$0x5] =	stream.indirect.gather [hbm4b:s31+s19], $0x80, s16, s19, $0x2000b8;
	[tilespmem:$0x8100] =	vst v63  }
0x20: {  	p3 =	sne.s32 s11, s17;
	s21 =	simm.s32 @!p0 $0x0;
	_ =	swait.ge [sflag:s8], $0x4000  }
0x21: {  	p5 =	por !p4, !p3;
	p4 =	por $0x0, $0x0;
	[sflag:s8] =	ssyncset.done $0x0  }
0x22: {  	s13 =	simm.s32 $0x0;
	p6 =	por p4, p6;
	[sflag:s8] =	ssyncadd.s32 $0xFFFFC000  }
0x23: {  	s16 =	simm.s32 $0x0;
	s19 =	simm.s32 $0x0;
	_ =	strace $0x9000004B  }
.LBB2_2:
0x24: {  	_ =	strace @p6 $0x8000004C;
	s13 =	sadd.s32 s21, s13;
	s21 =	smov.u32 s12  }
0x25: {  	s12 =	smov.u32 s18;
	s18 =	sadd.s32 $0xFFFFFFFF, s18;
	p0 =	por p3, p3  }
0x26: {  	s28 =	sshll.u32 @p6 s23, $0xB;
	s20 =	sadd.s32 @p6 $0x3, s20;
	s24 =	simm.s32 @!p0 $0x0  }
0x27: {  	s25 =	rddreg [dreg:$0x4];
	s28 =	sand.u32 @p6 $0x1FFFF800, s28;
	s24 =	simm.s32 @p0 $0x1  }
0x28: {  	s25 =	sadd.s32 @p6 s25, s28;
	s28 =	simm.s32 @p6 $0x0;
	p0 =	sne.s32 s18, $0x0  }
0x29: {  	[hbm4b:s25+s28] =	stream.linear.scatter @p6 [tilespmem:s22], [sflag:s20], $0x4000, $0x200038;
	[tilespmem:$0x8100] =	vst v63  }
0x2a: {  	s20 =	sadd.s32 @!p1 $0x3, s15;
	s15 =	simm.s32 @!p0 $0x0  }
0x2b: {  	s26 =	simm.s32 $0x1;
	[smem:$0x7FC] =	sst s24;
	s15 =	simm.s32 @p0 $0x1  }
0x2c: {  	s26 =	simm.s32 @!p6 $0x0;
	_ =	strace @p6 $0x9000004C;
	[smem:$0x7FD] =	sst s15  }
0x2d: {  	p5 =	por !p5, !p5;
	s19 =	sadd.s32 s26, s19;
	_ =	strace @!p1 $0x8000004D  }
0x2e: {  	s24 =	sand.u32 @!p2 $0x1, s13;
	s22 =	sand.u32 @p5 $0x1, s14;
	_ =	swait.ge @!p1 [sflag:s20], $0x4000  }
0x2f: {  	s15 =	smov.u32 s24;
	s24 =	sadd.s32 @p5 s4, s17;
	[sflag:s20] =	ssyncset.done @!p1 $0x0  }
0x30: {  	s25 =	sshll.u32 @p5 s22, $0x7;
	s24 =	sshll.u32 @p5 s24, $0x4;
	[sflag:s20] =	ssyncadd.s32 @!p1 $0xFFFFC000  }
0x31: {  	s20 =	sadd.s32 @p5 $0x1, s22;
	s22 =	sand.u32 @p5 $0x1FFFFFF0, s24;
	_ =	strace @!p1 $0x9000004D  }
0x32: {  	s24 =	simm.s32 @p5 $0x0;
	s22 =	sadd.s32 @p5 s3, s22;
	_ =	strace @p5 $0x80000049  }
0x33: {  	[tilespmem:s25], [sflag:s20] =	stream.linear.gather @p5 [hbm4b:s22+s24], $0x80, $0x200038;
	[tilespmem:$0x8100] =	vst v63  }
0x34: {  	s16 =	sadd.s32 s26, s16;
	s26 =	sand.u32 $0x1, s19;
	_ =	strace @p5 $0x90000049  }
0x35: {  	s24 =	sadd.s32 $0x1, s26;
	_ =	strace $0x8000004A  }
0x36: {  	_ =	swait.ge [sflag:s24], $0x80  }
0x37: {  	[sflag:s24] =	ssyncset.done $0x0  }
0x38: {  	s20 =	simm.s32 $0x1;
	[sflag:s24] =	ssyncadd.s32 $0xFFFFFF80  }
0x39: {  	s20 =	simm.s32 @!p5 $0x0;
	_ =	strace $0x9000004A  }
0x3a: {  	s14 =	sadd.s32 s20, s14;
	s20 =	sand.u32 $0x1, s16;
	_ =	strace $0x8000004B  }
0x3b: {  	s29 =	sshll.u32 s19, $0x7;
	s25 =	sshll.u32 s20, $0xE;
	s26 =	rddreg [dreg:$0x3]  }
0x3c: {  	s29 =	sand.u32 $0x80, s29;
	s22 =	sor.u32 $0x100, s25;
	s30 =	rddreg [dreg:$0x2]  }
0x3d: {  	[tilespmem:s22], [sflag:$0x5] =	stream.indirect.gather [hbm4b:s30+s26], $0x80, s29, s26, $0x2000b8;
	[tilespmem:$0x8100] =	vst v63  }
0x3e: {  	_ =	swait.ge [sflag:s8], $0x4000  }
0x3f: {  	s31 =	sadd.s32 $0x1, s17;
	[sflag:s8] =	ssyncset.done $0x0  }
0x40: {  	s23 =	sadd.s32 s4, s11;
	s11 =	smov.u32 s17;
	[sflag:s8] =	ssyncadd.s32 $0xFFFFC000  }
0x41: {  	p3 =	seq.s32 s31, $0x28;
	s17 =	smov.u32 s31;
	_ =	strace $0x9000004B  }
0x42: {  	s17 =	simm.s32 @p3 $0x0;
	s31 =	sld [smem:$0x7FD]  }
0x43: {  	p6 =	sne.s32 s12, $0x1;
	p0 =	sne.s32 s21, $0x28;
	p3 =	sne.s32 s11, s17  }
0x44: {  	p5 =	por !p6, !p3;
	p6 =	seq.s32 s21, $0x1;
	s21 =	simm.s32 $0x1  }
0x45: {  	s21 =	simm.s32 @!p0 $0x0;
	p0 =	seq.s32 s31, $0x1  }
.Ltmp0:
0x46: {  	s30 =	sld [smem:$0x7FC];
	(pc) =	sbr.rel @p0 .LBB2_2-.Ltmp0, $4  }
0x47: {  	_ = 	snop  }
0x48: {  	p4 =	seq.s32 s12, $0x28  }
0x49: {  	p1 =	por p2, p2;
	p2 =	por p4, p4;
	p4 =	seq.s32 s30, $0x1  }
0x4a: {  	p6 =	por p6, p4  }
0x4b: {  	_ =	strace @p6 $0x8000004C;
	s23 =	sshll.u32 @p6 s23, $0xB  }
0x4c: {  	s18 =	rddreg [dreg:$0x4];
	s23 =	sand.u32 @p6 $0x1FFFF800, s23  }
0x4d: {  	s20 =	sadd.s32 @p6 $0x3, s20;
	s18 =	sadd.s32 @p6 s18, s23;
	s23 =	simm.s32 @p6 $0x0  }
0x4e: {  	[hbm4b:s18+s23] =	stream.linear.scatter @p6 [tilespmem:s22], [sflag:s20], $0x4000, $0x200038;
	[tilespmem:$0x8100] =	vst v63  }
0x4f: {  	p0 =	por !p5, !p5;
	_ =	strace @p6 $0x9000004C  }
0x50: {  	s15 =	sadd.s32 @!p1 $0x3, s15;
	s17 =	sadd.s32 @p0 s4, s17;
	_ =	strace @!p1 $0x8000004D  }
0x51: {  	s14 =	sand.u32 @p0 $0x1, s14;
	s17 =	sshll.u32 @p0 s17, $0x4;
	_ =	swait.ge @!p1 [sflag:s15], $0x4000  }
0x52: {  	s18 =	simm.s32 $0x1;
	s20 =	sshll.u32 @p0 s14, $0x7;
	[sflag:s15] =	ssyncset.done @!p1 $0x0  }
0x53: {  	s14 =	sadd.s32 @p0 $0x1, s14;
	s18 =	simm.s32 @!p6 $0x0;
	[sflag:s15] =	ssyncadd.s32 @!p1 $0xFFFFC000  }
0x54: {  	s19 =	sadd.s32 s18, s19;
	s15 =	sand.u32 @p0 $0x1FFFFFF0, s17;
	_ =	strace @!p1 $0x9000004D  }
0x55: {  	s17 =	simm.s32 @p0 $0x0;
	s15 =	sadd.s32 @p0 s3, s15;
	_ =	strace @p0 $0x80000049  }
0x56: {  	[tilespmem:s20], [sflag:s14] =	stream.linear.gather @p0 [hbm4b:s15+s17], $0x80, $0x200038;
	[tilespmem:$0x8100] =	vst v63  }
0x57: {  	s25 =	sand.u32 $0x1, s19;
	_ =	strace @p0 $0x90000049  }
0x58: {  	s14 =	sadd.s32 $0x1, s25;
	_ =	strace $0x8000004A  }
0x59: {  	_ =	swait.ge [sflag:s14], $0x80  }
0x5a: {  	[sflag:s14] =	ssyncset.done $0x0  }
0x5b: {  	[sflag:s14] =	ssyncadd.s32 $0xFFFFFF80  }
0x5c: {  	s26 =	sadd.s32 s18, s16;
	_ =	strace $0x9000004A  }
0x5d: {  	s14 =	sand.u32 $0x1, s26;
	_ =	strace $0x8000004B  }
0x5e: {  	s30 =	sshll.u32 s19, $0x7;
	s31 =	sshll.u32 s14, $0xE;
	s28 =	rddreg [dreg:$0x3]  }
0x5f: {  	s17 =	sand.u32 $0x80, s30;
	s18 =	sor.u32 $0x100, s31;
	s29 =	rddreg [dreg:$0x2]  }
0x60: {  	[tilespmem:s18], [sflag:$0x5] =	stream.indirect.gather [hbm4b:s29+s28], $0x80, s17, s28, $0x2000b8;
	[tilespmem:$0x8100] =	vst v63  }
0x61: {  	_ =	swait.ge [sflag:s8], $0x4000  }
0x62: {  	[sflag:s8] =	ssyncset.done $0x0  }
0x63: {  	p5 =	por p3, p3;
	p6 =	seq.s32 s12, $0x1;
	[sflag:s8] =	ssyncadd.s32 $0xFFFFC000  }
0x64: {  	s11 =	sadd.s32 s4, s11;
	p0 =	por p6, p5;
	_ =	strace $0x9000004B  }
0x65: {  	s11 =	sshll.u32 @p0 s11, $0xB;
	_ =	strace @p0 $0x8000004C  }
0x66: {  	s13 =	sadd.s32 s21, s13;
	s11 =	sand.u32 @p0 $0x1FFFF800, s11;
	s12 =	rddreg [dreg:$0x4]  }
0x67: {  	s14 =	sadd.s32 @p0 $0x3, s14;
	s11 =	sadd.s32 @p0 s12, s11;
	s12 =	simm.s32 @p0 $0x0  }
0x68: {  	[hbm4b:s11+s12] =	stream.linear.scatter @p0 [tilespmem:s18], [sflag:s14], $0x4000, $0x200038;
	[tilespmem:$0x8100] =	vst v63  }
0x69: {  	p1 =	por p2, p2;
	s11 =	sand.u32 @!p2 $0x1, s13;
	_ =	strace @p0 $0x9000004C  }
0x6a: {  	s11 =	sadd.s32 @!p1 $0x3, s11;
	_ =	strace @!p1 $0x8000004D  }
0x6b: {  	_ =	swait.ge @!p1 [sflag:s11], $0x4000  }
0x6c: {  	[sflag:s11] =	ssyncset.done @!p1 $0x0  }
0x6d: {  	s10 =	sadd.s32 $0x1, s10;
	[sflag:s11] =	ssyncadd.s32 @!p1 $0xFFFFC000  }
0x6e: {  	p0 =	sne.s32 s10, s6;
	_ =	strace @!p1 $0x9000004D  }
.Ltmp1:
0x6f: {  	_ =	strace $0x8000004E;
	(pc) =	sbr.rel @p0 .LBB2_1-.Ltmp1, $4  }
0x70: {  	_ =	swait.ge [sflag:s9], $0x4000  }
0x71: {  	[sflag:s9] =	ssyncset.done $0x0  }
0x72: {  	[sflag:s9] =	ssyncadd.s32 $0xFFFFC000  }
0x73: {  	_ =	strace $0x9000004E  }
0x74: {  	_ =	sfence.sel $0x180000  }
0x75: {  	[bflag:$0x0] =	sbarrier.arrive $0xFFFF  }
0x76: {  	p0 =	sne.s32 s2, $0x0;
	_ =	strace $0x90000047  }
0x77: {  	s0 =	sadd.s32 @!p0 $0x100000, s0;
	[bflag:$0x2] =	sbarrier.arrive $0xFFFF  }
0x78: {  	[sflag:s0] =	ssyncadd.tile.s32 @!p0 $0x1;
	_ =	shalt  }
.Lfunc_end2:
_tile_overlayer_lowered:
.L_overlay_start_2:
0x79: {  	(tag) =	ssettag $0x2  }
0x7a: {  	s0 =	rddreg [dreg:$0x0];
	s2 =	stileid.u32  }
0x7b: {  	s1 =	rddreg [dreg:$0x1];
	p0 =	sne.s32 s2, $0x0  }
0x7c: {  	s3 =	rddreg [dreg:$0x2];
	[bflag:$0x3] =	sbarrier.arrive $0xFFFF;
	s2 =	simm.s32 @!p0 $0x1C01  }
0x7d: {  	[timem:s3], [sflag:s2] =	dma.local @!p0 [hbm:s0], s1  }
0x7e: {  	s0 =	simm.s32 @!p0 $0x1  }
0x7f: {  	_ =	swait.ge @!p0 [sflag:s0], s1  }
0x80: {  	s1 =	ssub.s32 @!p0 $0x0, s1;
	[sflag:s0] =	ssyncset.done @!p0 $0x0  }
0x81: {  	[sflag:s0] =	ssyncadd.s32 @!p0 s1  }
0x82: {  	[bflag:$0x3] =	sbarrier.arrive $0xFFFF  }
0x83: {  	_ =	shalt  }

</sc_bundles>
